<compile_context>
chip_gen: v7x
topology: tpu7x:2x2x1
jax: 0.10.2.dev20260603
libtpu: 0.0.44.dev20260713+nightly
codegen_flags: <defaults>
</compile_context>

<pallas_src>
import functools

import jax
import jax.numpy as jnp
from jax import lax
from jax.experimental import pallas as pl
from jax.experimental.pallas import tpu as pltpu
from jax.experimental.pallas import tpu_sc as plsc

R = 64
N = 32768
K = 50
KPAD = 64
NC, NS, L = 2, 16, 16
NW = NC * NS
ROWS_PER_W = R // NW
NVEC = N // L
G1 = 4
NG1 = NVEC // G1
NB = NG1 // 4
NG2 = 8
GPH = NG1 // NG2
CAP = 1024

_NEG_INF = float("-inf")


def _splat_f(x):
    return jnp.broadcast_to(jnp.float32(x), (L,))


def _splat_i(x):
    return jnp.broadcast_to(jnp.int32(x), (L,))


def _splat_last(x):
    return jnp.take_along_axis(x, _splat_i(L - 1), axis=0,
                               mode="promise_in_bounds")


def _max_splat(x):
    return _splat_last(plsc.cummax(x))


def _lane0_scalar(x):
    return jnp.squeeze(lax.slice(x, (0,), (1,)))


def _lane15_scalar(x):
    return jnp.squeeze(lax.slice(x, (L - 1,), (L,)))


@functools.partial(
    pl.kernel,
    out_type=(
        jax.ShapeDtypeStruct((R, KPAD), jnp.int32),
        jax.ShapeDtypeStruct((R, KPAD), jnp.float32),
    ),
    mesh=plsc.VectorSubcoreMesh(core_axis_name="c", subcore_axis_name="s"),
    compiler_params=pltpu.CompilerParams(needs_layout_passes=False),
    scratch_types=[
        pltpu.VMEM((N,), jnp.float32),
        pltpu.VMEM((NG1 * L,), jnp.float32),
        pltpu.VMEM((CAP,), jnp.float32),
        pltpu.VMEM((CAP,), jnp.int32),
        pltpu.VMEM((KPAD,), jnp.float32),
        pltpu.VMEM((KPAD,), jnp.int32),
        pltpu.SemaphoreType.DMA((NG2,)),
    ],
)
def _topk_sc(scores_hbm, oidx_hbm, ovals_hbm, row_a, gmax_v, cv_v,
             ci_v, sv_v, si_v, sems):
    lane = lax.iota(jnp.int32, L)
    lane1024 = lane * 1024

    def do_row(r, row_v):
        CHUNK = N // NG2

        def h_body(h, tcur):
            pltpu.make_async_copy(
                scores_hbm.at[r, pl.ds(h * CHUNK, CHUNK)],
                row_v.at[pl.ds(h * CHUNK, CHUNK)],
                sems.at[h],
            ).wait()
            def g_body(i, g2acc):
                g = h * GPH + i
                gm = row_v[pl.ds(g * G1 * L, L)]
                for j in range(1, G1):
                    gm = jnp.maximum(gm, row_v[pl.ds((g * G1 + j) * L, L)])
                gmax_v[pl.ds(g * L, L)] = gm
                return jnp.maximum(g2acc, gm)

            g2 = lax.fori_loop(0, GPH, g_body, _splat_f(-jnp.inf), unroll=4)

            def r_body(_, x):
                return jnp.where(x == _max_splat(x), jnp.float32(_NEG_INF), x)

            t_h = _max_splat(lax.fori_loop(0, 6, r_body, g2))
            return jnp.minimum(tcur, t_h)

        tv = lax.fori_loop(0, NG2, h_body, _splat_f(jnp.inf))

        def append_group(g, offv):
            vs, ms, cs = [], [], []
            for j in range(G1):
                v = row_v[pl.ds((g * G1 + j) * L, L)]
                m = v >= tv
                vs.append(v)
                ms.append(m)
                cs.append(plsc.cumsum(m.astype(jnp.int32)))
            pre = offv
            for j in range(G1):
                i = g * G1 + j
                pos = jnp.minimum(pre + cs[j] - 1, CAP - 1)
                combo = (i * L * 1024) + lane1024 + pos
                plsc.store_scatter(cv_v, [pos], vs[j], mask=ms[j])
                plsc.store_scatter(ci_v, [pos], combo, mask=ms[j])
                pre = pre + _splat_last(cs[j])
            return pre

        def c_body(b, offv):
            g0 = b * 4
            w = _splat_i(0)
            for u in range(4):
                gm = gmax_v[pl.ds((g0 + u) * L, L)]
                w = w + jnp.where(gm >= tv, jnp.int32(1 << (5 * u)),
                                  jnp.int32(0))
            total = _lane15_scalar(plsc.cumsum(w))

            def slow(offv):
                for u in range(4):
                    cu = lax.shift_right_logical(total, 5 * u) & 31

                    def app(o, g=g0, u=u):
                        return append_group(g + u, o)

                    offv = lax.cond(cu > 0, app, lambda o: o, offv)
                return offv

            return lax.cond(total > 0, slow, lambda o: o, offv)

        offv = lax.fori_loop(0, NB, c_body, _splat_i(0), unroll=4)
        m_c = jnp.minimum(_lane0_scalar(offv), CAP)

        base = jnp.minimum((m_c // L) * L, CAP - L)
        tail = cv_v[pl.ds(base, L)]
        cv_v[pl.ds(base, L)] = jnp.where(lane >= m_c - base,
                                         jnp.float32(_NEG_INF), tail)
        nvc = (m_c + (L - 1)) // L

        def e_body(j, _):
            def mx_body(i, acc):
                return jnp.maximum(acc, cv_v[pl.ds(i * L, L)])

            mx = lax.fori_loop(0, nvc, mx_body, _splat_f(-jnp.inf))
            vstar = _max_splat(mx)

            def ix_body(i, acc):
                vv = cv_v[pl.ds(i * L, L)]
                cc = ci_v[pl.ds(i * L, L)]
                return jnp.minimum(acc, jnp.where(vv == vstar, cc,
                                                  _splat_i(2**30)))

            acc = lax.fori_loop(0, nvc, ix_body, _splat_i(2**30))
            mstar = -_max_splat(-acc)
            istar = lax.shift_right_logical(mstar, 10)
            pstar = mstar & 1023
            lane0 = lane == 0
            plsc.store_scatter(sv_v, [_splat_i(0) + j], vstar, mask=lane0)
            plsc.store_scatter(si_v, [_splat_i(0) + j], istar, mask=lane0)
            plsc.store_scatter(cv_v, [pstar], _splat_f(-jnp.inf), mask=lane0)
            return 0

        lax.fori_loop(0, K, e_body, 0)

        pltpu.sync_copy(sv_v, ovals_hbm.at[r])
        pltpu.sync_copy(si_v, oidx_hbm.at[r])

    wid = lax.axis_index("s") * NC + lax.axis_index("c")
    r0 = wid * ROWS_PER_W

    CHUNK = N // NG2

    def row_loop(i, _):
        r = r0 + i

        def fire(h, _):
            pltpu.async_copy(
                scores_hbm.at[r, pl.ds(h * CHUNK, CHUNK)],
                row_a.at[pl.ds(h * CHUNK, CHUNK)],
                sems.at[h],
            )
            return 0

        lax.fori_loop(0, NG2, fire, 0)
        do_row(r, row_a)
        return 0

    lax.fori_loop(0, ROWS_PER_W, row_loop, 0)


def kernel(scores):
    idx_pad, vals_pad = _topk_sc(scores)
    return idx_pad[:, :K], vals_pad[:, :K]

# --- scband reference (transcript-rebuilt; emitter-appended) ---
"""Pipeline reference for scband-top-klayer-35235911696564 (READ-ONLY COPY).

The authoritative reference and input builder live on the scoring server;
editing this copy changes nothing except your own understanding.
"""

import jax, jax.numpy as jnp
import numpy as np

K = 50

def setup_inputs(seed: int = 0) -> dict:
    key = jax.random.key(seed)
    scores = jax.random.normal(key, (64, 32768), dtype=jnp.float32)
    return {"scores": scores}

def reference(scores):
    # TopKLayer.call: actual_k = min(k, last_dim); tf.math.top_k returns (values, indices);
    # the layer returns (indices, values).
    actual_k = min(K, scores.shape[-1])
    top_k_scores, top_k_indices = jax.lax.top_k(scores, actual_k)
    return (top_k_indices, top_k_scores)

if __name__ == "__main__":
    import jax
    _d = setup_inputs()
    print(jax.jit(kernel)(*tuple(_d.values())))

</pallas_src>

<mosaic_0001>
#map = affine_map<(d0, d1) -> (0, 0)>
module attributes {stable_mosaic.version = 14 : i64} {
  func.func @_topk_sc(%arg0: i32, %arg1: i32, %arg2: memref<64x32768xf32, #tpu.memory_space<hbm>>, %arg3: memref<64x64xi32, #tpu.memory_space<hbm>>, %arg4: memref<64x64xf32, #tpu.memory_space<hbm>>, %arg5: memref<32768xf32, #tpu.memory_space<vmem>>, %arg6: memref<8192xf32, #tpu.memory_space<vmem>>, %arg7: memref<1024xf32, #tpu.memory_space<vmem>>, %arg8: memref<1024xi32, #tpu.memory_space<vmem>>, %arg9: memref<64xf32, #tpu.memory_space<vmem>>, %arg10: memref<64xi32, #tpu.memory_space<vmem>>, %arg11: memref<8x!tpu.dma_semaphore, #tpu.memory_space<semaphore_mem>>) attributes {dimension_semantics = [#tpu.dimension_semantics<core_parallel>, #tpu.dimension_semantics<subcore_parallel>], iteration_bounds = array<i64: 2, 16>, scalar_prefetch = 0 : i64, scratch_operands = 7 : i64, tpu.core_type = #tpu.core_type<sc_vector_subcore>, window_params = [{transform_indices = #map}, {transform_indices = #map}, {transform_indices = #map}]} {
    %iota3A = tpu.iota {dimensions = array<i32: 0>} : vector<16xi32>
    %mul3A = arith.constant 1024 : i32
    %mul3A_0 = vector.broadcast %mul3A : i32 to vector<16xi32>
    %mul3A_1 = arith.muli %iota3A, %mul3A_0 : vector<16xi32>
    %mul3A_2 = arith.constant 2 : i32
    %mul3A_3 = arith.muli %arg1, %mul3A_2 : i32
    %add3A = arith.addi %mul3A_3, %arg0 : i32
    %mul3A_4 = arith.constant 2 : i32
    %mul3A_5 = arith.muli %add3A, %mul3A_4 : i32
    %scan3A = arith.constant 0 : i32
    %scan3A_6 = arith.constant 0 : i32
    %scan3A_7 = arith.constant 2 : i32
    %scan3A_8 = arith.addi %scan3A_6, %scan3A_7 : i32
    %scan3A_9 = arith.constant 1 : i32
    %scan3A_10 = scf.for %scan3A_12 = %scan3A_6 to %scan3A_8 step %scan3A_9 iter_args(%scan3A_13 = %scan3A) -> (i32)  : i32 {
      %add3A_14 = arith.addi %mul3A_5, %scan3A_12 : i32
      %scan3A_15 = arith.constant 0 : i32
      %scan3A_16 = arith.constant 0 : i32
      %scan3A_17 = arith.constant 8 : i32
      %scan3A_18 = arith.addi %scan3A_16, %scan3A_17 : i32
      %scan3A_19 = arith.constant 1 : i32
      %scan3A_20 = scf.for %scan3A_99 = %scan3A_16 to %scan3A_18 step %scan3A_19 iter_args(%scan3A_100 = %scan3A_15) -> (i32)  : i32 {
        %mul3A_101 = arith.constant 4096 : i32
        %mul3A_102 = arith.muli %scan3A_99, %mul3A_101 : i32
        %mul3A_103 = arith.constant 4096 : i32
        %mul3A_104 = arith.muli %scan3A_99, %mul3A_103 : i32
        %dma_start3A = tpu.memref_slice %arg5[%mul3A_104] : memref<32768xf32, #tpu.memory_space<vmem>> -> memref<4096xf32, #tpu.memory_space<vmem>>
        %dma_start3A_105 = tpu.memref_slice %arg2[%add3A_14, %mul3A_102] : memref<64x32768xf32, #tpu.memory_space<hbm>> -> memref<1x4096xf32, #tpu.memory_space<hbm>>
        %dma_start3A_106 = tpu.memref_squeeze %dma_start3A_105 : memref<1x4096xf32, #tpu.memory_space<hbm>> -> memref<4096xf32, #tpu.memory_space<hbm>>
        %dma_start3A_107 = tpu.memref_slice %arg11[%scan3A_99] : memref<8x!tpu.dma_semaphore, #tpu.memory_space<semaphore_mem>> -> memref<1x!tpu.dma_semaphore, #tpu.memory_space<semaphore_mem>>
        %dma_start3A_108 = tpu.memref_squeeze %dma_start3A_107 : memref<1x!tpu.dma_semaphore, #tpu.memory_space<semaphore_mem>> -> memref<!tpu.dma_semaphore, #tpu.memory_space<semaphore_mem>>
        %dma_start3A_109 = tpu.memref_slice %arg5[%mul3A_104] : memref<32768xf32, #tpu.memory_space<vmem>> -> memref<4096xf32, #tpu.memory_space<vmem>>
        %dma_start3A_110 = tpu.memref_slice %arg2[%add3A_14, %mul3A_102] : memref<64x32768xf32, #tpu.memory_space<hbm>> -> memref<1x4096xf32, #tpu.memory_space<hbm>>
        %dma_start3A_111 = tpu.memref_squeeze %dma_start3A_110 : memref<1x4096xf32, #tpu.memory_space<hbm>> -> memref<4096xf32, #tpu.memory_space<hbm>>
        tpu.enqueue_dma source(%dma_start3A_111 : memref<4096xf32, #tpu.memory_space<hbm>>) target(%dma_start3A_109 : memref<4096xf32, #tpu.memory_space<vmem>>) target_semaphore(%dma_start3A_108 : memref<!tpu.dma_semaphore, #tpu.memory_space<semaphore_mem>>)
        %scan3A_112 = arith.constant 0 : i32
        scf.yield %scan3A_112 : i32
      }
      %scan3A_21 = arith.constant 8 : i32
      %broadcast_in_dim3A = arith.constant 0x7F800000 : f32
      %broadcast_in_dim3A_22 = vector.broadcast %broadcast_in_dim3A : f32 to vector<16xf32>
      %scan3A_23 = arith.constant 0 : i32
      %scan3A_24 = arith.constant 8 : i32
      %scan3A_25 = arith.addi %scan3A_23, %scan3A_24 : i32
      %scan3A_26 = arith.constant 1 : i32
      %scan3A_27 = scf.for %scan3A_99 = %scan3A_23 to %scan3A_25 step %scan3A_26 iter_args(%scan3A_100 = %broadcast_in_dim3A_22) -> (vector<16xf32>)  : i32 {
        %mul3A_101 = arith.constant 4096 : i32
        %mul3A_102 = arith.muli %scan3A_99, %mul3A_101 : i32
        %mul3A_103 = arith.constant 4096 : i32
        %mul3A_104 = arith.muli %scan3A_99, %mul3A_103 : i32
        %dma_wait3A = tpu.memref_slice %arg5[%mul3A_104] : memref<32768xf32, #tpu.memory_space<vmem>> -> memref<4096xf32, #tpu.memory_space<vmem>>
        %dma_wait3A_105 = tpu.memref_slice %arg2[%add3A_14, %mul3A_102] : memref<64x32768xf32, #tpu.memory_space<hbm>> -> memref<1x4096xf32, #tpu.memory_space<hbm>>
        %dma_wait3A_106 = tpu.memref_squeeze %dma_wait3A_105 : memref<1x4096xf32, #tpu.memory_space<hbm>> -> memref<4096xf32, #tpu.memory_space<hbm>>
        %dma_wait3A_107 = tpu.memref_slice %arg11[%scan3A_99] : memref<8x!tpu.dma_semaphore, #tpu.memory_space<semaphore_mem>> -> memref<1x!tpu.dma_semaphore, #tpu.memory_space<semaphore_mem>>
        %dma_wait3A_108 = tpu.memref_squeeze %dma_wait3A_107 : memref<1x!tpu.dma_semaphore, #tpu.memory_space<semaphore_mem>> -> memref<!tpu.dma_semaphore, #tpu.memory_space<semaphore_mem>>
        %dma_wait3A_109 = tpu.memref_slice %arg5[%mul3A_104] : memref<32768xf32, #tpu.memory_space<vmem>> -> memref<4096xf32, #tpu.memory_space<vmem>>
        %dma_wait3A_110 = tpu.memref_slice %arg2[%add3A_14, %mul3A_102] : memref<64x32768xf32, #tpu.memory_space<hbm>> -> memref<1x4096xf32, #tpu.memory_space<hbm>>
        %dma_wait3A_111 = tpu.memref_squeeze %dma_wait3A_110 : memref<1x4096xf32, #tpu.memory_space<hbm>> -> memref<4096xf32, #tpu.memory_space<hbm>>
        tpu.wait_dma2 semaphore(%dma_wait3A_108 : memref<!tpu.dma_semaphore, #tpu.memory_space<semaphore_mem>>) src(%dma_wait3A_111 : memref<4096xf32, #tpu.memory_space<hbm>>) dst(%dma_wait3A_109 : memref<4096xf32, #tpu.memory_space<vmem>>)
        %broadcast_in_dim3A_112 = arith.constant 0xFF800000 : f32
        %broadcast_in_dim3A_113 = vector.broadcast %broadcast_in_dim3A_112 : f32 to vector<16xf32>
        %scan3A_114 = arith.constant 0 : i32
        %scan3A_115 = arith.constant 64 : i32
        %scan3A_116 = arith.addi %scan3A_114, %scan3A_115 : i32
        %scan3A_117 = arith.constant 4 : i32
        %scan3A_118 = scf.for %scan3A_132 = %scan3A_114 to %scan3A_116 step %scan3A_117 iter_args(%scan3A_133 = %broadcast_in_dim3A_113) -> (vector<16xf32>)  : i32 {
          %mul3A_134 = arith.constant 64 : i32
          %mul3A_135 = arith.muli %scan3A_99, %mul3A_134 : i32
          %add3A_136 = arith.addi %mul3A_135, %scan3A_132 : i32
          %mul3A_137 = arith.constant 4 : i32
          %mul3A_138 = arith.muli %add3A_136, %mul3A_137 : i32
          %mul3A_139 = arith.constant 16 : i32
          %mul3A_140 = arith.muli %mul3A_138, %mul3A_139 : i32
          %get3A_141 = arith.index_cast %mul3A_140 : i32 to index
          %get3A_142 = tpu.vector_load %arg5[%get3A_141] {strides = array<i32>} : memref<32768xf32, #tpu.memory_space<vmem>>, vector<16xf32>,
          %mul3A_143 = arith.constant 4 : i32
          %mul3A_144 = arith.muli %add3A_136, %mul3A_143 : i32
          %add3A_145 = arith.constant 1 : i32
          %add3A_146 = arith.addi %mul3A_144, %add3A_145 : i32
          %mul3A_147 = arith.constant 16 : i32
          %mul3A_148 = arith.muli %add3A_146, %mul3A_147 : i32
          %get3A_149 = arith.index_cast %mul3A_148 : i32 to index
          %get3A_150 = tpu.vector_load %arg5[%get3A_149] {strides = array<i32>} : memref<32768xf32, #tpu.memory_space<vmem>>, vector<16xf32>,
          %max3A = arith.maximumf %get3A_142, %get3A_150 : vector<16xf32>
          %mul3A_151 = arith.constant 4 : i32
          %mul3A_152 = arith.muli %add3A_136, %mul3A_151 : i32
          %add3A_153 = arith.constant 2 : i32
          %add3A_154 = arith.addi %mul3A_152, %add3A_153 : i32
          %mul3A_155 = arith.constant 16 : i32
          %mul3A_156 = arith.muli %add3A_154, %mul3A_155 : i32
          %get3A_157 = arith.index_cast %mul3A_156 : i32 to index
          %get3A_158 = tpu.vector_load %arg5[%get3A_157] {strides = array<i32>} : memref<32768xf32, #tpu.memory_space<vmem>>, vector<16xf32>,
          %max3A_159 = arith.maximumf %max3A, %get3A_158 : vector<16xf32>
          %mul3A_160 = arith.constant 4 : i32
          %mul3A_161 = arith.muli %add3A_136, %mul3A_160 : i32
          %add3A_162 = arith.constant 3 : i32
          %add3A_163 = arith.addi %mul3A_161, %add3A_162 : i32
          %mul3A_164 = arith.constant 16 : i32
          %mul3A_165 = arith.muli %add3A_163, %mul3A_164 : i32
          %get3A_166 = arith.index_cast %mul3A_165 : i32 to index
          %get3A_167 = tpu.vector_load %arg5[%get3A_166] {strides = array<i32>} : memref<32768xf32, #tpu.memory_space<vmem>>, vector<16xf32>,
          %max3A_168 = arith.maximumf %max3A_159, %get3A_167 : vector<16xf32>
          %mul3A_169 = arith.constant 16 : i32
          %mul3A_170 = arith.muli %add3A_136, %mul3A_169 : i32
          %swap3A_171 = arith.index_cast %mul3A_170 : i32 to index
          %swap3A_172 = tpu.vector_load %arg6[%swap3A_171] {strides = array<i32>} : memref<8192xf32, #tpu.memory_space<vmem>>, vector<16xf32>,
          tpu.vector_store %arg6[%swap3A_171], %max3A_168 {strides = array<i32>} : memref<8192xf32, #tpu.memory_space<vmem>>, vector<16xf32>,
          %max3A_173 = arith.maximumf %scan3A_133, %max3A_168 : vector<16xf32>
          %scan3A_174 = arith.constant 1 : i32
          %scan3A_175 = arith.addi %scan3A_132, %scan3A_174 : i32
          %mul3A_176 = arith.constant 64 : i32
          %mul3A_177 = arith.muli %scan3A_99, %mul3A_176 : i32
          %add3A_178 = arith.addi %mul3A_177, %scan3A_175 : i32
          %mul3A_179 = arith.constant 4 : i32
          %mul3A_180 = arith.muli %add3A_178, %mul3A_179 : i32
          %mul3A_181 = arith.constant 16 : i32
          %mul3A_182 = arith.muli %mul3A_180, %mul3A_181 : i32
          %get3A_183 = arith.index_cast %mul3A_182 : i32 to index
          %get3A_184 = tpu.vector_load %arg5[%get3A_183] {strides = array<i32>} : memref<32768xf32, #tpu.memory_space<vmem>>, vector<16xf32>,
          %mul3A_185 = arith.constant 4 : i32
          %mul3A_186 = arith.muli %add3A_178, %mul3A_185 : i32
          %add3A_187 = arith.constant 1 : i32
          %add3A_188 = arith.addi %mul3A_186, %add3A_187 : i32
          %mul3A_189 = arith.constant 16 : i32
          %mul3A_190 = arith.muli %add3A_188, %mul3A_189 : i32
          %get3A_191 = arith.index_cast %mul3A_190 : i32 to index
          %get3A_192 = tpu.vector_load %arg5[%get3A_191] {strides = array<i32>} : memref<32768xf32, #tpu.memory_space<vmem>>, vector<16xf32>,
          %max3A_193 = arith.maximumf %get3A_184, %get3A_192 : vector<16xf32>
          %mul3A_194 = arith.constant 4 : i32
          %mul3A_195 = arith.muli %add3A_178, %mul3A_194 : i32
          %add3A_196 = arith.constant 2 : i32
          %add3A_197 = arith.addi %mul3A_195, %add3A_196 : i32
          %mul3A_198 = arith.constant 16 : i32
          %mul3A_199 = arith.muli %add3A_197, %mul3A_198 : i32
          %get3A_200 = arith.index_cast %mul3A_199 : i32 to index
          %get3A_201 = tpu.vector_load %arg5[%get3A_200] {strides = array<i32>} : memref<32768xf32, #tpu.memory_space<vmem>>, vector<16xf32>,
          %max3A_202 = arith.maximumf %max3A_193, %get3A_201 : vector<16xf32>
          %mul3A_203 = arith.constant 4 : i32
          %mul3A_204 = arith.muli %add3A_178, %mul3A_203 : i32
          %add3A_205 = arith.constant 3 : i32
          %add3A_206 = arith.addi %mul3A_204, %add3A_205 : i32
          %mul3A_207 = arith.constant 16 : i32
          %mul3A_208 = arith.muli %add3A_206, %mul3A_207 : i32
          %get3A_209 = arith.index_cast %mul3A_208 : i32 to index
          %get3A_210 = tpu.vector_load %arg5[%get3A_209] {strides = array<i32>} : memref<32768xf32, #tpu.memory_space<vmem>>, vector<16xf32>,
          %max3A_211 = arith.maximumf %max3A_202, %get3A_210 : vector<16xf32>
          %mul3A_212 = arith.constant 16 : i32
          %mul3A_213 = arith.muli %add3A_178, %mul3A_212 : i32
          %swap3A_214 = arith.index_cast %mul3A_213 : i32 to index
          %swap3A_215 = tpu.vector_load %arg6[%swap3A_214] {strides = array<i32>} : memref<8192xf32, #tpu.memory_space<vmem>>, vector<16xf32>,
          tpu.vector_store %arg6[%swap3A_214], %max3A_211 {strides = array<i32>} : memref<8192xf32, #tpu.memory_space<vmem>>, vector<16xf32>,
          %max3A_216 = arith.maximumf %max3A_173, %max3A_211 : vector<16xf32>
          %scan3A_217 = arith.constant 2 : i32
          %scan3A_218 = arith.addi %scan3A_132, %scan3A_217 : i32
          %mul3A_219 = arith.constant 64 : i32
          %mul3A_220 = arith.muli %scan3A_99, %mul3A_219 : i32
          %add3A_221 = arith.addi %mul3A_220, %scan3A_218 : i32
          %mul3A_222 = arith.constant 4 : i32
          %mul3A_223 = arith.muli %add3A_221, %mul3A_222 : i32
          %mul3A_224 = arith.constant 16 : i32
          %mul3A_225 = arith.muli %mul3A_223, %mul3A_224 : i32
          %get3A_226 = arith.index_cast %mul3A_225 : i32 to index
          %get3A_227 = tpu.vector_load %arg5[%get3A_226] {strides = array<i32>} : memref<32768xf32, #tpu.memory_space<vmem>>, vector<16xf32>,
          %mul3A_228 = arith.constant 4 : i32
          %mul3A_229 = arith.muli %add3A_221, %mul3A_228 : i32
          %add3A_230 = arith.constant 1 : i32
          %add3A_231 = arith.addi %mul3A_229, %add3A_230 : i32
          %mul3A_232 = arith.constant 16 : i32
          %mul3A_233 = arith.muli %add3A_231, %mul3A_232 : i32
          %get3A_234 = arith.index_cast %mul3A_233 : i32 to index
          %get3A_235 = tpu.vector_load %arg5[%get3A_234] {strides = array<i32>} : memref<32768xf32, #tpu.memory_space<vmem>>, vector<16xf32>,
          %max3A_236 = arith.maximumf %get3A_227, %get3A_235 : vector<16xf32>
          %mul3A_237 = arith.constant 4 : i32
          %mul3A_238 = arith.muli %add3A_221, %mul3A_237 : i32
          %add3A_239 = arith.constant 2 : i32
          %add3A_240 = arith.addi %mul3A_238, %add3A_239 : i32
          %mul3A_241 = arith.constant 16 : i32
          %mul3A_242 = arith.muli %add3A_240, %mul3A_241 : i32
          %get3A_243 = arith.index_cast %mul3A_242 : i32 to index
          %get3A_244 = tpu.vector_load %arg5[%get3A_243] {strides = array<i32>} : memref<32768xf32, #tpu.memory_space<vmem>>, vector<16xf32>,
          %max3A_245 = arith.maximumf %max3A_236, %get3A_244 : vector<16xf32>
          %mul3A_246 = arith.constant 4 : i32
          %mul3A_247 = arith.muli %add3A_221, %mul3A_246 : i32
          %add3A_248 = arith.constant 3 : i32
          %add3A_249 = arith.addi %mul3A_247, %add3A_248 : i32
          %mul3A_250 = arith.constant 16 : i32
          %mul3A_251 = arith.muli %add3A_249, %mul3A_250 : i32
          %get3A_252 = arith.index_cast %mul3A_251 : i32 to index
          %get3A_253 = tpu.vector_load %arg5[%get3A_252] {strides = array<i32>} : memref<32768xf32, #tpu.memory_space<vmem>>, vector<16xf32>,
          %max3A_254 = arith.maximumf %max3A_245, %get3A_253 : vector<16xf32>
          %mul3A_255 = arith.constant 16 : i32
          %mul3A_256 = arith.muli %add3A_221, %mul3A_255 : i32
          %swap3A_257 = arith.index_cast %mul3A_256 : i32 to index
          %swap3A_258 = tpu.vector_load %arg6[%swap3A_257] {strides = array<i32>} : memref<8192xf32, #tpu.memory_space<vmem>>, vector<16xf32>,
          tpu.vector_store %arg6[%swap3A_257], %max3A_254 {strides = array<i32>} : memref<8192xf32, #tpu.memory_space<vmem>>, vector<16xf32>,
          %max3A_259 = arith.maximumf %max3A_216, %max3A_254 : vector<16xf32>
          %scan3A_260 = arith.constant 3 : i32
          %scan3A_261 = arith.addi %scan3A_132, %scan3A_260 : i32
          %mul3A_262 = arith.constant 64 : i32
          %mul3A_263 = arith.muli %scan3A_99, %mul3A_262 : i32
          %add3A_264 = arith.addi %mul3A_263, %scan3A_261 : i32
          %mul3A_265 = arith.constant 4 : i32
          %mul3A_266 = arith.muli %add3A_264, %mul3A_265 : i32
          %mul3A_267 = arith.constant 16 : i32
          %mul3A_268 = arith.muli %mul3A_266, %mul3A_267 : i32
          %get3A_269 = arith.index_cast %mul3A_268 : i32 to index
          %get3A_270 = tpu.vector_load %arg5[%get3A_269] {strides = array<i32>} : memref<32768xf32, #tpu.memory_space<vmem>>, vector<16xf32>,
          %mul3A_271 = arith.constant 4 : i32
          %mul3A_272 = arith.muli %add3A_264, %mul3A_271 : i32
          %add3A_273 = arith.constant 1 : i32
          %add3A_274 = arith.addi %mul3A_272, %add3A_273 : i32
          %mul3A_275 = arith.constant 16 : i32
          %mul3A_276 = arith.muli %add3A_274, %mul3A_275 : i32
          %get3A_277 = arith.index_cast %mul3A_276 : i32 to index
          %get3A_278 = tpu.vector_load %arg5[%get3A_277] {strides = array<i32>} : memref<32768xf32, #tpu.memory_space<vmem>>, vector<16xf32>,
          %max3A_279 = arith.maximumf %get3A_270, %get3A_278 : vector<16xf32>
          %mul3A_280 = arith.constant 4 : i32
          %mul3A_281 = arith.muli %add3A_264, %mul3A_280 : i32
          %add3A_282 = arith.constant 2 : i32
          %add3A_283 = arith.addi %mul3A_281, %add3A_282 : i32
          %mul3A_284 = arith.constant 16 : i32
          %mul3A_285 = arith.muli %add3A_283, %mul3A_284 : i32
          %get3A_286 = arith.index_cast %mul3A_285 : i32 to index
          %get3A_287 = tpu.vector_load %arg5[%get3A_286] {strides = array<i32>} : memref<32768xf32, #tpu.memory_space<vmem>>, vector<16xf32>,
          %max3A_288 = arith.maximumf %max3A_279, %get3A_287 : vector<16xf32>
          %mul3A_289 = arith.constant 4 : i32
          %mul3A_290 = arith.muli %add3A_264, %mul3A_289 : i32
          %add3A_291 = arith.constant 3 : i32
          %add3A_292 = arith.addi %mul3A_290, %add3A_291 : i32
          %mul3A_293 = arith.constant 16 : i32
          %mul3A_294 = arith.muli %add3A_292, %mul3A_293 : i32
          %get3A_295 = arith.index_cast %mul3A_294 : i32 to index
          %get3A_296 = tpu.vector_load %arg5[%get3A_295] {strides = array<i32>} : memref<32768xf32, #tpu.memory_space<vmem>>, vector<16xf32>,
          %max3A_297 = arith.maximumf %max3A_288, %get3A_296 : vector<16xf32>
          %mul3A_298 = arith.constant 16 : i32
          %mul3A_299 = arith.muli %add3A_264, %mul3A_298 : i32
          %swap3A_300 = arith.index_cast %mul3A_299 : i32 to index
          %swap3A_301 = tpu.vector_load %arg6[%swap3A_300] {strides = array<i32>} : memref<8192xf32, #tpu.memory_space<vmem>>, vector<16xf32>,
          tpu.vector_store %arg6[%swap3A_300], %max3A_297 {strides = array<i32>} : memref<8192xf32, #tpu.memory_space<vmem>>, vector<16xf32>,
          %max3A_302 = arith.maximumf %max3A_259, %max3A_297 : vector<16xf32>
          scf.yield %max3A_302 : vector<16xf32>
        }
        %scan3A_119 = arith.constant 64 : i32
        %scan3A_120 = arith.constant 0 : i32
        %scan3A_121 = arith.constant 6 : i32
        %scan3A_122 = arith.addi %scan3A_120, %scan3A_121 : i32
        %scan3A_123 = arith.constant 1 : i32
        %scan3A_124 = scf.for %scan3A_132 = %scan3A_120 to %scan3A_122 step %scan3A_123 iter_args(%scan3A_133 = %scan3A_118) -> (vector<16xf32>)  : i32 {
          %broadcast_in_dim3A_134 = arith.constant true
          %broadcast_in_dim3A_135 = vector.broadcast %broadcast_in_dim3A_134 : i1 to vector<16xi1>
          %masked_cummax3A_136 = tpu.scan <max>, %scan3A_133 masked %broadcast_in_dim3A_135 : vector<16xf32>, vector<16xi1> -> vector<16xf32>
          %broadcast_in_dim3A_137 = arith.constant 15 : i32
          %broadcast_in_dim3A_138 = vector.broadcast %broadcast_in_dim3A_137 : i32 to vector<16xi32>
          %reshape3A_139 = vector.shape_cast %broadcast_in_dim3A_138 : vector<16xi32> to vector<16x1xi32>
          %gather3A_140 = vector.shape_cast %reshape3A_139 : vector<16x1xi32> to vector<16xi32>
          %gather3A_141 = tpu.dynamic_gather %masked_cummax3A_136[%gather3A_140] in [0] : vector<16xf32>, vector<16xi32> -> vector<16xf32>
          %eq3A = arith.cmpf oeq, %scan3A_133, %gather3A_141 : vector<16xf32>
          %jit3A_142 = arith.constant 0xFF800000 : f32
          %broadcast_in_dim3A_143 = vector.broadcast %jit3A_142 : f32 to vector<16xf32>
          %select_n3A_144 = arith.select %eq3A, %broadcast_in_dim3A_143, %scan3A_133 : vector<16xi1>, vector<16xf32>
          scf.yield %select_n3A_144 : vector<16xf32>
        }
        %scan3A_125 = arith.constant 6 : i32
        %broadcast_in_dim3A_126 = arith.constant true
        %broadcast_in_dim3A_127 = vector.broadcast %broadcast_in_dim3A_126 : i1 to vector<16xi1>
        %masked_cummax3A = tpu.scan <max>, %scan3A_124 masked %broadcast_in_dim3A_127 : vector<16xf32>, vector<16xi1> -> vector<16xf32>
        %broadcast_in_dim3A_128 = arith.constant 15 : i32
        %broadcast_in_dim3A_129 = vector.broadcast %broadcast_in_dim3A_128 : i32 to vector<16xi32>
        %reshape3A = vector.shape_cast %broadcast_in_dim3A_129 : vector<16xi32> to vector<16x1xi32>
        %gather3A = vector.shape_cast %reshape3A : vector<16x1xi32> to vector<16xi32>
        %gather3A_130 = tpu.dynamic_gather %masked_cummax3A[%gather3A] in [0] : vector<16xf32>, vector<16xi32> -> vector<16xf32>
        %min3A_131 = arith.minimumf %scan3A_100, %gather3A_130 : vector<16xf32>
        scf.yield %min3A_131 : vector<16xf32>
      }
      %scan3A_28 = arith.constant 8 : i32
      %broadcast_in_dim3A_29 = arith.constant 0 : i32
      %broadcast_in_dim3A_30 = vector.broadcast %broadcast_in_dim3A_29 : i32 to vector<16xi32>
      %scan3A_31 = arith.constant 0 : i32
      %scan3A_32 = arith.constant 128 : i32
      %scan3A_33 = arith.addi %scan3A_31, %scan3A_32 : i32
      %scan3A_34 = arith.constant 4 : i32
      %scan3A_35 = scf.for %scan3A_99 = %scan3A_31 to %scan3A_33 step %scan3A_34 iter_args(%scan3A_100 = %broadcast_in_dim3A_30) -> (vector<16xi32>)  : i32 {
        %mul3A_101 = arith.constant 4 : i32
        %mul3A_102 = arith.muli %scan3A_99, %mul3A_101 : i32
        %broadcast_in_dim3A_103 = arith.constant 0 : i32
        %broadcast_in_dim3A_104 = vector.broadcast %broadcast_in_dim3A_103 : i32 to vector<16xi32>
        %add3A_105 = arith.constant 0 : i32
        %add3A_106 = arith.addi %mul3A_102, %add3A_105 : i32
        %mul3A_107 = arith.constant 16 : i32
        %mul3A_108 = arith.muli %add3A_106, %mul3A_107 : i32
        %get3A_109 = arith.index_cast %mul3A_108 : i32 to index
        %get3A_110 = tpu.vector_load %arg6[%get3A_109] {strides = array<i32>} : memref<8192xf32, #tpu.memory_space<vmem>>, vector<16xf32>,
        %ge3A_111 = arith.cmpf oge, %get3A_110, %scan3A_27 : vector<16xf32>
        %jit3A_112 = arith.constant 1 : i32
        %jit3A_113 = arith.constant 0 : i32
        %broadcast_in_dim3A_114 = vector.broadcast %jit3A_112 : i32 to vector<16xi32>
        %broadcast_in_dim3A_115 = vector.broadcast %jit3A_113 : i32 to vector<16xi32>
        %select_n3A_116 = arith.select %ge3A_111, %broadcast_in_dim3A_114, %broadcast_in_dim3A_115 : vector<16xi1>, vector<16xi32>
        %add3A_117 = arith.addi %broadcast_in_dim3A_104, %select_n3A_116 : vector<16xi32>
        %add3A_118 = arith.constant 1 : i32
        %add3A_119 = arith.addi %mul3A_102, %add3A_118 : i32
        %mul3A_120 = arith.constant 16 : i32
        %mul3A_121 = arith.muli %add3A_119, %mul3A_120 : i32
        %get3A_122 = arith.index_cast %mul3A_121 : i32 to index
        %get3A_123 = tpu.vector_load %arg6[%get3A_122] {strides = array<i32>} : memref<8192xf32, #tpu.memory_space<vmem>>, vector<16xf32>,
        %ge3A_124 = arith.cmpf oge, %get3A_123, %scan3A_27 : vector<16xf32>
        %jit3A_125 = arith.constant 32 : i32
        %jit3A_126 = arith.constant 0 : i32
        %broadcast_in_dim3A_127 = vector.broadcast %jit3A_125 : i32 to vector<16xi32>
        %broadcast_in_dim3A_128 = vector.broadcast %jit3A_126 : i32 to vector<16xi32>
        %select_n3A_129 = arith.select %ge3A_124, %broadcast_in_dim3A_127, %broadcast_in_dim3A_128 : vector<16xi1>, vector<16xi32>
        %add3A_130 = arith.addi %add3A_117, %select_n3A_129 : vector<16xi32>
        %add3A_131 = arith.constant 2 : i32
        %add3A_132 = arith.addi %mul3A_102, %add3A_131 : i32
        %mul3A_133 = arith.constant 16 : i32
        %mul3A_134 = arith.muli %add3A_132, %mul3A_133 : i32
        %get3A_135 = arith.index_cast %mul3A_134 : i32 to index
        %get3A_136 = tpu.vector_load %arg6[%get3A_135] {strides = array<i32>} : memref<8192xf32, #tpu.memory_space<vmem>>, vector<16xf32>,
        %ge3A_137 = arith.cmpf oge, %get3A_136, %scan3A_27 : vector<16xf32>
        %jit3A_138 = arith.constant 1024 : i32
        %jit3A_139 = arith.constant 0 : i32
        %broadcast_in_dim3A_140 = vector.broadcast %jit3A_138 : i32 to vector<16xi32>
        %broadcast_in_dim3A_141 = vector.broadcast %jit3A_139 : i32 to vector<16xi32>
        %select_n3A_142 = arith.select %ge3A_137, %broadcast_in_dim3A_140, %broadcast_in_dim3A_141 : vector<16xi1>, vector<16xi32>
        %add3A_143 = arith.addi %add3A_130, %select_n3A_142 : vector<16xi32>
        %add3A_144 = arith.constant 3 : i32
        %add3A_145 = arith.addi %mul3A_102, %add3A_144 : i32
        %mul3A_146 = arith.constant 16 : i32
        %mul3A_147 = arith.muli %add3A_145, %mul3A_146 : i32
        %get3A_148 = arith.index_cast %mul3A_147 : i32 to index
        %get3A_149 = tpu.vector_load %arg6[%get3A_148] {strides = array<i32>} : memref<8192xf32, #tpu.memory_space<vmem>>, vector<16xf32>,
        %ge3A_150 = arith.cmpf oge, %get3A_149, %scan3A_27 : vector<16xf32>
        %jit3A_151 = arith.constant 32768 : i32
        %jit3A_152 = arith.constant 0 : i32
        %broadcast_in_dim3A_153 = vector.broadcast %jit3A_151 : i32 to vector<16xi32>
        %broadcast_in_dim3A_154 = vector.broadcast %jit3A_152 : i32 to vector<16xi32>
        %select_n3A_155 = arith.select %ge3A_150, %broadcast_in_dim3A_153, %broadcast_in_dim3A_154 : vector<16xi1>, vector<16xi32>
        %add3A_156 = arith.addi %add3A_143, %select_n3A_155 : vector<16xi32>
        %broadcast_in_dim3A_157 = arith.constant true
        %broadcast_in_dim3A_158 = vector.broadcast %broadcast_in_dim3A_157 : i1 to vector<16xi1>
        %masked_cumsum3A = tpu.scan <sum>, %add3A_156 masked %broadcast_in_dim3A_158 : vector<16xi32>, vector<16xi1> -> vector<16xi32>
        %slice3A_159 = vector.extract_strided_slice %masked_cumsum3A {offsets = [15], sizes = [1], strides = [1]} : vector<16xi32> to vector<1xi32>
        %squeeze3A_160 = vector.extract %slice3A_159[0] : i32 from vector<1xi32>
        %gt3A = arith.constant 0 : i32
        %gt3A_161 = arith.cmpi sgt, %squeeze3A_160, %gt3A : i32
        %convert_element_type3A = arith.extui %gt3A_161 : i1 to i32
        %cond3A = arith.constant 0 : i32
        %cond3A_162 = arith.cmpi ne, %convert_element_type3A, %cond3A : i32
        %cond3A_163 = scf.if %cond3A_162 -> (vector<16xi32>) {
          %shift_right_logical3A = arith.constant 0 : i32
          %shift_right_logical3A_371 = arith.shrui %squeeze3A_160, %shift_right_logical3A : i32
          %and3A_372 = arith.constant 31 : i32
          %and3A_373 = arith.andi %shift_right_logical3A_371, %and3A_372 : i32
          %gt3A_374 = arith.constant 0 : i32
          %gt3A_375 = arith.cmpi sgt, %and3A_373, %gt3A_374 : i32
          %convert_element_type3A_376 = arith.extui %gt3A_375 : i1 to i32
          %cond3A_377 = arith.constant 0 : i32
          %cond3A_378 = arith.cmpi ne, %convert_element_type3A_376, %cond3A_377 : i32
          %cond3A_379 = scf.if %cond3A_378 -> (vector<16xi32>) {
            %add3A_410 = arith.constant 0 : i32
            %add3A_411 = arith.addi %mul3A_102, %add3A_410 : i32
            %mul3A_412 = arith.constant 4 : i32
            %mul3A_413 = arith.muli %add3A_411, %mul3A_412 : i32
            %add3A_414 = arith.constant 0 : i32
            %add3A_415 = arith.addi %mul3A_413, %add3A_414 : i32
            %mul3A_416 = arith.constant 16 : i32
            %mul3A_417 = arith.muli %add3A_415, %mul3A_416 : i32
            %get3A_418 = arith.index_cast %mul3A_417 : i32 to index
            %get3A_419 = tpu.vector_load %arg5[%get3A_418] {strides = array<i32>} : memref<32768xf32, #tpu.memory_space<vmem>>, vector<16xf32>,
            %ge3A_420 = arith.cmpf oge, %get3A_419, %scan3A_27 : vector<16xf32>
            %convert_element_type3A_421 = arith.extui %ge3A_420 : vector<16xi1> to vector<16xi32>
            %broadcast_in_dim3A_422 = arith.constant true
            %broadcast_in_dim3A_423 = vector.broadcast %broadcast_in_dim3A_422 : i1 to vector<16xi1>
            %masked_cumsum3A_424 = tpu.scan <sum>, %convert_element_type3A_421 masked %broadcast_in_dim3A_423 : vector<16xi32>, vector<16xi1> -> vector<16xi32>
            %mul3A_425 = arith.constant 4 : i32
            %mul3A_426 = arith.muli %add3A_411, %mul3A_425 : i32
            %add3A_427 = arith.constant 1 : i32
            %add3A_428 = arith.addi %mul3A_426, %add3A_427 : i32
            %mul3A_429 = arith.constant 16 : i32
            %mul3A_430 = arith.muli %add3A_428, %mul3A_429 : i32
            %get3A_431 = arith.index_cast %mul3A_430 : i32 to index
            %get3A_432 = tpu.vector_load %arg5[%get3A_431] {strides = array<i32>} : memref<32768xf32, #tpu.memory_space<vmem>>, vector<16xf32>,
            %ge3A_433 = arith.cmpf oge, %get3A_432, %scan3A_27 : vector<16xf32>
            %convert_element_type3A_434 = arith.extui %ge3A_433 : vector<16xi1> to vector<16xi32>
            %broadcast_in_dim3A_435 = arith.constant true
            %broadcast_in_dim3A_436 = vector.broadcast %broadcast_in_dim3A_435 : i1 to vector<16xi1>
            %masked_cumsum3A_437 = tpu.scan <sum>, %convert_element_type3A_434 masked %broadcast_in_dim3A_436 : vector<16xi32>, vector<16xi1> -> vector<16xi32>
            %mul3A_438 = arith.constant 4 : i32
            %mul3A_439 = arith.muli %add3A_411, %mul3A_438 : i32
            %add3A_440 = arith.constant 2 : i32
            %add3A_441 = arith.addi %mul3A_439, %add3A_440 : i32
            %mul3A_442 = arith.constant 16 : i32
            %mul3A_443 = arith.muli %add3A_441, %mul3A_442 : i32
            %get3A_444 = arith.index_cast %mul3A_443 : i32 to index
            %get3A_445 = tpu.vector_load %arg5[%get3A_444] {strides = array<i32>} : memref<32768xf32, #tpu.memory_space<vmem>>, vector<16xf32>,
            %ge3A_446 = arith.cmpf oge, %get3A_445, %scan3A_27 : vector<16xf32>
            %convert_element_type3A_447 = arith.extui %ge3A_446 : vector<16xi1> to vector<16xi32>
            %broadcast_in_dim3A_448 = arith.constant true
            %broadcast_in_dim3A_449 = vector.broadcast %broadcast_in_dim3A_448 : i1 to vector<16xi1>
            %masked_cumsum3A_450 = tpu.scan <sum>, %convert_element_type3A_447 masked %broadcast_in_dim3A_449 : vector<16xi32>, vector<16xi1> -> vector<16xi32>
            %mul3A_451 = arith.constant 4 : i32
            %mul3A_452 = arith.muli %add3A_411, %mul3A_451 : i32
            %add3A_453 = arith.constant 3 : i32
            %add3A_454 = arith.addi %mul3A_452, %add3A_453 : i32
            %mul3A_455 = arith.constant 16 : i32
            %mul3A_456 = arith.muli %add3A_454, %mul3A_455 : i32
            %get3A_457 = arith.index_cast %mul3A_456 : i32 to index
            %get3A_458 = tpu.vector_load %arg5[%get3A_457] {strides = array<i32>} : memref<32768xf32, #tpu.memory_space<vmem>>, vector<16xf32>,
            %ge3A_459 = arith.cmpf oge, %get3A_458, %scan3A_27 : vector<16xf32>
            %convert_element_type3A_460 = arith.extui %ge3A_459 : vector<16xi1> to vector<16xi32>
            %broadcast_in_dim3A_461 = arith.constant true
            %broadcast_in_dim3A_462 = vector.broadcast %broadcast_in_dim3A_461 : i1 to vector<16xi1>
            %masked_cumsum3A_463 = tpu.scan <sum>, %convert_element_type3A_460 masked %broadcast_in_dim3A_462 : vector<16xi32>, vector<16xi1> -> vector<16xi32>
            %mul3A_464 = arith.constant 4 : i32
            %mul3A_465 = arith.muli %add3A_411, %mul3A_464 : i32
            %add3A_466 = arith.constant 0 : i32
            %add3A_467 = arith.addi %mul3A_465, %add3A_466 : i32
            %add3A_468 = arith.addi %scan3A_100, %masked_cumsum3A_424 : vector<16xi32>
            %sub3A_469 = arith.constant 1 : i32
            %sub3A_470 = vector.broadcast %sub3A_469 : i32 to vector<16xi32>
            %sub3A_471 = arith.subi %add3A_468, %sub3A_470 : vector<16xi32>
            %min3A_472 = arith.constant 1023 : i32
            %min3A_473 = vector.broadcast %min3A_472 : i32 to vector<16xi32>
            %min3A_474 = arith.minsi %sub3A_471, %min3A_473 : vector<16xi32>
            %mul3A_475 = arith.constant 16 : i32
            %mul3A_476 = arith.muli %add3A_467, %mul3A_475 : i32
            %mul3A_477 = arith.constant 1024 : i32
            %mul3A_478 = arith.muli %mul3A_476, %mul3A_477 : i32
            %add3A_479 = vector.broadcast %mul3A_478 : i32 to vector<16xi32>
            %add3A_480 = arith.addi %add3A_479, %mul3A_1 : vector<16xi32>
            %add3A_481 = arith.addi %add3A_480, %min3A_474 : vector<16xi32>
            tpu.vector_store_idx %arg7[%min3A_474], %get3A_419 masked %ge3A_420 : memref<1024xf32, #tpu.memory_space<vmem>>[vector<16xi32>], vector<16xf32>, vector<16xi1>
            tpu.vector_store_idx %arg8[%min3A_474], %add3A_481 masked %ge3A_420 : memref<1024xi32, #tpu.memory_space<vmem>>[vector<16xi32>], vector<16xi32>, vector<16xi1>
            %broadcast_in_dim3A_482 = arith.constant 15 : i32
            %broadcast_in_dim3A_483 = vector.broadcast %broadcast_in_dim3A_482 : i32 to vector<16xi32>
            %reshape3A = vector.shape_cast %broadcast_in_dim3A_483 : vector<16xi32> to vector<16x1xi32>
            %gather3A = vector.shape_cast %reshape3A : vector<16x1xi32> to vector<16xi32>
            %gather3A_484 = tpu.dynamic_gather %masked_cumsum3A_424[%gather3A] in [0] : vector<16xi32>, vector<16xi32> -> vector<16xi32>
            %add3A_485 = arith.addi %scan3A_100, %gather3A_484 : vector<16xi32>
            %mul3A_486 = arith.constant 4 : i32
            %mul3A_487 = arith.muli %add3A_411, %mul3A_486 : i32
            %add3A_488 = arith.constant 1 : i32
            %add3A_489 = arith.addi %mul3A_487, %add3A_488 : i32
            %add3A_490 = arith.addi %add3A_485, %masked_cumsum3A_437 : vector<16xi32>
            %sub3A_491 = arith.constant 1 : i32
            %sub3A_492 = vector.broadcast %sub3A_491 : i32 to vector<16xi32>
            %sub3A_493 = arith.subi %add3A_490, %sub3A_492 : vector<16xi32>
            %min3A_494 = arith.constant 1023 : i32
            %min3A_495 = vector.broadcast %min3A_494 : i32 to vector<16xi32>
            %min3A_496 = arith.minsi %sub3A_493, %min3A_495 : vector<16xi32>
            %mul3A_497 = arith.constant 16 : i32
            %mul3A_498 = arith.muli %add3A_489, %mul3A_497 : i32
            %mul3A_499 = arith.constant 1024 : i32
            %mul3A_500 = arith.muli %mul3A_498, %mul3A_499 : i32
            %add3A_501 = vector.broadcast %mul3A_500 : i32 to vector<16xi32>
            %add3A_502 = arith.addi %add3A_501, %mul3A_1 : vector<16xi32>
            %add3A_503 = arith.addi %add3A_502, %min3A_496 : vector<16xi32>
            tpu.vector_store_idx %arg7[%min3A_496], %get3A_432 masked %ge3A_433 : memref<1024xf32, #tpu.memory_space<vmem>>[vector<16xi32>], vector<16xf32>, vector<16xi1>
            tpu.vector_store_idx %arg8[%min3A_496], %add3A_503 masked %ge3A_433 : memref<1024xi32, #tpu.memory_space<vmem>>[vector<16xi32>], vector<16xi32>, vector<16xi1>
            %broadcast_in_dim3A_504 = arith.constant 15 : i32
            %broadcast_in_dim3A_505 = vector.broadcast %broadcast_in_dim3A_504 : i32 to vector<16xi32>
            %reshape3A_506 = vector.shape_cast %broadcast_in_dim3A_505 : vector<16xi32> to vector<16x1xi32>
            %gather3A_507 = vector.shape_cast %reshape3A_506 : vector<16x1xi32> to vector<16xi32>
            %gather3A_508 = tpu.dynamic_gather %masked_cumsum3A_437[%gather3A_507] in [0] : vector<16xi32>, vector<16xi32> -> vector<16xi32>
            %add3A_509 = arith.addi %add3A_485, %gather3A_508 : vector<16xi32>
            %mul3A_510 = arith.constant 4 : i32
            %mul3A_511 = arith.muli %add3A_411, %mul3A_510 : i32
            %add3A_512 = arith.constant 2 : i32
            %add3A_513 = arith.addi %mul3A_511, %add3A_512 : i32
            %add3A_514 = arith.addi %add3A_509, %masked_cumsum3A_450 : vector<16xi32>
            %sub3A_515 = arith.constant 1 : i32
            %sub3A_516 = vector.broadcast %sub3A_515 : i32 to vector<16xi32>
            %sub3A_517 = arith.subi %add3A_514, %sub3A_516 : vector<16xi32>
            %min3A_518 = arith.constant 1023 : i32
            %min3A_519 = vector.broadcast %min3A_518 : i32 to vector<16xi32>
            %min3A_520 = arith.minsi %sub3A_517, %min3A_519 : vector<16xi32>
            %mul3A_521 = arith.constant 16 : i32
            %mul3A_522 = arith.muli %add3A_513, %mul3A_521 : i32
            %mul3A_523 = arith.constant 1024 : i32
            %mul3A_524 = arith.muli %mul3A_522, %mul3A_523 : i32
            %add3A_525 = vector.broadcast %mul3A_524 : i32 to vector<16xi32>
            %add3A_526 = arith.addi %add3A_525, %mul3A_1 : vector<16xi32>
            %add3A_527 = arith.addi %add3A_526, %min3A_520 : vector<16xi32>
            tpu.vector_store_idx %arg7[%min3A_520], %get3A_445 masked %ge3A_446 : memref<1024xf32, #tpu.memory_space<vmem>>[vector<16xi32>], vector<16xf32>, vector<16xi1>
            tpu.vector_store_idx %arg8[%min3A_520], %add3A_527 masked %ge3A_446 : memref<1024xi32, #tpu.memory_space<vmem>>[vector<16xi32>], vector<16xi32>, vector<16xi1>
            %broadcast_in_dim3A_528 = arith.constant 15 : i32
            %broadcast_in_dim3A_529 = vector.broadcast %broadcast_in_dim3A_528 : i32 to vector<16xi32>
            %reshape3A_530 = vector.shape_cast %broadcast_in_dim3A_529 : vector<16xi32> to vector<16x1xi32>
            %gather3A_531 = vector.shape_cast %reshape3A_530 : vector<16x1xi32> to vector<16xi32>
            %gather3A_532 = tpu.dynamic_gather %masked_cumsum3A_450[%gather3A_531] in [0] : vector<16xi32>, vector<16xi32> -> vector<16xi32>
            %add3A_533 = arith.addi %add3A_509, %gather3A_532 : vector<16xi32>
            %mul3A_534 = arith.constant 4 : i32
            %mul3A_535 = arith.muli %add3A_411, %mul3A_534 : i32
            %add3A_536 = arith.constant 3 : i32
            %add3A_537 = arith.addi %mul3A_535, %add3A_536 : i32
            %add3A_538 = arith.addi %add3A_533, %masked_cumsum3A_463 : vector<16xi32>
            %sub3A_539 = arith.constant 1 : i32
            %sub3A_540 = vector.broadcast %sub3A_539 : i32 to vector<16xi32>
            %sub3A_541 = arith.subi %add3A_538, %sub3A_540 : vector<16xi32>
            %min3A_542 = arith.constant 1023 : i32
            %min3A_543 = vector.broadcast %min3A_542 : i32 to vector<16xi32>
            %min3A_544 = arith.minsi %sub3A_541, %min3A_543 : vector<16xi32>
            %mul3A_545 = arith.constant 16 : i32
            %mul3A_546 = arith.muli %add3A_537, %mul3A_545 : i32
            %mul3A_547 = arith.constant 1024 : i32
            %mul3A_548 = arith.muli %mul3A_546, %mul3A_547 : i32
            %add3A_549 = vector.broadcast %mul3A_548 : i32 to vector<16xi32>
            %add3A_550 = arith.addi %add3A_549, %mul3A_1 : vector<16xi32>
            %add3A_551 = arith.addi %add3A_550, %min3A_544 : vector<16xi32>
            tpu.vector_store_idx %arg7[%min3A_544], %get3A_458 masked %ge3A_459 : memref<1024xf32, #tpu.memory_space<vmem>>[vector<16xi32>], vector<16xf32>, vector<16xi1>
            tpu.vector_store_idx %arg8[%min3A_544], %add3A_551 masked %ge3A_459 : memref<1024xi32, #tpu.memory_space<vmem>>[vector<16xi32>], vector<16xi32>, vector<16xi1>
            %broadcast_in_dim3A_552 = arith.constant 15 : i32
            %broadcast_in_dim3A_553 = vector.broadcast %broadcast_in_dim3A_552 : i32 to vector<16xi32>
            %reshape3A_554 = vector.shape_cast %broadcast_in_dim3A_553 : vector<16xi32> to vector<16x1xi32>
            %gather3A_555 = vector.shape_cast %reshape3A_554 : vector<16x1xi32> to vector<16xi32>
            %gather3A_556 = tpu.dynamic_gather %masked_cumsum3A_463[%gather3A_555] in [0] : vector<16xi32>, vector<16xi32> -> vector<16xi32>
            %add3A_557 = arith.addi %add3A_533, %gather3A_556 : vector<16xi32>
            scf.yield %add3A_557 : vector<16xi32>
          } else {
            scf.yield %scan3A_100 : vector<16xi32>
          }
          %shift_right_logical3A_380 = arith.constant 5 : i32
          %shift_right_logical3A_381 = arith.shrui %squeeze3A_160, %shift_right_logical3A_380 : i32
          %and3A_382 = arith.constant 31 : i32
          %and3A_383 = arith.andi %shift_right_logical3A_381, %and3A_382 : i32
          %gt3A_384 = arith.constant 0 : i32
          %gt3A_385 = arith.cmpi sgt, %and3A_383, %gt3A_384 : i32
          %convert_element_type3A_386 = arith.extui %gt3A_385 : i1 to i32
          %cond3A_387 = arith.constant 0 : i32
          %cond3A_388 = arith.cmpi ne, %convert_element_type3A_386, %cond3A_387 : i32
          %cond3A_389 = scf.if %cond3A_388 -> (vector<16xi32>) {
            %add3A_410 = arith.constant 1 : i32
            %add3A_411 = arith.addi %mul3A_102, %add3A_410 : i32
            %mul3A_412 = arith.constant 4 : i32
            %mul3A_413 = arith.muli %add3A_411, %mul3A_412 : i32
            %add3A_414 = arith.constant 0 : i32
            %add3A_415 = arith.addi %mul3A_413, %add3A_414 : i32
            %mul3A_416 = arith.constant 16 : i32
            %mul3A_417 = arith.muli %add3A_415, %mul3A_416 : i32
            %get3A_418 = arith.index_cast %mul3A_417 : i32 to index
            %get3A_419 = tpu.vector_load %arg5[%get3A_418] {strides = array<i32>} : memref<32768xf32, #tpu.memory_space<vmem>>, vector<16xf32>,
            %ge3A_420 = arith.cmpf oge, %get3A_419, %scan3A_27 : vector<16xf32>
            %convert_element_type3A_421 = arith.extui %ge3A_420 : vector<16xi1> to vector<16xi32>
            %broadcast_in_dim3A_422 = arith.constant true
            %broadcast_in_dim3A_423 = vector.broadcast %broadcast_in_dim3A_422 : i1 to vector<16xi1>
            %masked_cumsum3A_424 = tpu.scan <sum>, %convert_element_type3A_421 masked %broadcast_in_dim3A_423 : vector<16xi32>, vector<16xi1> -> vector<16xi32>
            %mul3A_425 = arith.constant 4 : i32
            %mul3A_426 = arith.muli %add3A_411, %mul3A_425 : i32
            %add3A_427 = arith.constant 1 : i32
            %add3A_428 = arith.addi %mul3A_426, %add3A_427 : i32
            %mul3A_429 = arith.constant 16 : i32
            %mul3A_430 = arith.muli %add3A_428, %mul3A_429 : i32
            %get3A_431 = arith.index_cast %mul3A_430 : i32 to index
            %get3A_432 = tpu.vector_load %arg5[%get3A_431] {strides = array<i32>} : memref<32768xf32, #tpu.memory_space<vmem>>, vector<16xf32>,
            %ge3A_433 = arith.cmpf oge, %get3A_432, %scan3A_27 : vector<16xf32>
            %convert_element_type3A_434 = arith.extui %ge3A_433 : vector<16xi1> to vector<16xi32>
            %broadcast_in_dim3A_435 = arith.constant true
            %broadcast_in_dim3A_436 = vector.broadcast %broadcast_in_dim3A_435 : i1 to vector<16xi1>
            %masked_cumsum3A_437 = tpu.scan <sum>, %convert_element_type3A_434 masked %broadcast_in_dim3A_436 : vector<16xi32>, vector<16xi1> -> vector<16xi32>
            %mul3A_438 = arith.constant 4 : i32
            %mul3A_439 = arith.muli %add3A_411, %mul3A_438 : i32
            %add3A_440 = arith.constant 2 : i32
            %add3A_441 = arith.addi %mul3A_439, %add3A_440 : i32
            %mul3A_442 = arith.constant 16 : i32
            %mul3A_443 = arith.muli %add3A_441, %mul3A_442 : i32
            %get3A_444 = arith.index_cast %mul3A_443 : i32 to index
            %get3A_445 = tpu.vector_load %arg5[%get3A_444] {strides = array<i32>} : memref<32768xf32, #tpu.memory_space<vmem>>, vector<16xf32>,
            %ge3A_446 = arith.cmpf oge, %get3A_445, %scan3A_27 : vector<16xf32>
            %convert_element_type3A_447 = arith.extui %ge3A_446 : vector<16xi1> to vector<16xi32>
            %broadcast_in_dim3A_448 = arith.constant true
            %broadcast_in_dim3A_449 = vector.broadcast %broadcast_in_dim3A_448 : i1 to vector<16xi1>
            %masked_cumsum3A_450 = tpu.scan <sum>, %convert_element_type3A_447 masked %broadcast_in_dim3A_449 : vector<16xi32>, vector<16xi1> -> vector<16xi32>
            %mul3A_451 = arith.constant 4 : i32
            %mul3A_452 = arith.muli %add3A_411, %mul3A_451 : i32
            %add3A_453 = arith.constant 3 : i32
            %add3A_454 = arith.addi %mul3A_452, %add3A_453 : i32
            %mul3A_455 = arith.constant 16 : i32
            %mul3A_456 = arith.muli %add3A_454, %mul3A_455 : i32
            %get3A_457 = arith.index_cast %mul3A_456 : i32 to index
            %get3A_458 = tpu.vector_load %arg5[%get3A_457] {strides = array<i32>} : memref<32768xf32, #tpu.memory_space<vmem>>, vector<16xf32>,
            %ge3A_459 = arith.cmpf oge, %get3A_458, %scan3A_27 : vector<16xf32>
            %convert_element_type3A_460 = arith.extui %ge3A_459 : vector<16xi1> to vector<16xi32>
            %broadcast_in_dim3A_461 = arith.constant true
            %broadcast_in_dim3A_462 = vector.broadcast %broadcast_in_dim3A_461 : i1 to vector<16xi1>
            %masked_cumsum3A_463 = tpu.scan <sum>, %convert_element_type3A_460 masked %broadcast_in_dim3A_462 : vector<16xi32>, vector<16xi1> -> vector<16xi32>
            %mul3A_464 = arith.constant 4 : i32
            %mul3A_465 = arith.muli %add3A_411, %mul3A_464 : i32
            %add3A_466 = arith.constant 0 : i32
            %add3A_467 = arith.addi %mul3A_465, %add3A_466 : i32
            %add3A_468 = arith.addi %cond3A_379, %masked_cumsum3A_424 : vector<16xi32>
            %sub3A_469 = arith.constant 1 : i32
            %sub3A_470 = vector.broadcast %sub3A_469 : i32 to vector<16xi32>
            %sub3A_471 = arith.subi %add3A_468, %sub3A_470 : vector<16xi32>
            %min3A_472 = arith.constant 1023 : i32
            %min3A_473 = vector.broadcast %min3A_472 : i32 to vector<16xi32>
            %min3A_474 = arith.minsi %sub3A_471, %min3A_473 : vector<16xi32>
            %mul3A_475 = arith.constant 16 : i32
            %mul3A_476 = arith.muli %add3A_467, %mul3A_475 : i32
            %mul3A_477 = arith.constant 1024 : i32
            %mul3A_478 = arith.muli %mul3A_476, %mul3A_477 : i32
            %add3A_479 = vector.broadcast %mul3A_478 : i32 to vector<16xi32>
            %add3A_480 = arith.addi %add3A_479, %mul3A_1 : vector<16xi32>
            %add3A_481 = arith.addi %add3A_480, %min3A_474 : vector<16xi32>
            tpu.vector_store_idx %arg7[%min3A_474], %get3A_419 masked %ge3A_420 : memref<1024xf32, #tpu.memory_space<vmem>>[vector<16xi32>], vector<16xf32>, vector<16xi1>
            tpu.vector_store_idx %arg8[%min3A_474], %add3A_481 masked %ge3A_420 : memref<1024xi32, #tpu.memory_space<vmem>>[vector<16xi32>], vector<16xi32>, vector<16xi1>
            %broadcast_in_dim3A_482 = arith.constant 15 : i32
            %broadcast_in_dim3A_483 = vector.broadcast %broadcast_in_dim3A_482 : i32 to vector<16xi32>
            %reshape3A = vector.shape_cast %broadcast_in_dim3A_483 : vector<16xi32> to vector<16x1xi32>
            %gather3A = vector.shape_cast %reshape3A : vector<16x1xi32> to vector<16xi32>
            %gather3A_484 = tpu.dynamic_gather %masked_cumsum3A_424[%gather3A] in [0] : vector<16xi32>, vector<16xi32> -> vector<16xi32>
            %add3A_485 = arith.addi %cond3A_379, %gather3A_484 : vector<16xi32>
            %mul3A_486 = arith.constant 4 : i32
            %mul3A_487 = arith.muli %add3A_411, %mul3A_486 : i32
            %add3A_488 = arith.constant 1 : i32
            %add3A_489 = arith.addi %mul3A_487, %add3A_488 : i32
            %add3A_490 = arith.addi %add3A_485, %masked_cumsum3A_437 : vector<16xi32>
            %sub3A_491 = arith.constant 1 : i32
            %sub3A_492 = vector.broadcast %sub3A_491 : i32 to vector<16xi32>
            %sub3A_493 = arith.subi %add3A_490, %sub3A_492 : vector<16xi32>
            %min3A_494 = arith.constant 1023 : i32
            %min3A_495 = vector.broadcast %min3A_494 : i32 to vector<16xi32>
            %min3A_496 = arith.minsi %sub3A_493, %min3A_495 : vector<16xi32>
            %mul3A_497 = arith.constant 16 : i32
            %mul3A_498 = arith.muli %add3A_489, %mul3A_497 : i32
            %mul3A_499 = arith.constant 1024 : i32
            %mul3A_500 = arith.muli %mul3A_498, %mul3A_499 : i32
            %add3A_501 = vector.broadcast %mul3A_500 : i32 to vector<16xi32>
            %add3A_502 = arith.addi %add3A_501, %mul3A_1 : vector<16xi32>
            %add3A_503 = arith.addi %add3A_502, %min3A_496 : vector<16xi32>
            tpu.vector_store_idx %arg7[%min3A_496], %get3A_432 masked %ge3A_433 : memref<1024xf32, #tpu.memory_space<vmem>>[vector<16xi32>], vector<16xf32>, vector<16xi1>
            tpu.vector_store_idx %arg8[%min3A_496], %add3A_503 masked %ge3A_433 : memref<1024xi32, #tpu.memory_space<vmem>>[vector<16xi32>], vector<16xi32>, vector<16xi1>
            %broadcast_in_dim3A_504 = arith.constant 15 : i32
            %broadcast_in_dim3A_505 = vector.broadcast %broadcast_in_dim3A_504 : i32 to vector<16xi32>
            %reshape3A_506 = vector.shape_cast %broadcast_in_dim3A_505 : vector<16xi32> to vector<16x1xi32>
            %gather3A_507 = vector.shape_cast %reshape3A_506 : vector<16x1xi32> to vector<16xi32>
            %gather3A_508 = tpu.dynamic_gather %masked_cumsum3A_437[%gather3A_507] in [0] : vector<16xi32>, vector<16xi32> -> vector<16xi32>
            %add3A_509 = arith.addi %add3A_485, %gather3A_508 : vector<16xi32>
            %mul3A_510 = arith.constant 4 : i32
            %mul3A_511 = arith.muli %add3A_411, %mul3A_510 : i32
            %add3A_512 = arith.constant 2 : i32
            %add3A_513 = arith.addi %mul3A_511, %add3A_512 : i32
            %add3A_514 = arith.addi %add3A_509, %masked_cumsum3A_450 : vector<16xi32>
            %sub3A_515 = arith.constant 1 : i32
            %sub3A_516 = vector.broadcast %sub3A_515 : i32 to vector<16xi32>
            %sub3A_517 = arith.subi %add3A_514, %sub3A_516 : vector<16xi32>
            %min3A_518 = arith.constant 1023 : i32
            %min3A_519 = vector.broadcast %min3A_518 : i32 to vector<16xi32>
            %min3A_520 = arith.minsi %sub3A_517, %min3A_519 : vector<16xi32>
            %mul3A_521 = arith.constant 16 : i32
            %mul3A_522 = arith.muli %add3A_513, %mul3A_521 : i32
            %mul3A_523 = arith.constant 1024 : i32
            %mul3A_524 = arith.muli %mul3A_522, %mul3A_523 : i32
            %add3A_525 = vector.broadcast %mul3A_524 : i32 to vector<16xi32>
            %add3A_526 = arith.addi %add3A_525, %mul3A_1 : vector<16xi32>
            %add3A_527 = arith.addi %add3A_526, %min3A_520 : vector<16xi32>
            tpu.vector_store_idx %arg7[%min3A_520], %get3A_445 masked %ge3A_446 : memref<1024xf32, #tpu.memory_space<vmem>>[vector<16xi32>], vector<16xf32>, vector<16xi1>
            tpu.vector_store_idx %arg8[%min3A_520], %add3A_527 masked %ge3A_446 : memref<1024xi32, #tpu.memory_space<vmem>>[vector<16xi32>], vector<16xi32>, vector<16xi1>
            %broadcast_in_dim3A_528 = arith.constant 15 : i32
            %broadcast_in_dim3A_529 = vector.broadcast %broadcast_in_dim3A_528 : i32 to vector<16xi32>
            %reshape3A_530 = vector.shape_cast %broadcast_in_dim3A_529 : vector<16xi32> to vector<16x1xi32>
            %gather3A_531 = vector.shape_cast %reshape3A_530 : vector<16x1xi32> to vector<16xi32>
            %gather3A_532 = tpu.dynamic_gather %masked_cumsum3A_450[%gather3A_531] in [0] : vector<16xi32>, vector<16xi32> -> vector<16xi32>
            %add3A_533 = arith.addi %add3A_509, %gather3A_532 : vector<16xi32>
            %mul3A_534 = arith.constant 4 : i32
            %mul3A_535 = arith.muli %add3A_411, %mul3A_534 : i32
            %add3A_536 = arith.constant 3 : i32
            %add3A_537 = arith.addi %mul3A_535, %add3A_536 : i32
            %add3A_538 = arith.addi %add3A_533, %masked_cumsum3A_463 : vector<16xi32>
            %sub3A_539 = arith.constant 1 : i32
            %sub3A_540 = vector.broadcast %sub3A_539 : i32 to vector<16xi32>
            %sub3A_541 = arith.subi %add3A_538, %sub3A_540 : vector<16xi32>
            %min3A_542 = arith.constant 1023 : i32
            %min3A_543 = vector.broadcast %min3A_542 : i32 to vector<16xi32>
            %min3A_544 = arith.minsi %sub3A_541, %min3A_543 : vector<16xi32>
            %mul3A_545 = arith.constant 16 : i32
            %mul3A_546 = arith.muli %add3A_537, %mul3A_545 : i32
            %mul3A_547 = arith.constant 1024 : i32
            %mul3A_548 = arith.muli %mul3A_546, %mul3A_547 : i32
            %add3A_549 = vector.broadcast %mul3A_548 : i32 to vector<16xi32>
            %add3A_550 = arith.addi %add3A_549, %mul3A_1 : vector<16xi32>
            %add3A_551 = arith.addi %add3A_550, %min3A_544 : vector<16xi32>
            tpu.vector_store_idx %arg7[%min3A_544], %get3A_458 masked %ge3A_459 : memref<1024xf32, #tpu.memory_space<vmem>>[vector<16xi32>], vector<16xf32>, vector<16xi1>
            tpu.vector_store_idx %arg8[%min3A_544], %add3A_551 masked %ge3A_459 : memref<1024xi32, #tpu.memory_space<vmem>>[vector<16xi32>], vector<16xi32>, vector<16xi1>
            %broadcast_in_dim3A_552 = arith.constant 15 : i32
            %broadcast_in_dim3A_553 = vector.broadcast %broadcast_in_dim3A_552 : i32 to vector<16xi32>
            %reshape3A_554 = vector.shape_cast %broadcast_in_dim3A_553 : vector<16xi32> to vector<16x1xi32>
            %gather3A_555 = vector.shape_cast %reshape3A_554 : vector<16x1xi32> to vector<16xi32>
            %gather3A_556 = tpu.dynamic_gather %masked_cumsum3A_463[%gather3A_555] in [0] : vector<16xi32>, vector<16xi32> -> vector<16xi32>
            %add3A_557 = arith.addi %add3A_533, %gather3A_556 : vector<16xi32>
            scf.yield %add3A_557 : vector<16xi32>
          } else {
            scf.yield %cond3A_379 : vector<16xi32>
          }
          %shift_right_logical3A_390 = arith.constant 10 : i32
          %shift_right_logical3A_391 = arith.shrui %squeeze3A_160, %shift_right_logical3A_390 : i32
          %and3A_392 = arith.constant 31 : i32
          %and3A_393 = arith.andi %shift_right_logical3A_391, %and3A_392 : i32
          %gt3A_394 = arith.constant 0 : i32
          %gt3A_395 = arith.cmpi sgt, %and3A_393, %gt3A_394 : i32
          %convert_element_type3A_396 = arith.extui %gt3A_395 : i1 to i32
          %cond3A_397 = arith.constant 0 : i32
          %cond3A_398 = arith.cmpi ne, %convert_element_type3A_396, %cond3A_397 : i32
          %cond3A_399 = scf.if %cond3A_398 -> (vector<16xi32>) {
            %add3A_410 = arith.constant 2 : i32
            %add3A_411 = arith.addi %mul3A_102, %add3A_410 : i32
            %mul3A_412 = arith.constant 4 : i32
            %mul3A_413 = arith.muli %add3A_411, %mul3A_412 : i32
            %add3A_414 = arith.constant 0 : i32
            %add3A_415 = arith.addi %mul3A_413, %add3A_414 : i32
            %mul3A_416 = arith.constant 16 : i32
            %mul3A_417 = arith.muli %add3A_415, %mul3A_416 : i32
            %get3A_418 = arith.index_cast %mul3A_417 : i32 to index
            %get3A_419 = tpu.vector_load %arg5[%get3A_418] {strides = array<i32>} : memref<32768xf32, #tpu.memory_space<vmem>>, vector<16xf32>,
            %ge3A_420 = arith.cmpf oge, %get3A_419, %scan3A_27 : vector<16xf32>
            %convert_element_type3A_421 = arith.extui %ge3A_420 : vector<16xi1> to vector<16xi32>
            %broadcast_in_dim3A_422 = arith.constant true
            %broadcast_in_dim3A_423 = vector.broadcast %broadcast_in_dim3A_422 : i1 to vector<16xi1>
            %masked_cumsum3A_424 = tpu.scan <sum>, %convert_element_type3A_421 masked %broadcast_in_dim3A_423 : vector<16xi32>, vector<16xi1> -> vector<16xi32>
            %mul3A_425 = arith.constant 4 : i32
            %mul3A_426 = arith.muli %add3A_411, %mul3A_425 : i32
            %add3A_427 = arith.constant 1 : i32
            %add3A_428 = arith.addi %mul3A_426, %add3A_427 : i32
            %mul3A_429 = arith.constant 16 : i32
            %mul3A_430 = arith.muli %add3A_428, %mul3A_429 : i32
            %get3A_431 = arith.index_cast %mul3A_430 : i32 to index
            %get3A_432 = tpu.vector_load %arg5[%get3A_431] {strides = array<i32>} : memref<32768xf32, #tpu.memory_space<vmem>>, vector<16xf32>,
            %ge3A_433 = arith.cmpf oge, %get3A_432, %scan3A_27 : vector<16xf32>
            %convert_element_type3A_434 = arith.extui %ge3A_433 : vector<16xi1> to vector<16xi32>
            %broadcast_in_dim3A_435 = arith.constant true
            %broadcast_in_dim3A_436 = vector.broadcast %broadcast_in_dim3A_435 : i1 to vector<16xi1>
            %masked_cumsum3A_437 = tpu.scan <sum>, %convert_element_type3A_434 masked %broadcast_in_dim3A_436 : vector<16xi32>, vector<16xi1> -> vector<16xi32>
            %mul3A_438 = arith.constant 4 : i32
            %mul3A_439 = arith.muli %add3A_411, %mul3A_438 : i32
            %add3A_440 = arith.constant 2 : i32
            %add3A_441 = arith.addi %mul3A_439, %add3A_440 : i32
            %mul3A_442 = arith.constant 16 : i32
            %mul3A_443 = arith.muli %add3A_441, %mul3A_442 : i32
            %get3A_444 = arith.index_cast %mul3A_443 : i32 to index
            %get3A_445 = tpu.vector_load %arg5[%get3A_444] {strides = array<i32>} : memref<32768xf32, #tpu.memory_space<vmem>>, vector<16xf32>,
            %ge3A_446 = arith.cmpf oge, %get3A_445, %scan3A_27 : vector<16xf32>
            %convert_element_type3A_447 = arith.extui %ge3A_446 : vector<16xi1> to vector<16xi32>
            %broadcast_in_dim3A_448 = arith.constant true
            %broadcast_in_dim3A_449 = vector.broadcast %broadcast_in_dim3A_448 : i1 to vector<16xi1>
            %masked_cumsum3A_450 = tpu.scan <sum>, %convert_element_type3A_447 masked %broadcast_in_dim3A_449 : vector<16xi32>, vector<16xi1> -> vector<16xi32>
            %mul3A_451 = arith.constant 4 : i32
            %mul3A_452 = arith.muli %add3A_411, %mul3A_451 : i32
            %add3A_453 = arith.constant 3 : i32
            %add3A_454 = arith.addi %mul3A_452, %add3A_453 : i32
            %mul3A_455 = arith.constant 16 : i32
            %mul3A_456 = arith.muli %add3A_454, %mul3A_455 : i32
            %get3A_457 = arith.index_cast %mul3A_456 : i32 to index
            %get3A_458 = tpu.vector_load %arg5[%get3A_457] {strides = array<i32>} : memref<32768xf32, #tpu.memory_space<vmem>>, vector<16xf32>,
            %ge3A_459 = arith.cmpf oge, %get3A_458, %scan3A_27 : vector<16xf32>
            %convert_element_type3A_460 = arith.extui %ge3A_459 : vector<16xi1> to vector<16xi32>
            %broadcast_in_dim3A_461 = arith.constant true
            %broadcast_in_dim3A_462 = vector.broadcast %broadcast_in_dim3A_461 : i1 to vector<16xi1>
            %masked_cumsum3A_463 = tpu.scan <sum>, %convert_element_type3A_460 masked %broadcast_in_dim3A_462 : vector<16xi32>, vector<16xi1> -> vector<16xi32>
            %mul3A_464 = arith.constant 4 : i32
            %mul3A_465 = arith.muli %add3A_411, %mul3A_464 : i32
            %add3A_466 = arith.constant 0 : i32
            %add3A_467 = arith.addi %mul3A_465, %add3A_466 : i32
            %add3A_468 = arith.addi %cond3A_389, %masked_cumsum3A_424 : vector<16xi32>
            %sub3A_469 = arith.constant 1 : i32
            %sub3A_470 = vector.broadcast %sub3A_469 : i32 to vector<16xi32>
            %sub3A_471 = arith.subi %add3A_468, %sub3A_470 : vector<16xi32>
            %min3A_472 = arith.constant 1023 : i32
            %min3A_473 = vector.broadcast %min3A_472 : i32 to vector<16xi32>
            %min3A_474 = arith.minsi %sub3A_471, %min3A_473 : vector<16xi32>
            %mul3A_475 = arith.constant 16 : i32
            %mul3A_476 = arith.muli %add3A_467, %mul3A_475 : i32
            %mul3A_477 = arith.constant 1024 : i32
            %mul3A_478 = arith.muli %mul3A_476, %mul3A_477 : i32
            %add3A_479 = vector.broadcast %mul3A_478 : i32 to vector<16xi32>
            %add3A_480 = arith.addi %add3A_479, %mul3A_1 : vector<16xi32>
            %add3A_481 = arith.addi %add3A_480, %min3A_474 : vector<16xi32>
            tpu.vector_store_idx %arg7[%min3A_474], %get3A_419 masked %ge3A_420 : memref<1024xf32, #tpu.memory_space<vmem>>[vector<16xi32>], vector<16xf32>, vector<16xi1>
            tpu.vector_store_idx %arg8[%min3A_474], %add3A_481 masked %ge3A_420 : memref<1024xi32, #tpu.memory_space<vmem>>[vector<16xi32>], vector<16xi32>, vector<16xi1>
            %broadcast_in_dim3A_482 = arith.constant 15 : i32
            %broadcast_in_dim3A_483 = vector.broadcast %broadcast_in_dim3A_482 : i32 to vector<16xi32>
            %reshape3A = vector.shape_cast %broadcast_in_dim3A_483 : vector<16xi32> to vector<16x1xi32>
            %gather3A = vector.shape_cast %reshape3A : vector<16x1xi32> to vector<16xi32>
            %gather3A_484 = tpu.dynamic_gather %masked_cumsum3A_424[%gather3A] in [0] : vector<16xi32>, vector<16xi32> -> vector<16xi32>
            %add3A_485 = arith.addi %cond3A_389, %gather3A_484 : vector<16xi32>
            %mul3A_486 = arith.constant 4 : i32
            %mul3A_487 = arith.muli %add3A_411, %mul3A_486 : i32
            %add3A_488 = arith.constant 1 : i32
            %add3A_489 = arith.addi %mul3A_487, %add3A_488 : i32
            %add3A_490 = arith.addi %add3A_485, %masked_cumsum3A_437 : vector<16xi32>
            %sub3A_491 = arith.constant 1 : i32
            %sub3A_492 = vector.broadcast %sub3A_491 : i32 to vector<16xi32>
            %sub3A_493 = arith.subi %add3A_490, %sub3A_492 : vector<16xi32>
            %min3A_494 = arith.constant 1023 : i32
            %min3A_495 = vector.broadcast %min3A_494 : i32 to vector<16xi32>
            %min3A_496 = arith.minsi %sub3A_493, %min3A_495 : vector<16xi32>
            %mul3A_497 = arith.constant 16 : i32
            %mul3A_498 = arith.muli %add3A_489, %mul3A_497 : i32
            %mul3A_499 = arith.constant 1024 : i32
            %mul3A_500 = arith.muli %mul3A_498, %mul3A_499 : i32
            %add3A_501 = vector.broadcast %mul3A_500 : i32 to vector<16xi32>
            %add3A_502 = arith.addi %add3A_501, %mul3A_1 : vector<16xi32>
            %add3A_503 = arith.addi %add3A_502, %min3A_496 : vector<16xi32>
            tpu.vector_store_idx %arg7[%min3A_496], %get3A_432 masked %ge3A_433 : memref<1024xf32, #tpu.memory_space<vmem>>[vector<16xi32>], vector<16xf32>, vector<16xi1>
            tpu.vector_store_idx %arg8[%min3A_496], %add3A_503 masked %ge3A_433 : memref<1024xi32, #tpu.memory_space<vmem>>[vector<16xi32>], vector<16xi32>, vector<16xi1>
            %broadcast_in_dim3A_504 = arith.constant 15 : i32
            %broadcast_in_dim3A_505 = vector.broadcast %broadcast_in_dim3A_504 : i32 to vector<16xi32>
            %reshape3A_506 = vector.shape_cast %broadcast_in_dim3A_505 : vector<16xi32> to vector<16x1xi32>
            %gather3A_507 = vector.shape_cast %reshape3A_506 : vector<16x1xi32> to vector<16xi32>
            %gather3A_508 = tpu.dynamic_gather %masked_cumsum3A_437[%gather3A_507] in [0] : vector<16xi32>, vector<16xi32> -> vector<16xi32>
            %add3A_509 = arith.addi %add3A_485, %gather3A_508 : vector<16xi32>
            %mul3A_510 = arith.constant 4 : i32
            %mul3A_511 = arith.muli %add3A_411, %mul3A_510 : i32
            %add3A_512 = arith.constant 2 : i32
            %add3A_513 = arith.addi %mul3A_511, %add3A_512 : i32
            %add3A_514 = arith.addi %add3A_509, %masked_cumsum3A_450 : vector<16xi32>
            %sub3A_515 = arith.constant 1 : i32
            %sub3A_516 = vector.broadcast %sub3A_515 : i32 to vector<16xi32>
            %sub3A_517 = arith.subi %add3A_514, %sub3A_516 : vector<16xi32>
            %min3A_518 = arith.constant 1023 : i32
            %min3A_519 = vector.broadcast %min3A_518 : i32 to vector<16xi32>
            %min3A_520 = arith.minsi %sub3A_517, %min3A_519 : vector<16xi32>
            %mul3A_521 = arith.constant 16 : i32
            %mul3A_522 = arith.muli %add3A_513, %mul3A_521 : i32
            %mul3A_523 = arith.constant 1024 : i32
            %mul3A_524 = arith.muli %mul3A_522, %mul3A_523 : i32
            %add3A_525 = vector.broadcast %mul3A_524 : i32 to vector<16xi32>
            %add3A_526 = arith.addi %add3A_525, %mul3A_1 : vector<16xi32>
            %add3A_527 = arith.addi %add3A_526, %min3A_520 : vector<16xi32>
            tpu.vector_store_idx %arg7[%min3A_520], %get3A_445 masked %ge3A_446 : memref<1024xf32, #tpu.memory_space<vmem>>[vector<16xi32>], vector<16xf32>, vector<16xi1>
            tpu.vector_store_idx %arg8[%min3A_520], %add3A_527 masked %ge3A_446 : memref<1024xi32, #tpu.memory_space<vmem>>[vector<16xi32>], vector<16xi32>, vector<16xi1>
            %broadcast_in_dim3A_528 = arith.constant 15 : i32
            %broadcast_in_dim3A_529 = vector.broadcast %broadcast_in_dim3A_528 : i32 to vector<16xi32>
            %reshape3A_530 = vector.shape_cast %broadcast_in_dim3A_529 : vector<16xi32> to vector<16x1xi32>
            %gather3A_531 = vector.shape_cast %reshape3A_530 : vector<16x1xi32> to vector<16xi32>
            %gather3A_532 = tpu.dynamic_gather %masked_cumsum3A_450[%gather3A_531] in [0] : vector<16xi32>, vector<16xi32> -> vector<16xi32>
            %add3A_533 = arith.addi %add3A_509, %gather3A_532 : vector<16xi32>
            %mul3A_534 = arith.constant 4 : i32
            %mul3A_535 = arith.muli %add3A_411, %mul3A_534 : i32
            %add3A_536 = arith.constant 3 : i32
            %add3A_537 = arith.addi %mul3A_535, %add3A_536 : i32
            %add3A_538 = arith.addi %add3A_533, %masked_cumsum3A_463 : vector<16xi32>
            %sub3A_539 = arith.constant 1 : i32
            %sub3A_540 = vector.broadcast %sub3A_539 : i32 to vector<16xi32>
            %sub3A_541 = arith.subi %add3A_538, %sub3A_540 : vector<16xi32>
            %min3A_542 = arith.constant 1023 : i32
            %min3A_543 = vector.broadcast %min3A_542 : i32 to vector<16xi32>
            %min3A_544 = arith.minsi %sub3A_541, %min3A_543 : vector<16xi32>
            %mul3A_545 = arith.constant 16 : i32
            %mul3A_546 = arith.muli %add3A_537, %mul3A_545 : i32
            %mul3A_547 = arith.constant 1024 : i32
            %mul3A_548 = arith.muli %mul3A_546, %mul3A_547 : i32
            %add3A_549 = vector.broadcast %mul3A_548 : i32 to vector<16xi32>
            %add3A_550 = arith.addi %add3A_549, %mul3A_1 : vector<16xi32>
            %add3A_551 = arith.addi %add3A_550, %min3A_544 : vector<16xi32>
            tpu.vector_store_idx %arg7[%min3A_544], %get3A_458 masked %ge3A_459 : memref<1024xf32, #tpu.memory_space<vmem>>[vector<16xi32>], vector<16xf32>, vector<16xi1>
            tpu.vector_store_idx %arg8[%min3A_544], %add3A_551 masked %ge3A_459 : memref<1024xi32, #tpu.memory_space<vmem>>[vector<16xi32>], vector<16xi32>, vector<16xi1>
            %broadcast_in_dim3A_552 = arith.constant 15 : i32
            %broadcast_in_dim3A_553 = vector.broadcast %broadcast_in_dim3A_552 : i32 to vector<16xi32>
            %reshape3A_554 = vector.shape_cast %broadcast_in_dim3A_553 : vector<16xi32> to vector<16x1xi32>
            %gather3A_555 = vector.shape_cast %reshape3A_554 : vector<16x1xi32> to vector<16xi32>
            %gather3A_556 = tpu.dynamic_gather %masked_cumsum3A_463[%gather3A_555] in [0] : vector<16xi32>, vector<16xi32> -> vector<16xi32>
            %add3A_557 = arith.addi %add3A_533, %gather3A_556 : vector<16xi32>
            scf.yield %add3A_557 : vector<16xi32>
          } else {
            scf.yield %cond3A_389 : vector<16xi32>
          }
          %shift_right_logical3A_400 = arith.constant 15 : i32
          %shift_right_logical3A_401 = arith.shrui %squeeze3A_160, %shift_right_logical3A_400 : i32
          %and3A_402 = arith.constant 31 : i32
          %and3A_403 = arith.andi %shift_right_logical3A_401, %and3A_402 : i32
          %gt3A_404 = arith.constant 0 : i32
          %gt3A_405 = arith.cmpi sgt, %and3A_403, %gt3A_404 : i32
          %convert_element_type3A_406 = arith.extui %gt3A_405 : i1 to i32
          %cond3A_407 = arith.constant 0 : i32
          %cond3A_408 = arith.cmpi ne, %convert_element_type3A_406, %cond3A_407 : i32
          %cond3A_409 = scf.if %cond3A_408 -> (vector<16xi32>) {
            %add3A_410 = arith.constant 3 : i32
            %add3A_411 = arith.addi %mul3A_102, %add3A_410 : i32
            %mul3A_412 = arith.constant 4 : i32
            %mul3A_413 = arith.muli %add3A_411, %mul3A_412 : i32
            %add3A_414 = arith.constant 0 : i32
            %add3A_415 = arith.addi %mul3A_413, %add3A_414 : i32
            %mul3A_416 = arith.constant 16 : i32
            %mul3A_417 = arith.muli %add3A_415, %mul3A_416 : i32
            %get3A_418 = arith.index_cast %mul3A_417 : i32 to index
            %get3A_419 = tpu.vector_load %arg5[%get3A_418] {strides = array<i32>} : memref<32768xf32, #tpu.memory_space<vmem>>, vector<16xf32>,
            %ge3A_420 = arith.cmpf oge, %get3A_419, %scan3A_27 : vector<16xf32>
            %convert_element_type3A_421 = arith.extui %ge3A_420 : vector<16xi1> to vector<16xi32>
            %broadcast_in_dim3A_422 = arith.constant true
            %broadcast_in_dim3A_423 = vector.broadcast %broadcast_in_dim3A_422 : i1 to vector<16xi1>
            %masked_cumsum3A_424 = tpu.scan <sum>, %convert_element_type3A_421 masked %broadcast_in_dim3A_423 : vector<16xi32>, vector<16xi1> -> vector<16xi32>
            %mul3A_425 = arith.constant 4 : i32
            %mul3A_426 = arith.muli %add3A_411, %mul3A_425 : i32
            %add3A_427 = arith.constant 1 : i32
            %add3A_428 = arith.addi %mul3A_426, %add3A_427 : i32
            %mul3A_429 = arith.constant 16 : i32
            %mul3A_430 = arith.muli %add3A_428, %mul3A_429 : i32
            %get3A_431 = arith.index_cast %mul3A_430 : i32 to index
            %get3A_432 = tpu.vector_load %arg5[%get3A_431] {strides = array<i32>} : memref<32768xf32, #tpu.memory_space<vmem>>, vector<16xf32>,
            %ge3A_433 = arith.cmpf oge, %get3A_432, %scan3A_27 : vector<16xf32>
            %convert_element_type3A_434 = arith.extui %ge3A_433 : vector<16xi1> to vector<16xi32>
            %broadcast_in_dim3A_435 = arith.constant true
            %broadcast_in_dim3A_436 = vector.broadcast %broadcast_in_dim3A_435 : i1 to vector<16xi1>
            %masked_cumsum3A_437 = tpu.scan <sum>, %convert_element_type3A_434 masked %broadcast_in_dim3A_436 : vector<16xi32>, vector<16xi1> -> vector<16xi32>
            %mul3A_438 = arith.constant 4 : i32
            %mul3A_439 = arith.muli %add3A_411, %mul3A_438 : i32
            %add3A_440 = arith.constant 2 : i32
            %add3A_441 = arith.addi %mul3A_439, %add3A_440 : i32
            %mul3A_442 = arith.constant 16 : i32
            %mul3A_443 = arith.muli %add3A_441, %mul3A_442 : i32
            %get3A_444 = arith.index_cast %mul3A_443 : i32 to index
            %get3A_445 = tpu.vector_load %arg5[%get3A_444] {strides = array<i32>} : memref<32768xf32, #tpu.memory_space<vmem>>, vector<16xf32>,
            %ge3A_446 = arith.cmpf oge, %get3A_445, %scan3A_27 : vector<16xf32>
            %convert_element_type3A_447 = arith.extui %ge3A_446 : vector<16xi1> to vector<16xi32>
            %broadcast_in_dim3A_448 = arith.constant true
            %broadcast_in_dim3A_449 = vector.broadcast %broadcast_in_dim3A_448 : i1 to vector<16xi1>
            %masked_cumsum3A_450 = tpu.scan <sum>, %convert_element_type3A_447 masked %broadcast_in_dim3A_449 : vector<16xi32>, vector<16xi1> -> vector<16xi32>
            %mul3A_451 = arith.constant 4 : i32
            %mul3A_452 = arith.muli %add3A_411, %mul3A_451 : i32
            %add3A_453 = arith.constant 3 : i32
            %add3A_454 = arith.addi %mul3A_452, %add3A_453 : i32
            %mul3A_455 = arith.constant 16 : i32
            %mul3A_456 = arith.muli %add3A_454, %mul3A_455 : i32
            %get3A_457 = arith.index_cast %mul3A_456 : i32 to index
            %get3A_458 = tpu.vector_load %arg5[%get3A_457] {strides = array<i32>} : memref<32768xf32, #tpu.memory_space<vmem>>, vector<16xf32>,
            %ge3A_459 = arith.cmpf oge, %get3A_458, %scan3A_27 : vector<16xf32>
            %convert_element_type3A_460 = arith.extui %ge3A_459 : vector<16xi1> to vector<16xi32>
            %broadcast_in_dim3A_461 = arith.constant true
            %broadcast_in_dim3A_462 = vector.broadcast %broadcast_in_dim3A_461 : i1 to vector<16xi1>
            %masked_cumsum3A_463 = tpu.scan <sum>, %convert_element_type3A_460 masked %broadcast_in_dim3A_462 : vector<16xi32>, vector<16xi1> -> vector<16xi32>
            %mul3A_464 = arith.constant 4 : i32
            %mul3A_465 = arith.muli %add3A_411, %mul3A_464 : i32
            %add3A_466 = arith.constant 0 : i32
            %add3A_467 = arith.addi %mul3A_465, %add3A_466 : i32
            %add3A_468 = arith.addi %cond3A_399, %masked_cumsum3A_424 : vector<16xi32>
            %sub3A_469 = arith.constant 1 : i32
            %sub3A_470 = vector.broadcast %sub3A_469 : i32 to vector<16xi32>
            %sub3A_471 = arith.subi %add3A_468, %sub3A_470 : vector<16xi32>
            %min3A_472 = arith.constant 1023 : i32
            %min3A_473 = vector.broadcast %min3A_472 : i32 to vector<16xi32>
            %min3A_474 = arith.minsi %sub3A_471, %min3A_473 : vector<16xi32>
            %mul3A_475 = arith.constant 16 : i32
            %mul3A_476 = arith.muli %add3A_467, %mul3A_475 : i32
            %mul3A_477 = arith.constant 1024 : i32
            %mul3A_478 = arith.muli %mul3A_476, %mul3A_477 : i32
            %add3A_479 = vector.broadcast %mul3A_478 : i32 to vector<16xi32>
            %add3A_480 = arith.addi %add3A_479, %mul3A_1 : vector<16xi32>
            %add3A_481 = arith.addi %add3A_480, %min3A_474 : vector<16xi32>
            tpu.vector_store_idx %arg7[%min3A_474], %get3A_419 masked %ge3A_420 : memref<1024xf32, #tpu.memory_space<vmem>>[vector<16xi32>], vector<16xf32>, vector<16xi1>
            tpu.vector_store_idx %arg8[%min3A_474], %add3A_481 masked %ge3A_420 : memref<1024xi32, #tpu.memory_space<vmem>>[vector<16xi32>], vector<16xi32>, vector<16xi1>
            %broadcast_in_dim3A_482 = arith.constant 15 : i32
            %broadcast_in_dim3A_483 = vector.broadcast %broadcast_in_dim3A_482 : i32 to vector<16xi32>
            %reshape3A = vector.shape_cast %broadcast_in_dim3A_483 : vector<16xi32> to vector<16x1xi32>
            %gather3A = vector.shape_cast %reshape3A : vector<16x1xi32> to vector<16xi32>
            %gather3A_484 = tpu.dynamic_gather %masked_cumsum3A_424[%gather3A] in [0] : vector<16xi32>, vector<16xi32> -> vector<16xi32>
            %add3A_485 = arith.addi %cond3A_399, %gather3A_484 : vector<16xi32>
            %mul3A_486 = arith.constant 4 : i32
            %mul3A_487 = arith.muli %add3A_411, %mul3A_486 : i32
            %add3A_488 = arith.constant 1 : i32
            %add3A_489 = arith.addi %mul3A_487, %add3A_488 : i32
            %add3A_490 = arith.addi %add3A_485, %masked_cumsum3A_437 : vector<16xi32>
            %sub3A_491 = arith.constant 1 : i32
            %sub3A_492 = vector.broadcast %sub3A_491 : i32 to vector<16xi32>
            %sub3A_493 = arith.subi %add3A_490, %sub3A_492 : vector<16xi32>
            %min3A_494 = arith.constant 1023 : i32
            %min3A_495 = vector.broadcast %min3A_494 : i32 to vector<16xi32>
            %min3A_496 = arith.minsi %sub3A_493, %min3A_495 : vector<16xi32>
            %mul3A_497 = arith.constant 16 : i32
            %mul3A_498 = arith.muli %add3A_489, %mul3A_497 : i32
            %mul3A_499 = arith.constant 1024 : i32
            %mul3A_500 = arith.muli %mul3A_498, %mul3A_499 : i32
            %add3A_501 = vector.broadcast %mul3A_500 : i32 to vector<16xi32>
            %add3A_502 = arith.addi %add3A_501, %mul3A_1 : vector<16xi32>
            %add3A_503 = arith.addi %add3A_502, %min3A_496 : vector<16xi32>
            tpu.vector_store_idx %arg7[%min3A_496], %get3A_432 masked %ge3A_433 : memref<1024xf32, #tpu.memory_space<vmem>>[vector<16xi32>], vector<16xf32>, vector<16xi1>
            tpu.vector_store_idx %arg8[%min3A_496], %add3A_503 masked %ge3A_433 : memref<1024xi32, #tpu.memory_space<vmem>>[vector<16xi32>], vector<16xi32>, vector<16xi1>
            %broadcast_in_dim3A_504 = arith.constant 15 : i32
            %broadcast_in_dim3A_505 = vector.broadcast %broadcast_in_dim3A_504 : i32 to vector<16xi32>
            %reshape3A_506 = vector.shape_cast %broadcast_in_dim3A_505 : vector<16xi32> to vector<16x1xi32>
            %gather3A_507 = vector.shape_cast %reshape3A_506 : vector<16x1xi32> to vector<16xi32>
            %gather3A_508 = tpu.dynamic_gather %masked_cumsum3A_437[%gather3A_507] in [0] : vector<16xi32>, vector<16xi32> -> vector<16xi32>
            %add3A_509 = arith.addi %add3A_485, %gather3A_508 : vector<16xi32>
            %mul3A_510 = arith.constant 4 : i32
            %mul3A_511 = arith.muli %add3A_411, %mul3A_510 : i32
            %add3A_512 = arith.constant 2 : i32
            %add3A_513 = arith.addi %mul3A_511, %add3A_512 : i32
            %add3A_514 = arith.addi %add3A_509, %masked_cumsum3A_450 : vector<16xi32>
            %sub3A_515 = arith.constant 1 : i32
            %sub3A_516 = vector.broadcast %sub3A_515 : i32 to vector<16xi32>
            %sub3A_517 = arith.subi %add3A_514, %sub3A_516 : vector<16xi32>
            %min3A_518 = arith.constant 1023 : i32
            %min3A_519 = vector.broadcast %min3A_518 : i32 to vector<16xi32>
            %min3A_520 = arith.minsi %sub3A_517, %min3A_519 : vector<16xi32>
            %mul3A_521 = arith.constant 16 : i32
            %mul3A_522 = arith.muli %add3A_513, %mul3A_521 : i32
            %mul3A_523 = arith.constant 1024 : i32
            %mul3A_524 = arith.muli %mul3A_522, %mul3A_523 : i32
            %add3A_525 = vector.broadcast %mul3A_524 : i32 to vector<16xi32>
            %add3A_526 = arith.addi %add3A_525, %mul3A_1 : vector<16xi32>
            %add3A_527 = arith.addi %add3A_526, %min3A_520 : vector<16xi32>
            tpu.vector_store_idx %arg7[%min3A_520], %get3A_445 masked %ge3A_446 : memref<1024xf32, #tpu.memory_space<vmem>>[vector<16xi32>], vector<16xf32>, vector<16xi1>
            tpu.vector_store_idx %arg8[%min3A_520], %add3A_527 masked %ge3A_446 : memref<1024xi32, #tpu.memory_space<vmem>>[vector<16xi32>], vector<16xi32>, vector<16xi1>
            %broadcast_in_dim3A_528 = arith.constant 15 : i32
            %broadcast_in_dim3A_529 = vector.broadcast %broadcast_in_dim3A_528 : i32 to vector<16xi32>
            %reshape3A_530 = vector.shape_cast %broadcast_in_dim3A_529 : vector<16xi32> to vector<16x1xi32>
            %gather3A_531 = vector.shape_cast %reshape3A_530 : vector<16x1xi32> to vector<16xi32>
            %gather3A_532 = tpu.dynamic_gather %masked_cumsum3A_450[%gather3A_531] in [0] : vector<16xi32>, vector<16xi32> -> vector<16xi32>
            %add3A_533 = arith.addi %add3A_509, %gather3A_532 : vector<16xi32>
            %mul3A_534 = arith.constant 4 : i32
            %mul3A_535 = arith.muli %add3A_411, %mul3A_534 : i32
            %add3A_536 = arith.constant 3 : i32
            %add3A_537 = arith.addi %mul3A_535, %add3A_536 : i32
            %add3A_538 = arith.addi %add3A_533, %masked_cumsum3A_463 : vector<16xi32>
            %sub3A_539 = arith.constant 1 : i32
            %sub3A_540 = vector.broadcast %sub3A_539 : i32 to vector<16xi32>
            %sub3A_541 = arith.subi %add3A_538, %sub3A_540 : vector<16xi32>
            %min3A_542 = arith.constant 1023 : i32
            %min3A_543 = vector.broadcast %min3A_542 : i32 to vector<16xi32>
            %min3A_544 = arith.minsi %sub3A_541, %min3A_543 : vector<16xi32>
            %mul3A_545 = arith.constant 16 : i32
            %mul3A_546 = arith.muli %add3A_537, %mul3A_545 : i32
            %mul3A_547 = arith.constant 1024 : i32
            %mul3A_548 = arith.muli %mul3A_546, %mul3A_547 : i32
            %add3A_549 = vector.broadcast %mul3A_548 : i32 to vector<16xi32>
            %add3A_550 = arith.addi %add3A_549, %mul3A_1 : vector<16xi32>
            %add3A_551 = arith.addi %add3A_550, %min3A_544 : vector<16xi32>
            tpu.vector_store_idx %arg7[%min3A_544], %get3A_458 masked %ge3A_459 : memref<1024xf32, #tpu.memory_space<vmem>>[vector<16xi32>], vector<16xf32>, vector<16xi1>
            tpu.vector_store_idx %arg8[%min3A_544], %add3A_551 masked %ge3A_459 : memref<1024xi32, #tpu.memory_space<vmem>>[vector<16xi32>], vector<16xi32>, vector<16xi1>
            %broadcast_in_dim3A_552 = arith.constant 15 : i32
            %broadcast_in_dim3A_553 = vector.broadcast %broadcast_in_dim3A_552 : i32 to vector<16xi32>
            %reshape3A_554 = vector.shape_cast %broadcast_in_dim3A_553 : vector<16xi32> to vector<16x1xi32>
            %gather3A_555 = vector.shape_cast %reshape3A_554 : vector<16x1xi32> to vector<16xi32>
            %gather3A_556 = tpu.dynamic_gather %masked_cumsum3A_463[%gather3A_555] in [0] : vector<16xi32>, vector<16xi32> -> vector<16xi32>
            %add3A_557 = arith.addi %add3A_533, %gather3A_556 : vector<16xi32>
            scf.yield %add3A_557 : vector<16xi32>
          } else {
            scf.yield %cond3A_399 : vector<16xi32>
          }
          scf.yield %cond3A_409 : vector<16xi32>
        } else {
          scf.yield %scan3A_100 : vector<16xi32>
        }
        %scan3A_164 = arith.constant 1 : i32
        %scan3A_165 = arith.addi %scan3A_99, %scan3A_164 : i32
        %mul3A_166 = arith.constant 4 : i32
        %mul3A_167 = arith.muli %scan3A_165, %mul3A_166 : i32
        %broadcast_in_dim3A_168 = arith.constant 0 : i32
        %broadcast_in_dim3A_169 = vector.broadcast %broadcast_in_dim3A_168 : i32 to vector<16xi32>
        %add3A_170 = arith.constant 0 : i32
        %add3A_171 = arith.addi %mul3A_167, %add3A_170 : i32
        %mul3A_172 = arith.constant 16 : i32
        %mul3A_173 = arith.muli %add3A_171, %mul3A_172 : i32
        %get3A_174 = arith.index_cast %mul3A_173 : i32 to index
        %get3A_175 = tpu.vector_load %arg6[%get3A_174] {strides = array<i32>} : memref<8192xf32, #tpu.memory_space<vmem>>, vector<16xf32>,
        %ge3A_176 = arith.cmpf oge, %get3A_175, %scan3A_27 : vector<16xf32>
        %jit3A_177 = arith.constant 1 : i32
        %jit3A_178 = arith.constant 0 : i32
        %broadcast_in_dim3A_179 = vector.broadcast %jit3A_177 : i32 to vector<16xi32>
        %broadcast_in_dim3A_180 = vector.broadcast %jit3A_178 : i32 to vector<16xi32>
        %select_n3A_181 = arith.select %ge3A_176, %broadcast_in_dim3A_179, %broadcast_in_dim3A_180 : vector<16xi1>, vector<16xi32>
        %add3A_182 = arith.addi %broadcast_in_dim3A_169, %select_n3A_181 : vector<16xi32>
        %add3A_183 = arith.constant 1 : i32
        %add3A_184 = arith.addi %mul3A_167, %add3A_183 : i32
        %mul3A_185 = arith.constant 16 : i32
        %mul3A_186 = arith.muli %add3A_184, %mul3A_185 : i32
        %get3A_187 = arith.index_cast %mul3A_186 : i32 to index
        %get3A_188 = tpu.vector_load %arg6[%get3A_187] {strides = array<i32>} : memref<8192xf32, #tpu.memory_space<vmem>>, vector<16xf32>,
        %ge3A_189 = arith.cmpf oge, %get3A_188, %scan3A_27 : vector<16xf32>
        %jit3A_190 = arith.constant 32 : i32
        %jit3A_191 = arith.constant 0 : i32
        %broadcast_in_dim3A_192 = vector.broadcast %jit3A_190 : i32 to vector<16xi32>
        %broadcast_in_dim3A_193 = vector.broadcast %jit3A_191 : i32 to vector<16xi32>
        %select_n3A_194 = arith.select %ge3A_189, %broadcast_in_dim3A_192, %broadcast_in_dim3A_193 : vector<16xi1>, vector<16xi32>
        %add3A_195 = arith.addi %add3A_182, %select_n3A_194 : vector<16xi32>
        %add3A_196 = arith.constant 2 : i32
        %add3A_197 = arith.addi %mul3A_167, %add3A_196 : i32
        %mul3A_198 = arith.constant 16 : i32
        %mul3A_199 = arith.muli %add3A_197, %mul3A_198 : i32
        %get3A_200 = arith.index_cast %mul3A_199 : i32 to index
        %get3A_201 = tpu.vector_load %arg6[%get3A_200] {strides = array<i32>} : memref<8192xf32, #tpu.memory_space<vmem>>, vector<16xf32>,
        %ge3A_202 = arith.cmpf oge, %get3A_201, %scan3A_27 : vector<16xf32>
        %jit3A_203 = arith.constant 1024 : i32
        %jit3A_204 = arith.constant 0 : i32
        %broadcast_in_dim3A_205 = vector.broadcast %jit3A_203 : i32 to vector<16xi32>
        %broadcast_in_dim3A_206 = vector.broadcast %jit3A_204 : i32 to vector<16xi32>
        %select_n3A_207 = arith.select %ge3A_202, %broadcast_in_dim3A_205, %broadcast_in_dim3A_206 : vector<16xi1>, vector<16xi32>
        %add3A_208 = arith.addi %add3A_195, %select_n3A_207 : vector<16xi32>
        %add3A_209 = arith.constant 3 : i32
        %add3A_210 = arith.addi %mul3A_167, %add3A_209 : i32
        %mul3A_211 = arith.constant 16 : i32
        %mul3A_212 = arith.muli %add3A_210, %mul3A_211 : i32
        %get3A_213 = arith.index_cast %mul3A_212 : i32 to index
        %get3A_214 = tpu.vector_load %arg6[%get3A_213] {strides = array<i32>} : memref<8192xf32, #tpu.memory_space<vmem>>, vector<16xf32>,
        %ge3A_215 = arith.cmpf oge, %get3A_214, %scan3A_27 : vector<16xf32>
        %jit3A_216 = arith.constant 32768 : i32
        %jit3A_217 = arith.constant 0 : i32
        %broadcast_in_dim3A_218 = vector.broadcast %jit3A_216 : i32 to vector<16xi32>
        %broadcast_in_dim3A_219 = vector.broadcast %jit3A_217 : i32 to vector<16xi32>
        %select_n3A_220 = arith.select %ge3A_215, %broadcast_in_dim3A_218, %broadcast_in_dim3A_219 : vector<16xi1>, vector<16xi32>
        %add3A_221 = arith.addi %add3A_208, %select_n3A_220 : vector<16xi32>
        %broadcast_in_dim3A_222 = arith.constant true
        %broadcast_in_dim3A_223 = vector.broadcast %broadcast_in_dim3A_222 : i1 to vector<16xi1>
        %masked_cumsum3A_224 = tpu.scan <sum>, %add3A_221 masked %broadcast_in_dim3A_223 : vector<16xi32>, vector<16xi1> -> vector<16xi32>
        %slice3A_225 = vector.extract_strided_slice %masked_cumsum3A_224 {offsets = [15], sizes = [1], strides = [1]} : vector<16xi32> to vector<1xi32>
        %squeeze3A_226 = vector.extract %slice3A_225[0] : i32 from vector<1xi32>
        %gt3A_227 = arith.constant 0 : i32
        %gt3A_228 = arith.cmpi sgt, %squeeze3A_226, %gt3A_227 : i32
        %convert_element_type3A_229 = arith.extui %gt3A_228 : i1 to i32
        %cond3A_230 = arith.constant 0 : i32
        %cond3A_231 = arith.cmpi ne, %convert_element_type3A_229, %cond3A_230 : i32
        %cond3A_232 = scf.if %cond3A_231 -> (vector<16xi32>) {
          %shift_right_logical3A = arith.constant 0 : i32
          %shift_right_logical3A_371 = arith.shrui %squeeze3A_226, %shift_right_logical3A : i32
          %and3A_372 = arith.constant 31 : i32
          %and3A_373 = arith.andi %shift_right_logical3A_371, %and3A_372 : i32
          %gt3A_374 = arith.constant 0 : i32
          %gt3A_375 = arith.cmpi sgt, %and3A_373, %gt3A_374 : i32
          %convert_element_type3A_376 = arith.extui %gt3A_375 : i1 to i32
          %cond3A_377 = arith.constant 0 : i32
          %cond3A_378 = arith.cmpi ne, %convert_element_type3A_376, %cond3A_377 : i32
          %cond3A_379 = scf.if %cond3A_378 -> (vector<16xi32>) {
            %add3A_410 = arith.constant 0 : i32
            %add3A_411 = arith.addi %mul3A_167, %add3A_410 : i32
            %mul3A_412 = arith.constant 4 : i32
            %mul3A_413 = arith.muli %add3A_411, %mul3A_412 : i32
            %add3A_414 = arith.constant 0 : i32
            %add3A_415 = arith.addi %mul3A_413, %add3A_414 : i32
            %mul3A_416 = arith.constant 16 : i32
            %mul3A_417 = arith.muli %add3A_415, %mul3A_416 : i32
            %get3A_418 = arith.index_cast %mul3A_417 : i32 to index
            %get3A_419 = tpu.vector_load %arg5[%get3A_418] {strides = array<i32>} : memref<32768xf32, #tpu.memory_space<vmem>>, vector<16xf32>,
            %ge3A_420 = arith.cmpf oge, %get3A_419, %scan3A_27 : vector<16xf32>
            %convert_element_type3A_421 = arith.extui %ge3A_420 : vector<16xi1> to vector<16xi32>
            %broadcast_in_dim3A_422 = arith.constant true
            %broadcast_in_dim3A_423 = vector.broadcast %broadcast_in_dim3A_422 : i1 to vector<16xi1>
            %masked_cumsum3A_424 = tpu.scan <sum>, %convert_element_type3A_421 masked %broadcast_in_dim3A_423 : vector<16xi32>, vector<16xi1> -> vector<16xi32>
            %mul3A_425 = arith.constant 4 : i32
            %mul3A_426 = arith.muli %add3A_411, %mul3A_425 : i32
            %add3A_427 = arith.constant 1 : i32
            %add3A_428 = arith.addi %mul3A_426, %add3A_427 : i32
            %mul3A_429 = arith.constant 16 : i32
            %mul3A_430 = arith.muli %add3A_428, %mul3A_429 : i32
            %get3A_431 = arith.index_cast %mul3A_430 : i32 to index
            %get3A_432 = tpu.vector_load %arg5[%get3A_431] {strides = array<i32>} : memref<32768xf32, #tpu.memory_space<vmem>>, vector<16xf32>,
            %ge3A_433 = arith.cmpf oge, %get3A_432, %scan3A_27 : vector<16xf32>
            %convert_element_type3A_434 = arith.extui %ge3A_433 : vector<16xi1> to vector<16xi32>
            %broadcast_in_dim3A_435 = arith.constant true
            %broadcast_in_dim3A_436 = vector.broadcast %broadcast_in_dim3A_435 : i1 to vector<16xi1>
            %masked_cumsum3A_437 = tpu.scan <sum>, %convert_element_type3A_434 masked %broadcast_in_dim3A_436 : vector<16xi32>, vector<16xi1> -> vector<16xi32>
            %mul3A_438 = arith.constant 4 : i32
            %mul3A_439 = arith.muli %add3A_411, %mul3A_438 : i32
            %add3A_440 = arith.constant 2 : i32
            %add3A_441 = arith.addi %mul3A_439, %add3A_440 : i32
            %mul3A_442 = arith.constant 16 : i32
            %mul3A_443 = arith.muli %add3A_441, %mul3A_442 : i32
            %get3A_444 = arith.index_cast %mul3A_443 : i32 to index
            %get3A_445 = tpu.vector_load %arg5[%get3A_444] {strides = array<i32>} : memref<32768xf32, #tpu.memory_space<vmem>>, vector<16xf32>,
            %ge3A_446 = arith.cmpf oge, %get3A_445, %scan3A_27 : vector<16xf32>
            %convert_element_type3A_447 = arith.extui %ge3A_446 : vector<16xi1> to vector<16xi32>
            %broadcast_in_dim3A_448 = arith.constant true
            %broadcast_in_dim3A_449 = vector.broadcast %broadcast_in_dim3A_448 : i1 to vector<16xi1>
            %masked_cumsum3A_450 = tpu.scan <sum>, %convert_element_type3A_447 masked %broadcast_in_dim3A_449 : vector<16xi32>, vector<16xi1> -> vector<16xi32>
            %mul3A_451 = arith.constant 4 : i32
            %mul3A_452 = arith.muli %add3A_411, %mul3A_451 : i32
            %add3A_453 = arith.constant 3 : i32
            %add3A_454 = arith.addi %mul3A_452, %add3A_453 : i32
            %mul3A_455 = arith.constant 16 : i32
            %mul3A_456 = arith.muli %add3A_454, %mul3A_455 : i32
            %get3A_457 = arith.index_cast %mul3A_456 : i32 to index
            %get3A_458 = tpu.vector_load %arg5[%get3A_457] {strides = array<i32>} : memref<32768xf32, #tpu.memory_space<vmem>>, vector<16xf32>,
            %ge3A_459 = arith.cmpf oge, %get3A_458, %scan3A_27 : vector<16xf32>
            %convert_element_type3A_460 = arith.extui %ge3A_459 : vector<16xi1> to vector<16xi32>
            %broadcast_in_dim3A_461 = arith.constant true
            %broadcast_in_dim3A_462 = vector.broadcast %broadcast_in_dim3A_461 : i1 to vector<16xi1>
            %masked_cumsum3A_463 = tpu.scan <sum>, %convert_element_type3A_460 masked %broadcast_in_dim3A_462 : vector<16xi32>, vector<16xi1> -> vector<16xi32>
            %mul3A_464 = arith.constant 4 : i32
            %mul3A_465 = arith.muli %add3A_411, %mul3A_464 : i32
            %add3A_466 = arith.constant 0 : i32
            %add3A_467 = arith.addi %mul3A_465, %add3A_466 : i32
            %add3A_468 = arith.addi %cond3A_163, %masked_cumsum3A_424 : vector<16xi32>
            %sub3A_469 = arith.constant 1 : i32
            %sub3A_470 = vector.broadcast %sub3A_469 : i32 to vector<16xi32>
            %sub3A_471 = arith.subi %add3A_468, %sub3A_470 : vector<16xi32>
            %min3A_472 = arith.constant 1023 : i32
            %min3A_473 = vector.broadcast %min3A_472 : i32 to vector<16xi32>
            %min3A_474 = arith.minsi %sub3A_471, %min3A_473 : vector<16xi32>
            %mul3A_475 = arith.constant 16 : i32
            %mul3A_476 = arith.muli %add3A_467, %mul3A_475 : i32
            %mul3A_477 = arith.constant 1024 : i32
            %mul3A_478 = arith.muli %mul3A_476, %mul3A_477 : i32
            %add3A_479 = vector.broadcast %mul3A_478 : i32 to vector<16xi32>
            %add3A_480 = arith.addi %add3A_479, %mul3A_1 : vector<16xi32>
            %add3A_481 = arith.addi %add3A_480, %min3A_474 : vector<16xi32>
            tpu.vector_store_idx %arg7[%min3A_474], %get3A_419 masked %ge3A_420 : memref<1024xf32, #tpu.memory_space<vmem>>[vector<16xi32>], vector<16xf32>, vector<16xi1>
            tpu.vector_store_idx %arg8[%min3A_474], %add3A_481 masked %ge3A_420 : memref<1024xi32, #tpu.memory_space<vmem>>[vector<16xi32>], vector<16xi32>, vector<16xi1>
            %broadcast_in_dim3A_482 = arith.constant 15 : i32
            %broadcast_in_dim3A_483 = vector.broadcast %broadcast_in_dim3A_482 : i32 to vector<16xi32>
            %reshape3A = vector.shape_cast %broadcast_in_dim3A_483 : vector<16xi32> to vector<16x1xi32>
            %gather3A = vector.shape_cast %reshape3A : vector<16x1xi32> to vector<16xi32>
            %gather3A_484 = tpu.dynamic_gather %masked_cumsum3A_424[%gather3A] in [0] : vector<16xi32>, vector<16xi32> -> vector<16xi32>
            %add3A_485 = arith.addi %cond3A_163, %gather3A_484 : vector<16xi32>
            %mul3A_486 = arith.constant 4 : i32
            %mul3A_487 = arith.muli %add3A_411, %mul3A_486 : i32
            %add3A_488 = arith.constant 1 : i32
            %add3A_489 = arith.addi %mul3A_487, %add3A_488 : i32
            %add3A_490 = arith.addi %add3A_485, %masked_cumsum3A_437 : vector<16xi32>
            %sub3A_491 = arith.constant 1 : i32
            %sub3A_492 = vector.broadcast %sub3A_491 : i32 to vector<16xi32>
            %sub3A_493 = arith.subi %add3A_490, %sub3A_492 : vector<16xi32>
            %min3A_494 = arith.constant 1023 : i32
            %min3A_495 = vector.broadcast %min3A_494 : i32 to vector<16xi32>
            %min3A_496 = arith.minsi %sub3A_493, %min3A_495 : vector<16xi32>
            %mul3A_497 = arith.constant 16 : i32
            %mul3A_498 = arith.muli %add3A_489, %mul3A_497 : i32
            %mul3A_499 = arith.constant 1024 : i32
            %mul3A_500 = arith.muli %mul3A_498, %mul3A_499 : i32
            %add3A_501 = vector.broadcast %mul3A_500 : i32 to vector<16xi32>
            %add3A_502 = arith.addi %add3A_501, %mul3A_1 : vector<16xi32>
            %add3A_503 = arith.addi %add3A_502, %min3A_496 : vector<16xi32>
            tpu.vector_store_idx %arg7[%min3A_496], %get3A_432 masked %ge3A_433 : memref<1024xf32, #tpu.memory_space<vmem>>[vector<16xi32>], vector<16xf32>, vector<16xi1>
            tpu.vector_store_idx %arg8[%min3A_496], %add3A_503 masked %ge3A_433 : memref<1024xi32, #tpu.memory_space<vmem>>[vector<16xi32>], vector<16xi32>, vector<16xi1>
            %broadcast_in_dim3A_504 = arith.constant 15 : i32
            %broadcast_in_dim3A_505 = vector.broadcast %broadcast_in_dim3A_504 : i32 to vector<16xi32>
            %reshape3A_506 = vector.shape_cast %broadcast_in_dim3A_505 : vector<16xi32> to vector<16x1xi32>
            %gather3A_507 = vector.shape_cast %reshape3A_506 : vector<16x1xi32> to vector<16xi32>
            %gather3A_508 = tpu.dynamic_gather %masked_cumsum3A_437[%gather3A_507] in [0] : vector<16xi32>, vector<16xi32> -> vector<16xi32>
            %add3A_509 = arith.addi %add3A_485, %gather3A_508 : vector<16xi32>
            %mul3A_510 = arith.constant 4 : i32
            %mul3A_511 = arith.muli %add3A_411, %mul3A_510 : i32
            %add3A_512 = arith.constant 2 : i32
            %add3A_513 = arith.addi %mul3A_511, %add3A_512 : i32
            %add3A_514 = arith.addi %add3A_509, %masked_cumsum3A_450 : vector<16xi32>
            %sub3A_515 = arith.constant 1 : i32
            %sub3A_516 = vector.broadcast %sub3A_515 : i32 to vector<16xi32>
            %sub3A_517 = arith.subi %add3A_514, %sub3A_516 : vector<16xi32>
            %min3A_518 = arith.constant 1023 : i32
            %min3A_519 = vector.broadcast %min3A_518 : i32 to vector<16xi32>
            %min3A_520 = arith.minsi %sub3A_517, %min3A_519 : vector<16xi32>
            %mul3A_521 = arith.constant 16 : i32
            %mul3A_522 = arith.muli %add3A_513, %mul3A_521 : i32
            %mul3A_523 = arith.constant 1024 : i32
            %mul3A_524 = arith.muli %mul3A_522, %mul3A_523 : i32
            %add3A_525 = vector.broadcast %mul3A_524 : i32 to vector<16xi32>
            %add3A_526 = arith.addi %add3A_525, %mul3A_1 : vector<16xi32>
            %add3A_527 = arith.addi %add3A_526, %min3A_520 : vector<16xi32>
            tpu.vector_store_idx %arg7[%min3A_520], %get3A_445 masked %ge3A_446 : memref<1024xf32, #tpu.memory_space<vmem>>[vector<16xi32>], vector<16xf32>, vector<16xi1>
            tpu.vector_store_idx %arg8[%min3A_520], %add3A_527 masked %ge3A_446 : memref<1024xi32, #tpu.memory_space<vmem>>[vector<16xi32>], vector<16xi32>, vector<16xi1>
            %broadcast_in_dim3A_528 = arith.constant 15 : i32
            %broadcast_in_dim3A_529 = vector.broadcast %broadcast_in_dim3A_528 : i32 to vector<16xi32>
            %reshape3A_530 = vector.shape_cast %broadcast_in_dim3A_529 : vector<16xi32> to vector<16x1xi32>
            %gather3A_531 = vector.shape_cast %reshape3A_530 : vector<16x1xi32> to vector<16xi32>
            %gather3A_532 = tpu.dynamic_gather %masked_cumsum3A_450[%gather3A_531] in [0] : vector<16xi32>, vector<16xi32> -> vector<16xi32>
            %add3A_533 = arith.addi %add3A_509, %gather3A_532 : vector<16xi32>
            %mul3A_534 = arith.constant 4 : i32
            %mul3A_535 = arith.muli %add3A_411, %mul3A_534 : i32
            %add3A_536 = arith.constant 3 : i32
            %add3A_537 = arith.addi %mul3A_535, %add3A_536 : i32
            %add3A_538 = arith.addi %add3A_533, %masked_cumsum3A_463 : vector<16xi32>
            %sub3A_539 = arith.constant 1 : i32
            %sub3A_540 = vector.broadcast %sub3A_539 : i32 to vector<16xi32>
            %sub3A_541 = arith.subi %add3A_538, %sub3A_540 : vector<16xi32>
            %min3A_542 = arith.constant 1023 : i32
            %min3A_543 = vector.broadcast %min3A_542 : i32 to vector<16xi32>
            %min3A_544 = arith.minsi %sub3A_541, %min3A_543 : vector<16xi32>
            %mul3A_545 = arith.constant 16 : i32
            %mul3A_546 = arith.muli %add3A_537, %mul3A_545 : i32
            %mul3A_547 = arith.constant 1024 : i32
            %mul3A_548 = arith.muli %mul3A_546, %mul3A_547 : i32
            %add3A_549 = vector.broadcast %mul3A_548 : i32 to vector<16xi32>
            %add3A_550 = arith.addi %add3A_549, %mul3A_1 : vector<16xi32>
            %add3A_551 = arith.addi %add3A_550, %min3A_544 : vector<16xi32>
            tpu.vector_store_idx %arg7[%min3A_544], %get3A_458 masked %ge3A_459 : memref<1024xf32, #tpu.memory_space<vmem>>[vector<16xi32>], vector<16xf32>, vector<16xi1>
            tpu.vector_store_idx %arg8[%min3A_544], %add3A_551 masked %ge3A_459 : memref<1024xi32, #tpu.memory_space<vmem>>[vector<16xi32>], vector<16xi32>, vector<16xi1>
            %broadcast_in_dim3A_552 = arith.constant 15 : i32
            %broadcast_in_dim3A_553 = vector.broadcast %broadcast_in_dim3A_552 : i32 to vector<16xi32>
            %reshape3A_554 = vector.shape_cast %broadcast_in_dim3A_553 : vector<16xi32> to vector<16x1xi32>
            %gather3A_555 = vector.shape_cast %reshape3A_554 : vector<16x1xi32> to vector<16xi32>
            %gather3A_556 = tpu.dynamic_gather %masked_cumsum3A_463[%gather3A_555] in [0] : vector<16xi32>, vector<16xi32> -> vector<16xi32>
            %add3A_557 = arith.addi %add3A_533, %gather3A_556 : vector<16xi32>
            scf.yield %add3A_557 : vector<16xi32>
          } else {
            scf.yield %cond3A_163 : vector<16xi32>
          }
          %shift_right_logical3A_380 = arith.constant 5 : i32
          %shift_right_logical3A_381 = arith.shrui %squeeze3A_226, %shift_right_logical3A_380 : i32
          %and3A_382 = arith.constant 31 : i32
          %and3A_383 = arith.andi %shift_right_logical3A_381, %and3A_382 : i32
          %gt3A_384 = arith.constant 0 : i32
          %gt3A_385 = arith.cmpi sgt, %and3A_383, %gt3A_384 : i32
          %convert_element_type3A_386 = arith.extui %gt3A_385 : i1 to i32
          %cond3A_387 = arith.constant 0 : i32
          %cond3A_388 = arith.cmpi ne, %convert_element_type3A_386, %cond3A_387 : i32
          %cond3A_389 = scf.if %cond3A_388 -> (vector<16xi32>) {
            %add3A_410 = arith.constant 1 : i32
            %add3A_411 = arith.addi %mul3A_167, %add3A_410 : i32
            %mul3A_412 = arith.constant 4 : i32
            %mul3A_413 = arith.muli %add3A_411, %mul3A_412 : i32
            %add3A_414 = arith.constant 0 : i32
            %add3A_415 = arith.addi %mul3A_413, %add3A_414 : i32
            %mul3A_416 = arith.constant 16 : i32
            %mul3A_417 = arith.muli %add3A_415, %mul3A_416 : i32
            %get3A_418 = arith.index_cast %mul3A_417 : i32 to index
            %get3A_419 = tpu.vector_load %arg5[%get3A_418] {strides = array<i32>} : memref<32768xf32, #tpu.memory_space<vmem>>, vector<16xf32>,
            %ge3A_420 = arith.cmpf oge, %get3A_419, %scan3A_27 : vector<16xf32>
            %convert_element_type3A_421 = arith.extui %ge3A_420 : vector<16xi1> to vector<16xi32>
            %broadcast_in_dim3A_422 = arith.constant true
            %broadcast_in_dim3A_423 = vector.broadcast %broadcast_in_dim3A_422 : i1 to vector<16xi1>
            %masked_cumsum3A_424 = tpu.scan <sum>, %convert_element_type3A_421 masked %broadcast_in_dim3A_423 : vector<16xi32>, vector<16xi1> -> vector<16xi32>
            %mul3A_425 = arith.constant 4 : i32
            %mul3A_426 = arith.muli %add3A_411, %mul3A_425 : i32
            %add3A_427 = arith.constant 1 : i32
            %add3A_428 = arith.addi %mul3A_426, %add3A_427 : i32
            %mul3A_429 = arith.constant 16 : i32
            %mul3A_430 = arith.muli %add3A_428, %mul3A_429 : i32
            %get3A_431 = arith.index_cast %mul3A_430 : i32 to index
            %get3A_432 = tpu.vector_load %arg5[%get3A_431] {strides = array<i32>} : memref<32768xf32, #tpu.memory_space<vmem>>, vector<16xf32>,
            %ge3A_433 = arith.cmpf oge, %get3A_432, %scan3A_27 : vector<16xf32>
            %convert_element_type3A_434 = arith.extui %ge3A_433 : vector<16xi1> to vector<16xi32>
            %broadcast_in_dim3A_435 = arith.constant true
            %broadcast_in_dim3A_436 = vector.broadcast %broadcast_in_dim3A_435 : i1 to vector<16xi1>
            %masked_cumsum3A_437 = tpu.scan <sum>, %convert_element_type3A_434 masked %broadcast_in_dim3A_436 : vector<16xi32>, vector<16xi1> -> vector<16xi32>
            %mul3A_438 = arith.constant 4 : i32
            %mul3A_439 = arith.muli %add3A_411, %mul3A_438 : i32
            %add3A_440 = arith.constant 2 : i32
            %add3A_441 = arith.addi %mul3A_439, %add3A_440 : i32
            %mul3A_442 = arith.constant 16 : i32
            %mul3A_443 = arith.muli %add3A_441, %mul3A_442 : i32
            %get3A_444 = arith.index_cast %mul3A_443 : i32 to index
            %get3A_445 = tpu.vector_load %arg5[%get3A_444] {strides = array<i32>} : memref<32768xf32, #tpu.memory_space<vmem>>, vector<16xf32>,
            %ge3A_446 = arith.cmpf oge, %get3A_445, %scan3A_27 : vector<16xf32>
            %convert_element_type3A_447 = arith.extui %ge3A_446 : vector<16xi1> to vector<16xi32>
            %broadcast_in_dim3A_448 = arith.constant true
            %broadcast_in_dim3A_449 = vector.broadcast %broadcast_in_dim3A_448 : i1 to vector<16xi1>
            %masked_cumsum3A_450 = tpu.scan <sum>, %convert_element_type3A_447 masked %broadcast_in_dim3A_449 : vector<16xi32>, vector<16xi1> -> vector<16xi32>
            %mul3A_451 = arith.constant 4 : i32
            %mul3A_452 = arith.muli %add3A_411, %mul3A_451 : i32
            %add3A_453 = arith.constant 3 : i32
            %add3A_454 = arith.addi %mul3A_452, %add3A_453 : i32
            %mul3A_455 = arith.constant 16 : i32
            %mul3A_456 = arith.muli %add3A_454, %mul3A_455 : i32
            %get3A_457 = arith.index_cast %mul3A_456 : i32 to index
            %get3A_458 = tpu.vector_load %arg5[%get3A_457] {strides = array<i32>} : memref<32768xf32, #tpu.memory_space<vmem>>, vector<16xf32>,
            %ge3A_459 = arith.cmpf oge, %get3A_458, %scan3A_27 : vector<16xf32>
            %convert_element_type3A_460 = arith.extui %ge3A_459 : vector<16xi1> to vector<16xi32>
            %broadcast_in_dim3A_461 = arith.constant true
            %broadcast_in_dim3A_462 = vector.broadcast %broadcast_in_dim3A_461 : i1 to vector<16xi1>
            %masked_cumsum3A_463 = tpu.scan <sum>, %convert_element_type3A_460 masked %broadcast_in_dim3A_462 : vector<16xi32>, vector<16xi1> -> vector<16xi32>
            %mul3A_464 = arith.constant 4 : i32
            %mul3A_465 = arith.muli %add3A_411, %mul3A_464 : i32
            %add3A_466 = arith.constant 0 : i32
            %add3A_467 = arith.addi %mul3A_465, %add3A_466 : i32
            %add3A_468 = arith.addi %cond3A_379, %masked_cumsum3A_424 : vector<16xi32>
            %sub3A_469 = arith.constant 1 : i32
            %sub3A_470 = vector.broadcast %sub3A_469 : i32 to vector<16xi32>
            %sub3A_471 = arith.subi %add3A_468, %sub3A_470 : vector<16xi32>
            %min3A_472 = arith.constant 1023 : i32
            %min3A_473 = vector.broadcast %min3A_472 : i32 to vector<16xi32>
            %min3A_474 = arith.minsi %sub3A_471, %min3A_473 : vector<16xi32>
            %mul3A_475 = arith.constant 16 : i32
            %mul3A_476 = arith.muli %add3A_467, %mul3A_475 : i32
            %mul3A_477 = arith.constant 1024 : i32
            %mul3A_478 = arith.muli %mul3A_476, %mul3A_477 : i32
            %add3A_479 = vector.broadcast %mul3A_478 : i32 to vector<16xi32>
            %add3A_480 = arith.addi %add3A_479, %mul3A_1 : vector<16xi32>
            %add3A_481 = arith.addi %add3A_480, %min3A_474 : vector<16xi32>
            tpu.vector_store_idx %arg7[%min3A_474], %get3A_419 masked %ge3A_420 : memref<1024xf32, #tpu.memory_space<vmem>>[vector<16xi32>], vector<16xf32>, vector<16xi1>
            tpu.vector_store_idx %arg8[%min3A_474], %add3A_481 masked %ge3A_420 : memref<1024xi32, #tpu.memory_space<vmem>>[vector<16xi32>], vector<16xi32>, vector<16xi1>
            %broadcast_in_dim3A_482 = arith.constant 15 : i32
            %broadcast_in_dim3A_483 = vector.broadcast %broadcast_in_dim3A_482 : i32 to vector<16xi32>
            %reshape3A = vector.shape_cast %broadcast_in_dim3A_483 : vector<16xi32> to vector<16x1xi32>
            %gather3A = vector.shape_cast %reshape3A : vector<16x1xi32> to vector<16xi32>
            %gather3A_484 = tpu.dynamic_gather %masked_cumsum3A_424[%gather3A] in [0] : vector<16xi32>, vector<16xi32> -> vector<16xi32>
            %add3A_485 = arith.addi %cond3A_379, %gather3A_484 : vector<16xi32>
            %mul3A_486 = arith.constant 4 : i32
            %mul3A_487 = arith.muli %add3A_411, %mul3A_486 : i32
            %add3A_488 = arith.constant 1 : i32
            %add3A_489 = arith.addi %mul3A_487, %add3A_488 : i32
            %add3A_490 = arith.addi %add3A_485, %masked_cumsum3A_437 : vector<16xi32>
            %sub3A_491 = arith.constant 1 : i32
            %sub3A_492 = vector.broadcast %sub3A_491 : i32 to vector<16xi32>
            %sub3A_493 = arith.subi %add3A_490, %sub3A_492 : vector<16xi32>
            %min3A_494 = arith.constant 1023 : i32
            %min3A_495 = vector.broadcast %min3A_494 : i32 to vector<16xi32>
            %min3A_496 = arith.minsi %sub3A_493, %min3A_495 : vector<16xi32>
            %mul3A_497 = arith.constant 16 : i32
            %mul3A_498 = arith.muli %add3A_489, %mul3A_497 : i32
            %mul3A_499 = arith.constant 1024 : i32
            %mul3A_500 = arith.muli %mul3A_498, %mul3A_499 : i32
            %add3A_501 = vector.broadcast %mul3A_500 : i32 to vector<16xi32>
            %add3A_502 = arith.addi %add3A_501, %mul3A_1 : vector<16xi32>
            %add3A_503 = arith.addi %add3A_502, %min3A_496 : vector<16xi32>
            tpu.vector_store_idx %arg7[%min3A_496], %get3A_432 masked %ge3A_433 : memref<1024xf32, #tpu.memory_space<vmem>>[vector<16xi32>], vector<16xf32>, vector<16xi1>
            tpu.vector_store_idx %arg8[%min3A_496], %add3A_503 masked %ge3A_433 : memref<1024xi32, #tpu.memory_space<vmem>>[vector<16xi32>], vector<16xi32>, vector<16xi1>
            %broadcast_in_dim3A_504 = arith.constant 15 : i32
            %broadcast_in_dim3A_505 = vector.broadcast %broadcast_in_dim3A_504 : i32 to vector<16xi32>
            %reshape3A_506 = vector.shape_cast %broadcast_in_dim3A_505 : vector<16xi32> to vector<16x1xi32>
            %gather3A_507 = vector.shape_cast %reshape3A_506 : vector<16x1xi32> to vector<16xi32>
            %gather3A_508 = tpu.dynamic_gather %masked_cumsum3A_437[%gather3A_507] in [0] : vector<16xi32>, vector<16xi32> -> vector<16xi32>
            %add3A_509 = arith.addi %add3A_485, %gather3A_508 : vector<16xi32>
            %mul3A_510 = arith.constant 4 : i32
            %mul3A_511 = arith.muli %add3A_411, %mul3A_510 : i32
            %add3A_512 = arith.constant 2 : i32
            %add3A_513 = arith.addi %mul3A_511, %add3A_512 : i32
            %add3A_514 = arith.addi %add3A_509, %masked_cumsum3A_450 : vector<16xi32>
            %sub3A_515 = arith.constant 1 : i32
            %sub3A_516 = vector.broadcast %sub3A_515 : i32 to vector<16xi32>
            %sub3A_517 = arith.subi %add3A_514, %sub3A_516 : vector<16xi32>
            %min3A_518 = arith.constant 1023 : i32
            %min3A_519 = vector.broadcast %min3A_518 : i32 to vector<16xi32>
            %min3A_520 = arith.minsi %sub3A_517, %min3A_519 : vector<16xi32>
            %mul3A_521 = arith.constant 16 : i32
            %mul3A_522 = arith.muli %add3A_513, %mul3A_521 : i32
            %mul3A_523 = arith.constant 1024 : i32
            %mul3A_524 = arith.muli %mul3A_522, %mul3A_523 : i32
            %add3A_525 = vector.broadcast %mul3A_524 : i32 to vector<16xi32>
            %add3A_526 = arith.addi %add3A_525, %mul3A_1 : vector<16xi32>
            %add3A_527 = arith.addi %add3A_526, %min3A_520 : vector<16xi32>
            tpu.vector_store_idx %arg7[%min3A_520], %get3A_445 masked %ge3A_446 : memref<1024xf32, #tpu.memory_space<vmem>>[vector<16xi32>], vector<16xf32>, vector<16xi1>
            tpu.vector_store_idx %arg8[%min3A_520], %add3A_527 masked %ge3A_446 : memref<1024xi32, #tpu.memory_space<vmem>>[vector<16xi32>], vector<16xi32>, vector<16xi1>
            %broadcast_in_dim3A_528 = arith.constant 15 : i32
            %broadcast_in_dim3A_529 = vector.broadcast %broadcast_in_dim3A_528 : i32 to vector<16xi32>
            %reshape3A_530 = vector.shape_cast %broadcast_in_dim3A_529 : vector<16xi32> to vector<16x1xi32>
            %gather3A_531 = vector.shape_cast %reshape3A_530 : vector<16x1xi32> to vector<16xi32>
            %gather3A_532 = tpu.dynamic_gather %masked_cumsum3A_450[%gather3A_531] in [0] : vector<16xi32>, vector<16xi32> -> vector<16xi32>
            %add3A_533 = arith.addi %add3A_509, %gather3A_532 : vector<16xi32>
            %mul3A_534 = arith.constant 4 : i32
            %mul3A_535 = arith.muli %add3A_411, %mul3A_534 : i32
            %add3A_536 = arith.constant 3 : i32
            %add3A_537 = arith.addi %mul3A_535, %add3A_536 : i32
            %add3A_538 = arith.addi %add3A_533, %masked_cumsum3A_463 : vector<16xi32>
            %sub3A_539 = arith.constant 1 : i32
            %sub3A_540 = vector.broadcast %sub3A_539 : i32 to vector<16xi32>
            %sub3A_541 = arith.subi %add3A_538, %sub3A_540 : vector<16xi32>
            %min3A_542 = arith.constant 1023 : i32
            %min3A_543 = vector.broadcast %min3A_542 : i32 to vector<16xi32>
            %min3A_544 = arith.minsi %sub3A_541, %min3A_543 : vector<16xi32>
            %mul3A_545 = arith.constant 16 : i32
            %mul3A_546 = arith.muli %add3A_537, %mul3A_545 : i32
            %mul3A_547 = arith.constant 1024 : i32
            %mul3A_548 = arith.muli %mul3A_546, %mul3A_547 : i32
            %add3A_549 = vector.broadcast %mul3A_548 : i32 to vector<16xi32>
            %add3A_550 = arith.addi %add3A_549, %mul3A_1 : vector<16xi32>
            %add3A_551 = arith.addi %add3A_550, %min3A_544 : vector<16xi32>
            tpu.vector_store_idx %arg7[%min3A_544], %get3A_458 masked %ge3A_459 : memref<1024xf32, #tpu.memory_space<vmem>>[vector<16xi32>], vector<16xf32>, vector<16xi1>
            tpu.vector_store_idx %arg8[%min3A_544], %add3A_551 masked %ge3A_459 : memref<1024xi32, #tpu.memory_space<vmem>>[vector<16xi32>], vector<16xi32>, vector<16xi1>
            %broadcast_in_dim3A_552 = arith.constant 15 : i32
            %broadcast_in_dim3A_553 = vector.broadcast %broadcast_in_dim3A_552 : i32 to vector<16xi32>
            %reshape3A_554 = vector.shape_cast %broadcast_in_dim3A_553 : vector<16xi32> to vector<16x1xi32>
            %gather3A_555 = vector.shape_cast %reshape3A_554 : vector<16x1xi32> to vector<16xi32>
            %gather3A_556 = tpu.dynamic_gather %masked_cumsum3A_463[%gather3A_555] in [0] : vector<16xi32>, vector<16xi32> -> vector<16xi32>
            %add3A_557 = arith.addi %add3A_533, %gather3A_556 : vector<16xi32>
            scf.yield %add3A_557 : vector<16xi32>
          } else {
            scf.yield %cond3A_379 : vector<16xi32>
          }
          %shift_right_logical3A_390 = arith.constant 10 : i32
          %shift_right_logical3A_391 = arith.shrui %squeeze3A_226, %shift_right_logical3A_390 : i32
          %and3A_392 = arith.constant 31 : i32
          %and3A_393 = arith.andi %shift_right_logical3A_391, %and3A_392 : i32
          %gt3A_394 = arith.constant 0 : i32
          %gt3A_395 = arith.cmpi sgt, %and3A_393, %gt3A_394 : i32
          %convert_element_type3A_396 = arith.extui %gt3A_395 : i1 to i32
          %cond3A_397 = arith.constant 0 : i32
          %cond3A_398 = arith.cmpi ne, %convert_element_type3A_396, %cond3A_397 : i32
          %cond3A_399 = scf.if %cond3A_398 -> (vector<16xi32>) {
            %add3A_410 = arith.constant 2 : i32
            %add3A_411 = arith.addi %mul3A_167, %add3A_410 : i32
            %mul3A_412 = arith.constant 4 : i32
            %mul3A_413 = arith.muli %add3A_411, %mul3A_412 : i32
            %add3A_414 = arith.constant 0 : i32
            %add3A_415 = arith.addi %mul3A_413, %add3A_414 : i32
            %mul3A_416 = arith.constant 16 : i32
            %mul3A_417 = arith.muli %add3A_415, %mul3A_416 : i32
            %get3A_418 = arith.index_cast %mul3A_417 : i32 to index
            %get3A_419 = tpu.vector_load %arg5[%get3A_418] {strides = array<i32>} : memref<32768xf32, #tpu.memory_space<vmem>>, vector<16xf32>,
            %ge3A_420 = arith.cmpf oge, %get3A_419, %scan3A_27 : vector<16xf32>
            %convert_element_type3A_421 = arith.extui %ge3A_420 : vector<16xi1> to vector<16xi32>
            %broadcast_in_dim3A_422 = arith.constant true
            %broadcast_in_dim3A_423 = vector.broadcast %broadcast_in_dim3A_422 : i1 to vector<16xi1>
            %masked_cumsum3A_424 = tpu.scan <sum>, %convert_element_type3A_421 masked %broadcast_in_dim3A_423 : vector<16xi32>, vector<16xi1> -> vector<16xi32>
            %mul3A_425 = arith.constant 4 : i32
            %mul3A_426 = arith.muli %add3A_411, %mul3A_425 : i32
            %add3A_427 = arith.constant 1 : i32
            %add3A_428 = arith.addi %mul3A_426, %add3A_427 : i32
            %mul3A_429 = arith.constant 16 : i32
            %mul3A_430 = arith.muli %add3A_428, %mul3A_429 : i32
            %get3A_431 = arith.index_cast %mul3A_430 : i32 to index
            %get3A_432 = tpu.vector_load %arg5[%get3A_431] {strides = array<i32>} : memref<32768xf32, #tpu.memory_space<vmem>>, vector<16xf32>,
            %ge3A_433 = arith.cmpf oge, %get3A_432, %scan3A_27 : vector<16xf32>
            %convert_element_type3A_434 = arith.extui %ge3A_433 : vector<16xi1> to vector<16xi32>
            %broadcast_in_dim3A_435 = arith.constant true
            %broadcast_in_dim3A_436 = vector.broadcast %broadcast_in_dim3A_435 : i1 to vector<16xi1>
            %masked_cumsum3A_437 = tpu.scan <sum>, %convert_element_type3A_434 masked %broadcast_in_dim3A_436 : vector<16xi32>, vector<16xi1> -> vector<16xi32>
            %mul3A_438 = arith.constant 4 : i32
            %mul3A_439 = arith.muli %add3A_411, %mul3A_438 : i32
            %add3A_440 = arith.constant 2 : i32
            %add3A_441 = arith.addi %mul3A_439, %add3A_440 : i32
            %mul3A_442 = arith.constant 16 : i32
            %mul3A_443 = arith.muli %add3A_441, %mul3A_442 : i32
            %get3A_444 = arith.index_cast %mul3A_443 : i32 to index
            %get3A_445 = tpu.vector_load %arg5[%get3A_444] {strides = array<i32>} : memref<32768xf32, #tpu.memory_space<vmem>>, vector<16xf32>,
            %ge3A_446 = arith.cmpf oge, %get3A_445, %scan3A_27 : vector<16xf32>
            %convert_element_type3A_447 = arith.extui %ge3A_446 : vector<16xi1> to vector<16xi32>
            %broadcast_in_dim3A_448 = arith.constant true
            %broadcast_in_dim3A_449 = vector.broadcast %broadcast_in_dim3A_448 : i1 to vector<16xi1>
            %masked_cumsum3A_450 = tpu.scan <sum>, %convert_element_type3A_447 masked %broadcast_in_dim3A_449 : vector<16xi32>, vector<16xi1> -> vector<16xi32>
            %mul3A_451 = arith.constant 4 : i32
            %mul3A_452 = arith.muli %add3A_411, %mul3A_451 : i32
            %add3A_453 = arith.constant 3 : i32
            %add3A_454 = arith.addi %mul3A_452, %add3A_453 : i32
            %mul3A_455 = arith.constant 16 : i32
            %mul3A_456 = arith.muli %add3A_454, %mul3A_455 : i32
            %get3A_457 = arith.index_cast %mul3A_456 : i32 to index
            %get3A_458 = tpu.vector_load %arg5[%get3A_457] {strides = array<i32>} : memref<32768xf32, #tpu.memory_space<vmem>>, vector<16xf32>,
            %ge3A_459 = arith.cmpf oge, %get3A_458, %scan3A_27 : vector<16xf32>
            %convert_element_type3A_460 = arith.extui %ge3A_459 : vector<16xi1> to vector<16xi32>
            %broadcast_in_dim3A_461 = arith.constant true
            %broadcast_in_dim3A_462 = vector.broadcast %broadcast_in_dim3A_461 : i1 to vector<16xi1>
            %masked_cumsum3A_463 = tpu.scan <sum>, %convert_element_type3A_460 masked %broadcast_in_dim3A_462 : vector<16xi32>, vector<16xi1> -> vector<16xi32>
            %mul3A_464 = arith.constant 4 : i32
            %mul3A_465 = arith.muli %add3A_411, %mul3A_464 : i32
            %add3A_466 = arith.constant 0 : i32
            %add3A_467 = arith.addi %mul3A_465, %add3A_466 : i32
            %add3A_468 = arith.addi %cond3A_389, %masked_cumsum3A_424 : vector<16xi32>
            %sub3A_469 = arith.constant 1 : i32
            %sub3A_470 = vector.broadcast %sub3A_469 : i32 to vector<16xi32>
            %sub3A_471 = arith.subi %add3A_468, %sub3A_470 : vector<16xi32>
            %min3A_472 = arith.constant 1023 : i32
            %min3A_473 = vector.broadcast %min3A_472 : i32 to vector<16xi32>
            %min3A_474 = arith.minsi %sub3A_471, %min3A_473 : vector<16xi32>
            %mul3A_475 = arith.constant 16 : i32
            %mul3A_476 = arith.muli %add3A_467, %mul3A_475 : i32
            %mul3A_477 = arith.constant 1024 : i32
            %mul3A_478 = arith.muli %mul3A_476, %mul3A_477 : i32
            %add3A_479 = vector.broadcast %mul3A_478 : i32 to vector<16xi32>
            %add3A_480 = arith.addi %add3A_479, %mul3A_1 : vector<16xi32>
            %add3A_481 = arith.addi %add3A_480, %min3A_474 : vector<16xi32>
            tpu.vector_store_idx %arg7[%min3A_474], %get3A_419 masked %ge3A_420 : memref<1024xf32, #tpu.memory_space<vmem>>[vector<16xi32>], vector<16xf32>, vector<16xi1>
            tpu.vector_store_idx %arg8[%min3A_474], %add3A_481 masked %ge3A_420 : memref<1024xi32, #tpu.memory_space<vmem>>[vector<16xi32>], vector<16xi32>, vector<16xi1>
            %broadcast_in_dim3A_482 = arith.constant 15 : i32
            %broadcast_in_dim3A_483 = vector.broadcast %broadcast_in_dim3A_482 : i32 to vector<16xi32>
            %reshape3A = vector.shape_cast %broadcast_in_dim3A_483 : vector<16xi32> to vector<16x1xi32>
            %gather3A = vector.shape_cast %reshape3A : vector<16x1xi32> to vector<16xi32>
            %gather3A_484 = tpu.dynamic_gather %masked_cumsum3A_424[%gather3A] in [0] : vector<16xi32>, vector<16xi32> -> vector<16xi32>
            %add3A_485 = arith.addi %cond3A_389, %gather3A_484 : vector<16xi32>
            %mul3A_486 = arith.constant 4 : i32
            %mul3A_487 = arith.muli %add3A_411, %mul3A_486 : i32
            %add3A_488 = arith.constant 1 : i32
            %add3A_489 = arith.addi %mul3A_487, %add3A_488 : i32
            %add3A_490 = arith.addi %add3A_485, %masked_cumsum3A_437 : vector<16xi32>
            %sub3A_491 = arith.constant 1 : i32
            %sub3A_492 = vector.broadcast %sub3A_491 : i32 to vector<16xi32>
            %sub3A_493 = arith.subi %add3A_490, %sub3A_492 : vector<16xi32>
            %min3A_494 = arith.constant 1023 : i32
            %min3A_495 = vector.broadcast %min3A_494 : i32 to vector<16xi32>
            %min3A_496 = arith.minsi %sub3A_493, %min3A_495 : vector<16xi32>
            %mul3A_497 = arith.constant 16 : i32
            %mul3A_498 = arith.muli %add3A_489, %mul3A_497 : i32
            %mul3A_499 = arith.constant 1024 : i32
            %mul3A_500 = arith.muli %mul3A_498, %mul3A_499 : i32
            %add3A_501 = vector.broadcast %mul3A_500 : i32 to vector<16xi32>
            %add3A_502 = arith.addi %add3A_501, %mul3A_1 : vector<16xi32>
            %add3A_503 = arith.addi %add3A_502, %min3A_496 : vector<16xi32>
            tpu.vector_store_idx %arg7[%min3A_496], %get3A_432 masked %ge3A_433 : memref<1024xf32, #tpu.memory_space<vmem>>[vector<16xi32>], vector<16xf32>, vector<16xi1>
            tpu.vector_store_idx %arg8[%min3A_496], %add3A_503 masked %ge3A_433 : memref<1024xi32, #tpu.memory_space<vmem>>[vector<16xi32>], vector<16xi32>, vector<16xi1>
            %broadcast_in_dim3A_504 = arith.constant 15 : i32
            %broadcast_in_dim3A_505 = vector.broadcast %broadcast_in_dim3A_504 : i32 to vector<16xi32>
            %reshape3A_506 = vector.shape_cast %broadcast_in_dim3A_505 : vector<16xi32> to vector<16x1xi32>
            %gather3A_507 = vector.shape_cast %reshape3A_506 : vector<16x1xi32> to vector<16xi32>
            %gather3A_508 = tpu.dynamic_gather %masked_cumsum3A_437[%gather3A_507] in [0] : vector<16xi32>, vector<16xi32> -> vector<16xi32>
            %add3A_509 = arith.addi %add3A_485, %gather3A_508 : vector<16xi32>
            %mul3A_510 = arith.constant 4 : i32
            %mul3A_511 = arith.muli %add3A_411, %mul3A_510 : i32
            %add3A_512 = arith.constant 2 : i32
            %add3A_513 = arith.addi %mul3A_511, %add3A_512 : i32
            %add3A_514 = arith.addi %add3A_509, %masked_cumsum3A_450 : vector<16xi32>
            %sub3A_515 = arith.constant 1 : i32
            %sub3A_516 = vector.broadcast %sub3A_515 : i32 to vector<16xi32>
            %sub3A_517 = arith.subi %add3A_514, %sub3A_516 : vector<16xi32>
            %min3A_518 = arith.constant 1023 : i32
            %min3A_519 = vector.broadcast %min3A_518 : i32 to vector<16xi32>
            %min3A_520 = arith.minsi %sub3A_517, %min3A_519 : vector<16xi32>
            %mul3A_521 = arith.constant 16 : i32
            %mul3A_522 = arith.muli %add3A_513, %mul3A_521 : i32
            %mul3A_523 = arith.constant 1024 : i32
            %mul3A_524 = arith.muli %mul3A_522, %mul3A_523 : i32
            %add3A_525 = vector.broadcast %mul3A_524 : i32 to vector<16xi32>
            %add3A_526 = arith.addi %add3A_525, %mul3A_1 : vector<16xi32>
            %add3A_527 = arith.addi %add3A_526, %min3A_520 : vector<16xi32>
            tpu.vector_store_idx %arg7[%min3A_520], %get3A_445 masked %ge3A_446 : memref<1024xf32, #tpu.memory_space<vmem>>[vector<16xi32>], vector<16xf32>, vector<16xi1>
            tpu.vector_store_idx %arg8[%min3A_520], %add3A_527 masked %ge3A_446 : memref<1024xi32, #tpu.memory_space<vmem>>[vector<16xi32>], vector<16xi32>, vector<16xi1>
            %broadcast_in_dim3A_528 = arith.constant 15 : i32
            %broadcast_in_dim3A_529 = vector.broadcast %broadcast_in_dim3A_528 : i32 to vector<16xi32>
            %reshape3A_530 = vector.shape_cast %broadcast_in_dim3A_529 : vector<16xi32> to vector<16x1xi32>
            %gather3A_531 = vector.shape_cast %reshape3A_530 : vector<16x1xi32> to vector<16xi32>
            %gather3A_532 = tpu.dynamic_gather %masked_cumsum3A_450[%gather3A_531] in [0] : vector<16xi32>, vector<16xi32> -> vector<16xi32>
            %add3A_533 = arith.addi %add3A_509, %gather3A_532 : vector<16xi32>
            %mul3A_534 = arith.constant 4 : i32
            %mul3A_535 = arith.muli %add3A_411, %mul3A_534 : i32
            %add3A_536 = arith.constant 3 : i32
            %add3A_537 = arith.addi %mul3A_535, %add3A_536 : i32
            %add3A_538 = arith.addi %add3A_533, %masked_cumsum3A_463 : vector<16xi32>
            %sub3A_539 = arith.constant 1 : i32
            %sub3A_540 = vector.broadcast %sub3A_539 : i32 to vector<16xi32>
            %sub3A_541 = arith.subi %add3A_538, %sub3A_540 : vector<16xi32>
            %min3A_542 = arith.constant 1023 : i32
            %min3A_543 = vector.broadcast %min3A_542 : i32 to vector<16xi32>
            %min3A_544 = arith.minsi %sub3A_541, %min3A_543 : vector<16xi32>
            %mul3A_545 = arith.constant 16 : i32
            %mul3A_546 = arith.muli %add3A_537, %mul3A_545 : i32
            %mul3A_547 = arith.constant 1024 : i32
            %mul3A_548 = arith.muli %mul3A_546, %mul3A_547 : i32
            %add3A_549 = vector.broadcast %mul3A_548 : i32 to vector<16xi32>
            %add3A_550 = arith.addi %add3A_549, %mul3A_1 : vector<16xi32>
            %add3A_551 = arith.addi %add3A_550, %min3A_544 : vector<16xi32>
            tpu.vector_store_idx %arg7[%min3A_544], %get3A_458 masked %ge3A_459 : memref<1024xf32, #tpu.memory_space<vmem>>[vector<16xi32>], vector<16xf32>, vector<16xi1>
            tpu.vector_store_idx %arg8[%min3A_544], %add3A_551 masked %ge3A_459 : memref<1024xi32, #tpu.memory_space<vmem>>[vector<16xi32>], vector<16xi32>, vector<16xi1>
            %broadcast_in_dim3A_552 = arith.constant 15 : i32
            %broadcast_in_dim3A_553 = vector.broadcast %broadcast_in_dim3A_552 : i32 to vector<16xi32>
            %reshape3A_554 = vector.shape_cast %broadcast_in_dim3A_553 : vector<16xi32> to vector<16x1xi32>
            %gather3A_555 = vector.shape_cast %reshape3A_554 : vector<16x1xi32> to vector<16xi32>
            %gather3A_556 = tpu.dynamic_gather %masked_cumsum3A_463[%gather3A_555] in [0] : vector<16xi32>, vector<16xi32> -> vector<16xi32>
            %add3A_557 = arith.addi %add3A_533, %gather3A_556 : vector<16xi32>
            scf.yield %add3A_557 : vector<16xi32>
          } else {
            scf.yield %cond3A_389 : vector<16xi32>
          }
          %shift_right_logical3A_400 = arith.constant 15 : i32
          %shift_right_logical3A_401 = arith.shrui %squeeze3A_226, %shift_right_logical3A_400 : i32
          %and3A_402 = arith.constant 31 : i32
          %and3A_403 = arith.andi %shift_right_logical3A_401, %and3A_402 : i32
          %gt3A_404 = arith.constant 0 : i32
          %gt3A_405 = arith.cmpi sgt, %and3A_403, %gt3A_404 : i32
          %convert_element_type3A_406 = arith.extui %gt3A_405 : i1 to i32
          %cond3A_407 = arith.constant 0 : i32
          %cond3A_408 = arith.cmpi ne, %convert_element_type3A_406, %cond3A_407 : i32
          %cond3A_409 = scf.if %cond3A_408 -> (vector<16xi32>) {
            %add3A_410 = arith.constant 3 : i32
            %add3A_411 = arith.addi %mul3A_167, %add3A_410 : i32
            %mul3A_412 = arith.constant 4 : i32
            %mul3A_413 = arith.muli %add3A_411, %mul3A_412 : i32
            %add3A_414 = arith.constant 0 : i32
            %add3A_415 = arith.addi %mul3A_413, %add3A_414 : i32
            %mul3A_416 = arith.constant 16 : i32
            %mul3A_417 = arith.muli %add3A_415, %mul3A_416 : i32
            %get3A_418 = arith.index_cast %mul3A_417 : i32 to index
            %get3A_419 = tpu.vector_load %arg5[%get3A_418] {strides = array<i32>} : memref<32768xf32, #tpu.memory_space<vmem>>, vector<16xf32>,
            %ge3A_420 = arith.cmpf oge, %get3A_419, %scan3A_27 : vector<16xf32>
            %convert_element_type3A_421 = arith.extui %ge3A_420 : vector<16xi1> to vector<16xi32>
            %broadcast_in_dim3A_422 = arith.constant true
            %broadcast_in_dim3A_423 = vector.broadcast %broadcast_in_dim3A_422 : i1 to vector<16xi1>
            %masked_cumsum3A_424 = tpu.scan <sum>, %convert_element_type3A_421 masked %broadcast_in_dim3A_423 : vector<16xi32>, vector<16xi1> -> vector<16xi32>
            %mul3A_425 = arith.constant 4 : i32
            %mul3A_426 = arith.muli %add3A_411, %mul3A_425 : i32
            %add3A_427 = arith.constant 1 : i32
            %add3A_428 = arith.addi %mul3A_426, %add3A_427 : i32
            %mul3A_429 = arith.constant 16 : i32
            %mul3A_430 = arith.muli %add3A_428, %mul3A_429 : i32
            %get3A_431 = arith.index_cast %mul3A_430 : i32 to index
            %get3A_432 = tpu.vector_load %arg5[%get3A_431] {strides = array<i32>} : memref<32768xf32, #tpu.memory_space<vmem>>, vector<16xf32>,
            %ge3A_433 = arith.cmpf oge, %get3A_432, %scan3A_27 : vector<16xf32>
            %convert_element_type3A_434 = arith.extui %ge3A_433 : vector<16xi1> to vector<16xi32>
            %broadcast_in_dim3A_435 = arith.constant true
            %broadcast_in_dim3A_436 = vector.broadcast %broadcast_in_dim3A_435 : i1 to vector<16xi1>
            %masked_cumsum3A_437 = tpu.scan <sum>, %convert_element_type3A_434 masked %broadcast_in_dim3A_436 : vector<16xi32>, vector<16xi1> -> vector<16xi32>
            %mul3A_438 = arith.constant 4 : i32
            %mul3A_439 = arith.muli %add3A_411, %mul3A_438 : i32
            %add3A_440 = arith.constant 2 : i32
            %add3A_441 = arith.addi %mul3A_439, %add3A_440 : i32
            %mul3A_442 = arith.constant 16 : i32
            %mul3A_443 = arith.muli %add3A_441, %mul3A_442 : i32
            %get3A_444 = arith.index_cast %mul3A_443 : i32 to index
            %get3A_445 = tpu.vector_load %arg5[%get3A_444] {strides = array<i32>} : memref<32768xf32, #tpu.memory_space<vmem>>, vector<16xf32>,
            %ge3A_446 = arith.cmpf oge, %get3A_445, %scan3A_27 : vector<16xf32>
            %convert_element_type3A_447 = arith.extui %ge3A_446 : vector<16xi1> to vector<16xi32>
            %broadcast_in_dim3A_448 = arith.constant true
            %broadcast_in_dim3A_449 = vector.broadcast %broadcast_in_dim3A_448 : i1 to vector<16xi1>
            %masked_cumsum3A_450 = tpu.scan <sum>, %convert_element_type3A_447 masked %broadcast_in_dim3A_449 : vector<16xi32>, vector<16xi1> -> vector<16xi32>
            %mul3A_451 = arith.constant 4 : i32
            %mul3A_452 = arith.muli %add3A_411, %mul3A_451 : i32
            %add3A_453 = arith.constant 3 : i32
            %add3A_454 = arith.addi %mul3A_452, %add3A_453 : i32
            %mul3A_455 = arith.constant 16 : i32
            %mul3A_456 = arith.muli %add3A_454, %mul3A_455 : i32
            %get3A_457 = arith.index_cast %mul3A_456 : i32 to index
            %get3A_458 = tpu.vector_load %arg5[%get3A_457] {strides = array<i32>} : memref<32768xf32, #tpu.memory_space<vmem>>, vector<16xf32>,
            %ge3A_459 = arith.cmpf oge, %get3A_458, %scan3A_27 : vector<16xf32>
            %convert_element_type3A_460 = arith.extui %ge3A_459 : vector<16xi1> to vector<16xi32>
            %broadcast_in_dim3A_461 = arith.constant true
            %broadcast_in_dim3A_462 = vector.broadcast %broadcast_in_dim3A_461 : i1 to vector<16xi1>
            %masked_cumsum3A_463 = tpu.scan <sum>, %convert_element_type3A_460 masked %broadcast_in_dim3A_462 : vector<16xi32>, vector<16xi1> -> vector<16xi32>
            %mul3A_464 = arith.constant 4 : i32
            %mul3A_465 = arith.muli %add3A_411, %mul3A_464 : i32
            %add3A_466 = arith.constant 0 : i32
            %add3A_467 = arith.addi %mul3A_465, %add3A_466 : i32
            %add3A_468 = arith.addi %cond3A_399, %masked_cumsum3A_424 : vector<16xi32>
            %sub3A_469 = arith.constant 1 : i32
            %sub3A_470 = vector.broadcast %sub3A_469 : i32 to vector<16xi32>
            %sub3A_471 = arith.subi %add3A_468, %sub3A_470 : vector<16xi32>
            %min3A_472 = arith.constant 1023 : i32
            %min3A_473 = vector.broadcast %min3A_472 : i32 to vector<16xi32>
            %min3A_474 = arith.minsi %sub3A_471, %min3A_473 : vector<16xi32>
            %mul3A_475 = arith.constant 16 : i32
            %mul3A_476 = arith.muli %add3A_467, %mul3A_475 : i32
            %mul3A_477 = arith.constant 1024 : i32
            %mul3A_478 = arith.muli %mul3A_476, %mul3A_477 : i32
            %add3A_479 = vector.broadcast %mul3A_478 : i32 to vector<16xi32>
            %add3A_480 = arith.addi %add3A_479, %mul3A_1 : vector<16xi32>
            %add3A_481 = arith.addi %add3A_480, %min3A_474 : vector<16xi32>
            tpu.vector_store_idx %arg7[%min3A_474], %get3A_419 masked %ge3A_420 : memref<1024xf32, #tpu.memory_space<vmem>>[vector<16xi32>], vector<16xf32>, vector<16xi1>
            tpu.vector_store_idx %arg8[%min3A_474], %add3A_481 masked %ge3A_420 : memref<1024xi32, #tpu.memory_space<vmem>>[vector<16xi32>], vector<16xi32>, vector<16xi1>
            %broadcast_in_dim3A_482 = arith.constant 15 : i32
            %broadcast_in_dim3A_483 = vector.broadcast %broadcast_in_dim3A_482 : i32 to vector<16xi32>
            %reshape3A = vector.shape_cast %broadcast_in_dim3A_483 : vector<16xi32> to vector<16x1xi32>
            %gather3A = vector.shape_cast %reshape3A : vector<16x1xi32> to vector<16xi32>
            %gather3A_484 = tpu.dynamic_gather %masked_cumsum3A_424[%gather3A] in [0] : vector<16xi32>, vector<16xi32> -> vector<16xi32>
            %add3A_485 = arith.addi %cond3A_399, %gather3A_484 : vector<16xi32>
            %mul3A_486 = arith.constant 4 : i32
            %mul3A_487 = arith.muli %add3A_411, %mul3A_486 : i32
            %add3A_488 = arith.constant 1 : i32
            %add3A_489 = arith.addi %mul3A_487, %add3A_488 : i32
            %add3A_490 = arith.addi %add3A_485, %masked_cumsum3A_437 : vector<16xi32>
            %sub3A_491 = arith.constant 1 : i32
            %sub3A_492 = vector.broadcast %sub3A_491 : i32 to vector<16xi32>
            %sub3A_493 = arith.subi %add3A_490, %sub3A_492 : vector<16xi32>
            %min3A_494 = arith.constant 1023 : i32
            %min3A_495 = vector.broadcast %min3A_494 : i32 to vector<16xi32>
            %min3A_496 = arith.minsi %sub3A_493, %min3A_495 : vector<16xi32>
            %mul3A_497 = arith.constant 16 : i32
            %mul3A_498 = arith.muli %add3A_489, %mul3A_497 : i32
            %mul3A_499 = arith.constant 1024 : i32
            %mul3A_500 = arith.muli %mul3A_498, %mul3A_499 : i32
            %add3A_501 = vector.broadcast %mul3A_500 : i32 to vector<16xi32>
            %add3A_502 = arith.addi %add3A_501, %mul3A_1 : vector<16xi32>
            %add3A_503 = arith.addi %add3A_502, %min3A_496 : vector<16xi32>
            tpu.vector_store_idx %arg7[%min3A_496], %get3A_432 masked %ge3A_433 : memref<1024xf32, #tpu.memory_space<vmem>>[vector<16xi32>], vector<16xf32>, vector<16xi1>
            tpu.vector_store_idx %arg8[%min3A_496], %add3A_503 masked %ge3A_433 : memref<1024xi32, #tpu.memory_space<vmem>>[vector<16xi32>], vector<16xi32>, vector<16xi1>
            %broadcast_in_dim3A_504 = arith.constant 15 : i32
            %broadcast_in_dim3A_505 = vector.broadcast %broadcast_in_dim3A_504 : i32 to vector<16xi32>
            %reshape3A_506 = vector.shape_cast %broadcast_in_dim3A_505 : vector<16xi32> to vector<16x1xi32>
            %gather3A_507 = vector.shape_cast %reshape3A_506 : vector<16x1xi32> to vector<16xi32>
            %gather3A_508 = tpu.dynamic_gather %masked_cumsum3A_437[%gather3A_507] in [0] : vector<16xi32>, vector<16xi32> -> vector<16xi32>
            %add3A_509 = arith.addi %add3A_485, %gather3A_508 : vector<16xi32>
            %mul3A_510 = arith.constant 4 : i32
            %mul3A_511 = arith.muli %add3A_411, %mul3A_510 : i32
            %add3A_512 = arith.constant 2 : i32
            %add3A_513 = arith.addi %mul3A_511, %add3A_512 : i32
            %add3A_514 = arith.addi %add3A_509, %masked_cumsum3A_450 : vector<16xi32>
            %sub3A_515 = arith.constant 1 : i32
            %sub3A_516 = vector.broadcast %sub3A_515 : i32 to vector<16xi32>
            %sub3A_517 = arith.subi %add3A_514, %sub3A_516 : vector<16xi32>
            %min3A_518 = arith.constant 1023 : i32
            %min3A_519 = vector.broadcast %min3A_518 : i32 to vector<16xi32>
            %min3A_520 = arith.minsi %sub3A_517, %min3A_519 : vector<16xi32>
            %mul3A_521 = arith.constant 16 : i32
            %mul3A_522 = arith.muli %add3A_513, %mul3A_521 : i32
            %mul3A_523 = arith.constant 1024 : i32
            %mul3A_524 = arith.muli %mul3A_522, %mul3A_523 : i32
            %add3A_525 = vector.broadcast %mul3A_524 : i32 to vector<16xi32>
            %add3A_526 = arith.addi %add3A_525, %mul3A_1 : vector<16xi32>
            %add3A_527 = arith.addi %add3A_526, %min3A_520 : vector<16xi32>
            tpu.vector_store_idx %arg7[%min3A_520], %get3A_445 masked %ge3A_446 : memref<1024xf32, #tpu.memory_space<vmem>>[vector<16xi32>], vector<16xf32>, vector<16xi1>
            tpu.vector_store_idx %arg8[%min3A_520], %add3A_527 masked %ge3A_446 : memref<1024xi32, #tpu.memory_space<vmem>>[vector<16xi32>], vector<16xi32>, vector<16xi1>
            %broadcast_in_dim3A_528 = arith.constant 15 : i32
            %broadcast_in_dim3A_529 = vector.broadcast %broadcast_in_dim3A_528 : i32 to vector<16xi32>
            %reshape3A_530 = vector.shape_cast %broadcast_in_dim3A_529 : vector<16xi32> to vector<16x1xi32>
            %gather3A_531 = vector.shape_cast %reshape3A_530 : vector<16x1xi32> to vector<16xi32>
            %gather3A_532 = tpu.dynamic_gather %masked_cumsum3A_450[%gather3A_531] in [0] : vector<16xi32>, vector<16xi32> -> vector<16xi32>
            %add3A_533 = arith.addi %add3A_509, %gather3A_532 : vector<16xi32>
            %mul3A_534 = arith.constant 4 : i32
            %mul3A_535 = arith.muli %add3A_411, %mul3A_534 : i32
            %add3A_536 = arith.constant 3 : i32
            %add3A_537 = arith.addi %mul3A_535, %add3A_536 : i32
            %add3A_538 = arith.addi %add3A_533, %masked_cumsum3A_463 : vector<16xi32>
            %sub3A_539 = arith.constant 1 : i32
            %sub3A_540 = vector.broadcast %sub3A_539 : i32 to vector<16xi32>
            %sub3A_541 = arith.subi %add3A_538, %sub3A_540 : vector<16xi32>
            %min3A_542 = arith.constant 1023 : i32
            %min3A_543 = vector.broadcast %min3A_542 : i32 to vector<16xi32>
            %min3A_544 = arith.minsi %sub3A_541, %min3A_543 : vector<16xi32>
            %mul3A_545 = arith.constant 16 : i32
            %mul3A_546 = arith.muli %add3A_537, %mul3A_545 : i32
            %mul3A_547 = arith.constant 1024 : i32
            %mul3A_548 = arith.muli %mul3A_546, %mul3A_547 : i32
            %add3A_549 = vector.broadcast %mul3A_548 : i32 to vector<16xi32>
            %add3A_550 = arith.addi %add3A_549, %mul3A_1 : vector<16xi32>
            %add3A_551 = arith.addi %add3A_550, %min3A_544 : vector<16xi32>
            tpu.vector_store_idx %arg7[%min3A_544], %get3A_458 masked %ge3A_459 : memref<1024xf32, #tpu.memory_space<vmem>>[vector<16xi32>], vector<16xf32>, vector<16xi1>
            tpu.vector_store_idx %arg8[%min3A_544], %add3A_551 masked %ge3A_459 : memref<1024xi32, #tpu.memory_space<vmem>>[vector<16xi32>], vector<16xi32>, vector<16xi1>
            %broadcast_in_dim3A_552 = arith.constant 15 : i32
            %broadcast_in_dim3A_553 = vector.broadcast %broadcast_in_dim3A_552 : i32 to vector<16xi32>
            %reshape3A_554 = vector.shape_cast %broadcast_in_dim3A_553 : vector<16xi32> to vector<16x1xi32>
            %gather3A_555 = vector.shape_cast %reshape3A_554 : vector<16x1xi32> to vector<16xi32>
            %gather3A_556 = tpu.dynamic_gather %masked_cumsum3A_463[%gather3A_555] in [0] : vector<16xi32>, vector<16xi32> -> vector<16xi32>
            %add3A_557 = arith.addi %add3A_533, %gather3A_556 : vector<16xi32>
            scf.yield %add3A_557 : vector<16xi32>
          } else {
            scf.yield %cond3A_399 : vector<16xi32>
          }
          scf.yield %cond3A_409 : vector<16xi32>
        } else {
          scf.yield %cond3A_163 : vector<16xi32>
        }
        %scan3A_233 = arith.constant 2 : i32
        %scan3A_234 = arith.addi %scan3A_99, %scan3A_233 : i32
        %mul3A_235 = arith.constant 4 : i32
        %mul3A_236 = arith.muli %scan3A_234, %mul3A_235 : i32
        %broadcast_in_dim3A_237 = arith.constant 0 : i32
        %broadcast_in_dim3A_238 = vector.broadcast %broadcast_in_dim3A_237 : i32 to vector<16xi32>
        %add3A_239 = arith.constant 0 : i32
        %add3A_240 = arith.addi %mul3A_236, %add3A_239 : i32
        %mul3A_241 = arith.constant 16 : i32
        %mul3A_242 = arith.muli %add3A_240, %mul3A_241 : i32
        %get3A_243 = arith.index_cast %mul3A_242 : i32 to index
        %get3A_244 = tpu.vector_load %arg6[%get3A_243] {strides = array<i32>} : memref<8192xf32, #tpu.memory_space<vmem>>, vector<16xf32>,
        %ge3A_245 = arith.cmpf oge, %get3A_244, %scan3A_27 : vector<16xf32>
        %jit3A_246 = arith.constant 1 : i32
        %jit3A_247 = arith.constant 0 : i32
        %broadcast_in_dim3A_248 = vector.broadcast %jit3A_246 : i32 to vector<16xi32>
        %broadcast_in_dim3A_249 = vector.broadcast %jit3A_247 : i32 to vector<16xi32>
        %select_n3A_250 = arith.select %ge3A_245, %broadcast_in_dim3A_248, %broadcast_in_dim3A_249 : vector<16xi1>, vector<16xi32>
        %add3A_251 = arith.addi %broadcast_in_dim3A_238, %select_n3A_250 : vector<16xi32>
        %add3A_252 = arith.constant 1 : i32
        %add3A_253 = arith.addi %mul3A_236, %add3A_252 : i32
        %mul3A_254 = arith.constant 16 : i32
        %mul3A_255 = arith.muli %add3A_253, %mul3A_254 : i32
        %get3A_256 = arith.index_cast %mul3A_255 : i32 to index
        %get3A_257 = tpu.vector_load %arg6[%get3A_256] {strides = array<i32>} : memref<8192xf32, #tpu.memory_space<vmem>>, vector<16xf32>,
        %ge3A_258 = arith.cmpf oge, %get3A_257, %scan3A_27 : vector<16xf32>
        %jit3A_259 = arith.constant 32 : i32
        %jit3A_260 = arith.constant 0 : i32
        %broadcast_in_dim3A_261 = vector.broadcast %jit3A_259 : i32 to vector<16xi32>
        %broadcast_in_dim3A_262 = vector.broadcast %jit3A_260 : i32 to vector<16xi32>
        %select_n3A_263 = arith.select %ge3A_258, %broadcast_in_dim3A_261, %broadcast_in_dim3A_262 : vector<16xi1>, vector<16xi32>
        %add3A_264 = arith.addi %add3A_251, %select_n3A_263 : vector<16xi32>
        %add3A_265 = arith.constant 2 : i32
        %add3A_266 = arith.addi %mul3A_236, %add3A_265 : i32
        %mul3A_267 = arith.constant 16 : i32
        %mul3A_268 = arith.muli %add3A_266, %mul3A_267 : i32
        %get3A_269 = arith.index_cast %mul3A_268 : i32 to index
        %get3A_270 = tpu.vector_load %arg6[%get3A_269] {strides = array<i32>} : memref<8192xf32, #tpu.memory_space<vmem>>, vector<16xf32>,
        %ge3A_271 = arith.cmpf oge, %get3A_270, %scan3A_27 : vector<16xf32>
        %jit3A_272 = arith.constant 1024 : i32
        %jit3A_273 = arith.constant 0 : i32
        %broadcast_in_dim3A_274 = vector.broadcast %jit3A_272 : i32 to vector<16xi32>
        %broadcast_in_dim3A_275 = vector.broadcast %jit3A_273 : i32 to vector<16xi32>
        %select_n3A_276 = arith.select %ge3A_271, %broadcast_in_dim3A_274, %broadcast_in_dim3A_275 : vector<16xi1>, vector<16xi32>
        %add3A_277 = arith.addi %add3A_264, %select_n3A_276 : vector<16xi32>
        %add3A_278 = arith.constant 3 : i32
        %add3A_279 = arith.addi %mul3A_236, %add3A_278 : i32
        %mul3A_280 = arith.constant 16 : i32
        %mul3A_281 = arith.muli %add3A_279, %mul3A_280 : i32
        %get3A_282 = arith.index_cast %mul3A_281 : i32 to index
        %get3A_283 = tpu.vector_load %arg6[%get3A_282] {strides = array<i32>} : memref<8192xf32, #tpu.memory_space<vmem>>, vector<16xf32>,
        %ge3A_284 = arith.cmpf oge, %get3A_283, %scan3A_27 : vector<16xf32>
        %jit3A_285 = arith.constant 32768 : i32
        %jit3A_286 = arith.constant 0 : i32
        %broadcast_in_dim3A_287 = vector.broadcast %jit3A_285 : i32 to vector<16xi32>
        %broadcast_in_dim3A_288 = vector.broadcast %jit3A_286 : i32 to vector<16xi32>
        %select_n3A_289 = arith.select %ge3A_284, %broadcast_in_dim3A_287, %broadcast_in_dim3A_288 : vector<16xi1>, vector<16xi32>
        %add3A_290 = arith.addi %add3A_277, %select_n3A_289 : vector<16xi32>
        %broadcast_in_dim3A_291 = arith.constant true
        %broadcast_in_dim3A_292 = vector.broadcast %broadcast_in_dim3A_291 : i1 to vector<16xi1>
        %masked_cumsum3A_293 = tpu.scan <sum>, %add3A_290 masked %broadcast_in_dim3A_292 : vector<16xi32>, vector<16xi1> -> vector<16xi32>
        %slice3A_294 = vector.extract_strided_slice %masked_cumsum3A_293 {offsets = [15], sizes = [1], strides = [1]} : vector<16xi32> to vector<1xi32>
        %squeeze3A_295 = vector.extract %slice3A_294[0] : i32 from vector<1xi32>
        %gt3A_296 = arith.constant 0 : i32
        %gt3A_297 = arith.cmpi sgt, %squeeze3A_295, %gt3A_296 : i32
        %convert_element_type3A_298 = arith.extui %gt3A_297 : i1 to i32
        %cond3A_299 = arith.constant 0 : i32
        %cond3A_300 = arith.cmpi ne, %convert_element_type3A_298, %cond3A_299 : i32
        %cond3A_301 = scf.if %cond3A_300 -> (vector<16xi32>) {
          %shift_right_logical3A = arith.constant 0 : i32
          %shift_right_logical3A_371 = arith.shrui %squeeze3A_295, %shift_right_logical3A : i32
          %and3A_372 = arith.constant 31 : i32
          %and3A_373 = arith.andi %shift_right_logical3A_371, %and3A_372 : i32
          %gt3A_374 = arith.constant 0 : i32
          %gt3A_375 = arith.cmpi sgt, %and3A_373, %gt3A_374 : i32
          %convert_element_type3A_376 = arith.extui %gt3A_375 : i1 to i32
          %cond3A_377 = arith.constant 0 : i32
          %cond3A_378 = arith.cmpi ne, %convert_element_type3A_376, %cond3A_377 : i32
          %cond3A_379 = scf.if %cond3A_378 -> (vector<16xi32>) {
            %add3A_410 = arith.constant 0 : i32
            %add3A_411 = arith.addi %mul3A_236, %add3A_410 : i32
            %mul3A_412 = arith.constant 4 : i32
            %mul3A_413 = arith.muli %add3A_411, %mul3A_412 : i32
            %add3A_414 = arith.constant 0 : i32
            %add3A_415 = arith.addi %mul3A_413, %add3A_414 : i32
            %mul3A_416 = arith.constant 16 : i32
            %mul3A_417 = arith.muli %add3A_415, %mul3A_416 : i32
            %get3A_418 = arith.index_cast %mul3A_417 : i32 to index
            %get3A_419 = tpu.vector_load %arg5[%get3A_418] {strides = array<i32>} : memref<32768xf32, #tpu.memory_space<vmem>>, vector<16xf32>,
            %ge3A_420 = arith.cmpf oge, %get3A_419, %scan3A_27 : vector<16xf32>
            %convert_element_type3A_421 = arith.extui %ge3A_420 : vector<16xi1> to vector<16xi32>
            %broadcast_in_dim3A_422 = arith.constant true
            %broadcast_in_dim3A_423 = vector.broadcast %broadcast_in_dim3A_422 : i1 to vector<16xi1>
            %masked_cumsum3A_424 = tpu.scan <sum>, %convert_element_type3A_421 masked %broadcast_in_dim3A_423 : vector<16xi32>, vector<16xi1> -> vector<16xi32>
            %mul3A_425 = arith.constant 4 : i32
            %mul3A_426 = arith.muli %add3A_411, %mul3A_425 : i32
            %add3A_427 = arith.constant 1 : i32
            %add3A_428 = arith.addi %mul3A_426, %add3A_427 : i32
            %mul3A_429 = arith.constant 16 : i32
            %mul3A_430 = arith.muli %add3A_428, %mul3A_429 : i32
            %get3A_431 = arith.index_cast %mul3A_430 : i32 to index
            %get3A_432 = tpu.vector_load %arg5[%get3A_431] {strides = array<i32>} : memref<32768xf32, #tpu.memory_space<vmem>>, vector<16xf32>,
            %ge3A_433 = arith.cmpf oge, %get3A_432, %scan3A_27 : vector<16xf32>
            %convert_element_type3A_434 = arith.extui %ge3A_433 : vector<16xi1> to vector<16xi32>
            %broadcast_in_dim3A_435 = arith.constant true
            %broadcast_in_dim3A_436 = vector.broadcast %broadcast_in_dim3A_435 : i1 to vector<16xi1>
            %masked_cumsum3A_437 = tpu.scan <sum>, %convert_element_type3A_434 masked %broadcast_in_dim3A_436 : vector<16xi32>, vector<16xi1> -> vector<16xi32>
            %mul3A_438 = arith.constant 4 : i32
            %mul3A_439 = arith.muli %add3A_411, %mul3A_438 : i32
            %add3A_440 = arith.constant 2 : i32
            %add3A_441 = arith.addi %mul3A_439, %add3A_440 : i32
            %mul3A_442 = arith.constant 16 : i32
            %mul3A_443 = arith.muli %add3A_441, %mul3A_442 : i32
            %get3A_444 = arith.index_cast %mul3A_443 : i32 to index
            %get3A_445 = tpu.vector_load %arg5[%get3A_444] {strides = array<i32>} : memref<32768xf32, #tpu.memory_space<vmem>>, vector<16xf32>,
            %ge3A_446 = arith.cmpf oge, %get3A_445, %scan3A_27 : vector<16xf32>
            %convert_element_type3A_447 = arith.extui %ge3A_446 : vector<16xi1> to vector<16xi32>
            %broadcast_in_dim3A_448 = arith.constant true
            %broadcast_in_dim3A_449 = vector.broadcast %broadcast_in_dim3A_448 : i1 to vector<16xi1>
            %masked_cumsum3A_450 = tpu.scan <sum>, %convert_element_type3A_447 masked %broadcast_in_dim3A_449 : vector<16xi32>, vector<16xi1> -> vector<16xi32>
            %mul3A_451 = arith.constant 4 : i32
            %mul3A_452 = arith.muli %add3A_411, %mul3A_451 : i32
            %add3A_453 = arith.constant 3 : i32
            %add3A_454 = arith.addi %mul3A_452, %add3A_453 : i32
            %mul3A_455 = arith.constant 16 : i32
            %mul3A_456 = arith.muli %add3A_454, %mul3A_455 : i32
            %get3A_457 = arith.index_cast %mul3A_456 : i32 to index
            %get3A_458 = tpu.vector_load %arg5[%get3A_457] {strides = array<i32>} : memref<32768xf32, #tpu.memory_space<vmem>>, vector<16xf32>,
            %ge3A_459 = arith.cmpf oge, %get3A_458, %scan3A_27 : vector<16xf32>
            %convert_element_type3A_460 = arith.extui %ge3A_459 : vector<16xi1> to vector<16xi32>
            %broadcast_in_dim3A_461 = arith.constant true
            %broadcast_in_dim3A_462 = vector.broadcast %broadcast_in_dim3A_461 : i1 to vector<16xi1>
            %masked_cumsum3A_463 = tpu.scan <sum>, %convert_element_type3A_460 masked %broadcast_in_dim3A_462 : vector<16xi32>, vector<16xi1> -> vector<16xi32>
            %mul3A_464 = arith.constant 4 : i32
            %mul3A_465 = arith.muli %add3A_411, %mul3A_464 : i32
            %add3A_466 = arith.constant 0 : i32
            %add3A_467 = arith.addi %mul3A_465, %add3A_466 : i32
            %add3A_468 = arith.addi %cond3A_232, %masked_cumsum3A_424 : vector<16xi32>
            %sub3A_469 = arith.constant 1 : i32
            %sub3A_470 = vector.broadcast %sub3A_469 : i32 to vector<16xi32>
            %sub3A_471 = arith.subi %add3A_468, %sub3A_470 : vector<16xi32>
            %min3A_472 = arith.constant 1023 : i32
            %min3A_473 = vector.broadcast %min3A_472 : i32 to vector<16xi32>
            %min3A_474 = arith.minsi %sub3A_471, %min3A_473 : vector<16xi32>
            %mul3A_475 = arith.constant 16 : i32
            %mul3A_476 = arith.muli %add3A_467, %mul3A_475 : i32
            %mul3A_477 = arith.constant 1024 : i32
            %mul3A_478 = arith.muli %mul3A_476, %mul3A_477 : i32
            %add3A_479 = vector.broadcast %mul3A_478 : i32 to vector<16xi32>
            %add3A_480 = arith.addi %add3A_479, %mul3A_1 : vector<16xi32>
            %add3A_481 = arith.addi %add3A_480, %min3A_474 : vector<16xi32>
            tpu.vector_store_idx %arg7[%min3A_474], %get3A_419 masked %ge3A_420 : memref<1024xf32, #tpu.memory_space<vmem>>[vector<16xi32>], vector<16xf32>, vector<16xi1>
            tpu.vector_store_idx %arg8[%min3A_474], %add3A_481 masked %ge3A_420 : memref<1024xi32, #tpu.memory_space<vmem>>[vector<16xi32>], vector<16xi32>, vector<16xi1>
            %broadcast_in_dim3A_482 = arith.constant 15 : i32
            %broadcast_in_dim3A_483 = vector.broadcast %broadcast_in_dim3A_482 : i32 to vector<16xi32>
            %reshape3A = vector.shape_cast %broadcast_in_dim3A_483 : vector<16xi32> to vector<16x1xi32>
            %gather3A = vector.shape_cast %reshape3A : vector<16x1xi32> to vector<16xi32>
            %gather3A_484 = tpu.dynamic_gather %masked_cumsum3A_424[%gather3A] in [0] : vector<16xi32>, vector<16xi32> -> vector<16xi32>
            %add3A_485 = arith.addi %cond3A_232, %gather3A_484 : vector<16xi32>
            %mul3A_486 = arith.constant 4 : i32
            %mul3A_487 = arith.muli %add3A_411, %mul3A_486 : i32
            %add3A_488 = arith.constant 1 : i32
            %add3A_489 = arith.addi %mul3A_487, %add3A_488 : i32
            %add3A_490 = arith.addi %add3A_485, %masked_cumsum3A_437 : vector<16xi32>
            %sub3A_491 = arith.constant 1 : i32
            %sub3A_492 = vector.broadcast %sub3A_491 : i32 to vector<16xi32>
            %sub3A_493 = arith.subi %add3A_490, %sub3A_492 : vector<16xi32>
            %min3A_494 = arith.constant 1023 : i32
            %min3A_495 = vector.broadcast %min3A_494 : i32 to vector<16xi32>
            %min3A_496 = arith.minsi %sub3A_493, %min3A_495 : vector<16xi32>
            %mul3A_497 = arith.constant 16 : i32
            %mul3A_498 = arith.muli %add3A_489, %mul3A_497 : i32
            %mul3A_499 = arith.constant 1024 : i32
            %mul3A_500 = arith.muli %mul3A_498, %mul3A_499 : i32
            %add3A_501 = vector.broadcast %mul3A_500 : i32 to vector<16xi32>
            %add3A_502 = arith.addi %add3A_501, %mul3A_1 : vector<16xi32>
            %add3A_503 = arith.addi %add3A_502, %min3A_496 : vector<16xi32>
            tpu.vector_store_idx %arg7[%min3A_496], %get3A_432 masked %ge3A_433 : memref<1024xf32, #tpu.memory_space<vmem>>[vector<16xi32>], vector<16xf32>, vector<16xi1>
            tpu.vector_store_idx %arg8[%min3A_496], %add3A_503 masked %ge3A_433 : memref<1024xi32, #tpu.memory_space<vmem>>[vector<16xi32>], vector<16xi32>, vector<16xi1>
            %broadcast_in_dim3A_504 = arith.constant 15 : i32
            %broadcast_in_dim3A_505 = vector.broadcast %broadcast_in_dim3A_504 : i32 to vector<16xi32>
            %reshape3A_506 = vector.shape_cast %broadcast_in_dim3A_505 : vector<16xi32> to vector<16x1xi32>
            %gather3A_507 = vector.shape_cast %reshape3A_506 : vector<16x1xi32> to vector<16xi32>
            %gather3A_508 = tpu.dynamic_gather %masked_cumsum3A_437[%gather3A_507] in [0] : vector<16xi32>, vector<16xi32> -> vector<16xi32>
            %add3A_509 = arith.addi %add3A_485, %gather3A_508 : vector<16xi32>
            %mul3A_510 = arith.constant 4 : i32
            %mul3A_511 = arith.muli %add3A_411, %mul3A_510 : i32
            %add3A_512 = arith.constant 2 : i32
            %add3A_513 = arith.addi %mul3A_511, %add3A_512 : i32
            %add3A_514 = arith.addi %add3A_509, %masked_cumsum3A_450 : vector<16xi32>
            %sub3A_515 = arith.constant 1 : i32
            %sub3A_516 = vector.broadcast %sub3A_515 : i32 to vector<16xi32>
            %sub3A_517 = arith.subi %add3A_514, %sub3A_516 : vector<16xi32>
            %min3A_518 = arith.constant 1023 : i32
            %min3A_519 = vector.broadcast %min3A_518 : i32 to vector<16xi32>
            %min3A_520 = arith.minsi %sub3A_517, %min3A_519 : vector<16xi32>
            %mul3A_521 = arith.constant 16 : i32
            %mul3A_522 = arith.muli %add3A_513, %mul3A_521 : i32
            %mul3A_523 = arith.constant 1024 : i32
            %mul3A_524 = arith.muli %mul3A_522, %mul3A_523 : i32
            %add3A_525 = vector.broadcast %mul3A_524 : i32 to vector<16xi32>
            %add3A_526 = arith.addi %add3A_525, %mul3A_1 : vector<16xi32>
            %add3A_527 = arith.addi %add3A_526, %min3A_520 : vector<16xi32>
            tpu.vector_store_idx %arg7[%min3A_520], %get3A_445 masked %ge3A_446 : memref<1024xf32, #tpu.memory_space<vmem>>[vector<16xi32>], vector<16xf32>, vector<16xi1>
            tpu.vector_store_idx %arg8[%min3A_520], %add3A_527 masked %ge3A_446 : memref<1024xi32, #tpu.memory_space<vmem>>[vector<16xi32>], vector<16xi32>, vector<16xi1>
            %broadcast_in_dim3A_528 = arith.constant 15 : i32
            %broadcast_in_dim3A_529 = vector.broadcast %broadcast_in_dim3A_528 : i32 to vector<16xi32>
            %reshape3A_530 = vector.shape_cast %broadcast_in_dim3A_529 : vector<16xi32> to vector<16x1xi32>
            %gather3A_531 = vector.shape_cast %reshape3A_530 : vector<16x1xi32> to vector<16xi32>
            %gather3A_532 = tpu.dynamic_gather %masked_cumsum3A_450[%gather3A_531] in [0] : vector<16xi32>, vector<16xi32> -> vector<16xi32>
            %add3A_533 = arith.addi %add3A_509, %gather3A_532 : vector<16xi32>
            %mul3A_534 = arith.constant 4 : i32
            %mul3A_535 = arith.muli %add3A_411, %mul3A_534 : i32
            %add3A_536 = arith.constant 3 : i32
            %add3A_537 = arith.addi %mul3A_535, %add3A_536 : i32
            %add3A_538 = arith.addi %add3A_533, %masked_cumsum3A_463 : vector<16xi32>
            %sub3A_539 = arith.constant 1 : i32
            %sub3A_540 = vector.broadcast %sub3A_539 : i32 to vector<16xi32>
            %sub3A_541 = arith.subi %add3A_538, %sub3A_540 : vector<16xi32>
            %min3A_542 = arith.constant 1023 : i32
            %min3A_543 = vector.broadcast %min3A_542 : i32 to vector<16xi32>
            %min3A_544 = arith.minsi %sub3A_541, %min3A_543 : vector<16xi32>
            %mul3A_545 = arith.constant 16 : i32
            %mul3A_546 = arith.muli %add3A_537, %mul3A_545 : i32
            %mul3A_547 = arith.constant 1024 : i32
            %mul3A_548 = arith.muli %mul3A_546, %mul3A_547 : i32
            %add3A_549 = vector.broadcast %mul3A_548 : i32 to vector<16xi32>
            %add3A_550 = arith.addi %add3A_549, %mul3A_1 : vector<16xi32>
            %add3A_551 = arith.addi %add3A_550, %min3A_544 : vector<16xi32>
            tpu.vector_store_idx %arg7[%min3A_544], %get3A_458 masked %ge3A_459 : memref<1024xf32, #tpu.memory_space<vmem>>[vector<16xi32>], vector<16xf32>, vector<16xi1>
            tpu.vector_store_idx %arg8[%min3A_544], %add3A_551 masked %ge3A_459 : memref<1024xi32, #tpu.memory_space<vmem>>[vector<16xi32>], vector<16xi32>, vector<16xi1>
            %broadcast_in_dim3A_552 = arith.constant 15 : i32
            %broadcast_in_dim3A_553 = vector.broadcast %broadcast_in_dim3A_552 : i32 to vector<16xi32>
            %reshape3A_554 = vector.shape_cast %broadcast_in_dim3A_553 : vector<16xi32> to vector<16x1xi32>
            %gather3A_555 = vector.shape_cast %reshape3A_554 : vector<16x1xi32> to vector<16xi32>
            %gather3A_556 = tpu.dynamic_gather %masked_cumsum3A_463[%gather3A_555] in [0] : vector<16xi32>, vector<16xi32> -> vector<16xi32>
            %add3A_557 = arith.addi %add3A_533, %gather3A_556 : vector<16xi32>
            scf.yield %add3A_557 : vector<16xi32>
          } else {
            scf.yield %cond3A_232 : vector<16xi32>
          }
          %shift_right_logical3A_380 = arith.constant 5 : i32
          %shift_right_logical3A_381 = arith.shrui %squeeze3A_295, %shift_right_logical3A_380 : i32
          %and3A_382 = arith.constant 31 : i32
          %and3A_383 = arith.andi %shift_right_logical3A_381, %and3A_382 : i32
          %gt3A_384 = arith.constant 0 : i32
          %gt3A_385 = arith.cmpi sgt, %and3A_383, %gt3A_384 : i32
          %convert_element_type3A_386 = arith.extui %gt3A_385 : i1 to i32
          %cond3A_387 = arith.constant 0 : i32
          %cond3A_388 = arith.cmpi ne, %convert_element_type3A_386, %cond3A_387 : i32
          %cond3A_389 = scf.if %cond3A_388 -> (vector<16xi32>) {
            %add3A_410 = arith.constant 1 : i32
            %add3A_411 = arith.addi %mul3A_236, %add3A_410 : i32
            %mul3A_412 = arith.constant 4 : i32
            %mul3A_413 = arith.muli %add3A_411, %mul3A_412 : i32
            %add3A_414 = arith.constant 0 : i32
            %add3A_415 = arith.addi %mul3A_413, %add3A_414 : i32
            %mul3A_416 = arith.constant 16 : i32
            %mul3A_417 = arith.muli %add3A_415, %mul3A_416 : i32
            %get3A_418 = arith.index_cast %mul3A_417 : i32 to index
            %get3A_419 = tpu.vector_load %arg5[%get3A_418] {strides = array<i32>} : memref<32768xf32, #tpu.memory_space<vmem>>, vector<16xf32>,
            %ge3A_420 = arith.cmpf oge, %get3A_419, %scan3A_27 : vector<16xf32>
            %convert_element_type3A_421 = arith.extui %ge3A_420 : vector<16xi1> to vector<16xi32>
            %broadcast_in_dim3A_422 = arith.constant true
            %broadcast_in_dim3A_423 = vector.broadcast %broadcast_in_dim3A_422 : i1 to vector<16xi1>
            %masked_cumsum3A_424 = tpu.scan <sum>, %convert_element_type3A_421 masked %broadcast_in_dim3A_423 : vector<16xi32>, vector<16xi1> -> vector<16xi32>
            %mul3A_425 = arith.constant 4 : i32
            %mul3A_426 = arith.muli %add3A_411, %mul3A_425 : i32
            %add3A_427 = arith.constant 1 : i32
            %add3A_428 = arith.addi %mul3A_426, %add3A_427 : i32
            %mul3A_429 = arith.constant 16 : i32
            %mul3A_430 = arith.muli %add3A_428, %mul3A_429 : i32
            %get3A_431 = arith.index_cast %mul3A_430 : i32 to index
            %get3A_432 = tpu.vector_load %arg5[%get3A_431] {strides = array<i32>} : memref<32768xf32, #tpu.memory_space<vmem>>, vector<16xf32>,
            %ge3A_433 = arith.cmpf oge, %get3A_432, %scan3A_27 : vector<16xf32>
            %convert_element_type3A_434 = arith.extui %ge3A_433 : vector<16xi1> to vector<16xi32>
            %broadcast_in_dim3A_435 = arith.constant true
            %broadcast_in_dim3A_436 = vector.broadcast %broadcast_in_dim3A_435 : i1 to vector<16xi1>
            %masked_cumsum3A_437 = tpu.scan <sum>, %convert_element_type3A_434 masked %broadcast_in_dim3A_436 : vector<16xi32>, vector<16xi1> -> vector<16xi32>
            %mul3A_438 = arith.constant 4 : i32
            %mul3A_439 = arith.muli %add3A_411, %mul3A_438 : i32
            %add3A_440 = arith.constant 2 : i32
            %add3A_441 = arith.addi %mul3A_439, %add3A_440 : i32
            %mul3A_442 = arith.constant 16 : i32
            %mul3A_443 = arith.muli %add3A_441, %mul3A_442 : i32
            %get3A_444 = arith.index_cast %mul3A_443 : i32 to index
            %get3A_445 = tpu.vector_load %arg5[%get3A_444] {strides = array<i32>} : memref<32768xf32, #tpu.memory_space<vmem>>, vector<16xf32>,
            %ge3A_446 = arith.cmpf oge, %get3A_445, %scan3A_27 : vector<16xf32>
            %convert_element_type3A_447 = arith.extui %ge3A_446 : vector<16xi1> to vector<16xi32>
            %broadcast_in_dim3A_448 = arith.constant true
            %broadcast_in_dim3A_449 = vector.broadcast %broadcast_in_dim3A_448 : i1 to vector<16xi1>
            %masked_cumsum3A_450 = tpu.scan <sum>, %convert_element_type3A_447 masked %broadcast_in_dim3A_449 : vector<16xi32>, vector<16xi1> -> vector<16xi32>
            %mul3A_451 = arith.constant 4 : i32
            %mul3A_452 = arith.muli %add3A_411, %mul3A_451 : i32
            %add3A_453 = arith.constant 3 : i32
            %add3A_454 = arith.addi %mul3A_452, %add3A_453 : i32
            %mul3A_455 = arith.constant 16 : i32
            %mul3A_456 = arith.muli %add3A_454, %mul3A_455 : i32
            %get3A_457 = arith.index_cast %mul3A_456 : i32 to index
            %get3A_458 = tpu.vector_load %arg5[%get3A_457] {strides = array<i32>} : memref<32768xf32, #tpu.memory_space<vmem>>, vector<16xf32>,
            %ge3A_459 = arith.cmpf oge, %get3A_458, %scan3A_27 : vector<16xf32>
            %convert_element_type3A_460 = arith.extui %ge3A_459 : vector<16xi1> to vector<16xi32>
            %broadcast_in_dim3A_461 = arith.constant true
            %broadcast_in_dim3A_462 = vector.broadcast %broadcast_in_dim3A_461 : i1 to vector<16xi1>
            %masked_cumsum3A_463 = tpu.scan <sum>, %convert_element_type3A_460 masked %broadcast_in_dim3A_462 : vector<16xi32>, vector<16xi1> -> vector<16xi32>
            %mul3A_464 = arith.constant 4 : i32
            %mul3A_465 = arith.muli %add3A_411, %mul3A_464 : i32
            %add3A_466 = arith.constant 0 : i32
            %add3A_467 = arith.addi %mul3A_465, %add3A_466 : i32
            %add3A_468 = arith.addi %cond3A_379, %masked_cumsum3A_424 : vector<16xi32>
            %sub3A_469 = arith.constant 1 : i32
            %sub3A_470 = vector.broadcast %sub3A_469 : i32 to vector<16xi32>
            %sub3A_471 = arith.subi %add3A_468, %sub3A_470 : vector<16xi32>
            %min3A_472 = arith.constant 1023 : i32
            %min3A_473 = vector.broadcast %min3A_472 : i32 to vector<16xi32>
            %min3A_474 = arith.minsi %sub3A_471, %min3A_473 : vector<16xi32>
            %mul3A_475 = arith.constant 16 : i32
            %mul3A_476 = arith.muli %add3A_467, %mul3A_475 : i32
            %mul3A_477 = arith.constant 1024 : i32
            %mul3A_478 = arith.muli %mul3A_476, %mul3A_477 : i32
            %add3A_479 = vector.broadcast %mul3A_478 : i32 to vector<16xi32>
            %add3A_480 = arith.addi %add3A_479, %mul3A_1 : vector<16xi32>
            %add3A_481 = arith.addi %add3A_480, %min3A_474 : vector<16xi32>
            tpu.vector_store_idx %arg7[%min3A_474], %get3A_419 masked %ge3A_420 : memref<1024xf32, #tpu.memory_space<vmem>>[vector<16xi32>], vector<16xf32>, vector<16xi1>
            tpu.vector_store_idx %arg8[%min3A_474], %add3A_481 masked %ge3A_420 : memref<1024xi32, #tpu.memory_space<vmem>>[vector<16xi32>], vector<16xi32>, vector<16xi1>
            %broadcast_in_dim3A_482 = arith.constant 15 : i32
            %broadcast_in_dim3A_483 = vector.broadcast %broadcast_in_dim3A_482 : i32 to vector<16xi32>
            %reshape3A = vector.shape_cast %broadcast_in_dim3A_483 : vector<16xi32> to vector<16x1xi32>
            %gather3A = vector.shape_cast %reshape3A : vector<16x1xi32> to vector<16xi32>
            %gather3A_484 = tpu.dynamic_gather %masked_cumsum3A_424[%gather3A] in [0] : vector<16xi32>, vector<16xi32> -> vector<16xi32>
            %add3A_485 = arith.addi %cond3A_379, %gather3A_484 : vector<16xi32>
            %mul3A_486 = arith.constant 4 : i32
            %mul3A_487 = arith.muli %add3A_411, %mul3A_486 : i32
            %add3A_488 = arith.constant 1 : i32
            %add3A_489 = arith.addi %mul3A_487, %add3A_488 : i32
            %add3A_490 = arith.addi %add3A_485, %masked_cumsum3A_437 : vector<16xi32>
            %sub3A_491 = arith.constant 1 : i32
            %sub3A_492 = vector.broadcast %sub3A_491 : i32 to vector<16xi32>
            %sub3A_493 = arith.subi %add3A_490, %sub3A_492 : vector<16xi32>
            %min3A_494 = arith.constant 1023 : i32
            %min3A_495 = vector.broadcast %min3A_494 : i32 to vector<16xi32>
            %min3A_496 = arith.minsi %sub3A_493, %min3A_495 : vector<16xi32>
            %mul3A_497 = arith.constant 16 : i32
            %mul3A_498 = arith.muli %add3A_489, %mul3A_497 : i32
            %mul3A_499 = arith.constant 1024 : i32
            %mul3A_500 = arith.muli %mul3A_498, %mul3A_499 : i32
            %add3A_501 = vector.broadcast %mul3A_500 : i32 to vector<16xi32>
            %add3A_502 = arith.addi %add3A_501, %mul3A_1 : vector<16xi32>
            %add3A_503 = arith.addi %add3A_502, %min3A_496 : vector<16xi32>
            tpu.vector_store_idx %arg7[%min3A_496], %get3A_432 masked %ge3A_433 : memref<1024xf32, #tpu.memory_space<vmem>>[vector<16xi32>], vector<16xf32>, vector<16xi1>
            tpu.vector_store_idx %arg8[%min3A_496], %add3A_503 masked %ge3A_433 : memref<1024xi32, #tpu.memory_space<vmem>>[vector<16xi32>], vector<16xi32>, vector<16xi1>
            %broadcast_in_dim3A_504 = arith.constant 15 : i32
            %broadcast_in_dim3A_505 = vector.broadcast %broadcast_in_dim3A_504 : i32 to vector<16xi32>
            %reshape3A_506 = vector.shape_cast %broadcast_in_dim3A_505 : vector<16xi32> to vector<16x1xi32>
            %gather3A_507 = vector.shape_cast %reshape3A_506 : vector<16x1xi32> to vector<16xi32>
            %gather3A_508 = tpu.dynamic_gather %masked_cumsum3A_437[%gather3A_507] in [0] : vector<16xi32>, vector<16xi32> -> vector<16xi32>
            %add3A_509 = arith.addi %add3A_485, %gather3A_508 : vector<16xi32>
            %mul3A_510 = arith.constant 4 : i32
            %mul3A_511 = arith.muli %add3A_411, %mul3A_510 : i32
            %add3A_512 = arith.constant 2 : i32
            %add3A_513 = arith.addi %mul3A_511, %add3A_512 : i32
            %add3A_514 = arith.addi %add3A_509, %masked_cumsum3A_450 : vector<16xi32>
            %sub3A_515 = arith.constant 1 : i32
            %sub3A_516 = vector.broadcast %sub3A_515 : i32 to vector<16xi32>
            %sub3A_517 = arith.subi %add3A_514, %sub3A_516 : vector<16xi32>
            %min3A_518 = arith.constant 1023 : i32
            %min3A_519 = vector.broadcast %min3A_518 : i32 to vector<16xi32>
            %min3A_520 = arith.minsi %sub3A_517, %min3A_519 : vector<16xi32>
            %mul3A_521 = arith.constant 16 : i32
            %mul3A_522 = arith.muli %add3A_513, %mul3A_521 : i32
            %mul3A_523 = arith.constant 1024 : i32
            %mul3A_524 = arith.muli %mul3A_522, %mul3A_523 : i32
            %add3A_525 = vector.broadcast %mul3A_524 : i32 to vector<16xi32>
            %add3A_526 = arith.addi %add3A_525, %mul3A_1 : vector<16xi32>
            %add3A_527 = arith.addi %add3A_526, %min3A_520 : vector<16xi32>
            tpu.vector_store_idx %arg7[%min3A_520], %get3A_445 masked %ge3A_446 : memref<1024xf32, #tpu.memory_space<vmem>>[vector<16xi32>], vector<16xf32>, vector<16xi1>
            tpu.vector_store_idx %arg8[%min3A_520], %add3A_527 masked %ge3A_446 : memref<1024xi32, #tpu.memory_space<vmem>>[vector<16xi32>], vector<16xi32>, vector<16xi1>
            %broadcast_in_dim3A_528 = arith.constant 15 : i32
            %broadcast_in_dim3A_529 = vector.broadcast %broadcast_in_dim3A_528 : i32 to vector<16xi32>
            %reshape3A_530 = vector.shape_cast %broadcast_in_dim3A_529 : vector<16xi32> to vector<16x1xi32>
            %gather3A_531 = vector.shape_cast %reshape3A_530 : vector<16x1xi32> to vector<16xi32>
            %gather3A_532 = tpu.dynamic_gather %masked_cumsum3A_450[%gather3A_531] in [0] : vector<16xi32>, vector<16xi32> -> vector<16xi32>
            %add3A_533 = arith.addi %add3A_509, %gather3A_532 : vector<16xi32>
            %mul3A_534 = arith.constant 4 : i32
            %mul3A_535 = arith.muli %add3A_411, %mul3A_534 : i32
            %add3A_536 = arith.constant 3 : i32
            %add3A_537 = arith.addi %mul3A_535, %add3A_536 : i32
            %add3A_538 = arith.addi %add3A_533, %masked_cumsum3A_463 : vector<16xi32>
            %sub3A_539 = arith.constant 1 : i32
            %sub3A_540 = vector.broadcast %sub3A_539 : i32 to vector<16xi32>
            %sub3A_541 = arith.subi %add3A_538, %sub3A_540 : vector<16xi32>
            %min3A_542 = arith.constant 1023 : i32
            %min3A_543 = vector.broadcast %min3A_542 : i32 to vector<16xi32>
            %min3A_544 = arith.minsi %sub3A_541, %min3A_543 : vector<16xi32>
            %mul3A_545 = arith.constant 16 : i32
            %mul3A_546 = arith.muli %add3A_537, %mul3A_545 : i32
            %mul3A_547 = arith.constant 1024 : i32
            %mul3A_548 = arith.muli %mul3A_546, %mul3A_547 : i32
            %add3A_549 = vector.broadcast %mul3A_548 : i32 to vector<16xi32>
            %add3A_550 = arith.addi %add3A_549, %mul3A_1 : vector<16xi32>
            %add3A_551 = arith.addi %add3A_550, %min3A_544 : vector<16xi32>
            tpu.vector_store_idx %arg7[%min3A_544], %get3A_458 masked %ge3A_459 : memref<1024xf32, #tpu.memory_space<vmem>>[vector<16xi32>], vector<16xf32>, vector<16xi1>
            tpu.vector_store_idx %arg8[%min3A_544], %add3A_551 masked %ge3A_459 : memref<1024xi32, #tpu.memory_space<vmem>>[vector<16xi32>], vector<16xi32>, vector<16xi1>
            %broadcast_in_dim3A_552 = arith.constant 15 : i32
            %broadcast_in_dim3A_553 = vector.broadcast %broadcast_in_dim3A_552 : i32 to vector<16xi32>
            %reshape3A_554 = vector.shape_cast %broadcast_in_dim3A_553 : vector<16xi32> to vector<16x1xi32>
            %gather3A_555 = vector.shape_cast %reshape3A_554 : vector<16x1xi32> to vector<16xi32>
            %gather3A_556 = tpu.dynamic_gather %masked_cumsum3A_463[%gather3A_555] in [0] : vector<16xi32>, vector<16xi32> -> vector<16xi32>
            %add3A_557 = arith.addi %add3A_533, %gather3A_556 : vector<16xi32>
            scf.yield %add3A_557 : vector<16xi32>
          } else {
            scf.yield %cond3A_379 : vector<16xi32>
          }
          %shift_right_logical3A_390 = arith.constant 10 : i32
          %shift_right_logical3A_391 = arith.shrui %squeeze3A_295, %shift_right_logical3A_390 : i32
          %and3A_392 = arith.constant 31 : i32
          %and3A_393 = arith.andi %shift_right_logical3A_391, %and3A_392 : i32
          %gt3A_394 = arith.constant 0 : i32
          %gt3A_395 = arith.cmpi sgt, %and3A_393, %gt3A_394 : i32
          %convert_element_type3A_396 = arith.extui %gt3A_395 : i1 to i32
          %cond3A_397 = arith.constant 0 : i32
          %cond3A_398 = arith.cmpi ne, %convert_element_type3A_396, %cond3A_397 : i32
          %cond3A_399 = scf.if %cond3A_398 -> (vector<16xi32>) {
            %add3A_410 = arith.constant 2 : i32
            %add3A_411 = arith.addi %mul3A_236, %add3A_410 : i32
            %mul3A_412 = arith.constant 4 : i32
            %mul3A_413 = arith.muli %add3A_411, %mul3A_412 : i32
            %add3A_414 = arith.constant 0 : i32
            %add3A_415 = arith.addi %mul3A_413, %add3A_414 : i32
            %mul3A_416 = arith.constant 16 : i32
            %mul3A_417 = arith.muli %add3A_415, %mul3A_416 : i32
            %get3A_418 = arith.index_cast %mul3A_417 : i32 to index
            %get3A_419 = tpu.vector_load %arg5[%get3A_418] {strides = array<i32>} : memref<32768xf32, #tpu.memory_space<vmem>>, vector<16xf32>,
            %ge3A_420 = arith.cmpf oge, %get3A_419, %scan3A_27 : vector<16xf32>
            %convert_element_type3A_421 = arith.extui %ge3A_420 : vector<16xi1> to vector<16xi32>
            %broadcast_in_dim3A_422 = arith.constant true
            %broadcast_in_dim3A_423 = vector.broadcast %broadcast_in_dim3A_422 : i1 to vector<16xi1>
            %masked_cumsum3A_424 = tpu.scan <sum>, %convert_element_type3A_421 masked %broadcast_in_dim3A_423 : vector<16xi32>, vector<16xi1> -> vector<16xi32>
            %mul3A_425 = arith.constant 4 : i32
            %mul3A_426 = arith.muli %add3A_411, %mul3A_425 : i32
            %add3A_427 = arith.constant 1 : i32
            %add3A_428 = arith.addi %mul3A_426, %add3A_427 : i32
            %mul3A_429 = arith.constant 16 : i32
            %mul3A_430 = arith.muli %add3A_428, %mul3A_429 : i32
            %get3A_431 = arith.index_cast %mul3A_430 : i32 to index
            %get3A_432 = tpu.vector_load %arg5[%get3A_431] {strides = array<i32>} : memref<32768xf32, #tpu.memory_space<vmem>>, vector<16xf32>,
            %ge3A_433 = arith.cmpf oge, %get3A_432, %scan3A_27 : vector<16xf32>
            %convert_element_type3A_434 = arith.extui %ge3A_433 : vector<16xi1> to vector<16xi32>
            %broadcast_in_dim3A_435 = arith.constant true
            %broadcast_in_dim3A_436 = vector.broadcast %broadcast_in_dim3A_435 : i1 to vector<16xi1>
            %masked_cumsum3A_437 = tpu.scan <sum>, %convert_element_type3A_434 masked %broadcast_in_dim3A_436 : vector<16xi32>, vector<16xi1> -> vector<16xi32>
            %mul3A_438 = arith.constant 4 : i32
            %mul3A_439 = arith.muli %add3A_411, %mul3A_438 : i32
            %add3A_440 = arith.constant 2 : i32
            %add3A_441 = arith.addi %mul3A_439, %add3A_440 : i32
            %mul3A_442 = arith.constant 16 : i32
            %mul3A_443 = arith.muli %add3A_441, %mul3A_442 : i32
            %get3A_444 = arith.index_cast %mul3A_443 : i32 to index
            %get3A_445 = tpu.vector_load %arg5[%get3A_444] {strides = array<i32>} : memref<32768xf32, #tpu.memory_space<vmem>>, vector<16xf32>,
            %ge3A_446 = arith.cmpf oge, %get3A_445, %scan3A_27 : vector<16xf32>
            %convert_element_type3A_447 = arith.extui %ge3A_446 : vector<16xi1> to vector<16xi32>
            %broadcast_in_dim3A_448 = arith.constant true
            %broadcast_in_dim3A_449 = vector.broadcast %broadcast_in_dim3A_448 : i1 to vector<16xi1>
            %masked_cumsum3A_450 = tpu.scan <sum>, %convert_element_type3A_447 masked %broadcast_in_dim3A_449 : vector<16xi32>, vector<16xi1> -> vector<16xi32>
            %mul3A_451 = arith.constant 4 : i32
            %mul3A_452 = arith.muli %add3A_411, %mul3A_451 : i32
            %add3A_453 = arith.constant 3 : i32
            %add3A_454 = arith.addi %mul3A_452, %add3A_453 : i32
            %mul3A_455 = arith.constant 16 : i32
            %mul3A_456 = arith.muli %add3A_454, %mul3A_455 : i32
            %get3A_457 = arith.index_cast %mul3A_456 : i32 to index
            %get3A_458 = tpu.vector_load %arg5[%get3A_457] {strides = array<i32>} : memref<32768xf32, #tpu.memory_space<vmem>>, vector<16xf32>,
            %ge3A_459 = arith.cmpf oge, %get3A_458, %scan3A_27 : vector<16xf32>
            %convert_element_type3A_460 = arith.extui %ge3A_459 : vector<16xi1> to vector<16xi32>
            %broadcast_in_dim3A_461 = arith.constant true
            %broadcast_in_dim3A_462 = vector.broadcast %broadcast_in_dim3A_461 : i1 to vector<16xi1>
            %masked_cumsum3A_463 = tpu.scan <sum>, %convert_element_type3A_460 masked %broadcast_in_dim3A_462 : vector<16xi32>, vector<16xi1> -> vector<16xi32>
            %mul3A_464 = arith.constant 4 : i32
            %mul3A_465 = arith.muli %add3A_411, %mul3A_464 : i32
            %add3A_466 = arith.constant 0 : i32
            %add3A_467 = arith.addi %mul3A_465, %add3A_466 : i32
            %add3A_468 = arith.addi %cond3A_389, %masked_cumsum3A_424 : vector<16xi32>
            %sub3A_469 = arith.constant 1 : i32
            %sub3A_470 = vector.broadcast %sub3A_469 : i32 to vector<16xi32>
            %sub3A_471 = arith.subi %add3A_468, %sub3A_470 : vector<16xi32>
            %min3A_472 = arith.constant 1023 : i32
            %min3A_473 = vector.broadcast %min3A_472 : i32 to vector<16xi32>
            %min3A_474 = arith.minsi %sub3A_471, %min3A_473 : vector<16xi32>
            %mul3A_475 = arith.constant 16 : i32
            %mul3A_476 = arith.muli %add3A_467, %mul3A_475 : i32
            %mul3A_477 = arith.constant 1024 : i32
            %mul3A_478 = arith.muli %mul3A_476, %mul3A_477 : i32
            %add3A_479 = vector.broadcast %mul3A_478 : i32 to vector<16xi32>
            %add3A_480 = arith.addi %add3A_479, %mul3A_1 : vector<16xi32>
            %add3A_481 = arith.addi %add3A_480, %min3A_474 : vector<16xi32>
            tpu.vector_store_idx %arg7[%min3A_474], %get3A_419 masked %ge3A_420 : memref<1024xf32, #tpu.memory_space<vmem>>[vector<16xi32>], vector<16xf32>, vector<16xi1>
            tpu.vector_store_idx %arg8[%min3A_474], %add3A_481 masked %ge3A_420 : memref<1024xi32, #tpu.memory_space<vmem>>[vector<16xi32>], vector<16xi32>, vector<16xi1>
            %broadcast_in_dim3A_482 = arith.constant 15 : i32
            %broadcast_in_dim3A_483 = vector.broadcast %broadcast_in_dim3A_482 : i32 to vector<16xi32>
            %reshape3A = vector.shape_cast %broadcast_in_dim3A_483 : vector<16xi32> to vector<16x1xi32>
            %gather3A = vector.shape_cast %reshape3A : vector<16x1xi32> to vector<16xi32>
            %gather3A_484 = tpu.dynamic_gather %masked_cumsum3A_424[%gather3A] in [0] : vector<16xi32>, vector<16xi32> -> vector<16xi32>
            %add3A_485 = arith.addi %cond3A_389, %gather3A_484 : vector<16xi32>
            %mul3A_486 = arith.constant 4 : i32
            %mul3A_487 = arith.muli %add3A_411, %mul3A_486 : i32
            %add3A_488 = arith.constant 1 : i32
            %add3A_489 = arith.addi %mul3A_487, %add3A_488 : i32
            %add3A_490 = arith.addi %add3A_485, %masked_cumsum3A_437 : vector<16xi32>
            %sub3A_491 = arith.constant 1 : i32
            %sub3A_492 = vector.broadcast %sub3A_491 : i32 to vector<16xi32>
            %sub3A_493 = arith.subi %add3A_490, %sub3A_492 : vector<16xi32>
            %min3A_494 = arith.constant 1023 : i32
            %min3A_495 = vector.broadcast %min3A_494 : i32 to vector<16xi32>
            %min3A_496 = arith.minsi %sub3A_493, %min3A_495 : vector<16xi32>
            %mul3A_497 = arith.constant 16 : i32
            %mul3A_498 = arith.muli %add3A_489, %mul3A_497 : i32
            %mul3A_499 = arith.constant 1024 : i32
            %mul3A_500 = arith.muli %mul3A_498, %mul3A_499 : i32
            %add3A_501 = vector.broadcast %mul3A_500 : i32 to vector<16xi32>
            %add3A_502 = arith.addi %add3A_501, %mul3A_1 : vector<16xi32>
            %add3A_503 = arith.addi %add3A_502, %min3A_496 : vector<16xi32>
            tpu.vector_store_idx %arg7[%min3A_496], %get3A_432 masked %ge3A_433 : memref<1024xf32, #tpu.memory_space<vmem>>[vector<16xi32>], vector<16xf32>, vector<16xi1>
            tpu.vector_store_idx %arg8[%min3A_496], %add3A_503 masked %ge3A_433 : memref<1024xi32, #tpu.memory_space<vmem>>[vector<16xi32>], vector<16xi32>, vector<16xi1>
            %broadcast_in_dim3A_504 = arith.constant 15 : i32
            %broadcast_in_dim3A_505 = vector.broadcast %broadcast_in_dim3A_504 : i32 to vector<16xi32>
            %reshape3A_506 = vector.shape_cast %broadcast_in_dim3A_505 : vector<16xi32> to vector<16x1xi32>
            %gather3A_507 = vector.shape_cast %reshape3A_506 : vector<16x1xi32> to vector<16xi32>
            %gather3A_508 = tpu.dynamic_gather %masked_cumsum3A_437[%gather3A_507] in [0] : vector<16xi32>, vector<16xi32> -> vector<16xi32>
            %add3A_509 = arith.addi %add3A_485, %gather3A_508 : vector<16xi32>
            %mul3A_510 = arith.constant 4 : i32
            %mul3A_511 = arith.muli %add3A_411, %mul3A_510 : i32
            %add3A_512 = arith.constant 2 : i32
            %add3A_513 = arith.addi %mul3A_511, %add3A_512 : i32
            %add3A_514 = arith.addi %add3A_509, %masked_cumsum3A_450 : vector<16xi32>
            %sub3A_515 = arith.constant 1 : i32
            %sub3A_516 = vector.broadcast %sub3A_515 : i32 to vector<16xi32>
            %sub3A_517 = arith.subi %add3A_514, %sub3A_516 : vector<16xi32>
            %min3A_518 = arith.constant 1023 : i32
            %min3A_519 = vector.broadcast %min3A_518 : i32 to vector<16xi32>
            %min3A_520 = arith.minsi %sub3A_517, %min3A_519 : vector<16xi32>
            %mul3A_521 = arith.constant 16 : i32
            %mul3A_522 = arith.muli %add3A_513, %mul3A_521 : i32
            %mul3A_523 = arith.constant 1024 : i32
            %mul3A_524 = arith.muli %mul3A_522, %mul3A_523 : i32
            %add3A_525 = vector.broadcast %mul3A_524 : i32 to vector<16xi32>
            %add3A_526 = arith.addi %add3A_525, %mul3A_1 : vector<16xi32>
            %add3A_527 = arith.addi %add3A_526, %min3A_520 : vector<16xi32>
            tpu.vector_store_idx %arg7[%min3A_520], %get3A_445 masked %ge3A_446 : memref<1024xf32, #tpu.memory_space<vmem>>[vector<16xi32>], vector<16xf32>, vector<16xi1>
            tpu.vector_store_idx %arg8[%min3A_520], %add3A_527 masked %ge3A_446 : memref<1024xi32, #tpu.memory_space<vmem>>[vector<16xi32>], vector<16xi32>, vector<16xi1>
            %broadcast_in_dim3A_528 = arith.constant 15 : i32
            %broadcast_in_dim3A_529 = vector.broadcast %broadcast_in_dim3A_528 : i32 to vector<16xi32>
            %reshape3A_530 = vector.shape_cast %broadcast_in_dim3A_529 : vector<16xi32> to vector<16x1xi32>
            %gather3A_531 = vector.shape_cast %reshape3A_530 : vector<16x1xi32> to vector<16xi32>
            %gather3A_532 = tpu.dynamic_gather %masked_cumsum3A_450[%gather3A_531] in [0] : vector<16xi32>, vector<16xi32> -> vector<16xi32>
            %add3A_533 = arith.addi %add3A_509, %gather3A_532 : vector<16xi32>
            %mul3A_534 = arith.constant 4 : i32
            %mul3A_535 = arith.muli %add3A_411, %mul3A_534 : i32
            %add3A_536 = arith.constant 3 : i32
            %add3A_537 = arith.addi %mul3A_535, %add3A_536 : i32
            %add3A_538 = arith.addi %add3A_533, %masked_cumsum3A_463 : vector<16xi32>
            %sub3A_539 = arith.constant 1 : i32
            %sub3A_540 = vector.broadcast %sub3A_539 : i32 to vector<16xi32>
            %sub3A_541 = arith.subi %add3A_538, %sub3A_540 : vector<16xi32>
            %min3A_542 = arith.constant 1023 : i32
            %min3A_543 = vector.broadcast %min3A_542 : i32 to vector<16xi32>
            %min3A_544 = arith.minsi %sub3A_541, %min3A_543 : vector<16xi32>
            %mul3A_545 = arith.constant 16 : i32
            %mul3A_546 = arith.muli %add3A_537, %mul3A_545 : i32
            %mul3A_547 = arith.constant 1024 : i32
            %mul3A_548 = arith.muli %mul3A_546, %mul3A_547 : i32
            %add3A_549 = vector.broadcast %mul3A_548 : i32 to vector<16xi32>
            %add3A_550 = arith.addi %add3A_549, %mul3A_1 : vector<16xi32>
            %add3A_551 = arith.addi %add3A_550, %min3A_544 : vector<16xi32>
            tpu.vector_store_idx %arg7[%min3A_544], %get3A_458 masked %ge3A_459 : memref<1024xf32, #tpu.memory_space<vmem>>[vector<16xi32>], vector<16xf32>, vector<16xi1>
            tpu.vector_store_idx %arg8[%min3A_544], %add3A_551 masked %ge3A_459 : memref<1024xi32, #tpu.memory_space<vmem>>[vector<16xi32>], vector<16xi32>, vector<16xi1>
            %broadcast_in_dim3A_552 = arith.constant 15 : i32
            %broadcast_in_dim3A_553 = vector.broadcast %broadcast_in_dim3A_552 : i32 to vector<16xi32>
            %reshape3A_554 = vector.shape_cast %broadcast_in_dim3A_553 : vector<16xi32> to vector<16x1xi32>
            %gather3A_555 = vector.shape_cast %reshape3A_554 : vector<16x1xi32> to vector<16xi32>
            %gather3A_556 = tpu.dynamic_gather %masked_cumsum3A_463[%gather3A_555] in [0] : vector<16xi32>, vector<16xi32> -> vector<16xi32>
            %add3A_557 = arith.addi %add3A_533, %gather3A_556 : vector<16xi32>
            scf.yield %add3A_557 : vector<16xi32>
          } else {
            scf.yield %cond3A_389 : vector<16xi32>
          }
          %shift_right_logical3A_400 = arith.constant 15 : i32
          %shift_right_logical3A_401 = arith.shrui %squeeze3A_295, %shift_right_logical3A_400 : i32
          %and3A_402 = arith.constant 31 : i32
          %and3A_403 = arith.andi %shift_right_logical3A_401, %and3A_402 : i32
          %gt3A_404 = arith.constant 0 : i32
          %gt3A_405 = arith.cmpi sgt, %and3A_403, %gt3A_404 : i32
          %convert_element_type3A_406 = arith.extui %gt3A_405 : i1 to i32
          %cond3A_407 = arith.constant 0 : i32
          %cond3A_408 = arith.cmpi ne, %convert_element_type3A_406, %cond3A_407 : i32
          %cond3A_409 = scf.if %cond3A_408 -> (vector<16xi32>) {
            %add3A_410 = arith.constant 3 : i32
            %add3A_411 = arith.addi %mul3A_236, %add3A_410 : i32
            %mul3A_412 = arith.constant 4 : i32
            %mul3A_413 = arith.muli %add3A_411, %mul3A_412 : i32
            %add3A_414 = arith.constant 0 : i32
            %add3A_415 = arith.addi %mul3A_413, %add3A_414 : i32
            %mul3A_416 = arith.constant 16 : i32
            %mul3A_417 = arith.muli %add3A_415, %mul3A_416 : i32
            %get3A_418 = arith.index_cast %mul3A_417 : i32 to index
            %get3A_419 = tpu.vector_load %arg5[%get3A_418] {strides = array<i32>} : memref<32768xf32, #tpu.memory_space<vmem>>, vector<16xf32>,
            %ge3A_420 = arith.cmpf oge, %get3A_419, %scan3A_27 : vector<16xf32>
            %convert_element_type3A_421 = arith.extui %ge3A_420 : vector<16xi1> to vector<16xi32>
            %broadcast_in_dim3A_422 = arith.constant true
            %broadcast_in_dim3A_423 = vector.broadcast %broadcast_in_dim3A_422 : i1 to vector<16xi1>
            %masked_cumsum3A_424 = tpu.scan <sum>, %convert_element_type3A_421 masked %broadcast_in_dim3A_423 : vector<16xi32>, vector<16xi1> -> vector<16xi32>
            %mul3A_425 = arith.constant 4 : i32
            %mul3A_426 = arith.muli %add3A_411, %mul3A_425 : i32
            %add3A_427 = arith.constant 1 : i32
            %add3A_428 = arith.addi %mul3A_426, %add3A_427 : i32
            %mul3A_429 = arith.constant 16 : i32
            %mul3A_430 = arith.muli %add3A_428, %mul3A_429 : i32
            %get3A_431 = arith.index_cast %mul3A_430 : i32 to index
            %get3A_432 = tpu.vector_load %arg5[%get3A_431] {strides = array<i32>} : memref<32768xf32, #tpu.memory_space<vmem>>, vector<16xf32>,
            %ge3A_433 = arith.cmpf oge, %get3A_432, %scan3A_27 : vector<16xf32>
            %convert_element_type3A_434 = arith.extui %ge3A_433 : vector<16xi1> to vector<16xi32>
            %broadcast_in_dim3A_435 = arith.constant true
            %broadcast_in_dim3A_436 = vector.broadcast %broadcast_in_dim3A_435 : i1 to vector<16xi1>
            %masked_cumsum3A_437 = tpu.scan <sum>, %convert_element_type3A_434 masked %broadcast_in_dim3A_436 : vector<16xi32>, vector<16xi1> -> vector<16xi32>
            %mul3A_438 = arith.constant 4 : i32
            %mul3A_439 = arith.muli %add3A_411, %mul3A_438 : i32
            %add3A_440 = arith.constant 2 : i32
            %add3A_441 = arith.addi %mul3A_439, %add3A_440 : i32
            %mul3A_442 = arith.constant 16 : i32
            %mul3A_443 = arith.muli %add3A_441, %mul3A_442 : i32
            %get3A_444 = arith.index_cast %mul3A_443 : i32 to index
            %get3A_445 = tpu.vector_load %arg5[%get3A_444] {strides = array<i32>} : memref<32768xf32, #tpu.memory_space<vmem>>, vector<16xf32>,
            %ge3A_446 = arith.cmpf oge, %get3A_445, %scan3A_27 : vector<16xf32>
            %convert_element_type3A_447 = arith.extui %ge3A_446 : vector<16xi1> to vector<16xi32>
            %broadcast_in_dim3A_448 = arith.constant true
            %broadcast_in_dim3A_449 = vector.broadcast %broadcast_in_dim3A_448 : i1 to vector<16xi1>
            %masked_cumsum3A_450 = tpu.scan <sum>, %convert_element_type3A_447 masked %broadcast_in_dim3A_449 : vector<16xi32>, vector<16xi1> -> vector<16xi32>
            %mul3A_451 = arith.constant 4 : i32
            %mul3A_452 = arith.muli %add3A_411, %mul3A_451 : i32
            %add3A_453 = arith.constant 3 : i32
            %add3A_454 = arith.addi %mul3A_452, %add3A_453 : i32
            %mul3A_455 = arith.constant 16 : i32
            %mul3A_456 = arith.muli %add3A_454, %mul3A_455 : i32
            %get3A_457 = arith.index_cast %mul3A_456 : i32 to index
            %get3A_458 = tpu.vector_load %arg5[%get3A_457] {strides = array<i32>} : memref<32768xf32, #tpu.memory_space<vmem>>, vector<16xf32>,
            %ge3A_459 = arith.cmpf oge, %get3A_458, %scan3A_27 : vector<16xf32>
            %convert_element_type3A_460 = arith.extui %ge3A_459 : vector<16xi1> to vector<16xi32>
            %broadcast_in_dim3A_461 = arith.constant true
            %broadcast_in_dim3A_462 = vector.broadcast %broadcast_in_dim3A_461 : i1 to vector<16xi1>
            %masked_cumsum3A_463 = tpu.scan <sum>, %convert_element_type3A_460 masked %broadcast_in_dim3A_462 : vector<16xi32>, vector<16xi1> -> vector<16xi32>
            %mul3A_464 = arith.constant 4 : i32
            %mul3A_465 = arith.muli %add3A_411, %mul3A_464 : i32
            %add3A_466 = arith.constant 0 : i32
            %add3A_467 = arith.addi %mul3A_465, %add3A_466 : i32
            %add3A_468 = arith.addi %cond3A_399, %masked_cumsum3A_424 : vector<16xi32>
            %sub3A_469 = arith.constant 1 : i32
            %sub3A_470 = vector.broadcast %sub3A_469 : i32 to vector<16xi32>
            %sub3A_471 = arith.subi %add3A_468, %sub3A_470 : vector<16xi32>
            %min3A_472 = arith.constant 1023 : i32
            %min3A_473 = vector.broadcast %min3A_472 : i32 to vector<16xi32>
            %min3A_474 = arith.minsi %sub3A_471, %min3A_473 : vector<16xi32>
            %mul3A_475 = arith.constant 16 : i32
            %mul3A_476 = arith.muli %add3A_467, %mul3A_475 : i32
            %mul3A_477 = arith.constant 1024 : i32
            %mul3A_478 = arith.muli %mul3A_476, %mul3A_477 : i32
            %add3A_479 = vector.broadcast %mul3A_478 : i32 to vector<16xi32>
            %add3A_480 = arith.addi %add3A_479, %mul3A_1 : vector<16xi32>
            %add3A_481 = arith.addi %add3A_480, %min3A_474 : vector<16xi32>
            tpu.vector_store_idx %arg7[%min3A_474], %get3A_419 masked %ge3A_420 : memref<1024xf32, #tpu.memory_space<vmem>>[vector<16xi32>], vector<16xf32>, vector<16xi1>
            tpu.vector_store_idx %arg8[%min3A_474], %add3A_481 masked %ge3A_420 : memref<1024xi32, #tpu.memory_space<vmem>>[vector<16xi32>], vector<16xi32>, vector<16xi1>
            %broadcast_in_dim3A_482 = arith.constant 15 : i32
            %broadcast_in_dim3A_483 = vector.broadcast %broadcast_in_dim3A_482 : i32 to vector<16xi32>
            %reshape3A = vector.shape_cast %broadcast_in_dim3A_483 : vector<16xi32> to vector<16x1xi32>
            %gather3A = vector.shape_cast %reshape3A : vector<16x1xi32> to vector<16xi32>
            %gather3A_484 = tpu.dynamic_gather %masked_cumsum3A_424[%gather3A] in [0] : vector<16xi32>, vector<16xi32> -> vector<16xi32>
            %add3A_485 = arith.addi %cond3A_399, %gather3A_484 : vector<16xi32>
            %mul3A_486 = arith.constant 4 : i32
            %mul3A_487 = arith.muli %add3A_411, %mul3A_486 : i32
            %add3A_488 = arith.constant 1 : i32
            %add3A_489 = arith.addi %mul3A_487, %add3A_488 : i32
            %add3A_490 = arith.addi %add3A_485, %masked_cumsum3A_437 : vector<16xi32>
            %sub3A_491 = arith.constant 1 : i32
            %sub3A_492 = vector.broadcast %sub3A_491 : i32 to vector<16xi32>
            %sub3A_493 = arith.subi %add3A_490, %sub3A_492 : vector<16xi32>
            %min3A_494 = arith.constant 1023 : i32
            %min3A_495 = vector.broadcast %min3A_494 : i32 to vector<16xi32>
            %min3A_496 = arith.minsi %sub3A_493, %min3A_495 : vector<16xi32>
            %mul3A_497 = arith.constant 16 : i32
            %mul3A_498 = arith.muli %add3A_489, %mul3A_497 : i32
            %mul3A_499 = arith.constant 1024 : i32
            %mul3A_500 = arith.muli %mul3A_498, %mul3A_499 : i32
            %add3A_501 = vector.broadcast %mul3A_500 : i32 to vector<16xi32>
            %add3A_502 = arith.addi %add3A_501, %mul3A_1 : vector<16xi32>
            %add3A_503 = arith.addi %add3A_502, %min3A_496 : vector<16xi32>
            tpu.vector_store_idx %arg7[%min3A_496], %get3A_432 masked %ge3A_433 : memref<1024xf32, #tpu.memory_space<vmem>>[vector<16xi32>], vector<16xf32>, vector<16xi1>
            tpu.vector_store_idx %arg8[%min3A_496], %add3A_503 masked %ge3A_433 : memref<1024xi32, #tpu.memory_space<vmem>>[vector<16xi32>], vector<16xi32>, vector<16xi1>
            %broadcast_in_dim3A_504 = arith.constant 15 : i32
            %broadcast_in_dim3A_505 = vector.broadcast %broadcast_in_dim3A_504 : i32 to vector<16xi32>
            %reshape3A_506 = vector.shape_cast %broadcast_in_dim3A_505 : vector<16xi32> to vector<16x1xi32>
            %gather3A_507 = vector.shape_cast %reshape3A_506 : vector<16x1xi32> to vector<16xi32>
            %gather3A_508 = tpu.dynamic_gather %masked_cumsum3A_437[%gather3A_507] in [0] : vector<16xi32>, vector<16xi32> -> vector<16xi32>
            %add3A_509 = arith.addi %add3A_485, %gather3A_508 : vector<16xi32>
            %mul3A_510 = arith.constant 4 : i32
            %mul3A_511 = arith.muli %add3A_411, %mul3A_510 : i32
            %add3A_512 = arith.constant 2 : i32
            %add3A_513 = arith.addi %mul3A_511, %add3A_512 : i32
            %add3A_514 = arith.addi %add3A_509, %masked_cumsum3A_450 : vector<16xi32>
            %sub3A_515 = arith.constant 1 : i32
            %sub3A_516 = vector.broadcast %sub3A_515 : i32 to vector<16xi32>
            %sub3A_517 = arith.subi %add3A_514, %sub3A_516 : vector<16xi32>
            %min3A_518 = arith.constant 1023 : i32
            %min3A_519 = vector.broadcast %min3A_518 : i32 to vector<16xi32>
            %min3A_520 = arith.minsi %sub3A_517, %min3A_519 : vector<16xi32>
            %mul3A_521 = arith.constant 16 : i32
            %mul3A_522 = arith.muli %add3A_513, %mul3A_521 : i32
            %mul3A_523 = arith.constant 1024 : i32
            %mul3A_524 = arith.muli %mul3A_522, %mul3A_523 : i32
            %add3A_525 = vector.broadcast %mul3A_524 : i32 to vector<16xi32>
            %add3A_526 = arith.addi %add3A_525, %mul3A_1 : vector<16xi32>
            %add3A_527 = arith.addi %add3A_526, %min3A_520 : vector<16xi32>
            tpu.vector_store_idx %arg7[%min3A_520], %get3A_445 masked %ge3A_446 : memref<1024xf32, #tpu.memory_space<vmem>>[vector<16xi32>], vector<16xf32>, vector<16xi1>
            tpu.vector_store_idx %arg8[%min3A_520], %add3A_527 masked %ge3A_446 : memref<1024xi32, #tpu.memory_space<vmem>>[vector<16xi32>], vector<16xi32>, vector<16xi1>
            %broadcast_in_dim3A_528 = arith.constant 15 : i32
            %broadcast_in_dim3A_529 = vector.broadcast %broadcast_in_dim3A_528 : i32 to vector<16xi32>
            %reshape3A_530 = vector.shape_cast %broadcast_in_dim3A_529 : vector<16xi32> to vector<16x1xi32>
            %gather3A_531 = vector.shape_cast %reshape3A_530 : vector<16x1xi32> to vector<16xi32>
            %gather3A_532 = tpu.dynamic_gather %masked_cumsum3A_450[%gather3A_531] in [0] : vector<16xi32>, vector<16xi32> -> vector<16xi32>
            %add3A_533 = arith.addi %add3A_509, %gather3A_532 : vector<16xi32>
            %mul3A_534 = arith.constant 4 : i32
            %mul3A_535 = arith.muli %add3A_411, %mul3A_534 : i32
            %add3A_536 = arith.constant 3 : i32
            %add3A_537 = arith.addi %mul3A_535, %add3A_536 : i32
            %add3A_538 = arith.addi %add3A_533, %masked_cumsum3A_463 : vector<16xi32>
            %sub3A_539 = arith.constant 1 : i32
            %sub3A_540 = vector.broadcast %sub3A_539 : i32 to vector<16xi32>
            %sub3A_541 = arith.subi %add3A_538, %sub3A_540 : vector<16xi32>
            %min3A_542 = arith.constant 1023 : i32
            %min3A_543 = vector.broadcast %min3A_542 : i32 to vector<16xi32>
            %min3A_544 = arith.minsi %sub3A_541, %min3A_543 : vector<16xi32>
            %mul3A_545 = arith.constant 16 : i32
            %mul3A_546 = arith.muli %add3A_537, %mul3A_545 : i32
            %mul3A_547 = arith.constant 1024 : i32
            %mul3A_548 = arith.muli %mul3A_546, %mul3A_547 : i32
            %add3A_549 = vector.broadcast %mul3A_548 : i32 to vector<16xi32>
            %add3A_550 = arith.addi %add3A_549, %mul3A_1 : vector<16xi32>
            %add3A_551 = arith.addi %add3A_550, %min3A_544 : vector<16xi32>
            tpu.vector_store_idx %arg7[%min3A_544], %get3A_458 masked %ge3A_459 : memref<1024xf32, #tpu.memory_space<vmem>>[vector<16xi32>], vector<16xf32>, vector<16xi1>
            tpu.vector_store_idx %arg8[%min3A_544], %add3A_551 masked %ge3A_459 : memref<1024xi32, #tpu.memory_space<vmem>>[vector<16xi32>], vector<16xi32>, vector<16xi1>
            %broadcast_in_dim3A_552 = arith.constant 15 : i32
            %broadcast_in_dim3A_553 = vector.broadcast %broadcast_in_dim3A_552 : i32 to vector<16xi32>
            %reshape3A_554 = vector.shape_cast %broadcast_in_dim3A_553 : vector<16xi32> to vector<16x1xi32>
            %gather3A_555 = vector.shape_cast %reshape3A_554 : vector<16x1xi32> to vector<16xi32>
            %gather3A_556 = tpu.dynamic_gather %masked_cumsum3A_463[%gather3A_555] in [0] : vector<16xi32>, vector<16xi32> -> vector<16xi32>
            %add3A_557 = arith.addi %add3A_533, %gather3A_556 : vector<16xi32>
            scf.yield %add3A_557 : vector<16xi32>
          } else {
            scf.yield %cond3A_399 : vector<16xi32>
          }
          scf.yield %cond3A_409 : vector<16xi32>
        } else {
          scf.yield %cond3A_232 : vector<16xi32>
        }
        %scan3A_302 = arith.constant 3 : i32
        %scan3A_303 = arith.addi %scan3A_99, %scan3A_302 : i32
        %mul3A_304 = arith.constant 4 : i32
        %mul3A_305 = arith.muli %scan3A_303, %mul3A_304 : i32
        %broadcast_in_dim3A_306 = arith.constant 0 : i32
        %broadcast_in_dim3A_307 = vector.broadcast %broadcast_in_dim3A_306 : i32 to vector<16xi32>
        %add3A_308 = arith.constant 0 : i32
        %add3A_309 = arith.addi %mul3A_305, %add3A_308 : i32
        %mul3A_310 = arith.constant 16 : i32
        %mul3A_311 = arith.muli %add3A_309, %mul3A_310 : i32
        %get3A_312 = arith.index_cast %mul3A_311 : i32 to index
        %get3A_313 = tpu.vector_load %arg6[%get3A_312] {strides = array<i32>} : memref<8192xf32, #tpu.memory_space<vmem>>, vector<16xf32>,
        %ge3A_314 = arith.cmpf oge, %get3A_313, %scan3A_27 : vector<16xf32>
        %jit3A_315 = arith.constant 1 : i32
        %jit3A_316 = arith.constant 0 : i32
        %broadcast_in_dim3A_317 = vector.broadcast %jit3A_315 : i32 to vector<16xi32>
        %broadcast_in_dim3A_318 = vector.broadcast %jit3A_316 : i32 to vector<16xi32>
        %select_n3A_319 = arith.select %ge3A_314, %broadcast_in_dim3A_317, %broadcast_in_dim3A_318 : vector<16xi1>, vector<16xi32>
        %add3A_320 = arith.addi %broadcast_in_dim3A_307, %select_n3A_319 : vector<16xi32>
        %add3A_321 = arith.constant 1 : i32
        %add3A_322 = arith.addi %mul3A_305, %add3A_321 : i32
        %mul3A_323 = arith.constant 16 : i32
        %mul3A_324 = arith.muli %add3A_322, %mul3A_323 : i32
        %get3A_325 = arith.index_cast %mul3A_324 : i32 to index
        %get3A_326 = tpu.vector_load %arg6[%get3A_325] {strides = array<i32>} : memref<8192xf32, #tpu.memory_space<vmem>>, vector<16xf32>,
        %ge3A_327 = arith.cmpf oge, %get3A_326, %scan3A_27 : vector<16xf32>
        %jit3A_328 = arith.constant 32 : i32
        %jit3A_329 = arith.constant 0 : i32
        %broadcast_in_dim3A_330 = vector.broadcast %jit3A_328 : i32 to vector<16xi32>
        %broadcast_in_dim3A_331 = vector.broadcast %jit3A_329 : i32 to vector<16xi32>
        %select_n3A_332 = arith.select %ge3A_327, %broadcast_in_dim3A_330, %broadcast_in_dim3A_331 : vector<16xi1>, vector<16xi32>
        %add3A_333 = arith.addi %add3A_320, %select_n3A_332 : vector<16xi32>
        %add3A_334 = arith.constant 2 : i32
        %add3A_335 = arith.addi %mul3A_305, %add3A_334 : i32
        %mul3A_336 = arith.constant 16 : i32
        %mul3A_337 = arith.muli %add3A_335, %mul3A_336 : i32
        %get3A_338 = arith.index_cast %mul3A_337 : i32 to index
        %get3A_339 = tpu.vector_load %arg6[%get3A_338] {strides = array<i32>} : memref<8192xf32, #tpu.memory_space<vmem>>, vector<16xf32>,
        %ge3A_340 = arith.cmpf oge, %get3A_339, %scan3A_27 : vector<16xf32>
        %jit3A_341 = arith.constant 1024 : i32
        %jit3A_342 = arith.constant 0 : i32
        %broadcast_in_dim3A_343 = vector.broadcast %jit3A_341 : i32 to vector<16xi32>
        %broadcast_in_dim3A_344 = vector.broadcast %jit3A_342 : i32 to vector<16xi32>
        %select_n3A_345 = arith.select %ge3A_340, %broadcast_in_dim3A_343, %broadcast_in_dim3A_344 : vector<16xi1>, vector<16xi32>
        %add3A_346 = arith.addi %add3A_333, %select_n3A_345 : vector<16xi32>
        %add3A_347 = arith.constant 3 : i32
        %add3A_348 = arith.addi %mul3A_305, %add3A_347 : i32
        %mul3A_349 = arith.constant 16 : i32
        %mul3A_350 = arith.muli %add3A_348, %mul3A_349 : i32
        %get3A_351 = arith.index_cast %mul3A_350 : i32 to index
        %get3A_352 = tpu.vector_load %arg6[%get3A_351] {strides = array<i32>} : memref<8192xf32, #tpu.memory_space<vmem>>, vector<16xf32>,
        %ge3A_353 = arith.cmpf oge, %get3A_352, %scan3A_27 : vector<16xf32>
        %jit3A_354 = arith.constant 32768 : i32
        %jit3A_355 = arith.constant 0 : i32
        %broadcast_in_dim3A_356 = vector.broadcast %jit3A_354 : i32 to vector<16xi32>
        %broadcast_in_dim3A_357 = vector.broadcast %jit3A_355 : i32 to vector<16xi32>
        %select_n3A_358 = arith.select %ge3A_353, %broadcast_in_dim3A_356, %broadcast_in_dim3A_357 : vector<16xi1>, vector<16xi32>
        %add3A_359 = arith.addi %add3A_346, %select_n3A_358 : vector<16xi32>
        %broadcast_in_dim3A_360 = arith.constant true
        %broadcast_in_dim3A_361 = vector.broadcast %broadcast_in_dim3A_360 : i1 to vector<16xi1>
        %masked_cumsum3A_362 = tpu.scan <sum>, %add3A_359 masked %broadcast_in_dim3A_361 : vector<16xi32>, vector<16xi1> -> vector<16xi32>
        %slice3A_363 = vector.extract_strided_slice %masked_cumsum3A_362 {offsets = [15], sizes = [1], strides = [1]} : vector<16xi32> to vector<1xi32>
        %squeeze3A_364 = vector.extract %slice3A_363[0] : i32 from vector<1xi32>
        %gt3A_365 = arith.constant 0 : i32
        %gt3A_366 = arith.cmpi sgt, %squeeze3A_364, %gt3A_365 : i32
        %convert_element_type3A_367 = arith.extui %gt3A_366 : i1 to i32
        %cond3A_368 = arith.constant 0 : i32
        %cond3A_369 = arith.cmpi ne, %convert_element_type3A_367, %cond3A_368 : i32
        %cond3A_370 = scf.if %cond3A_369 -> (vector<16xi32>) {
          %shift_right_logical3A = arith.constant 0 : i32
          %shift_right_logical3A_371 = arith.shrui %squeeze3A_364, %shift_right_logical3A : i32
          %and3A_372 = arith.constant 31 : i32
          %and3A_373 = arith.andi %shift_right_logical3A_371, %and3A_372 : i32
          %gt3A_374 = arith.constant 0 : i32
          %gt3A_375 = arith.cmpi sgt, %and3A_373, %gt3A_374 : i32
          %convert_element_type3A_376 = arith.extui %gt3A_375 : i1 to i32
          %cond3A_377 = arith.constant 0 : i32
          %cond3A_378 = arith.cmpi ne, %convert_element_type3A_376, %cond3A_377 : i32
          %cond3A_379 = scf.if %cond3A_378 -> (vector<16xi32>) {
            %add3A_410 = arith.constant 0 : i32
            %add3A_411 = arith.addi %mul3A_305, %add3A_410 : i32
            %mul3A_412 = arith.constant 4 : i32
            %mul3A_413 = arith.muli %add3A_411, %mul3A_412 : i32
            %add3A_414 = arith.constant 0 : i32
            %add3A_415 = arith.addi %mul3A_413, %add3A_414 : i32
            %mul3A_416 = arith.constant 16 : i32
            %mul3A_417 = arith.muli %add3A_415, %mul3A_416 : i32
            %get3A_418 = arith.index_cast %mul3A_417 : i32 to index
            %get3A_419 = tpu.vector_load %arg5[%get3A_418] {strides = array<i32>} : memref<32768xf32, #tpu.memory_space<vmem>>, vector<16xf32>,
            %ge3A_420 = arith.cmpf oge, %get3A_419, %scan3A_27 : vector<16xf32>
            %convert_element_type3A_421 = arith.extui %ge3A_420 : vector<16xi1> to vector<16xi32>
            %broadcast_in_dim3A_422 = arith.constant true
            %broadcast_in_dim3A_423 = vector.broadcast %broadcast_in_dim3A_422 : i1 to vector<16xi1>
            %masked_cumsum3A_424 = tpu.scan <sum>, %convert_element_type3A_421 masked %broadcast_in_dim3A_423 : vector<16xi32>, vector<16xi1> -> vector<16xi32>
            %mul3A_425 = arith.constant 4 : i32
            %mul3A_426 = arith.muli %add3A_411, %mul3A_425 : i32
            %add3A_427 = arith.constant 1 : i32
            %add3A_428 = arith.addi %mul3A_426, %add3A_427 : i32
            %mul3A_429 = arith.constant 16 : i32
            %mul3A_430 = arith.muli %add3A_428, %mul3A_429 : i32
            %get3A_431 = arith.index_cast %mul3A_430 : i32 to index
            %get3A_432 = tpu.vector_load %arg5[%get3A_431] {strides = array<i32>} : memref<32768xf32, #tpu.memory_space<vmem>>, vector<16xf32>,
            %ge3A_433 = arith.cmpf oge, %get3A_432, %scan3A_27 : vector<16xf32>
            %convert_element_type3A_434 = arith.extui %ge3A_433 : vector<16xi1> to vector<16xi32>
            %broadcast_in_dim3A_435 = arith.constant true
            %broadcast_in_dim3A_436 = vector.broadcast %broadcast_in_dim3A_435 : i1 to vector<16xi1>
            %masked_cumsum3A_437 = tpu.scan <sum>, %convert_element_type3A_434 masked %broadcast_in_dim3A_436 : vector<16xi32>, vector<16xi1> -> vector<16xi32>
            %mul3A_438 = arith.constant 4 : i32
            %mul3A_439 = arith.muli %add3A_411, %mul3A_438 : i32
            %add3A_440 = arith.constant 2 : i32
            %add3A_441 = arith.addi %mul3A_439, %add3A_440 : i32
            %mul3A_442 = arith.constant 16 : i32
            %mul3A_443 = arith.muli %add3A_441, %mul3A_442 : i32
            %get3A_444 = arith.index_cast %mul3A_443 : i32 to index
            %get3A_445 = tpu.vector_load %arg5[%get3A_444] {strides = array<i32>} : memref<32768xf32, #tpu.memory_space<vmem>>, vector<16xf32>,
            %ge3A_446 = arith.cmpf oge, %get3A_445, %scan3A_27 : vector<16xf32>
            %convert_element_type3A_447 = arith.extui %ge3A_446 : vector<16xi1> to vector<16xi32>
            %broadcast_in_dim3A_448 = arith.constant true
            %broadcast_in_dim3A_449 = vector.broadcast %broadcast_in_dim3A_448 : i1 to vector<16xi1>
            %masked_cumsum3A_450 = tpu.scan <sum>, %convert_element_type3A_447 masked %broadcast_in_dim3A_449 : vector<16xi32>, vector<16xi1> -> vector<16xi32>
            %mul3A_451 = arith.constant 4 : i32
            %mul3A_452 = arith.muli %add3A_411, %mul3A_451 : i32
            %add3A_453 = arith.constant 3 : i32
            %add3A_454 = arith.addi %mul3A_452, %add3A_453 : i32
            %mul3A_455 = arith.constant 16 : i32
            %mul3A_456 = arith.muli %add3A_454, %mul3A_455 : i32
            %get3A_457 = arith.index_cast %mul3A_456 : i32 to index
            %get3A_458 = tpu.vector_load %arg5[%get3A_457] {strides = array<i32>} : memref<32768xf32, #tpu.memory_space<vmem>>, vector<16xf32>,
            %ge3A_459 = arith.cmpf oge, %get3A_458, %scan3A_27 : vector<16xf32>
            %convert_element_type3A_460 = arith.extui %ge3A_459 : vector<16xi1> to vector<16xi32>
            %broadcast_in_dim3A_461 = arith.constant true
            %broadcast_in_dim3A_462 = vector.broadcast %broadcast_in_dim3A_461 : i1 to vector<16xi1>
            %masked_cumsum3A_463 = tpu.scan <sum>, %convert_element_type3A_460 masked %broadcast_in_dim3A_462 : vector<16xi32>, vector<16xi1> -> vector<16xi32>
            %mul3A_464 = arith.constant 4 : i32
            %mul3A_465 = arith.muli %add3A_411, %mul3A_464 : i32
            %add3A_466 = arith.constant 0 : i32
            %add3A_467 = arith.addi %mul3A_465, %add3A_466 : i32
            %add3A_468 = arith.addi %cond3A_301, %masked_cumsum3A_424 : vector<16xi32>
            %sub3A_469 = arith.constant 1 : i32
            %sub3A_470 = vector.broadcast %sub3A_469 : i32 to vector<16xi32>
            %sub3A_471 = arith.subi %add3A_468, %sub3A_470 : vector<16xi32>
            %min3A_472 = arith.constant 1023 : i32
            %min3A_473 = vector.broadcast %min3A_472 : i32 to vector<16xi32>
            %min3A_474 = arith.minsi %sub3A_471, %min3A_473 : vector<16xi32>
            %mul3A_475 = arith.constant 16 : i32
            %mul3A_476 = arith.muli %add3A_467, %mul3A_475 : i32
            %mul3A_477 = arith.constant 1024 : i32
            %mul3A_478 = arith.muli %mul3A_476, %mul3A_477 : i32
            %add3A_479 = vector.broadcast %mul3A_478 : i32 to vector<16xi32>
            %add3A_480 = arith.addi %add3A_479, %mul3A_1 : vector<16xi32>
            %add3A_481 = arith.addi %add3A_480, %min3A_474 : vector<16xi32>
            tpu.vector_store_idx %arg7[%min3A_474], %get3A_419 masked %ge3A_420 : memref<1024xf32, #tpu.memory_space<vmem>>[vector<16xi32>], vector<16xf32>, vector<16xi1>
            tpu.vector_store_idx %arg8[%min3A_474], %add3A_481 masked %ge3A_420 : memref<1024xi32, #tpu.memory_space<vmem>>[vector<16xi32>], vector<16xi32>, vector<16xi1>
            %broadcast_in_dim3A_482 = arith.constant 15 : i32
            %broadcast_in_dim3A_483 = vector.broadcast %broadcast_in_dim3A_482 : i32 to vector<16xi32>
            %reshape3A = vector.shape_cast %broadcast_in_dim3A_483 : vector<16xi32> to vector<16x1xi32>
            %gather3A = vector.shape_cast %reshape3A : vector<16x1xi32> to vector<16xi32>
            %gather3A_484 = tpu.dynamic_gather %masked_cumsum3A_424[%gather3A] in [0] : vector<16xi32>, vector<16xi32> -> vector<16xi32>
            %add3A_485 = arith.addi %cond3A_301, %gather3A_484 : vector<16xi32>
            %mul3A_486 = arith.constant 4 : i32
            %mul3A_487 = arith.muli %add3A_411, %mul3A_486 : i32
            %add3A_488 = arith.constant 1 : i32
            %add3A_489 = arith.addi %mul3A_487, %add3A_488 : i32
            %add3A_490 = arith.addi %add3A_485, %masked_cumsum3A_437 : vector<16xi32>
            %sub3A_491 = arith.constant 1 : i32
            %sub3A_492 = vector.broadcast %sub3A_491 : i32 to vector<16xi32>
            %sub3A_493 = arith.subi %add3A_490, %sub3A_492 : vector<16xi32>
            %min3A_494 = arith.constant 1023 : i32
            %min3A_495 = vector.broadcast %min3A_494 : i32 to vector<16xi32>
            %min3A_496 = arith.minsi %sub3A_493, %min3A_495 : vector<16xi32>
            %mul3A_497 = arith.constant 16 : i32
            %mul3A_498 = arith.muli %add3A_489, %mul3A_497 : i32
            %mul3A_499 = arith.constant 1024 : i32
            %mul3A_500 = arith.muli %mul3A_498, %mul3A_499 : i32
            %add3A_501 = vector.broadcast %mul3A_500 : i32 to vector<16xi32>
            %add3A_502 = arith.addi %add3A_501, %mul3A_1 : vector<16xi32>
            %add3A_503 = arith.addi %add3A_502, %min3A_496 : vector<16xi32>
            tpu.vector_store_idx %arg7[%min3A_496], %get3A_432 masked %ge3A_433 : memref<1024xf32, #tpu.memory_space<vmem>>[vector<16xi32>], vector<16xf32>, vector<16xi1>
            tpu.vector_store_idx %arg8[%min3A_496], %add3A_503 masked %ge3A_433 : memref<1024xi32, #tpu.memory_space<vmem>>[vector<16xi32>], vector<16xi32>, vector<16xi1>
            %broadcast_in_dim3A_504 = arith.constant 15 : i32
            %broadcast_in_dim3A_505 = vector.broadcast %broadcast_in_dim3A_504 : i32 to vector<16xi32>
            %reshape3A_506 = vector.shape_cast %broadcast_in_dim3A_505 : vector<16xi32> to vector<16x1xi32>
            %gather3A_507 = vector.shape_cast %reshape3A_506 : vector<16x1xi32> to vector<16xi32>
            %gather3A_508 = tpu.dynamic_gather %masked_cumsum3A_437[%gather3A_507] in [0] : vector<16xi32>, vector<16xi32> -> vector<16xi32>
            %add3A_509 = arith.addi %add3A_485, %gather3A_508 : vector<16xi32>
            %mul3A_510 = arith.constant 4 : i32
            %mul3A_511 = arith.muli %add3A_411, %mul3A_510 : i32
            %add3A_512 = arith.constant 2 : i32
            %add3A_513 = arith.addi %mul3A_511, %add3A_512 : i32
            %add3A_514 = arith.addi %add3A_509, %masked_cumsum3A_450 : vector<16xi32>
            %sub3A_515 = arith.constant 1 : i32
            %sub3A_516 = vector.broadcast %sub3A_515 : i32 to vector<16xi32>
            %sub3A_517 = arith.subi %add3A_514, %sub3A_516 : vector<16xi32>
            %min3A_518 = arith.constant 1023 : i32
            %min3A_519 = vector.broadcast %min3A_518 : i32 to vector<16xi32>
            %min3A_520 = arith.minsi %sub3A_517, %min3A_519 : vector<16xi32>
            %mul3A_521 = arith.constant 16 : i32
            %mul3A_522 = arith.muli %add3A_513, %mul3A_521 : i32
            %mul3A_523 = arith.constant 1024 : i32
            %mul3A_524 = arith.muli %mul3A_522, %mul3A_523 : i32
            %add3A_525 = vector.broadcast %mul3A_524 : i32 to vector<16xi32>
            %add3A_526 = arith.addi %add3A_525, %mul3A_1 : vector<16xi32>
            %add3A_527 = arith.addi %add3A_526, %min3A_520 : vector<16xi32>
            tpu.vector_store_idx %arg7[%min3A_520], %get3A_445 masked %ge3A_446 : memref<1024xf32, #tpu.memory_space<vmem>>[vector<16xi32>], vector<16xf32>, vector<16xi1>
            tpu.vector_store_idx %arg8[%min3A_520], %add3A_527 masked %ge3A_446 : memref<1024xi32, #tpu.memory_space<vmem>>[vector<16xi32>], vector<16xi32>, vector<16xi1>
            %broadcast_in_dim3A_528 = arith.constant 15 : i32
            %broadcast_in_dim3A_529 = vector.broadcast %broadcast_in_dim3A_528 : i32 to vector<16xi32>
            %reshape3A_530 = vector.shape_cast %broadcast_in_dim3A_529 : vector<16xi32> to vector<16x1xi32>
            %gather3A_531 = vector.shape_cast %reshape3A_530 : vector<16x1xi32> to vector<16xi32>
            %gather3A_532 = tpu.dynamic_gather %masked_cumsum3A_450[%gather3A_531] in [0] : vector<16xi32>, vector<16xi32> -> vector<16xi32>
            %add3A_533 = arith.addi %add3A_509, %gather3A_532 : vector<16xi32>
            %mul3A_534 = arith.constant 4 : i32
            %mul3A_535 = arith.muli %add3A_411, %mul3A_534 : i32
            %add3A_536 = arith.constant 3 : i32
            %add3A_537 = arith.addi %mul3A_535, %add3A_536 : i32
            %add3A_538 = arith.addi %add3A_533, %masked_cumsum3A_463 : vector<16xi32>
            %sub3A_539 = arith.constant 1 : i32
            %sub3A_540 = vector.broadcast %sub3A_539 : i32 to vector<16xi32>
            %sub3A_541 = arith.subi %add3A_538, %sub3A_540 : vector<16xi32>
            %min3A_542 = arith.constant 1023 : i32
            %min3A_543 = vector.broadcast %min3A_542 : i32 to vector<16xi32>
            %min3A_544 = arith.minsi %sub3A_541, %min3A_543 : vector<16xi32>
            %mul3A_545 = arith.constant 16 : i32
            %mul3A_546 = arith.muli %add3A_537, %mul3A_545 : i32
            %mul3A_547 = arith.constant 1024 : i32
            %mul3A_548 = arith.muli %mul3A_546, %mul3A_547 : i32
            %add3A_549 = vector.broadcast %mul3A_548 : i32 to vector<16xi32>
            %add3A_550 = arith.addi %add3A_549, %mul3A_1 : vector<16xi32>
            %add3A_551 = arith.addi %add3A_550, %min3A_544 : vector<16xi32>
            tpu.vector_store_idx %arg7[%min3A_544], %get3A_458 masked %ge3A_459 : memref<1024xf32, #tpu.memory_space<vmem>>[vector<16xi32>], vector<16xf32>, vector<16xi1>
            tpu.vector_store_idx %arg8[%min3A_544], %add3A_551 masked %ge3A_459 : memref<1024xi32, #tpu.memory_space<vmem>>[vector<16xi32>], vector<16xi32>, vector<16xi1>
            %broadcast_in_dim3A_552 = arith.constant 15 : i32
            %broadcast_in_dim3A_553 = vector.broadcast %broadcast_in_dim3A_552 : i32 to vector<16xi32>
            %reshape3A_554 = vector.shape_cast %broadcast_in_dim3A_553 : vector<16xi32> to vector<16x1xi32>
            %gather3A_555 = vector.shape_cast %reshape3A_554 : vector<16x1xi32> to vector<16xi32>
            %gather3A_556 = tpu.dynamic_gather %masked_cumsum3A_463[%gather3A_555] in [0] : vector<16xi32>, vector<16xi32> -> vector<16xi32>
            %add3A_557 = arith.addi %add3A_533, %gather3A_556 : vector<16xi32>
            scf.yield %add3A_557 : vector<16xi32>
          } else {
            scf.yield %cond3A_301 : vector<16xi32>
          }
          %shift_right_logical3A_380 = arith.constant 5 : i32
          %shift_right_logical3A_381 = arith.shrui %squeeze3A_364, %shift_right_logical3A_380 : i32
          %and3A_382 = arith.constant 31 : i32
          %and3A_383 = arith.andi %shift_right_logical3A_381, %and3A_382 : i32
          %gt3A_384 = arith.constant 0 : i32
          %gt3A_385 = arith.cmpi sgt, %and3A_383, %gt3A_384 : i32
          %convert_element_type3A_386 = arith.extui %gt3A_385 : i1 to i32
          %cond3A_387 = arith.constant 0 : i32
          %cond3A_388 = arith.cmpi ne, %convert_element_type3A_386, %cond3A_387 : i32
          %cond3A_389 = scf.if %cond3A_388 -> (vector<16xi32>) {
            %add3A_410 = arith.constant 1 : i32
            %add3A_411 = arith.addi %mul3A_305, %add3A_410 : i32
            %mul3A_412 = arith.constant 4 : i32
            %mul3A_413 = arith.muli %add3A_411, %mul3A_412 : i32
            %add3A_414 = arith.constant 0 : i32
            %add3A_415 = arith.addi %mul3A_413, %add3A_414 : i32
            %mul3A_416 = arith.constant 16 : i32
            %mul3A_417 = arith.muli %add3A_415, %mul3A_416 : i32
            %get3A_418 = arith.index_cast %mul3A_417 : i32 to index
            %get3A_419 = tpu.vector_load %arg5[%get3A_418] {strides = array<i32>} : memref<32768xf32, #tpu.memory_space<vmem>>, vector<16xf32>,
            %ge3A_420 = arith.cmpf oge, %get3A_419, %scan3A_27 : vector<16xf32>
            %convert_element_type3A_421 = arith.extui %ge3A_420 : vector<16xi1> to vector<16xi32>
            %broadcast_in_dim3A_422 = arith.constant true
            %broadcast_in_dim3A_423 = vector.broadcast %broadcast_in_dim3A_422 : i1 to vector<16xi1>
            %masked_cumsum3A_424 = tpu.scan <sum>, %convert_element_type3A_421 masked %broadcast_in_dim3A_423 : vector<16xi32>, vector<16xi1> -> vector<16xi32>
            %mul3A_425 = arith.constant 4 : i32
            %mul3A_426 = arith.muli %add3A_411, %mul3A_425 : i32
            %add3A_427 = arith.constant 1 : i32
            %add3A_428 = arith.addi %mul3A_426, %add3A_427 : i32
            %mul3A_429 = arith.constant 16 : i32
            %mul3A_430 = arith.muli %add3A_428, %mul3A_429 : i32
            %get3A_431 = arith.index_cast %mul3A_430 : i32 to index
            %get3A_432 = tpu.vector_load %arg5[%get3A_431] {strides = array<i32>} : memref<32768xf32, #tpu.memory_space<vmem>>, vector<16xf32>,
            %ge3A_433 = arith.cmpf oge, %get3A_432, %scan3A_27 : vector<16xf32>
            %convert_element_type3A_434 = arith.extui %ge3A_433 : vector<16xi1> to vector<16xi32>
            %broadcast_in_dim3A_435 = arith.constant true
            %broadcast_in_dim3A_436 = vector.broadcast %broadcast_in_dim3A_435 : i1 to vector<16xi1>
            %masked_cumsum3A_437 = tpu.scan <sum>, %convert_element_type3A_434 masked %broadcast_in_dim3A_436 : vector<16xi32>, vector<16xi1> -> vector<16xi32>
            %mul3A_438 = arith.constant 4 : i32
            %mul3A_439 = arith.muli %add3A_411, %mul3A_438 : i32
            %add3A_440 = arith.constant 2 : i32
            %add3A_441 = arith.addi %mul3A_439, %add3A_440 : i32
            %mul3A_442 = arith.constant 16 : i32
            %mul3A_443 = arith.muli %add3A_441, %mul3A_442 : i32
            %get3A_444 = arith.index_cast %mul3A_443 : i32 to index
            %get3A_445 = tpu.vector_load %arg5[%get3A_444] {strides = array<i32>} : memref<32768xf32, #tpu.memory_space<vmem>>, vector<16xf32>,
            %ge3A_446 = arith.cmpf oge, %get3A_445, %scan3A_27 : vector<16xf32>
            %convert_element_type3A_447 = arith.extui %ge3A_446 : vector<16xi1> to vector<16xi32>
            %broadcast_in_dim3A_448 = arith.constant true
            %broadcast_in_dim3A_449 = vector.broadcast %broadcast_in_dim3A_448 : i1 to vector<16xi1>
            %masked_cumsum3A_450 = tpu.scan <sum>, %convert_element_type3A_447 masked %broadcast_in_dim3A_449 : vector<16xi32>, vector<16xi1> -> vector<16xi32>
            %mul3A_451 = arith.constant 4 : i32
            %mul3A_452 = arith.muli %add3A_411, %mul3A_451 : i32
            %add3A_453 = arith.constant 3 : i32
            %add3A_454 = arith.addi %mul3A_452, %add3A_453 : i32
            %mul3A_455 = arith.constant 16 : i32
            %mul3A_456 = arith.muli %add3A_454, %mul3A_455 : i32
            %get3A_457 = arith.index_cast %mul3A_456 : i32 to index
            %get3A_458 = tpu.vector_load %arg5[%get3A_457] {strides = array<i32>} : memref<32768xf32, #tpu.memory_space<vmem>>, vector<16xf32>,
            %ge3A_459 = arith.cmpf oge, %get3A_458, %scan3A_27 : vector<16xf32>
            %convert_element_type3A_460 = arith.extui %ge3A_459 : vector<16xi1> to vector<16xi32>
            %broadcast_in_dim3A_461 = arith.constant true
            %broadcast_in_dim3A_462 = vector.broadcast %broadcast_in_dim3A_461 : i1 to vector<16xi1>
            %masked_cumsum3A_463 = tpu.scan <sum>, %convert_element_type3A_460 masked %broadcast_in_dim3A_462 : vector<16xi32>, vector<16xi1> -> vector<16xi32>
            %mul3A_464 = arith.constant 4 : i32
            %mul3A_465 = arith.muli %add3A_411, %mul3A_464 : i32
            %add3A_466 = arith.constant 0 : i32
            %add3A_467 = arith.addi %mul3A_465, %add3A_466 : i32
            %add3A_468 = arith.addi %cond3A_379, %masked_cumsum3A_424 : vector<16xi32>
            %sub3A_469 = arith.constant 1 : i32
            %sub3A_470 = vector.broadcast %sub3A_469 : i32 to vector<16xi32>
            %sub3A_471 = arith.subi %add3A_468, %sub3A_470 : vector<16xi32>
            %min3A_472 = arith.constant 1023 : i32
            %min3A_473 = vector.broadcast %min3A_472 : i32 to vector<16xi32>
            %min3A_474 = arith.minsi %sub3A_471, %min3A_473 : vector<16xi32>
            %mul3A_475 = arith.constant 16 : i32
            %mul3A_476 = arith.muli %add3A_467, %mul3A_475 : i32
            %mul3A_477 = arith.constant 1024 : i32
            %mul3A_478 = arith.muli %mul3A_476, %mul3A_477 : i32
            %add3A_479 = vector.broadcast %mul3A_478 : i32 to vector<16xi32>
            %add3A_480 = arith.addi %add3A_479, %mul3A_1 : vector<16xi32>
            %add3A_481 = arith.addi %add3A_480, %min3A_474 : vector<16xi32>
            tpu.vector_store_idx %arg7[%min3A_474], %get3A_419 masked %ge3A_420 : memref<1024xf32, #tpu.memory_space<vmem>>[vector<16xi32>], vector<16xf32>, vector<16xi1>
            tpu.vector_store_idx %arg8[%min3A_474], %add3A_481 masked %ge3A_420 : memref<1024xi32, #tpu.memory_space<vmem>>[vector<16xi32>], vector<16xi32>, vector<16xi1>
            %broadcast_in_dim3A_482 = arith.constant 15 : i32
            %broadcast_in_dim3A_483 = vector.broadcast %broadcast_in_dim3A_482 : i32 to vector<16xi32>
            %reshape3A = vector.shape_cast %broadcast_in_dim3A_483 : vector<16xi32> to vector<16x1xi32>
            %gather3A = vector.shape_cast %reshape3A : vector<16x1xi32> to vector<16xi32>
            %gather3A_484 = tpu.dynamic_gather %masked_cumsum3A_424[%gather3A] in [0] : vector<16xi32>, vector<16xi32> -> vector<16xi32>
            %add3A_485 = arith.addi %cond3A_379, %gather3A_484 : vector<16xi32>
            %mul3A_486 = arith.constant 4 : i32
            %mul3A_487 = arith.muli %add3A_411, %mul3A_486 : i32
            %add3A_488 = arith.constant 1 : i32
            %add3A_489 = arith.addi %mul3A_487, %add3A_488 : i32
            %add3A_490 = arith.addi %add3A_485, %masked_cumsum3A_437 : vector<16xi32>
            %sub3A_491 = arith.constant 1 : i32
            %sub3A_492 = vector.broadcast %sub3A_491 : i32 to vector<16xi32>
            %sub3A_493 = arith.subi %add3A_490, %sub3A_492 : vector<16xi32>
            %min3A_494 = arith.constant 1023 : i32
            %min3A_495 = vector.broadcast %min3A_494 : i32 to vector<16xi32>
            %min3A_496 = arith.minsi %sub3A_493, %min3A_495 : vector<16xi32>
            %mul3A_497 = arith.constant 16 : i32
            %mul3A_498 = arith.muli %add3A_489, %mul3A_497 : i32
            %mul3A_499 = arith.constant 1024 : i32
            %mul3A_500 = arith.muli %mul3A_498, %mul3A_499 : i32
            %add3A_501 = vector.broadcast %mul3A_500 : i32 to vector<16xi32>
            %add3A_502 = arith.addi %add3A_501, %mul3A_1 : vector<16xi32>
            %add3A_503 = arith.addi %add3A_502, %min3A_496 : vector<16xi32>
            tpu.vector_store_idx %arg7[%min3A_496], %get3A_432 masked %ge3A_433 : memref<1024xf32, #tpu.memory_space<vmem>>[vector<16xi32>], vector<16xf32>, vector<16xi1>
            tpu.vector_store_idx %arg8[%min3A_496], %add3A_503 masked %ge3A_433 : memref<1024xi32, #tpu.memory_space<vmem>>[vector<16xi32>], vector<16xi32>, vector<16xi1>
            %broadcast_in_dim3A_504 = arith.constant 15 : i32
            %broadcast_in_dim3A_505 = vector.broadcast %broadcast_in_dim3A_504 : i32 to vector<16xi32>
            %reshape3A_506 = vector.shape_cast %broadcast_in_dim3A_505 : vector<16xi32> to vector<16x1xi32>
            %gather3A_507 = vector.shape_cast %reshape3A_506 : vector<16x1xi32> to vector<16xi32>
            %gather3A_508 = tpu.dynamic_gather %masked_cumsum3A_437[%gather3A_507] in [0] : vector<16xi32>, vector<16xi32> -> vector<16xi32>
            %add3A_509 = arith.addi %add3A_485, %gather3A_508 : vector<16xi32>
            %mul3A_510 = arith.constant 4 : i32
            %mul3A_511 = arith.muli %add3A_411, %mul3A_510 : i32
            %add3A_512 = arith.constant 2 : i32
            %add3A_513 = arith.addi %mul3A_511, %add3A_512 : i32
            %add3A_514 = arith.addi %add3A_509, %masked_cumsum3A_450 : vector<16xi32>
            %sub3A_515 = arith.constant 1 : i32
            %sub3A_516 = vector.broadcast %sub3A_515 : i32 to vector<16xi32>
            %sub3A_517 = arith.subi %add3A_514, %sub3A_516 : vector<16xi32>
            %min3A_518 = arith.constant 1023 : i32
            %min3A_519 = vector.broadcast %min3A_518 : i32 to vector<16xi32>
            %min3A_520 = arith.minsi %sub3A_517, %min3A_519 : vector<16xi32>
            %mul3A_521 = arith.constant 16 : i32
            %mul3A_522 = arith.muli %add3A_513, %mul3A_521 : i32
            %mul3A_523 = arith.constant 1024 : i32
            %mul3A_524 = arith.muli %mul3A_522, %mul3A_523 : i32
            %add3A_525 = vector.broadcast %mul3A_524 : i32 to vector<16xi32>
            %add3A_526 = arith.addi %add3A_525, %mul3A_1 : vector<16xi32>
            %add3A_527 = arith.addi %add3A_526, %min3A_520 : vector<16xi32>
            tpu.vector_store_idx %arg7[%min3A_520], %get3A_445 masked %ge3A_446 : memref<1024xf32, #tpu.memory_space<vmem>>[vector<16xi32>], vector<16xf32>, vector<16xi1>
            tpu.vector_store_idx %arg8[%min3A_520], %add3A_527 masked %ge3A_446 : memref<1024xi32, #tpu.memory_space<vmem>>[vector<16xi32>], vector<16xi32>, vector<16xi1>
            %broadcast_in_dim3A_528 = arith.constant 15 : i32
            %broadcast_in_dim3A_529 = vector.broadcast %broadcast_in_dim3A_528 : i32 to vector<16xi32>
            %reshape3A_530 = vector.shape_cast %broadcast_in_dim3A_529 : vector<16xi32> to vector<16x1xi32>
            %gather3A_531 = vector.shape_cast %reshape3A_530 : vector<16x1xi32> to vector<16xi32>
            %gather3A_532 = tpu.dynamic_gather %masked_cumsum3A_450[%gather3A_531] in [0] : vector<16xi32>, vector<16xi32> -> vector<16xi32>
            %add3A_533 = arith.addi %add3A_509, %gather3A_532 : vector<16xi32>
            %mul3A_534 = arith.constant 4 : i32
            %mul3A_535 = arith.muli %add3A_411, %mul3A_534 : i32
            %add3A_536 = arith.constant 3 : i32
            %add3A_537 = arith.addi %mul3A_535, %add3A_536 : i32
            %add3A_538 = arith.addi %add3A_533, %masked_cumsum3A_463 : vector<16xi32>
            %sub3A_539 = arith.constant 1 : i32
            %sub3A_540 = vector.broadcast %sub3A_539 : i32 to vector<16xi32>
            %sub3A_541 = arith.subi %add3A_538, %sub3A_540 : vector<16xi32>
            %min3A_542 = arith.constant 1023 : i32
            %min3A_543 = vector.broadcast %min3A_542 : i32 to vector<16xi32>
            %min3A_544 = arith.minsi %sub3A_541, %min3A_543 : vector<16xi32>
            %mul3A_545 = arith.constant 16 : i32
            %mul3A_546 = arith.muli %add3A_537, %mul3A_545 : i32
            %mul3A_547 = arith.constant 1024 : i32
            %mul3A_548 = arith.muli %mul3A_546, %mul3A_547 : i32
            %add3A_549 = vector.broadcast %mul3A_548 : i32 to vector<16xi32>
            %add3A_550 = arith.addi %add3A_549, %mul3A_1 : vector<16xi32>
            %add3A_551 = arith.addi %add3A_550, %min3A_544 : vector<16xi32>
            tpu.vector_store_idx %arg7[%min3A_544], %get3A_458 masked %ge3A_459 : memref<1024xf32, #tpu.memory_space<vmem>>[vector<16xi32>], vector<16xf32>, vector<16xi1>
            tpu.vector_store_idx %arg8[%min3A_544], %add3A_551 masked %ge3A_459 : memref<1024xi32, #tpu.memory_space<vmem>>[vector<16xi32>], vector<16xi32>, vector<16xi1>
            %broadcast_in_dim3A_552 = arith.constant 15 : i32
            %broadcast_in_dim3A_553 = vector.broadcast %broadcast_in_dim3A_552 : i32 to vector<16xi32>
            %reshape3A_554 = vector.shape_cast %broadcast_in_dim3A_553 : vector<16xi32> to vector<16x1xi32>
            %gather3A_555 = vector.shape_cast %reshape3A_554 : vector<16x1xi32> to vector<16xi32>
            %gather3A_556 = tpu.dynamic_gather %masked_cumsum3A_463[%gather3A_555] in [0] : vector<16xi32>, vector<16xi32> -> vector<16xi32>
            %add3A_557 = arith.addi %add3A_533, %gather3A_556 : vector<16xi32>
            scf.yield %add3A_557 : vector<16xi32>
          } else {
            scf.yield %cond3A_379 : vector<16xi32>
          }
          %shift_right_logical3A_390 = arith.constant 10 : i32
          %shift_right_logical3A_391 = arith.shrui %squeeze3A_364, %shift_right_logical3A_390 : i32
          %and3A_392 = arith.constant 31 : i32
          %and3A_393 = arith.andi %shift_right_logical3A_391, %and3A_392 : i32
          %gt3A_394 = arith.constant 0 : i32
          %gt3A_395 = arith.cmpi sgt, %and3A_393, %gt3A_394 : i32
          %convert_element_type3A_396 = arith.extui %gt3A_395 : i1 to i32
          %cond3A_397 = arith.constant 0 : i32
          %cond3A_398 = arith.cmpi ne, %convert_element_type3A_396, %cond3A_397 : i32
          %cond3A_399 = scf.if %cond3A_398 -> (vector<16xi32>) {
            %add3A_410 = arith.constant 2 : i32
            %add3A_411 = arith.addi %mul3A_305, %add3A_410 : i32
            %mul3A_412 = arith.constant 4 : i32
            %mul3A_413 = arith.muli %add3A_411, %mul3A_412 : i32
            %add3A_414 = arith.constant 0 : i32
            %add3A_415 = arith.addi %mul3A_413, %add3A_414 : i32
            %mul3A_416 = arith.constant 16 : i32
            %mul3A_417 = arith.muli %add3A_415, %mul3A_416 : i32
            %get3A_418 = arith.index_cast %mul3A_417 : i32 to index
            %get3A_419 = tpu.vector_load %arg5[%get3A_418] {strides = array<i32>} : memref<32768xf32, #tpu.memory_space<vmem>>, vector<16xf32>,
            %ge3A_420 = arith.cmpf oge, %get3A_419, %scan3A_27 : vector<16xf32>
            %convert_element_type3A_421 = arith.extui %ge3A_420 : vector<16xi1> to vector<16xi32>
            %broadcast_in_dim3A_422 = arith.constant true
            %broadcast_in_dim3A_423 = vector.broadcast %broadcast_in_dim3A_422 : i1 to vector<16xi1>
            %masked_cumsum3A_424 = tpu.scan <sum>, %convert_element_type3A_421 masked %broadcast_in_dim3A_423 : vector<16xi32>, vector<16xi1> -> vector<16xi32>
            %mul3A_425 = arith.constant 4 : i32
            %mul3A_426 = arith.muli %add3A_411, %mul3A_425 : i32
            %add3A_427 = arith.constant 1 : i32
            %add3A_428 = arith.addi %mul3A_426, %add3A_427 : i32
            %mul3A_429 = arith.constant 16 : i32
            %mul3A_430 = arith.muli %add3A_428, %mul3A_429 : i32
            %get3A_431 = arith.index_cast %mul3A_430 : i32 to index
            %get3A_432 = tpu.vector_load %arg5[%get3A_431] {strides = array<i32>} : memref<32768xf32, #tpu.memory_space<vmem>>, vector<16xf32>,
            %ge3A_433 = arith.cmpf oge, %get3A_432, %scan3A_27 : vector<16xf32>
            %convert_element_type3A_434 = arith.extui %ge3A_433 : vector<16xi1> to vector<16xi32>
            %broadcast_in_dim3A_435 = arith.constant true
            %broadcast_in_dim3A_436 = vector.broadcast %broadcast_in_dim3A_435 : i1 to vector<16xi1>
            %masked_cumsum3A_437 = tpu.scan <sum>, %convert_element_type3A_434 masked %broadcast_in_dim3A_436 : vector<16xi32>, vector<16xi1> -> vector<16xi32>
            %mul3A_438 = arith.constant 4 : i32
            %mul3A_439 = arith.muli %add3A_411, %mul3A_438 : i32
            %add3A_440 = arith.constant 2 : i32
            %add3A_441 = arith.addi %mul3A_439, %add3A_440 : i32
            %mul3A_442 = arith.constant 16 : i32
            %mul3A_443 = arith.muli %add3A_441, %mul3A_442 : i32
            %get3A_444 = arith.index_cast %mul3A_443 : i32 to index
            %get3A_445 = tpu.vector_load %arg5[%get3A_444] {strides = array<i32>} : memref<32768xf32, #tpu.memory_space<vmem>>, vector<16xf32>,
            %ge3A_446 = arith.cmpf oge, %get3A_445, %scan3A_27 : vector<16xf32>
            %convert_element_type3A_447 = arith.extui %ge3A_446 : vector<16xi1> to vector<16xi32>
            %broadcast_in_dim3A_448 = arith.constant true
            %broadcast_in_dim3A_449 = vector.broadcast %broadcast_in_dim3A_448 : i1 to vector<16xi1>
            %masked_cumsum3A_450 = tpu.scan <sum>, %convert_element_type3A_447 masked %broadcast_in_dim3A_449 : vector<16xi32>, vector<16xi1> -> vector<16xi32>
            %mul3A_451 = arith.constant 4 : i32
            %mul3A_452 = arith.muli %add3A_411, %mul3A_451 : i32
            %add3A_453 = arith.constant 3 : i32
            %add3A_454 = arith.addi %mul3A_452, %add3A_453 : i32
            %mul3A_455 = arith.constant 16 : i32
            %mul3A_456 = arith.muli %add3A_454, %mul3A_455 : i32
            %get3A_457 = arith.index_cast %mul3A_456 : i32 to index
            %get3A_458 = tpu.vector_load %arg5[%get3A_457] {strides = array<i32>} : memref<32768xf32, #tpu.memory_space<vmem>>, vector<16xf32>,
            %ge3A_459 = arith.cmpf oge, %get3A_458, %scan3A_27 : vector<16xf32>
            %convert_element_type3A_460 = arith.extui %ge3A_459 : vector<16xi1> to vector<16xi32>
            %broadcast_in_dim3A_461 = arith.constant true
            %broadcast_in_dim3A_462 = vector.broadcast %broadcast_in_dim3A_461 : i1 to vector<16xi1>
            %masked_cumsum3A_463 = tpu.scan <sum>, %convert_element_type3A_460 masked %broadcast_in_dim3A_462 : vector<16xi32>, vector<16xi1> -> vector<16xi32>
            %mul3A_464 = arith.constant 4 : i32
            %mul3A_465 = arith.muli %add3A_411, %mul3A_464 : i32
            %add3A_466 = arith.constant 0 : i32
            %add3A_467 = arith.addi %mul3A_465, %add3A_466 : i32
            %add3A_468 = arith.addi %cond3A_389, %masked_cumsum3A_424 : vector<16xi32>
            %sub3A_469 = arith.constant 1 : i32
            %sub3A_470 = vector.broadcast %sub3A_469 : i32 to vector<16xi32>
            %sub3A_471 = arith.subi %add3A_468, %sub3A_470 : vector<16xi32>
            %min3A_472 = arith.constant 1023 : i32
            %min3A_473 = vector.broadcast %min3A_472 : i32 to vector<16xi32>
            %min3A_474 = arith.minsi %sub3A_471, %min3A_473 : vector<16xi32>
            %mul3A_475 = arith.constant 16 : i32
            %mul3A_476 = arith.muli %add3A_467, %mul3A_475 : i32
            %mul3A_477 = arith.constant 1024 : i32
            %mul3A_478 = arith.muli %mul3A_476, %mul3A_477 : i32
            %add3A_479 = vector.broadcast %mul3A_478 : i32 to vector<16xi32>
            %add3A_480 = arith.addi %add3A_479, %mul3A_1 : vector<16xi32>
            %add3A_481 = arith.addi %add3A_480, %min3A_474 : vector<16xi32>
            tpu.vector_store_idx %arg7[%min3A_474], %get3A_419 masked %ge3A_420 : memref<1024xf32, #tpu.memory_space<vmem>>[vector<16xi32>], vector<16xf32>, vector<16xi1>
            tpu.vector_store_idx %arg8[%min3A_474], %add3A_481 masked %ge3A_420 : memref<1024xi32, #tpu.memory_space<vmem>>[vector<16xi32>], vector<16xi32>, vector<16xi1>
            %broadcast_in_dim3A_482 = arith.constant 15 : i32
            %broadcast_in_dim3A_483 = vector.broadcast %broadcast_in_dim3A_482 : i32 to vector<16xi32>
            %reshape3A = vector.shape_cast %broadcast_in_dim3A_483 : vector<16xi32> to vector<16x1xi32>
            %gather3A = vector.shape_cast %reshape3A : vector<16x1xi32> to vector<16xi32>
            %gather3A_484 = tpu.dynamic_gather %masked_cumsum3A_424[%gather3A] in [0] : vector<16xi32>, vector<16xi32> -> vector<16xi32>
            %add3A_485 = arith.addi %cond3A_389, %gather3A_484 : vector<16xi32>
            %mul3A_486 = arith.constant 4 : i32
            %mul3A_487 = arith.muli %add3A_411, %mul3A_486 : i32
            %add3A_488 = arith.constant 1 : i32
            %add3A_489 = arith.addi %mul3A_487, %add3A_488 : i32
            %add3A_490 = arith.addi %add3A_485, %masked_cumsum3A_437 : vector<16xi32>
            %sub3A_491 = arith.constant 1 : i32
            %sub3A_492 = vector.broadcast %sub3A_491 : i32 to vector<16xi32>
            %sub3A_493 = arith.subi %add3A_490, %sub3A_492 : vector<16xi32>
            %min3A_494 = arith.constant 1023 : i32
            %min3A_495 = vector.broadcast %min3A_494 : i32 to vector<16xi32>
            %min3A_496 = arith.minsi %sub3A_493, %min3A_495 : vector<16xi32>
            %mul3A_497 = arith.constant 16 : i32
            %mul3A_498 = arith.muli %add3A_489, %mul3A_497 : i32
            %mul3A_499 = arith.constant 1024 : i32
            %mul3A_500 = arith.muli %mul3A_498, %mul3A_499 : i32
            %add3A_501 = vector.broadcast %mul3A_500 : i32 to vector<16xi32>
            %add3A_502 = arith.addi %add3A_501, %mul3A_1 : vector<16xi32>
            %add3A_503 = arith.addi %add3A_502, %min3A_496 : vector<16xi32>
            tpu.vector_store_idx %arg7[%min3A_496], %get3A_432 masked %ge3A_433 : memref<1024xf32, #tpu.memory_space<vmem>>[vector<16xi32>], vector<16xf32>, vector<16xi1>
            tpu.vector_store_idx %arg8[%min3A_496], %add3A_503 masked %ge3A_433 : memref<1024xi32, #tpu.memory_space<vmem>>[vector<16xi32>], vector<16xi32>, vector<16xi1>
            %broadcast_in_dim3A_504 = arith.constant 15 : i32
            %broadcast_in_dim3A_505 = vector.broadcast %broadcast_in_dim3A_504 : i32 to vector<16xi32>
            %reshape3A_506 = vector.shape_cast %broadcast_in_dim3A_505 : vector<16xi32> to vector<16x1xi32>
            %gather3A_507 = vector.shape_cast %reshape3A_506 : vector<16x1xi32> to vector<16xi32>
            %gather3A_508 = tpu.dynamic_gather %masked_cumsum3A_437[%gather3A_507] in [0] : vector<16xi32>, vector<16xi32> -> vector<16xi32>
            %add3A_509 = arith.addi %add3A_485, %gather3A_508 : vector<16xi32>
            %mul3A_510 = arith.constant 4 : i32
            %mul3A_511 = arith.muli %add3A_411, %mul3A_510 : i32
            %add3A_512 = arith.constant 2 : i32
            %add3A_513 = arith.addi %mul3A_511, %add3A_512 : i32
            %add3A_514 = arith.addi %add3A_509, %masked_cumsum3A_450 : vector<16xi32>
            %sub3A_515 = arith.constant 1 : i32
            %sub3A_516 = vector.broadcast %sub3A_515 : i32 to vector<16xi32>
            %sub3A_517 = arith.subi %add3A_514, %sub3A_516 : vector<16xi32>
            %min3A_518 = arith.constant 1023 : i32
            %min3A_519 = vector.broadcast %min3A_518 : i32 to vector<16xi32>
            %min3A_520 = arith.minsi %sub3A_517, %min3A_519 : vector<16xi32>
            %mul3A_521 = arith.constant 16 : i32
            %mul3A_522 = arith.muli %add3A_513, %mul3A_521 : i32
            %mul3A_523 = arith.constant 1024 : i32
            %mul3A_524 = arith.muli %mul3A_522, %mul3A_523 : i32
            %add3A_525 = vector.broadcast %mul3A_524 : i32 to vector<16xi32>
            %add3A_526 = arith.addi %add3A_525, %mul3A_1 : vector<16xi32>
            %add3A_527 = arith.addi %add3A_526, %min3A_520 : vector<16xi32>
            tpu.vector_store_idx %arg7[%min3A_520], %get3A_445 masked %ge3A_446 : memref<1024xf32, #tpu.memory_space<vmem>>[vector<16xi32>], vector<16xf32>, vector<16xi1>
            tpu.vector_store_idx %arg8[%min3A_520], %add3A_527 masked %ge3A_446 : memref<1024xi32, #tpu.memory_space<vmem>>[vector<16xi32>], vector<16xi32>, vector<16xi1>
            %broadcast_in_dim3A_528 = arith.constant 15 : i32
            %broadcast_in_dim3A_529 = vector.broadcast %broadcast_in_dim3A_528 : i32 to vector<16xi32>
            %reshape3A_530 = vector.shape_cast %broadcast_in_dim3A_529 : vector<16xi32> to vector<16x1xi32>
            %gather3A_531 = vector.shape_cast %reshape3A_530 : vector<16x1xi32> to vector<16xi32>
            %gather3A_532 = tpu.dynamic_gather %masked_cumsum3A_450[%gather3A_531] in [0] : vector<16xi32>, vector<16xi32> -> vector<16xi32>
            %add3A_533 = arith.addi %add3A_509, %gather3A_532 : vector<16xi32>
            %mul3A_534 = arith.constant 4 : i32
            %mul3A_535 = arith.muli %add3A_411, %mul3A_534 : i32
            %add3A_536 = arith.constant 3 : i32
            %add3A_537 = arith.addi %mul3A_535, %add3A_536 : i32
            %add3A_538 = arith.addi %add3A_533, %masked_cumsum3A_463 : vector<16xi32>
            %sub3A_539 = arith.constant 1 : i32
            %sub3A_540 = vector.broadcast %sub3A_539 : i32 to vector<16xi32>
            %sub3A_541 = arith.subi %add3A_538, %sub3A_540 : vector<16xi32>
            %min3A_542 = arith.constant 1023 : i32
            %min3A_543 = vector.broadcast %min3A_542 : i32 to vector<16xi32>
            %min3A_544 = arith.minsi %sub3A_541, %min3A_543 : vector<16xi32>
            %mul3A_545 = arith.constant 16 : i32
            %mul3A_546 = arith.muli %add3A_537, %mul3A_545 : i32
            %mul3A_547 = arith.constant 1024 : i32
            %mul3A_548 = arith.muli %mul3A_546, %mul3A_547 : i32
            %add3A_549 = vector.broadcast %mul3A_548 : i32 to vector<16xi32>
            %add3A_550 = arith.addi %add3A_549, %mul3A_1 : vector<16xi32>
            %add3A_551 = arith.addi %add3A_550, %min3A_544 : vector<16xi32>
            tpu.vector_store_idx %arg7[%min3A_544], %get3A_458 masked %ge3A_459 : memref<1024xf32, #tpu.memory_space<vmem>>[vector<16xi32>], vector<16xf32>, vector<16xi1>
            tpu.vector_store_idx %arg8[%min3A_544], %add3A_551 masked %ge3A_459 : memref<1024xi32, #tpu.memory_space<vmem>>[vector<16xi32>], vector<16xi32>, vector<16xi1>
            %broadcast_in_dim3A_552 = arith.constant 15 : i32
            %broadcast_in_dim3A_553 = vector.broadcast %broadcast_in_dim3A_552 : i32 to vector<16xi32>
            %reshape3A_554 = vector.shape_cast %broadcast_in_dim3A_553 : vector<16xi32> to vector<16x1xi32>
            %gather3A_555 = vector.shape_cast %reshape3A_554 : vector<16x1xi32> to vector<16xi32>
            %gather3A_556 = tpu.dynamic_gather %masked_cumsum3A_463[%gather3A_555] in [0] : vector<16xi32>, vector<16xi32> -> vector<16xi32>
            %add3A_557 = arith.addi %add3A_533, %gather3A_556 : vector<16xi32>
            scf.yield %add3A_557 : vector<16xi32>
          } else {
            scf.yield %cond3A_389 : vector<16xi32>
          }
          %shift_right_logical3A_400 = arith.constant 15 : i32
          %shift_right_logical3A_401 = arith.shrui %squeeze3A_364, %shift_right_logical3A_400 : i32
          %and3A_402 = arith.constant 31 : i32
          %and3A_403 = arith.andi %shift_right_logical3A_401, %and3A_402 : i32
          %gt3A_404 = arith.constant 0 : i32
          %gt3A_405 = arith.cmpi sgt, %and3A_403, %gt3A_404 : i32
          %convert_element_type3A_406 = arith.extui %gt3A_405 : i1 to i32
          %cond3A_407 = arith.constant 0 : i32
          %cond3A_408 = arith.cmpi ne, %convert_element_type3A_406, %cond3A_407 : i32
          %cond3A_409 = scf.if %cond3A_408 -> (vector<16xi32>) {
            %add3A_410 = arith.constant 3 : i32
            %add3A_411 = arith.addi %mul3A_305, %add3A_410 : i32
            %mul3A_412 = arith.constant 4 : i32
            %mul3A_413 = arith.muli %add3A_411, %mul3A_412 : i32
            %add3A_414 = arith.constant 0 : i32
            %add3A_415 = arith.addi %mul3A_413, %add3A_414 : i32
            %mul3A_416 = arith.constant 16 : i32
            %mul3A_417 = arith.muli %add3A_415, %mul3A_416 : i32
            %get3A_418 = arith.index_cast %mul3A_417 : i32 to index
            %get3A_419 = tpu.vector_load %arg5[%get3A_418] {strides = array<i32>} : memref<32768xf32, #tpu.memory_space<vmem>>, vector<16xf32>,
            %ge3A_420 = arith.cmpf oge, %get3A_419, %scan3A_27 : vector<16xf32>
            %convert_element_type3A_421 = arith.extui %ge3A_420 : vector<16xi1> to vector<16xi32>
            %broadcast_in_dim3A_422 = arith.constant true
            %broadcast_in_dim3A_423 = vector.broadcast %broadcast_in_dim3A_422 : i1 to vector<16xi1>
            %masked_cumsum3A_424 = tpu.scan <sum>, %convert_element_type3A_421 masked %broadcast_in_dim3A_423 : vector<16xi32>, vector<16xi1> -> vector<16xi32>
            %mul3A_425 = arith.constant 4 : i32
            %mul3A_426 = arith.muli %add3A_411, %mul3A_425 : i32
            %add3A_427 = arith.constant 1 : i32
            %add3A_428 = arith.addi %mul3A_426, %add3A_427 : i32
            %mul3A_429 = arith.constant 16 : i32
            %mul3A_430 = arith.muli %add3A_428, %mul3A_429 : i32
            %get3A_431 = arith.index_cast %mul3A_430 : i32 to index
            %get3A_432 = tpu.vector_load %arg5[%get3A_431] {strides = array<i32>} : memref<32768xf32, #tpu.memory_space<vmem>>, vector<16xf32>,
            %ge3A_433 = arith.cmpf oge, %get3A_432, %scan3A_27 : vector<16xf32>
            %convert_element_type3A_434 = arith.extui %ge3A_433 : vector<16xi1> to vector<16xi32>
            %broadcast_in_dim3A_435 = arith.constant true
            %broadcast_in_dim3A_436 = vector.broadcast %broadcast_in_dim3A_435 : i1 to vector<16xi1>
            %masked_cumsum3A_437 = tpu.scan <sum>, %convert_element_type3A_434 masked %broadcast_in_dim3A_436 : vector<16xi32>, vector<16xi1> -> vector<16xi32>
            %mul3A_438 = arith.constant 4 : i32
            %mul3A_439 = arith.muli %add3A_411, %mul3A_438 : i32
            %add3A_440 = arith.constant 2 : i32
            %add3A_441 = arith.addi %mul3A_439, %add3A_440 : i32
            %mul3A_442 = arith.constant 16 : i32
            %mul3A_443 = arith.muli %add3A_441, %mul3A_442 : i32
            %get3A_444 = arith.index_cast %mul3A_443 : i32 to index
            %get3A_445 = tpu.vector_load %arg5[%get3A_444] {strides = array<i32>} : memref<32768xf32, #tpu.memory_space<vmem>>, vector<16xf32>,
            %ge3A_446 = arith.cmpf oge, %get3A_445, %scan3A_27 : vector<16xf32>
            %convert_element_type3A_447 = arith.extui %ge3A_446 : vector<16xi1> to vector<16xi32>
            %broadcast_in_dim3A_448 = arith.constant true
            %broadcast_in_dim3A_449 = vector.broadcast %broadcast_in_dim3A_448 : i1 to vector<16xi1>
            %masked_cumsum3A_450 = tpu.scan <sum>, %convert_element_type3A_447 masked %broadcast_in_dim3A_449 : vector<16xi32>, vector<16xi1> -> vector<16xi32>
            %mul3A_451 = arith.constant 4 : i32
            %mul3A_452 = arith.muli %add3A_411, %mul3A_451 : i32
            %add3A_453 = arith.constant 3 : i32
            %add3A_454 = arith.addi %mul3A_452, %add3A_453 : i32
            %mul3A_455 = arith.constant 16 : i32
            %mul3A_456 = arith.muli %add3A_454, %mul3A_455 : i32
            %get3A_457 = arith.index_cast %mul3A_456 : i32 to index
            %get3A_458 = tpu.vector_load %arg5[%get3A_457] {strides = array<i32>} : memref<32768xf32, #tpu.memory_space<vmem>>, vector<16xf32>,
            %ge3A_459 = arith.cmpf oge, %get3A_458, %scan3A_27 : vector<16xf32>
            %convert_element_type3A_460 = arith.extui %ge3A_459 : vector<16xi1> to vector<16xi32>
            %broadcast_in_dim3A_461 = arith.constant true
            %broadcast_in_dim3A_462 = vector.broadcast %broadcast_in_dim3A_461 : i1 to vector<16xi1>
            %masked_cumsum3A_463 = tpu.scan <sum>, %convert_element_type3A_460 masked %broadcast_in_dim3A_462 : vector<16xi32>, vector<16xi1> -> vector<16xi32>
            %mul3A_464 = arith.constant 4 : i32
            %mul3A_465 = arith.muli %add3A_411, %mul3A_464 : i32
            %add3A_466 = arith.constant 0 : i32
            %add3A_467 = arith.addi %mul3A_465, %add3A_466 : i32
            %add3A_468 = arith.addi %cond3A_399, %masked_cumsum3A_424 : vector<16xi32>
            %sub3A_469 = arith.constant 1 : i32
            %sub3A_470 = vector.broadcast %sub3A_469 : i32 to vector<16xi32>
            %sub3A_471 = arith.subi %add3A_468, %sub3A_470 : vector<16xi32>
            %min3A_472 = arith.constant 1023 : i32
            %min3A_473 = vector.broadcast %min3A_472 : i32 to vector<16xi32>
            %min3A_474 = arith.minsi %sub3A_471, %min3A_473 : vector<16xi32>
            %mul3A_475 = arith.constant 16 : i32
            %mul3A_476 = arith.muli %add3A_467, %mul3A_475 : i32
            %mul3A_477 = arith.constant 1024 : i32
            %mul3A_478 = arith.muli %mul3A_476, %mul3A_477 : i32
            %add3A_479 = vector.broadcast %mul3A_478 : i32 to vector<16xi32>
            %add3A_480 = arith.addi %add3A_479, %mul3A_1 : vector<16xi32>
            %add3A_481 = arith.addi %add3A_480, %min3A_474 : vector<16xi32>
            tpu.vector_store_idx %arg7[%min3A_474], %get3A_419 masked %ge3A_420 : memref<1024xf32, #tpu.memory_space<vmem>>[vector<16xi32>], vector<16xf32>, vector<16xi1>
            tpu.vector_store_idx %arg8[%min3A_474], %add3A_481 masked %ge3A_420 : memref<1024xi32, #tpu.memory_space<vmem>>[vector<16xi32>], vector<16xi32>, vector<16xi1>
            %broadcast_in_dim3A_482 = arith.constant 15 : i32
            %broadcast_in_dim3A_483 = vector.broadcast %broadcast_in_dim3A_482 : i32 to vector<16xi32>
            %reshape3A = vector.shape_cast %broadcast_in_dim3A_483 : vector<16xi32> to vector<16x1xi32>
            %gather3A = vector.shape_cast %reshape3A : vector<16x1xi32> to vector<16xi32>
            %gather3A_484 = tpu.dynamic_gather %masked_cumsum3A_424[%gather3A] in [0] : vector<16xi32>, vector<16xi32> -> vector<16xi32>
            %add3A_485 = arith.addi %cond3A_399, %gather3A_484 : vector<16xi32>
            %mul3A_486 = arith.constant 4 : i32
            %mul3A_487 = arith.muli %add3A_411, %mul3A_486 : i32
            %add3A_488 = arith.constant 1 : i32
            %add3A_489 = arith.addi %mul3A_487, %add3A_488 : i32
            %add3A_490 = arith.addi %add3A_485, %masked_cumsum3A_437 : vector<16xi32>
            %sub3A_491 = arith.constant 1 : i32
            %sub3A_492 = vector.broadcast %sub3A_491 : i32 to vector<16xi32>
            %sub3A_493 = arith.subi %add3A_490, %sub3A_492 : vector<16xi32>
            %min3A_494 = arith.constant 1023 : i32
            %min3A_495 = vector.broadcast %min3A_494 : i32 to vector<16xi32>
            %min3A_496 = arith.minsi %sub3A_493, %min3A_495 : vector<16xi32>
            %mul3A_497 = arith.constant 16 : i32
            %mul3A_498 = arith.muli %add3A_489, %mul3A_497 : i32
            %mul3A_499 = arith.constant 1024 : i32
            %mul3A_500 = arith.muli %mul3A_498, %mul3A_499 : i32
            %add3A_501 = vector.broadcast %mul3A_500 : i32 to vector<16xi32>
            %add3A_502 = arith.addi %add3A_501, %mul3A_1 : vector<16xi32>
            %add3A_503 = arith.addi %add3A_502, %min3A_496 : vector<16xi32>
            tpu.vector_store_idx %arg7[%min3A_496], %get3A_432 masked %ge3A_433 : memref<1024xf32, #tpu.memory_space<vmem>>[vector<16xi32>], vector<16xf32>, vector<16xi1>
            tpu.vector_store_idx %arg8[%min3A_496], %add3A_503 masked %ge3A_433 : memref<1024xi32, #tpu.memory_space<vmem>>[vector<16xi32>], vector<16xi32>, vector<16xi1>
            %broadcast_in_dim3A_504 = arith.constant 15 : i32
            %broadcast_in_dim3A_505 = vector.broadcast %broadcast_in_dim3A_504 : i32 to vector<16xi32>
            %reshape3A_506 = vector.shape_cast %broadcast_in_dim3A_505 : vector<16xi32> to vector<16x1xi32>
            %gather3A_507 = vector.shape_cast %reshape3A_506 : vector<16x1xi32> to vector<16xi32>
            %gather3A_508 = tpu.dynamic_gather %masked_cumsum3A_437[%gather3A_507] in [0] : vector<16xi32>, vector<16xi32> -> vector<16xi32>
            %add3A_509 = arith.addi %add3A_485, %gather3A_508 : vector<16xi32>
            %mul3A_510 = arith.constant 4 : i32
            %mul3A_511 = arith.muli %add3A_411, %mul3A_510 : i32
            %add3A_512 = arith.constant 2 : i32
            %add3A_513 = arith.addi %mul3A_511, %add3A_512 : i32
            %add3A_514 = arith.addi %add3A_509, %masked_cumsum3A_450 : vector<16xi32>
            %sub3A_515 = arith.constant 1 : i32
            %sub3A_516 = vector.broadcast %sub3A_515 : i32 to vector<16xi32>
            %sub3A_517 = arith.subi %add3A_514, %sub3A_516 : vector<16xi32>
            %min3A_518 = arith.constant 1023 : i32
            %min3A_519 = vector.broadcast %min3A_518 : i32 to vector<16xi32>
            %min3A_520 = arith.minsi %sub3A_517, %min3A_519 : vector<16xi32>
            %mul3A_521 = arith.constant 16 : i32
            %mul3A_522 = arith.muli %add3A_513, %mul3A_521 : i32
            %mul3A_523 = arith.constant 1024 : i32
            %mul3A_524 = arith.muli %mul3A_522, %mul3A_523 : i32
            %add3A_525 = vector.broadcast %mul3A_524 : i32 to vector<16xi32>
            %add3A_526 = arith.addi %add3A_525, %mul3A_1 : vector<16xi32>
            %add3A_527 = arith.addi %add3A_526, %min3A_520 : vector<16xi32>
            tpu.vector_store_idx %arg7[%min3A_520], %get3A_445 masked %ge3A_446 : memref<1024xf32, #tpu.memory_space<vmem>>[vector<16xi32>], vector<16xf32>, vector<16xi1>
            tpu.vector_store_idx %arg8[%min3A_520], %add3A_527 masked %ge3A_446 : memref<1024xi32, #tpu.memory_space<vmem>>[vector<16xi32>], vector<16xi32>, vector<16xi1>
            %broadcast_in_dim3A_528 = arith.constant 15 : i32
            %broadcast_in_dim3A_529 = vector.broadcast %broadcast_in_dim3A_528 : i32 to vector<16xi32>
            %reshape3A_530 = vector.shape_cast %broadcast_in_dim3A_529 : vector<16xi32> to vector<16x1xi32>
            %gather3A_531 = vector.shape_cast %reshape3A_530 : vector<16x1xi32> to vector<16xi32>
            %gather3A_532 = tpu.dynamic_gather %masked_cumsum3A_450[%gather3A_531] in [0] : vector<16xi32>, vector<16xi32> -> vector<16xi32>
            %add3A_533 = arith.addi %add3A_509, %gather3A_532 : vector<16xi32>
            %mul3A_534 = arith.constant 4 : i32
            %mul3A_535 = arith.muli %add3A_411, %mul3A_534 : i32
            %add3A_536 = arith.constant 3 : i32
            %add3A_537 = arith.addi %mul3A_535, %add3A_536 : i32
            %add3A_538 = arith.addi %add3A_533, %masked_cumsum3A_463 : vector<16xi32>
            %sub3A_539 = arith.constant 1 : i32
            %sub3A_540 = vector.broadcast %sub3A_539 : i32 to vector<16xi32>
            %sub3A_541 = arith.subi %add3A_538, %sub3A_540 : vector<16xi32>
            %min3A_542 = arith.constant 1023 : i32
            %min3A_543 = vector.broadcast %min3A_542 : i32 to vector<16xi32>
            %min3A_544 = arith.minsi %sub3A_541, %min3A_543 : vector<16xi32>
            %mul3A_545 = arith.constant 16 : i32
            %mul3A_546 = arith.muli %add3A_537, %mul3A_545 : i32
            %mul3A_547 = arith.constant 1024 : i32
            %mul3A_548 = arith.muli %mul3A_546, %mul3A_547 : i32
            %add3A_549 = vector.broadcast %mul3A_548 : i32 to vector<16xi32>
            %add3A_550 = arith.addi %add3A_549, %mul3A_1 : vector<16xi32>
            %add3A_551 = arith.addi %add3A_550, %min3A_544 : vector<16xi32>
            tpu.vector_store_idx %arg7[%min3A_544], %get3A_458 masked %ge3A_459 : memref<1024xf32, #tpu.memory_space<vmem>>[vector<16xi32>], vector<16xf32>, vector<16xi1>
            tpu.vector_store_idx %arg8[%min3A_544], %add3A_551 masked %ge3A_459 : memref<1024xi32, #tpu.memory_space<vmem>>[vector<16xi32>], vector<16xi32>, vector<16xi1>
            %broadcast_in_dim3A_552 = arith.constant 15 : i32
            %broadcast_in_dim3A_553 = vector.broadcast %broadcast_in_dim3A_552 : i32 to vector<16xi32>
            %reshape3A_554 = vector.shape_cast %broadcast_in_dim3A_553 : vector<16xi32> to vector<16x1xi32>
            %gather3A_555 = vector.shape_cast %reshape3A_554 : vector<16x1xi32> to vector<16xi32>
            %gather3A_556 = tpu.dynamic_gather %masked_cumsum3A_463[%gather3A_555] in [0] : vector<16xi32>, vector<16xi32> -> vector<16xi32>
            %add3A_557 = arith.addi %add3A_533, %gather3A_556 : vector<16xi32>
            scf.yield %add3A_557 : vector<16xi32>
          } else {
            scf.yield %cond3A_399 : vector<16xi32>
          }
          scf.yield %cond3A_409 : vector<16xi32>
        } else {
          scf.yield %cond3A_301 : vector<16xi32>
        }
        scf.yield %cond3A_370 : vector<16xi32>
      }
      %scan3A_36 = arith.constant 128 : i32
      %slice3A = vector.extract_strided_slice %scan3A_35 {offsets = [0], sizes = [1], strides = [1]} : vector<16xi32> to vector<1xi32>
      %squeeze3A = vector.extract %slice3A[0] : i32 from vector<1xi32>
      %min3A = arith.constant 1024 : i32
      %min3A_37 = arith.minsi %squeeze3A, %min3A : i32
      %jit3A = arith.constant 16 : i32
      %div3A = arith.divsi %min3A_37, %jit3A : i32
      %sign3A = arith.constant 0 : i32
      %sign3A_38 = arith.cmpi sgt, %min3A_37, %sign3A : i32
      %sign3A_39 = arith.extui %sign3A_38 : i1 to i32
      %sign3A_40 = arith.constant 0 : i32
      %sign3A_41 = arith.cmpi slt, %min3A_37, %sign3A_40 : i32
      %sign3A_42 = arith.extui %sign3A_41 : i1 to i32
      %sign3A_43 = arith.subi %sign3A_39, %sign3A_42 : i32
      %sign3A_44 = arith.constant 0 : i32
      %sign3A_45 = arith.cmpi sgt, %jit3A, %sign3A_44 : i32
      %sign3A_46 = arith.extui %sign3A_45 : i1 to i32
      %sign3A_47 = arith.constant 0 : i32
      %sign3A_48 = arith.cmpi slt, %jit3A, %sign3A_47 : i32
      %sign3A_49 = arith.extui %sign3A_48 : i1 to i32
      %sign3A_50 = arith.subi %sign3A_46, %sign3A_49 : i32
      %ne3A = arith.cmpi ne, %sign3A_43, %sign3A_50 : i32
      %rem3A = arith.remsi %min3A_37, %jit3A : i32
      %ne3A_51 = arith.constant 0 : i32
      %ne3A_52 = arith.cmpi ne, %rem3A, %ne3A_51 : i32
      %and3A = arith.andi %ne3A, %ne3A_52 : i1
      %sub3A = arith.constant 1 : i32
      %sub3A_53 = arith.subi %div3A, %sub3A : i32
      %select_n3A = arith.select %and3A, %sub3A_53, %div3A : i32
      %mul3A_54 = arith.constant 16 : i32
      %mul3A_55 = arith.muli %select_n3A, %mul3A_54 : i32
      %min3A_56 = arith.constant 1008 : i32
      %min3A_57 = arith.minsi %mul3A_55, %min3A_56 : i32
      %get3A = arith.index_cast %min3A_57 : i32 to index
      %get3A_58 = tpu.vector_load %arg7[%get3A] {strides = array<i32>} : memref<1024xf32, #tpu.memory_space<vmem>>, vector<16xf32>,
      %sub3A_59 = arith.subi %min3A_37, %min3A_57 : i32
      %ge3A = vector.broadcast %sub3A_59 : i32 to vector<16xi32>
      %ge3A_60 = arith.cmpi sge, %iota3A, %ge3A : vector<16xi32>
      %jit3A_61 = arith.constant 0xFF800000 : f32
      %broadcast_in_dim3A_62 = vector.broadcast %jit3A_61 : f32 to vector<16xf32>
      %select_n3A_63 = arith.select %ge3A_60, %broadcast_in_dim3A_62, %get3A_58 : vector<16xi1>, vector<16xf32>
      %swap3A = arith.index_cast %min3A_57 : i32 to index
      %swap3A_64 = tpu.vector_load %arg7[%swap3A] {strides = array<i32>} : memref<1024xf32, #tpu.memory_space<vmem>>, vector<16xf32>,
      tpu.vector_store %arg7[%swap3A], %select_n3A_63 {strides = array<i32>} : memref<1024xf32, #tpu.memory_space<vmem>>, vector<16xf32>,
      %add3A_65 = arith.constant 15 : i32
      %add3A_66 = arith.addi %min3A_37, %add3A_65 : i32
      %jit3A_67 = arith.constant 16 : i32
      %div3A_68 = arith.divsi %add3A_66, %jit3A_67 : i32
      %sign3A_69 = arith.constant 0 : i32
      %sign3A_70 = arith.cmpi sgt, %add3A_66, %sign3A_69 : i32
      %sign3A_71 = arith.extui %sign3A_70 : i1 to i32
      %sign3A_72 = arith.constant 0 : i32
      %sign3A_73 = arith.cmpi slt, %add3A_66, %sign3A_72 : i32
      %sign3A_74 = arith.extui %sign3A_73 : i1 to i32
      %sign3A_75 = arith.subi %sign3A_71, %sign3A_74 : i32
      %sign3A_76 = arith.constant 0 : i32
      %sign3A_77 = arith.cmpi sgt, %jit3A_67, %sign3A_76 : i32
      %sign3A_78 = arith.extui %sign3A_77 : i1 to i32
      %sign3A_79 = arith.constant 0 : i32
      %sign3A_80 = arith.cmpi slt, %jit3A_67, %sign3A_79 : i32
      %sign3A_81 = arith.extui %sign3A_80 : i1 to i32
      %sign3A_82 = arith.subi %sign3A_78, %sign3A_81 : i32
      %ne3A_83 = arith.cmpi ne, %sign3A_75, %sign3A_82 : i32
      %rem3A_84 = arith.remsi %add3A_66, %jit3A_67 : i32
      %ne3A_85 = arith.constant 0 : i32
      %ne3A_86 = arith.cmpi ne, %rem3A_84, %ne3A_85 : i32
      %and3A_87 = arith.andi %ne3A_83, %ne3A_86 : i1
      %sub3A_88 = arith.constant 1 : i32
      %sub3A_89 = arith.subi %div3A_68, %sub3A_88 : i32
      %select_n3A_90 = arith.select %and3A_87, %sub3A_89, %div3A_68 : i32
      %scan3A_91 = arith.constant 0 : i32
      %scan3A_92 = arith.constant 0 : i32
      %scan3A_93 = arith.constant 50 : i32
      %scan3A_94 = arith.addi %scan3A_92, %scan3A_93 : i32
      %scan3A_95 = arith.constant 1 : i32
      %scan3A_96 = scf.for %scan3A_99 = %scan3A_92 to %scan3A_94 step %scan3A_95 iter_args(%scan3A_100 = %scan3A_91) -> (i32)  : i32 {
        %broadcast_in_dim3A_101 = arith.constant 0xFF800000 : f32
        %broadcast_in_dim3A_102 = vector.broadcast %broadcast_in_dim3A_101 : f32 to vector<16xf32>
        %while3A = arith.constant 0 : i32
        %while3A_103 = arith.subi %select_n3A_90, %while3A : i32
        %while3A_104 = arith.addi %while3A, %while3A_103 : i32
        %while3A_105 = arith.constant 1 : i32
        %while3A_106 = arith.divsi %while3A_103, %while3A_105 : i32
        %while3A_107 = arith.muli %while3A_106, %while3A_105 : i32
        %while3A_108 = arith.addi %while3A, %while3A_107 : i32
        %while3A_109 = arith.constant 1 : i32
        %while3A_110 = scf.for %while3A_166 = %while3A to %while3A_108 step %while3A_109 iter_args(%while3A_167 = %broadcast_in_dim3A_102) -> (vector<16xf32>)  : i32 {
          %mul3A_168 = arith.constant 16 : i32
          %mul3A_169 = arith.muli %while3A_166, %mul3A_168 : i32
          %get3A_170 = arith.index_cast %mul3A_169 : i32 to index
          %get3A_171 = tpu.vector_load %arg7[%get3A_170] {strides = array<i32>} : memref<1024xf32, #tpu.memory_space<vmem>>, vector<16xf32>,
          %max3A = arith.maximumf %while3A_167, %get3A_171 : vector<16xf32>
          scf.yield %max3A : vector<16xf32>
        }
        %while3A_111 = arith.constant 1 : i32
        %while3A_112 = scf.for %while3A_166 = %while3A_108 to %while3A_104 step %while3A_111 iter_args(%while3A_167 = %while3A_110) -> (vector<16xf32>)  : i32 {
          %mul3A_168 = arith.constant 16 : i32
          %mul3A_169 = arith.muli %while3A_166, %mul3A_168 : i32
          %get3A_170 = arith.index_cast %mul3A_169 : i32 to index
          %get3A_171 = tpu.vector_load %arg7[%get3A_170] {strides = array<i32>} : memref<1024xf32, #tpu.memory_space<vmem>>, vector<16xf32>,
          %max3A = arith.maximumf %while3A_167, %get3A_171 : vector<16xf32>
          scf.yield %max3A : vector<16xf32>
        }
        %broadcast_in_dim3A_113 = arith.constant true
        %broadcast_in_dim3A_114 = vector.broadcast %broadcast_in_dim3A_113 : i1 to vector<16xi1>
        %masked_cummax3A = tpu.scan <max>, %while3A_112 masked %broadcast_in_dim3A_114 : vector<16xf32>, vector<16xi1> -> vector<16xf32>
        %broadcast_in_dim3A_115 = arith.constant 15 : i32
        %broadcast_in_dim3A_116 = vector.broadcast %broadcast_in_dim3A_115 : i32 to vector<16xi32>
        %reshape3A = vector.shape_cast %broadcast_in_dim3A_116 : vector<16xi32> to vector<16x1xi32>
        %gather3A = vector.shape_cast %reshape3A : vector<16x1xi32> to vector<16xi32>
        %gather3A_117 = tpu.dynamic_gather %masked_cummax3A[%gather3A] in [0] : vector<16xf32>, vector<16xi32> -> vector<16xf32>
        %broadcast_in_dim3A_118 = arith.constant 1073741824 : i32
        %broadcast_in_dim3A_119 = vector.broadcast %broadcast_in_dim3A_118 : i32 to vector<16xi32>
        %while3A_120 = arith.constant 0 : i32
        %while3A_121 = arith.subi %select_n3A_90, %while3A_120 : i32
        %while3A_122 = arith.addi %while3A_120, %while3A_121 : i32
        %while3A_123 = arith.constant 1 : i32
        %while3A_124 = arith.divsi %while3A_121, %while3A_123 : i32
        %while3A_125 = arith.muli %while3A_124, %while3A_123 : i32
        %while3A_126 = arith.addi %while3A_120, %while3A_125 : i32
        %while3A_127 = arith.constant 1 : i32
        %while3A_128 = scf.for %while3A_166 = %while3A_120 to %while3A_126 step %while3A_127 iter_args(%while3A_167 = %broadcast_in_dim3A_119) -> (vector<16xi32>)  : i32 {
          %mul3A_168 = arith.constant 16 : i32
          %mul3A_169 = arith.muli %while3A_166, %mul3A_168 : i32
          %get3A_170 = arith.index_cast %mul3A_169 : i32 to index
          %get3A_171 = tpu.vector_load %arg7[%get3A_170] {strides = array<i32>} : memref<1024xf32, #tpu.memory_space<vmem>>, vector<16xf32>,
          %mul3A_172 = arith.constant 16 : i32
          %mul3A_173 = arith.muli %while3A_166, %mul3A_172 : i32
          %get3A_174 = arith.index_cast %mul3A_173 : i32 to index
          %get3A_175 = tpu.vector_load %arg8[%get3A_174] {strides = array<i32>} : memref<1024xi32, #tpu.memory_space<vmem>>, vector<16xi32>,
          %eq3A_176 = arith.cmpf oeq, %get3A_171, %gather3A_117 : vector<16xf32>
          %broadcast_in_dim3A_177 = arith.constant 1073741824 : i32
          %broadcast_in_dim3A_178 = vector.broadcast %broadcast_in_dim3A_177 : i32 to vector<16xi32>
          %select_n3A_179 = arith.select %eq3A_176, %get3A_175, %broadcast_in_dim3A_178 : vector<16xi1>, vector<16xi32>
          %min3A_180 = arith.minsi %while3A_167, %select_n3A_179 : vector<16xi32>
          scf.yield %min3A_180 : vector<16xi32>
        }
        %while3A_129 = arith.constant 1 : i32
        %while3A_130 = scf.for %while3A_166 = %while3A_126 to %while3A_122 step %while3A_129 iter_args(%while3A_167 = %while3A_128) -> (vector<16xi32>)  : i32 {
          %mul3A_168 = arith.constant 16 : i32
          %mul3A_169 = arith.muli %while3A_166, %mul3A_168 : i32
          %get3A_170 = arith.index_cast %mul3A_169 : i32 to index
          %get3A_171 = tpu.vector_load %arg7[%get3A_170] {strides = array<i32>} : memref<1024xf32, #tpu.memory_space<vmem>>, vector<16xf32>,
          %mul3A_172 = arith.constant 16 : i32
          %mul3A_173 = arith.muli %while3A_166, %mul3A_172 : i32
          %get3A_174 = arith.index_cast %mul3A_173 : i32 to index
          %get3A_175 = tpu.vector_load %arg8[%get3A_174] {strides = array<i32>} : memref<1024xi32, #tpu.memory_space<vmem>>, vector<16xi32>,
          %eq3A_176 = arith.cmpf oeq, %get3A_171, %gather3A_117 : vector<16xf32>
          %broadcast_in_dim3A_177 = arith.constant 1073741824 : i32
          %broadcast_in_dim3A_178 = vector.broadcast %broadcast_in_dim3A_177 : i32 to vector<16xi32>
          %select_n3A_179 = arith.select %eq3A_176, %get3A_175, %broadcast_in_dim3A_178 : vector<16xi1>, vector<16xi32>
          %min3A_180 = arith.minsi %while3A_167, %select_n3A_179 : vector<16xi32>
          scf.yield %min3A_180 : vector<16xi32>
        }
        %neg3A = arith.constant 0 : i32
        %neg3A_131 = vector.broadcast %neg3A : i32 to vector<16xi32>
        %neg3A_132 = arith.subi %neg3A_131, %while3A_130 : vector<16xi32>
        %broadcast_in_dim3A_133 = arith.constant true
        %broadcast_in_dim3A_134 = vector.broadcast %broadcast_in_dim3A_133 : i1 to vector<16xi1>
        %masked_cummax3A_135 = arith.constant -2147483648 : i32
        %masked_cummax3A_136 = vector.broadcast %masked_cummax3A_135 : i32 to vector<16xi32>
        %masked_cummax3A_137 = arith.xori %neg3A_132, %masked_cummax3A_136 : vector<16xi32>
        %masked_cummax3A_138 = tpu.scan <max>, %masked_cummax3A_137 masked %broadcast_in_dim3A_134 : vector<16xi32>, vector<16xi1> -> vector<16xi32>
        %masked_cummax3A_139 = arith.xori %masked_cummax3A_138, %masked_cummax3A_136 : vector<16xi32>
        %broadcast_in_dim3A_140 = arith.constant 15 : i32
        %broadcast_in_dim3A_141 = vector.broadcast %broadcast_in_dim3A_140 : i32 to vector<16xi32>
        %reshape3A_142 = vector.shape_cast %broadcast_in_dim3A_141 : vector<16xi32> to vector<16x1xi32>
        %gather3A_143 = vector.shape_cast %reshape3A_142 : vector<16x1xi32> to vector<16xi32>
        %gather3A_144 = tpu.dynamic_gather %masked_cummax3A_139[%gather3A_143] in [0] : vector<16xi32>, vector<16xi32> -> vector<16xi32>
        %neg3A_145 = arith.constant 0 : i32
        %neg3A_146 = vector.broadcast %neg3A_145 : i32 to vector<16xi32>
        %neg3A_147 = arith.subi %neg3A_146, %gather3A_144 : vector<16xi32>
        %shift_right_logical3A = arith.constant 10 : i32
        %shift_right_logical3A_148 = vector.broadcast %shift_right_logical3A : i32 to vector<16xi32>
        %shift_right_logical3A_149 = arith.shrui %neg3A_147, %shift_right_logical3A_148 : vector<16xi32>
        %and3A_150 = arith.constant 1023 : i32
        %and3A_151 = vector.broadcast %and3A_150 : i32 to vector<16xi32>
        %and3A_152 = arith.andi %neg3A_147, %and3A_151 : vector<16xi32>
        %eq3A = arith.constant 0 : i32
        %eq3A_153 = vector.broadcast %eq3A : i32 to vector<16xi32>
        %eq3A_154 = arith.cmpi eq, %iota3A, %eq3A_153 : vector<16xi32>
        %broadcast_in_dim3A_155 = arith.constant 0 : i32
        %broadcast_in_dim3A_156 = vector.broadcast %broadcast_in_dim3A_155 : i32 to vector<16xi32>
        %add3A_157 = vector.broadcast %scan3A_99 : i32 to vector<16xi32>
        %add3A_158 = arith.addi %broadcast_in_dim3A_156, %add3A_157 : vector<16xi32>
        tpu.vector_store_idx %arg9[%add3A_158], %gather3A_117 masked %eq3A_154 : memref<64xf32, #tpu.memory_space<vmem>>[vector<16xi32>], vector<16xf32>, vector<16xi1>
        %broadcast_in_dim3A_159 = arith.constant 0 : i32
        %broadcast_in_dim3A_160 = vector.broadcast %broadcast_in_dim3A_159 : i32 to vector<16xi32>
        %add3A_161 = vector.broadcast %scan3A_99 : i32 to vector<16xi32>
        %add3A_162 = arith.addi %broadcast_in_dim3A_160, %add3A_161 : vector<16xi32>
        tpu.vector_store_idx %arg10[%add3A_162], %shift_right_logical3A_149 masked %eq3A_154 : memref<64xi32, #tpu.memory_space<vmem>>[vector<16xi32>], vector<16xi32>, vector<16xi1>
        %broadcast_in_dim3A_163 = arith.constant 0xFF800000 : f32
        %broadcast_in_dim3A_164 = vector.broadcast %broadcast_in_dim3A_163 : f32 to vector<16xf32>
        tpu.vector_store_idx %arg7[%and3A_152], %broadcast_in_dim3A_164 masked %eq3A_154 : memref<1024xf32, #tpu.memory_space<vmem>>[vector<16xi32>], vector<16xf32>, vector<16xi1>
        %scan3A_165 = arith.constant 0 : i32
        scf.yield %scan3A_165 : i32
      }
      %scan3A_97 = arith.constant 50 : i32
      "tpu.region"() ({
        %run_scoped3A = tpu.sem_alloc : memref<!tpu.dma_semaphore, #tpu.memory_space<semaphore_mem>>
        %dma_start3A = arith.constant 0 : i32
        %dma_start3A_99 = tpu.memref_slice %arg4[%add3A_14, %dma_start3A] : memref<64x64xf32, #tpu.memory_space<hbm>> -> memref<1x64xf32, #tpu.memory_space<hbm>>
        %dma_start3A_100 = tpu.memref_squeeze %dma_start3A_99 : memref<1x64xf32, #tpu.memory_space<hbm>> -> memref<64xf32, #tpu.memory_space<hbm>>
        %dma_start3A_101 = arith.constant 0 : i32
        %dma_start3A_102 = tpu.memref_slice %arg4[%add3A_14, %dma_start3A_101] : memref<64x64xf32, #tpu.memory_space<hbm>> -> memref<1x64xf32, #tpu.memory_space<hbm>>
        %dma_start3A_103 = tpu.memref_squeeze %dma_start3A_102 : memref<1x64xf32, #tpu.memory_space<hbm>> -> memref<64xf32, #tpu.memory_space<hbm>>
        tpu.enqueue_dma source(%arg9 : memref<64xf32, #tpu.memory_space<vmem>>) target(%dma_start3A_103 : memref<64xf32, #tpu.memory_space<hbm>>) target_semaphore(%run_scoped3A : memref<!tpu.dma_semaphore, #tpu.memory_space<semaphore_mem>>)
        %dma_wait3A = arith.constant 0 : i32
        %dma_wait3A_104 = tpu.memref_slice %arg4[%add3A_14, %dma_wait3A] : memref<64x64xf32, #tpu.memory_space<hbm>> -> memref<1x64xf32, #tpu.memory_space<hbm>>
        %dma_wait3A_105 = tpu.memref_squeeze %dma_wait3A_104 : memref<1x64xf32, #tpu.memory_space<hbm>> -> memref<64xf32, #tpu.memory_space<hbm>>
        %dma_wait3A_106 = arith.constant 0 : i32
        %dma_wait3A_107 = tpu.memref_slice %arg4[%add3A_14, %dma_wait3A_106] : memref<64x64xf32, #tpu.memory_space<hbm>> -> memref<1x64xf32, #tpu.memory_space<hbm>>
        %dma_wait3A_108 = tpu.memref_squeeze %dma_wait3A_107 : memref<1x64xf32, #tpu.memory_space<hbm>> -> memref<64xf32, #tpu.memory_space<hbm>>
        tpu.wait_dma2 semaphore(%run_scoped3A : memref<!tpu.dma_semaphore, #tpu.memory_space<semaphore_mem>>) src(%arg9 : memref<64xf32, #tpu.memory_space<vmem>>) dst(%dma_wait3A_108 : memref<64xf32, #tpu.memory_space<hbm>>)
        tpu.yield
      }) : () -> ()
      "tpu.region"() ({
        %run_scoped3A = tpu.sem_alloc : memref<!tpu.dma_semaphore, #tpu.memory_space<semaphore_mem>>
        %dma_start3A = arith.constant 0 : i32
        %dma_start3A_99 = tpu.memref_slice %arg3[%add3A_14, %dma_start3A] : memref<64x64xi32, #tpu.memory_space<hbm>> -> memref<1x64xi32, #tpu.memory_space<hbm>>
        %dma_start3A_100 = tpu.memref_squeeze %dma_start3A_99 : memref<1x64xi32, #tpu.memory_space<hbm>> -> memref<64xi32, #tpu.memory_space<hbm>>
        %dma_start3A_101 = arith.constant 0 : i32
        %dma_start3A_102 = tpu.memref_slice %arg3[%add3A_14, %dma_start3A_101] : memref<64x64xi32, #tpu.memory_space<hbm>> -> memref<1x64xi32, #tpu.memory_space<hbm>>
        %dma_start3A_103 = tpu.memref_squeeze %dma_start3A_102 : memref<1x64xi32, #tpu.memory_space<hbm>> -> memref<64xi32, #tpu.memory_space<hbm>>
        tpu.enqueue_dma source(%arg10 : memref<64xi32, #tpu.memory_space<vmem>>) target(%dma_start3A_103 : memref<64xi32, #tpu.memory_space<hbm>>) target_semaphore(%run_scoped3A : memref<!tpu.dma_semaphore, #tpu.memory_space<semaphore_mem>>)
        %dma_wait3A = arith.constant 0 : i32
        %dma_wait3A_104 = tpu.memref_slice %arg3[%add3A_14, %dma_wait3A] : memref<64x64xi32, #tpu.memory_space<hbm>> -> memref<1x64xi32, #tpu.memory_space<hbm>>
        %dma_wait3A_105 = tpu.memref_squeeze %dma_wait3A_104 : memref<1x64xi32, #tpu.memory_space<hbm>> -> memref<64xi32, #tpu.memory_space<hbm>>
        %dma_wait3A_106 = arith.constant 0 : i32
        %dma_wait3A_107 = tpu.memref_slice %arg3[%add3A_14, %dma_wait3A_106] : memref<64x64xi32, #tpu.memory_space<hbm>> -> memref<1x64xi32, #tpu.memory_space<hbm>>
        %dma_wait3A_108 = tpu.memref_squeeze %dma_wait3A_107 : memref<1x64xi32, #tpu.memory_space<hbm>> -> memref<64xi32, #tpu.memory_space<hbm>>
        tpu.wait_dma2 semaphore(%run_scoped3A : memref<!tpu.dma_semaphore, #tpu.memory_space<semaphore_mem>>) src(%arg10 : memref<64xi32, #tpu.memory_space<vmem>>) dst(%dma_wait3A_108 : memref<64xi32, #tpu.memory_space<hbm>>)
        tpu.yield
      }) : () -> ()
      %scan3A_98 = arith.constant 0 : i32
      scf.yield %scan3A_98 : i32
    }
    %scan3A_11 = arith.constant 2 : i32
    return
  }
}

</mosaic_0001>

<sc_bundles>
// kernel: kernel.3.cloned.1.call-start
scs
__scs_entry_jumppad:
0x0: {  	(pc) =	sbr.rel $0x88, $3  }
0x1: {  	(tag) =	ssettag $0x0;
	lr =	simm.s32 $0x1  }
0x2: {  	[smem:$0x3FA0] =	sst lr;
	_ =	strace $0xD0000000  }
0x3: {  	_ = 	snop  }
0x4: {  	_ = 	snop  }
0x5: {  	_ = 	snop  }
0x6: {  	_ = 	snop  }
0x7: {  	_ = 	snop  }
__scs_overlays_trampoline_lowered:
0x8: {  	[smem:$0x3FAF] =	sst s0  }
0x9: {  	[smem:$0x3FB0] =	sst s1  }
0xa: {  	[smem:$0x3FB1] =	sst s2  }
0xb: {  	[smem:$0x3FB2] =	sst s3  }
0xc: {  	[smem:$0x3FB3] =	sst s4  }
0xd: {  	[smem:$0x3FB4] =	sst s5  }
0xe: {  	[smem:$0x3FB5] =	sst s6  }
0xf: {  	[smem:$0x3FB6] =	sst s7  }
0x10: {  	[smem:$0x3FB7] =	sst s8  }
0x11: {  	[smem:$0x3FB8] =	sst s9;
	s0 =	simm.s32 @!p0 $0x0  }
0x12: {  	s1 =	sld [smem:$0x3F9E];
	s0 =	simm.s32 @p0 $0x1  }
0x13: {  	[smem:$0x3FB9] =	sst s0;
	s0 =	simm.s32 @!p1 $0x0  }
0x14: {  	s2 =	sld [smem:$0x3F9D];
	s0 =	simm.s32 @p1 $0x1  }
0x15: {  	[smem:$0x3FBA] =	sst s0;
	s0 =	simm.s32 @!p2 $0x0  }
0x16: {  	s3 =	sld [smem:$0x3FDB];
	s0 =	simm.s32 @p2 $0x1  }
0x17: {  	s4 =	simm.s32 $0x1BF5;
	[smem:$0x3FBC] =	sst s0  }
0x18: {  	s0 =	sld [smem:$0x3F9F];
	_ =	swait.ge [sflag:s4], $0x0  }
0x19: {  	s7 =	sld [smem:$0x3FA0]  }
0x1a: {  	s8 =	sadd.s32 $0xFFFFE003, lr  }
0x1b: {  	s9 =	sadd.s32 $0xFFFFFEF7, lr;
	s5 =	simm.s32 $0xFFFFFFFF;
	p2 =	slt.u32 s8, $0xFFFFF086  }
0x1c: {  	p1 =	slt.u32 s9, $0xF7A;
	s5 =	simm.s32 @!p2 $0x0  }
0x1d: {  	s5 =	simm.s32 @p1 $0x1;
	p0 =	seq.s32 s7, s2  }
0x1e: {  	s7 =	smul.u32 @!p0 $0xF7A, s2;
	p2 =	seq.s32 @!p0 s5, $0x0  }
0x1f: {  	s9 =	smul.u32 $0xF7A, s1;
	s8 =	simm.s32 @!p0 $0x1BF5;
	p2 =	por !p2, p0  }
0x20: {  	[sflag:s8] =	ssyncset.s32 @!p0 $0xFFFFF086;
	s6 =	sadd.s32 @!p0 s3, s7;
	s7 =	simm.s32 @!p0 $0x108  }
0x21: {  	s3 =	sadd.s32 s3, s9;
	s6 =	sadd.s32 @!p0 $0x88, s6;
	s7 =	simm.s32 @p2 $0x1082  }
0x22: {  	[simem:s7], [sflag:s8] =	dma.local @!p0 [hbm:s6], $0xF7A  }
0x23: {  	s9 =	sor.u32 $0xD0000000, s2;
	s6 =	simm.s32 $0x108;
	_ =	swait.ge @!p0 [sflag:s8], $0x0  }
0x24: {  	s3 =	sadd.s32 $0x88, s3;
	s6 =	simm.s32 @!p1 $0x1082;
	[sflag:s4] =	ssyncset.s32 $0xFFFFF086  }
0x25: {  	[simem:s6], [sflag:s4] =	dma.local [hbm:s3], $0xF7A  }
0x26: {  	[smem:$0x3FA0] =	sst s1;
	(tag) =	ssettag s2;
	_ =	strace s9  }
0x27: {  	s1 =	sld [smem:$0x3FB0]  }
0x28: {  	s2 =	sld [smem:$0x3FB1]  }
0x29: {  	s4 =	sld [smem:$0x3FB3]  }
0x2a: {  	p0 =	seq.s32 s5, $0x0;
	s5 =	sld [smem:$0x3FB4]  }
0x2b: {  	s6 =	sld [smem:$0x3FB5]  }
0x2c: {  	s7 =	sld [smem:$0x3FB6]  }
0x2d: {  	s3 =	simm.s32 $0x108;
	s8 =	sld [smem:$0x3FB7]  }
0x2e: {  	s3 =	simm.s32 @!p0 $0x1082;
	s9 =	sld [smem:$0x3FB8]  }
0x2f: {  	lr =	sadd.s32 s0, s3;
	s0 =	sld [smem:$0x3FAF]  }
0x30: {  	s3 =	sld [smem:$0x3FB2]  }
0x31: {  	[smem:$0x3FBB] =	sst s10  }
0x32: {  	s10 =	sld [smem:$0x3FB9];
	_ =	sdelay $0x3  }
0x33: {  	p0 =	seq.s32 s10, $0x1;
	s10 =	sld [smem:$0x3FBB];
	_ =	sdelay $0x3  }
0x34: {  	[smem:$0x3FBB] =	sst s10  }
0x35: {  	s10 =	sld [smem:$0x3FBA];
	_ =	sdelay $0x3  }
0x36: {  	p1 =	seq.s32 s10, $0x1;
	s10 =	sld [smem:$0x3FBB];
	_ =	sdelay $0x3  }
0x37: {  	[smem:$0x3FBB] =	sst s10  }
0x38: {  	s10 =	sld [smem:$0x3FBC]  }
0x39: {  	_ = 	snop;
	(pc) =	sbr.ind lr, $3  }
0x3a: {  	_ = 	snop  }
0x3b: {  	_ = 	snop  }
0x3c: {  	p2 =	seq.s32 s10, $0x1;
	s10 =	sld [smem:$0x3FBB]  }
0x3d: {  	_ =	shalt  }
0x3e: {  	_ =	shalt  }
0x3f: {  	_ =	shalt  }
0x40: {  	_ =	shalt  }
0x41: {  	_ =	shalt  }
0x42: {  	_ =	shalt  }
0x43: {  	_ =	shalt  }
0x44: {  	_ =	shalt  }
0x45: {  	_ =	shalt  }
0x46: {  	_ =	shalt  }
0x47: {  	_ =	shalt  }
0x48: {  	_ =	shalt  }
0x49: {  	_ =	shalt  }
0x4a: {  	_ =	shalt  }
0x4b: {  	_ =	shalt  }
0x4c: {  	_ =	shalt  }
0x4d: {  	_ =	shalt  }
0x4e: {  	_ =	shalt  }
0x4f: {  	_ =	shalt  }
0x50: {  	_ =	shalt  }
0x51: {  	_ =	shalt  }
0x52: {  	_ =	shalt  }
0x53: {  	_ =	shalt  }
0x54: {  	_ =	shalt  }
0x55: {  	_ =	shalt  }
0x56: {  	_ =	shalt  }
0x57: {  	_ =	shalt  }
0x58: {  	_ =	shalt  }
0x59: {  	_ =	shalt  }
0x5a: {  	_ =	shalt  }
0x5b: {  	_ =	shalt  }
0x5c: {  	_ =	shalt  }
0x5d: {  	_ =	shalt  }
0x5e: {  	_ =	shalt  }
0x5f: {  	_ =	shalt  }
0x60: {  	_ =	shalt  }
0x61: {  	_ =	shalt  }
0x62: {  	_ =	shalt  }
0x63: {  	_ =	shalt  }
0x64: {  	_ =	shalt  }
0x65: {  	_ =	shalt  }
0x66: {  	_ =	shalt  }
0x67: {  	_ =	shalt  }
0x68: {  	_ =	shalt  }
0x69: {  	_ =	shalt  }
0x6a: {  	_ =	shalt  }
0x6b: {  	_ =	shalt  }
0x6c: {  	_ =	shalt  }
0x6d: {  	_ =	shalt  }
0x6e: {  	_ =	shalt  }
0x6f: {  	_ =	shalt  }
0x70: {  	_ =	shalt  }
0x71: {  	_ =	shalt  }
0x72: {  	_ =	shalt  }
0x73: {  	_ =	shalt  }
0x74: {  	_ =	shalt  }
0x75: {  	_ =	shalt  }
0x76: {  	_ =	shalt  }
0x77: {  	_ =	shalt  }
0x78: {  	_ =	shalt  }
0x79: {  	_ =	shalt  }
0x7a: {  	_ =	shalt  }
0x7b: {  	_ =	shalt  }
0x7c: {  	_ =	shalt  }
0x7d: {  	_ =	shalt  }
0x7e: {  	_ =	shalt  }
0x7f: {  	_ =	shalt  }
0x80: {  	_ =	shalt  }
0x81: {  	_ =	shalt  }
0x82: {  	_ =	shalt  }
0x83: {  	_ =	shalt  }
0x84: {  	_ =	shalt  }
0x85: {  	_ =	shalt  }
0x86: {  	_ =	shalt  }
0x87: {  	_ =	shalt  }
.Lfunc_end0:
.L_simem_size_0:
called_computation_lowered:
.L_overlay_start_0:
0x88: {  	s2 =	sld [smem:$0x3FD9]  }
0x89: {  	s3 =	sld [smem:$0x3FFE];
	_ =	sdelay $0x1  }
0x8a: {  	s1 =	srdreg.scid  }
0x8b: {  	s0 =	sand.u32 $0x1, s1  }
0x8c: {  	s17 =	sshll.u32 s0, $0xA;
	s2 =	sadd.s32 s3, s2  }
0x8d: {  	s2 =	sadd.s32 s2, s17  }
0x8e: {  	[smem:$0x3FC7] =	sst s2  }
0x8f: {  	_ = 	snop  }
0x90: {  	s2 =	sld [smem:$0x3FC9];
	(tm) =	ssettm $0x1  }
0x91: {  	s18 =	sld [smem:$0x3FFB];
	_ =	sdelay $0x3  }
0x92: {  	_ =	strace s18  }
0x93: {  	s3 =	sld [smem:$0x3FFC];
	_ =	sdelay $0x3  }
0x94: {  	_ =	strace s3  }
0x95: {  	s3 =	sld [smem:$0x3FFD];
	_ =	sdelay $0x3  }
0x96: {  	_ =	strace s3  }
0x97: {  	_ =	strace $0x8FFFFFFF  }
0x98: {  	s19 =	sld [smem:$0x3FDB];
	_ =	sdelay $0x1  }
0x99: {  	s4 =	simm.s32 $_scs_section_size  }
0x9a: {  	s5 =	simm.s32 $_size__tile_overlayer_lowered;
	s6 =	simm.s32 $_tile_overlayer_lowered  }
0x9b: {  	s22 =	simm.s32 $0x1BFF;
	s21 =	sshll.u32 s6, $0x1;
	s3 =	sadd.s32 s4, s19  }
0x9c: {  	s7 =	simm.s32 $0x0;
	s20 =	sshll.u32 s5, $0x1;
	s5 =	sadd.s32 s21, s3  }
0x9d: {  	[timem:s7], [sflag:s22] =	dma.local [hbm:s5], s20  }
0x9e: {  	_ =	swait.ge [sflag:s22], s20  }
0x9f: {  	s4 =	ssub.s32 $0x0, s20;
	[sflag:s22] =	ssyncset.done $0x0  }
0xa0: {  	[sflag:s22] =	ssyncadd.s32 s4;
	_ =	sdelay $0x1  }
0xa1: {  	s23 =	simm.s32 $0x1B8B  }
0xa2: {  	_ =	swait.ge [sflag:s23], $0x1  }
0xa3: {  	[sflag:s23] =	ssyncset.done $0x0  }
0xa4: {  	s25 =	simm.s32 $0x1B8E;
	s24 =	sld [smem:$0x3FFE];
	[sflag:s23] =	ssyncadd.s32 $0xFFFFFFFF  }
0xa5: {  	s26 =	simm.s32 $execute0_lowered;
	[smem:$0x3FD2] =	sst s25  }
0xa6: {  	s5 =	sshll.u32 s26, $0x1;
	_ =	strace $0x80000046;
	[dreg:$0x1] =	wrdreg $0xFFFFFFFF  }
0xa7: {  	s28 =	simm.s32 $_size_execute0_lowered;
	s3 =	sadd.s32 s3, s5;
	[dreg:$0x0] =	wrdreg $0x0  }
0xa8: {  	s5 =	sshll.u32 s28, $0x1;
	[dreg:$0x2] =	wrdreg s3  }
0xa9: {  	[dreg:$0x3] =	wrdreg s5  }
0xaa: {  	[dreg:$0x4] =	wrdreg $0xC0  }
0xab: {  	_ =	task [dreg:s7], $0x5FFFF  }
0xac: {  	[dreg:$0x1] =	wrdreg $0xFFFFFFFF  }
0xad: {  	[dreg:$0x0] =	wrdreg $0x60  }
0xae: {  	[dreg:$0x2] =	wrdreg s2  }
0xaf: {  	[dreg:$0x3] =	wrdreg s24  }
0xb0: {  	[dreg:$0x4] =	wrdreg $0x9  }
0xb1: {  	_ =	task.clear_ibuf [dreg:s7], $0x5FFFF;
	_ =	strace $0x90000046  }
0xb2: {  	s29 =	simm.s32 $0x9;
	_ =	strace $0x80000048  }
0xb3: {  	_ =	swait.ge [sflag:s29], $0x1  }
0xb4: {  	[sflag:s29] =	ssyncadd.s32 $0xFFFFFFFF  }
0xb5: {  	_ =	strace $0x90000048  }
0xb6: {  	_ =	sfence  }
0xb7: {  	s30 =	sld [smem:$0x0];
	_ =	sdelay $0x2  }
0xb8: {  	s31 =	sshll.u32 s1, $0xD;
	s1 =	sshrl.u32 s1, $0x2  }
0xb9: {  	s3 =	sand.u32 $0x4000, s31;
	s1 =	sadd.s32 s1, s30  }
0xba: {  	s0 =	sor.u32 s3, s0;
	s1 =	sshll.u32 s1, $0x11  }
0xbb: {  	s0 =	sor.u32 s1, s0  }
0xbc: {  	s0 =	sadd.s32 $0x8F2B, s0  }
0xbd: {  	[sflag:s0] =	ssyncadd.remote.s32 $0x1  }
0xbe: {  	_ =	sfence.sel $0xFFFF  }
0xbf: {  	[dreg:$0x0] =	wrdreg $0xFFFFFFFF;
	(pc) =	sbr.abs _section_cstart, $3  }
0xc0: {  	[dreg:$0x1] =	wrdreg $0xFFFFFFFF  }
0xc1: {  	_ =	task.clear_ibuf [dreg:s7], $0x2FFFF;
	_ =	strace $0x9FFFFFFF  }
0xc2: {  	(tm) =	ssettm $0x7FFFFFFF  }
0xc3: {  	_ =	shalt  }
tec
execute0_lowered:
.L_overlay_start_1:
0x0: {  	(tag) =	ssettag $0x1  }
0x1: {  	s0 =	rddreg [dreg:$0x1];
	s2 =	simm.s32 $0x0;
	s1 =	srdreg.scid  }
0x2: {  	s6 =	stileid.u32;
	s17 =	simm.s32 $0x400;
	s28 =	simm.s32 $0xA800  }
0x3: {  	s29 =	simm.s32 $0xA880;
	s30 =	simm.s32 $0x9;
	[smem:$0x7FF] =	sst s2  }
0x4: {  	v0 =	vimm.f32 $-Inf;
	s1 =	sand.u32 $0x1, s1;
	s4 =	sadd.s32 $0x800, s0;
	_ =	strace $0x80000047  }
0x5: {  	s5 =	sadd.s32 $0xC00, s0;
	s26 =	sshll.u32 s6, $0x6;
	s8 =	sshll.u32 s6, $0xE;
	(xrf0) =	vmax.scan.msk.f32 $0xffff, v0  }
0x6: {  	s3 =	ssub.s32 $0x2, s1;
	s1 =	sshll.u32 s1, $0x5;
	s6 =	sand.u32 $0x380, s26  }
0x7: {  	s7 =	sand.u32 $0x38000, s8;
	s12 =	sor.u32 $0x4000, s8;
	s13 =	sor.u32 $0x5000, s8  }
.Ltmp0:
0x8: {  	s14 =	sor.u32 $0x6000, s8;
	s15 =	sor.u32 $0x7000, s8;
	(pc) =	sbr.rel .LBB2_1-.Ltmp0, $4  }
0x9: {  	s31 =	sand.u32 $0x40, s26;
	s26 =	simm.s32 $0xA400;
	s25 =	sshrl.u32 s3, $0x1  }
0xa: {  	s9 =	sor.u32 $0x1000, s7;
	s10 =	sor.u32 $0x2000, s7;
	s0 =	ssub.s32 s3, s25  }
0xb: {  	v1 =	vimm.s32 $0xF;
	v2 =	vlaneseq.u32;
	s11 =	sor.u32 $0x3000, s7;
	s16 =	sor.u32 s31, s1;
	s0 =	smax.u32 s0, $0x1;
	v5, _, _ =	vpop (xrf0)  }
0xc: {  	v3 =	vimm.s32 $0x0;
	v4 =	vmul.u32 $0x400, v2;
	s1 =	simm.s32 $0x0;
	s25 =	simm.s32 $0xA000;
	[dreg:$0x3] =	wrdreg s0;
	v5 =	vperm.xlane v5, v1  }
.LBB2_51:
0xd: {  	s1 =	rddreg [dreg:$0x4]  }
0xe: {  	s0 =	rddreg [dreg:$0x3];
	s1 =	sadd.s32 $0x1, s1  }
0xf: {  	p0 =	sne.s32 s1, s0  }
.Ltmp1:
0x10: {  	_ = 	snop;
	(pc) =	sbr.rel @!p0 .LBB2_52-.Ltmp1, $1  }
0x11: {  	_ =	sdelay $0x3  }
.LBB2_1:
.Ltmp2:
0x12: {  	(pc) =	sbr.rel .LBB2_2-.Ltmp2, $2  }
0x13: {  	_ =	sdelay $0x2  }
0x14: {  	[dreg:$0x4] =	wrdreg s1;
	p1 =	por $0x1, $0x1;
	s0 =	simm.s32 $0x0  }
.LBB2_50:
0x15: {  	s0 =	sor.u32 s6, s0  }
0x16: {  	s1 =	sadd.s32 s5, s0  }
0x17: {  	[hbm4b:s1+s2] =	stream.linear.scatter [tilespmem:s28], [sflag:$0x9], $0x80, $0x38;
	[tilespmem:$0xA900] =	vst v63  }
0x18: {  	_ =	swait.ge [sflag:s30], $0x80  }
0x19: {  	[sflag:s30] =	ssyncset.done $0x0  }
.Ltmp3:
0x1a: {  	s0 =	sadd.s32 s4, s0;
	[sflag:s30] =	ssyncadd.s32 $0xFFFFFF80;
	(pc) =	sbr.rel @!p0 .LBB2_51-.Ltmp3, $4  }
0x1b: {  	[hbm4b:s0+s2] =	stream.linear.scatter [tilespmem:s29], [sflag:$0x9], $0x80, $0x38;
	[tilespmem:$0xA900] =	vst v63  }
0x1c: {  	_ =	swait.ge [sflag:s30], $0x80  }
0x1d: {  	[sflag:s30] =	ssyncset.done $0x0  }
0x1e: {  	p1 =	por $0x0, $0x0;
	s0 =	simm.s32 $0x10;
	[sflag:s30] =	ssyncadd.s32 $0xFFFFFF80  }
.LBB2_2:
0x1f: {  	s0 =	sor.u32 s16, s0;
	s1 =	rddreg [dreg:$0x0]  }
0x20: {  	s1 =	sadd.s32 s1, s0  }
0x21: {  	s22 =	simm.s32 $0x80;
	s21 =	simm.s32 $0x0;
	s3 =	sadd.s32 s7, s1  }
0x22: {  	[tilespmem:s21], [sflag:$0x1] =	stream.strided.gather [hbm4b:s3+s22], $0x1000, s17, s22, $0x38;
	[tilespmem:$0xA900] =	vst v63  }
0x23: {  	s8 =	simm.s32 $0x1000;
	s19 =	sadd.s32 s9, s1  }
0x24: {  	[tilespmem:s8], [sflag:$0x2] =	stream.strided.gather [hbm4b:s19+s22], $0x1000, s17, s22, $0x38;
	[tilespmem:$0xA900] =	vst v63  }
0x25: {  	s23 =	simm.s32 $0x2000;
	s20 =	sadd.s32 s10, s1  }
0x26: {  	[tilespmem:s23], [sflag:$0x3] =	stream.strided.gather [hbm4b:s20+s22], $0x1000, s17, s22, $0x38;
	[tilespmem:$0xA900] =	vst v63  }
0x27: {  	s31 =	simm.s32 $0x3000;
	s24 =	sadd.s32 s11, s1  }
0x28: {  	[tilespmem:s31], [sflag:$0x4] =	stream.strided.gather [hbm4b:s24+s22], $0x1000, s17, s22, $0x38;
	[tilespmem:$0xA900] =	vst v63  }
0x29: {  	s18 =	simm.s32 $0x4000;
	s8 =	sadd.s32 s12, s1  }
0x2a: {  	[tilespmem:s18], [sflag:$0x5] =	stream.strided.gather [hbm4b:s8+s22], $0x1000, s17, s22, $0x38;
	[tilespmem:$0xA900] =	vst v63  }
0x2b: {  	s19 =	sadd.s32 s13, s1;
	s20 =	simm.s32 $0x5000  }
0x2c: {  	[tilespmem:s20], [sflag:$0x6] =	stream.strided.gather [hbm4b:s19+s22], $0x1000, s17, s22, $0x38;
	[tilespmem:$0xA900] =	vst v63  }
0x2d: {  	p0 =	por p1, p1;
	s23 =	sadd.s32 s14, s1;
	s24 =	simm.s32 $0x6000  }
0x2e: {  	[tilespmem:s24], [sflag:$0x7] =	stream.strided.gather [hbm4b:s23+s22], $0x1000, s17, s22, $0x38;
	[tilespmem:$0xA900] =	vst v63  }
0x2f: {  	s1 =	sadd.s32 s15, s1;
	s31 =	simm.s32 $0x7000;
	s8 =	simm.s32 $0x0  }
0x30: {  	v6 =	vimm.f32 $+Inf;
	[tilespmem:s31], [sflag:$0x8] =	stream.strided.gather [hbm4b:s1+s22], $0x1000, s17, s22, $0x38;
	[tilespmem:$0xA900] =	vst v63  }
.LBB2_3:
0x31: {  	s8 =	sadd.s32 $0x1, s8  }
0x32: {  	_ =	swait.ge [sflag:s8], $0x1000  }
0x33: {  	[sflag:s8] =	ssyncset.done $0x0  }
0x34: {  	[sflag:s8] =	ssyncadd.s32 $0xFFFFF000  }
0x35: {  	v7 =	vld [tilespmem:s22+$0xFFFFFF90]  }
0x36: {  	v8 =	vld [tilespmem:s22+$0xFFFFFF80]  }
0x37: {  	v9 =	vld [tilespmem:s22+$0xFFFFFFA0]  }
0x38: {  	v10 =	vld [tilespmem:s22+$0xFFFFFFB0];
	_ =	sdelay $0x2  }
0x39: {  	v7 =	vmax.f32 v8, v7  }
0x3a: {  	v7 =	vmax.f32 v7, v9  }
0x3b: {  	s18 =	sshra.s32 s21, $0x2;
	v7 =	vmax.f32 v7, v10  }
0x3c: {  	s1 =	sadd.s32 $0x40, s21;
	[tilespmem:s18+$0x8000] =	vst v7  }
0x3d: {  	s3 =	sor.u32 $0x50, s1;
	v8 =	vld [tilespmem:s22+$0xFFFFFFC0]  }
0x3e: {  	s24 =	sor.u32 $0x60, s1;
	v9 =	vld [tilespmem:s3+$0x0]  }
0x3f: {  	s1 =	sor.u32 $0x70, s1;
	v10 =	vld [tilespmem:s24+$0x0]  }
0x40: {  	v11 =	vld [tilespmem:s1+$0x0];
	_ =	sdelay $0x2  }
0x41: {  	v8 =	vmax.f32 v8, v9  }
0x42: {  	v8 =	vmax.f32 v8, v10  }
0x43: {  	v9 =	vmax.f32 v8, v11  }
0x44: {  	[tilespmem:s18+$0x8010] =	vst v9  }
0x45: {  	v10 =	vld [tilespmem:s22+$0x0]  }
0x46: {  	v11 =	vld [tilespmem:s22+$0x10]  }
0x47: {  	s20 =	simm.s32 $0x0;
	s19 =	sadd.s32 $0xC0, s21;
	v12 =	vld [tilespmem:s22+$0x20]  }
0x48: {  	s31 =	smov.u32 s22;
	s3 =	smov.u32 s21;
	s1 =	smov.u32 s22;
	v8 =	vimm.f32 $-Inf;
	v13 =	vld [tilespmem:s22+$0x30]  }
.LBB2_4:
0x49: {  	_ = 	snop  }
0x4a: {  	s20 =	sadd.s32 $0x4, s20;
	s3 =	sadd.s32 $0x100, s3;
	s1 =	sadd.s32 $0x100, s1  }
0x4b: {  	s23 =	sadd.s32 $0xC0, s3;
	p1 =	slt.u32 s20, $0x3C;
	v10 =	vmax.f32 v10, v11  }
0x4c: {  	v10 =	vmax.f32 v10, v12  }
0x4d: {  	v10 =	vmax.f32 v10, v13  }
0x4e: {  	[tilespmem:s18+$0x8020] =	vst v10  }
0x4f: {  	s24 =	sor.u32 $0x50, s19;
	v11 =	vld [tilespmem:s31+$0x40];
	s31 =	smov.u32 s1  }
0x50: {  	v7 =	vmax.f32 v8, v7;
	v8 =	vld [tilespmem:s24+$0x0];
	s24 =	sor.u32 $0x60, s19  }
0x51: {  	v7 =	vmax.f32 v7, v9;
	v9 =	vld [tilespmem:s24+$0x0];
	s24 =	sor.u32 $0x70, s19;
	s19 =	smov.u32 s23  }
0x52: {  	v7 =	vmax.f32 v7, v10;
	v10 =	vld [tilespmem:s24+$0x0];
	_ =	sdelay $0x2  }
0x53: {  	v8 =	vmax.f32 v11, v8  }
0x54: {  	v8 =	vmax.f32 v8, v9  }
0x55: {  	v8 =	vmax.f32 v8, v10  }
0x56: {  	[tilespmem:s18+$0x8030] =	vst v8;
	v8 =	vmax.f32 v7, v8  }
0x57: {  	v7 =	vld [tilespmem:s1+$0xFFFFFF90]  }
0x58: {  	v9 =	vld [tilespmem:s1+$0xFFFFFF80]  }
0x59: {  	v10 =	vld [tilespmem:s1+$0xFFFFFFA0]  }
0x5a: {  	v11 =	vld [tilespmem:s1+$0xFFFFFFB0];
	_ =	sdelay $0x2  }
0x5b: {  	v7 =	vmax.f32 v9, v7  }
0x5c: {  	v7 =	vmax.f32 v7, v10  }
0x5d: {  	s18 =	sshra.s32 s3, $0x2;
	v7 =	vmax.f32 v7, v11  }
0x5e: {  	s23 =	sadd.s32 $0x40, s3;
	[tilespmem:s18+$0x8000] =	vst v7  }
0x5f: {  	s24 =	sor.u32 $0x50, s23;
	v9 =	vld [tilespmem:s1+$0xFFFFFFC0]  }
0x60: {  	v10 =	vld [tilespmem:s24+$0x0];
	s24 =	sor.u32 $0x60, s23  }
0x61: {  	s23 =	sor.u32 $0x70, s23;
	v11 =	vld [tilespmem:s24+$0x0]  }
0x62: {  	v12 =	vld [tilespmem:s23+$0x0];
	_ =	sdelay $0x2  }
0x63: {  	v9 =	vmax.f32 v9, v10  }
0x64: {  	v9 =	vmax.f32 v9, v11  }
0x65: {  	v9 =	vmax.f32 v9, v12  }
.Ltmp4:
0x66: {  	[tilespmem:s18+$0x8010] =	vst v9;
	(pc) =	sbr.rel @p1 .LBB2_4-.Ltmp4, $4  }
0x67: {  	v10 =	vld [tilespmem:s1+$0x0]  }
0x68: {  	v11 =	vld [tilespmem:s1+$0x10]  }
0x69: {  	v12 =	vld [tilespmem:s1+$0x20]  }
0x6a: {  	v13 =	vld [tilespmem:s1+$0x30]  }
0x6b: {  	_ =	sdelay $0x1  }
0x6c: {  	v10 =	vmax.f32 v10, v11  }
0x6d: {  	v10 =	vmax.f32 v10, v12  }
0x6e: {  	v10 =	vmax.f32 v10, v13  }
0x6f: {  	[tilespmem:s18+$0x8020] =	vst v10  }
0x70: {  	s1 =	sor.u32 $0x50, s19;
	v55 =	vld [tilespmem:s31+$0x40]  }
0x71: {  	s24 =	sor.u32 $0x60, s19;
	v56 =	vld [tilespmem:s1+$0x0]  }
0x72: {  	v57 =	vld [tilespmem:s24+$0x0];
	s31 =	sor.u32 $0x70, s19  }
0x73: {  	v14 =	vld [tilespmem:s31+$0x0];
	_ =	sdelay $0x2  }
0x74: {  	v7 =	vmax.f32 v8, v7;
	v8 =	vmax.f32 v55, v56  }
0x75: {  	v7 =	vmax.f32 v7, v9;
	v8 =	vmax.f32 v8, v57  }
0x76: {  	v7 =	vmax.f32 v7, v10;
	v8 =	vmax.f32 v8, v14  }
0x77: {  	v7 =	vmax.f32 v7, v8  }
0x78: {  	(xrf0) =	vmax.scan.msk.f32 $0xffff, v7;
	_ =	sdelay $0x5  }
0x79: {  	v58, _, _ =	vpop (xrf0)  }
0x7a: {  	v9 =	vperm.xlane v58, v1;
	_ =	sdelay $0x1  }
0x7b: {  	vm0 =	veq.f32 v7, v9  }
0x7c: {  	v7 =	vsel vm0, $0xFF800000, v7  }
0x7d: {  	(xrf0) =	vmax.scan.msk.f32 $0xffff, v7;
	_ =	sdelay $0x5  }
0x7e: {  	v59, _, _ =	vpop (xrf0)  }
0x7f: {  	v9 =	vperm.xlane v59, v1;
	_ =	sdelay $0x1  }
0x80: {  	vm0 =	veq.f32 v7, v9  }
0x81: {  	v7 =	vsel vm0, $0xFF800000, v7  }
0x82: {  	(xrf0) =	vmax.scan.msk.f32 $0xffff, v7;
	_ =	sdelay $0x5  }
0x83: {  	v60, _, _ =	vpop (xrf0)  }
0x84: {  	v9 =	vperm.xlane v60, v1;
	_ =	sdelay $0x1  }
0x85: {  	vm0 =	veq.f32 v7, v9  }
0x86: {  	v7 =	vsel vm0, $0xFF800000, v7  }
0x87: {  	(xrf0) =	vmax.scan.msk.f32 $0xffff, v7;
	_ =	sdelay $0x5  }
0x88: {  	v61, _, _ =	vpop (xrf0)  }
0x89: {  	v9 =	vperm.xlane v61, v1;
	_ =	sdelay $0x1  }
0x8a: {  	vm0 =	veq.f32 v7, v9  }
0x8b: {  	v7 =	vsel vm0, $0xFF800000, v7  }
0x8c: {  	(xrf0) =	vmax.scan.msk.f32 $0xffff, v7;
	_ =	sdelay $0x5  }
0x8d: {  	v62, _, _ =	vpop (xrf0)  }
0x8e: {  	v9 =	vperm.xlane v62, v1;
	_ =	sdelay $0x1  }
0x8f: {  	vm0 =	veq.f32 v7, v9  }
0x90: {  	v7 =	vsel vm0, $0xFF800000, v7  }
0x91: {  	(xrf0) =	vmax.scan.msk.f32 $0xffff, v7;
	_ =	sdelay $0x5  }
0x92: {  	v63, _, _ =	vpop (xrf0)  }
0x93: {  	v9 =	vperm.xlane v63, v1;
	_ =	sdelay $0x1  }
0x94: {  	vm0 =	veq.f32 v7, v9  }
0x95: {  	v7 =	vsel vm0, $0xFF800000, v7  }
0x96: {  	(xrf0) =	vmax.scan.msk.f32 $0xffff, v7;
	_ =	sdelay $0x3  }
0x97: {  	p1 =	sne.s32 s8, $0x8  }
.Ltmp5:
0x98: {  	_ = 	snop;
	(pc) =	sbr.rel @p1 .LBB2_3-.Ltmp5, $3  }
0x99: {  	v7, _, _ =	vpop (xrf0)  }
0x9a: {  	v7 =	vperm.xlane v7, v1;
	_ =	sdelay $0x1  }
0x9b: {  	s21 =	sadd.s32 $0x1000, s21;
	s22 =	sadd.s32 $0x1000, s22;
	[tilespmem:s18+$0x8030] =	vst v8;
	v6 =	vmin.f32 v6, v7  }
.Ltmp6:
0x9c: {  	(pc) =	sbr.rel .LBB2_7-.Ltmp6, $3  }
0x9d: {  	_ =	sdelay $0x1  }
0x9e: {  	s3 =	simm.s32 $0xFFFFFFFC;
	s8 =	simm.s32 $0x80000  }
0x9f: {  	v7 =	vimm.s32 $0x0;
	s31 =	simm.s32 $0x0;
	s1 =	simm.s32 $0x1E0;
	s18 =	simm.s32 $0xC0  }
.LBB2_41:
0xa0: {  	s3 =	sadd.s32 $0x4, s3  }
0xa1: {  	p1 =	slt.u32 s3, $0x7C  }
.Ltmp7:
0xa2: {  	_ = 	snop;
	(pc) =	sbr.rel @!p1 .LBB2_42-.Ltmp7, $3  }
0xa3: {  	_ =	sdelay $0x1  }
0xa4: {  	s8 =	sadd.s32 $0x100000, s8  }
0xa5: {  	s31 =	sadd.s32 $0x400, s31;
	s1 =	sadd.s32 $0x400, s1;
	s18 =	sadd.s32 $0x100, s18  }
.LBB2_7:
0xa6: {  	s19 =	sshra.s32 s31, $0x2  }
0xa7: {  	v8 =	vld [tilespmem:s19+$0x8000]  }
0xa8: {  	v9 =	vld [tilespmem:s19+$0x8010]  }
0xa9: {  	v10 =	vld [tilespmem:s19+$0x8020]  }
0xaa: {  	v11 =	vld [tilespmem:s19+$0x8030];
	_ =	sdelay $0x2  }
0xab: {  	vm0 =	vge.f32 v8, v6;
	vm1 =	vge.f32 v9, v6  }
0xac: {  	vm14 =	vge.f32 v10, v6;
	v8 =	vsel vm0, $0x1, v3;
	v9 =	vsel vm1, $0x20, v3  }
0xad: {  	vm15 =	vge.f32 v11, v6;
	v62 =	vsel vm14, $0x400, v3;
	v8 =	vor.u32 v8, v9  }
0xae: {  	v63 =	vsel vm15, $0x8000, v3;
	v8 =	vor.u32 v62, v8  }
0xaf: {  	v8 =	vor.u32 v63, v8  }
0xb0: {  	(xrf0) =	vadd.scan.msk.s32 $0xffff, v8;
	_ =	sdelay $0x5  }
0xb1: {  	v8, _, _ =	vpop (xrf0)  }
0xb2: {  	(v2sf) =	vpush v8, $0xF;
	_ =	sdelay $0xe  }
0xb3: {  	s20 =	spop (v2sf)  }
0xb4: {  	p1 =	slt.s32 s20, $0x1  }
.Ltmp8:
0xb5: {  	_ = 	snop;
	(pc) =	sbr.rel @p1 .LBB2_16-.Ltmp8, $1  }
0xb6: {  	_ =	sdelay $0x3  }
0xb7: {  	s21 =	sand.u32 $0x1F, s20  }
0xb8: {  	p1 =	seq.s32 s21, $0x0  }
.Ltmp9:
0xb9: {  	_ = 	snop;
	(pc) =	sbr.rel @p1 .LBB2_10-.Ltmp9, $1  }
0xba: {  	_ =	sdelay $0x3  }
0xbb: {  	v8 =	vld [tilespmem:s1+$0xFFFFFE20];
	_ =	sdelay $0x1  }
0xbc: {  	v9 =	vld [tilespmem:s1+$0xFFFFFE30]  }
0xbd: {  	v10 =	vld [tilespmem:s1+$0xFFFFFE40];
	_ =	sdelay $0x1  }
0xbe: {  	vm3 =	vge.f32 v8, v6  }
0xbf: {  	v11 =	vsel vm3, $0x1, v3  }
0xc0: {  	v57 =	vld [tilespmem:s1+$0xFFFFFE50];
	vm2 =	vge.f32 v9, v6;
	(xrf0) =	vadd.scan.msk.s32 $0xffff, v11  }
0xc1: {  	vm1 =	vge.f32 v10, v6;
	v12 =	vsel vm2, $0x1, v3  }
0xc2: {  	v58 =	vsel vm1, $0x1, v3;
	(xrf0) =	vadd.scan.msk.s32 $0xffff, v12  }
0xc3: {  	(xrf0) =	vadd.scan.msk.s32 $0xffff, v58;
	_ =	sdelay $0x1  }
0xc4: {  	vm0 =	vge.f32 v57, v6  }
0xc5: {  	v13 =	vsel vm0, $0x1, v3;
	v59, _, _ =	vpop (xrf0)  }
0xc6: {  	(xrf0) =	vadd.scan.msk.s32 $0xffff, v13;
	v12 =	vperm.xlane v59, v1  }
0xc7: {  	v60 =	vadd.s32 v59, v7;
	v14, _, _ =	vpop (xrf0)  }
0xc8: {  	v13 =	vadd.s32 $0xFFFFFFFF, v60;
	v61 =	vperm.xlane v14, v1;
	v15, _, _ =	vpop (xrf0);
	v7 =	vadd.s32 v7, v12  }
0xc9: {  	vm4 =	vlt.s32 v13, $0x3FF;
	v62 =	vperm.xlane v15, v1;
	v14 =	vadd.s32 v7, v14  }
0xca: {  	v13 =	vnsel vm4, $0x3FF, v13;
	v7 =	vadd.s32 v7, v61;
	v14 =	vadd.s32 $0xFFFFFFFF, v14  }
0xcb: {  	v15 =	vadd.s32 v7, v15;
	vm13 =	vlt.s32 v14, $0x3FF  }
0xcc: {  	v7 =	vadd.s32 v7, v62;
	v16, _, _ =	vpop (xrf0);
	v15 =	vadd.s32 $0xFFFFFFFF, v15;
	v14 =	vnsel vm13, $0x3FF, v14  }
0xcd: {  	s21 =	sadd.s32 $0xFFF80000, s8;
	vm14 =	vlt.s32 v15, $0x3FF;
	v12 =	vadd.s32 v7, v16  }
0xce: {  	v17 =	vadd.s32 s21, v13;
	v15 =	vnsel vm14, $0x3FF, v15;
	v12 =	vadd.s32 $0xFFFFFFFF, v12  }
0xcf: {  	s22 =	sadd.s32 $0xFFF84000, s8;
	v17 =	vadd.s32 v4, v17;
	[tilespmem:v13+s25+$0x0] =	vst.idx.msk vm3, v8;
	vm15 =	vlt.s32 v12, $0x3FF  }
0xd0: {  	v8 =	vadd.s32 s22, v14;
	[tilespmem:v13+s26+$0x0] =	vst.idx.msk vm3, v17;
	v12 =	vnsel vm15, $0x3FF, v12  }
0xd1: {  	s23 =	sadd.s32 $0xFFF88000, s8;
	v8 =	vadd.s32 v4, v8;
	[tilespmem:v14+s25+$0x0] =	vst.idx.msk vm2, v9  }
0xd2: {  	[tilespmem:v14+s26+$0x0] =	vst.idx.msk vm2, v8;
	v8 =	vadd.s32 s23, v15  }
0xd3: {  	s24 =	sadd.s32 $0xFFF8C000, s8;
	v8 =	vadd.s32 v4, v8;
	[tilespmem:v15+s25+$0x0] =	vst.idx.msk vm1, v10  }
0xd4: {  	v63 =	vperm.xlane v16, v1;
	[tilespmem:v15+s26+$0x0] =	vst.idx.msk vm1, v8;
	v8 =	vadd.s32 s24, v12  }
0xd5: {  	v8 =	vadd.s32 v4, v8;
	[tilespmem:v12+s25+$0x0] =	vst.idx.msk vm0, v57  }
0xd6: {  	v7 =	vadd.s32 v7, v63;
	[tilespmem:v12+s26+$0x0] =	vst.idx.msk vm0, v8  }
.LBB2_10:
0xd7: {  	s21 =	sand.u32 $0x3E0, s20  }
0xd8: {  	p1 =	seq.s32 s21, $0x0  }
.Ltmp10:
0xd9: {  	_ = 	snop;
	(pc) =	sbr.rel @p1 .LBB2_12-.Ltmp10, $1  }
0xda: {  	_ =	sdelay $0x3  }
0xdb: {  	v8 =	vld [tilespmem:s1+$0xFFFFFE60];
	_ =	sdelay $0x1  }
0xdc: {  	v9 =	vld [tilespmem:s1+$0xFFFFFE70]  }
0xdd: {  	v10 =	vld [tilespmem:s1+$0xFFFFFE80];
	_ =	sdelay $0x1  }
0xde: {  	vm3 =	vge.f32 v8, v6  }
0xdf: {  	v11 =	vsel vm3, $0x1, v3  }
0xe0: {  	v57 =	vld [tilespmem:s1+$0xFFFFFE90];
	vm2 =	vge.f32 v9, v6;
	(xrf0) =	vadd.scan.msk.s32 $0xffff, v11  }
0xe1: {  	vm1 =	vge.f32 v10, v6;
	v12 =	vsel vm2, $0x1, v3  }
0xe2: {  	v58 =	vsel vm1, $0x1, v3;
	(xrf0) =	vadd.scan.msk.s32 $0xffff, v12  }
0xe3: {  	(xrf0) =	vadd.scan.msk.s32 $0xffff, v58;
	_ =	sdelay $0x1  }
0xe4: {  	vm0 =	vge.f32 v57, v6  }
0xe5: {  	v13 =	vsel vm0, $0x1, v3;
	v59, _, _ =	vpop (xrf0)  }
0xe6: {  	(xrf0) =	vadd.scan.msk.s32 $0xffff, v13;
	v12 =	vperm.xlane v59, v1  }
0xe7: {  	v60 =	vadd.s32 v59, v7;
	v14, _, _ =	vpop (xrf0)  }
0xe8: {  	v13 =	vadd.s32 $0xFFFFFFFF, v60;
	v61 =	vperm.xlane v14, v1;
	v15, _, _ =	vpop (xrf0);
	v7 =	vadd.s32 v7, v12  }
0xe9: {  	vm4 =	vlt.s32 v13, $0x3FF;
	v62 =	vperm.xlane v15, v1;
	v14 =	vadd.s32 v7, v14  }
0xea: {  	v13 =	vnsel vm4, $0x3FF, v13;
	v7 =	vadd.s32 v7, v61;
	v14 =	vadd.s32 $0xFFFFFFFF, v14  }
0xeb: {  	v15 =	vadd.s32 v7, v15;
	vm13 =	vlt.s32 v14, $0x3FF  }
0xec: {  	v7 =	vadd.s32 v7, v62;
	v16, _, _ =	vpop (xrf0);
	v15 =	vadd.s32 $0xFFFFFFFF, v15;
	v14 =	vnsel vm13, $0x3FF, v14  }
0xed: {  	s21 =	sadd.s32 $0xFFF90000, s8;
	vm14 =	vlt.s32 v15, $0x3FF;
	v12 =	vadd.s32 v7, v16  }
0xee: {  	v17 =	vadd.s32 s21, v13;
	v15 =	vnsel vm14, $0x3FF, v15;
	v12 =	vadd.s32 $0xFFFFFFFF, v12  }
0xef: {  	s22 =	sadd.s32 $0xFFF94000, s8;
	v17 =	vadd.s32 v4, v17;
	[tilespmem:v13+s25+$0x0] =	vst.idx.msk vm3, v8;
	vm15 =	vlt.s32 v12, $0x3FF  }
0xf0: {  	v8 =	vadd.s32 s22, v14;
	[tilespmem:v13+s26+$0x0] =	vst.idx.msk vm3, v17;
	v12 =	vnsel vm15, $0x3FF, v12  }
0xf1: {  	s23 =	sadd.s32 $0xFFF98000, s8;
	v8 =	vadd.s32 v4, v8;
	[tilespmem:v14+s25+$0x0] =	vst.idx.msk vm2, v9  }
0xf2: {  	[tilespmem:v14+s26+$0x0] =	vst.idx.msk vm2, v8;
	v8 =	vadd.s32 s23, v15  }
0xf3: {  	s24 =	sadd.s32 $0xFFF9C000, s8;
	v8 =	vadd.s32 v4, v8;
	[tilespmem:v15+s25+$0x0] =	vst.idx.msk vm1, v10  }
0xf4: {  	v63 =	vperm.xlane v16, v1;
	[tilespmem:v15+s26+$0x0] =	vst.idx.msk vm1, v8;
	v8 =	vadd.s32 s24, v12  }
0xf5: {  	v8 =	vadd.s32 v4, v8;
	[tilespmem:v12+s25+$0x0] =	vst.idx.msk vm0, v57  }
0xf6: {  	v7 =	vadd.s32 v7, v63;
	[tilespmem:v12+s26+$0x0] =	vst.idx.msk vm0, v8  }
.LBB2_12:
0xf7: {  	s21 =	sand.u32 $0x7C00, s20  }
0xf8: {  	p1 =	seq.s32 s21, $0x0  }
.Ltmp11:
0xf9: {  	_ = 	snop;
	(pc) =	sbr.rel @p1 .LBB2_14-.Ltmp11, $1  }
0xfa: {  	_ =	sdelay $0x3  }
0xfb: {  	v8 =	vld [tilespmem:s1+$0xFFFFFEA0];
	_ =	sdelay $0x1  }
0xfc: {  	v9 =	vld [tilespmem:s1+$0xFFFFFEB0]  }
0xfd: {  	v10 =	vld [tilespmem:s1+$0xFFFFFEC0];
	_ =	sdelay $0x1  }
0xfe: {  	vm3 =	vge.f32 v8, v6  }
0xff: {  	v11 =	vsel vm3, $0x1, v3  }
0x100: {  	v57 =	vld [tilespmem:s1+$0xFFFFFED0];
	vm2 =	vge.f32 v9, v6;
	(xrf0) =	vadd.scan.msk.s32 $0xffff, v11  }
0x101: {  	vm1 =	vge.f32 v10, v6;
	v12 =	vsel vm2, $0x1, v3  }
0x102: {  	v58 =	vsel vm1, $0x1, v3;
	(xrf0) =	vadd.scan.msk.s32 $0xffff, v12  }
0x103: {  	(xrf0) =	vadd.scan.msk.s32 $0xffff, v58;
	_ =	sdelay $0x1  }
0x104: {  	vm0 =	vge.f32 v57, v6  }
0x105: {  	v13 =	vsel vm0, $0x1, v3;
	v59, _, _ =	vpop (xrf0)  }
0x106: {  	(xrf0) =	vadd.scan.msk.s32 $0xffff, v13;
	v12 =	vperm.xlane v59, v1  }
0x107: {  	v60 =	vadd.s32 v59, v7;
	v14, _, _ =	vpop (xrf0)  }
0x108: {  	v13 =	vadd.s32 $0xFFFFFFFF, v60;
	v61 =	vperm.xlane v14, v1;
	v15, _, _ =	vpop (xrf0);
	v7 =	vadd.s32 v7, v12  }
0x109: {  	vm4 =	vlt.s32 v13, $0x3FF;
	v62 =	vperm.xlane v15, v1;
	v14 =	vadd.s32 v7, v14  }
0x10a: {  	v13 =	vnsel vm4, $0x3FF, v13;
	v7 =	vadd.s32 v7, v61;
	v14 =	vadd.s32 $0xFFFFFFFF, v14  }
0x10b: {  	v15 =	vadd.s32 v7, v15;
	vm13 =	vlt.s32 v14, $0x3FF  }
0x10c: {  	v7 =	vadd.s32 v7, v62;
	v16, _, _ =	vpop (xrf0);
	v15 =	vadd.s32 $0xFFFFFFFF, v15;
	v14 =	vnsel vm13, $0x3FF, v14  }
0x10d: {  	s21 =	sadd.s32 $0xFFFA0000, s8;
	vm14 =	vlt.s32 v15, $0x3FF;
	v12 =	vadd.s32 v7, v16  }
0x10e: {  	v17 =	vadd.s32 s21, v13;
	v15 =	vnsel vm14, $0x3FF, v15;
	v12 =	vadd.s32 $0xFFFFFFFF, v12  }
0x10f: {  	s22 =	sadd.s32 $0xFFFA4000, s8;
	v17 =	vadd.s32 v4, v17;
	[tilespmem:v13+s25+$0x0] =	vst.idx.msk vm3, v8;
	vm15 =	vlt.s32 v12, $0x3FF  }
0x110: {  	v8 =	vadd.s32 s22, v14;
	[tilespmem:v13+s26+$0x0] =	vst.idx.msk vm3, v17;
	v12 =	vnsel vm15, $0x3FF, v12  }
0x111: {  	s23 =	sadd.s32 $0xFFFA8000, s8;
	v8 =	vadd.s32 v4, v8;
	[tilespmem:v14+s25+$0x0] =	vst.idx.msk vm2, v9  }
0x112: {  	[tilespmem:v14+s26+$0x0] =	vst.idx.msk vm2, v8;
	v8 =	vadd.s32 s23, v15  }
0x113: {  	s24 =	sadd.s32 $0xFFFAC000, s8;
	v8 =	vadd.s32 v4, v8;
	[tilespmem:v15+s25+$0x0] =	vst.idx.msk vm1, v10  }
0x114: {  	v63 =	vperm.xlane v16, v1;
	[tilespmem:v15+s26+$0x0] =	vst.idx.msk vm1, v8;
	v8 =	vadd.s32 s24, v12  }
0x115: {  	v8 =	vadd.s32 v4, v8;
	[tilespmem:v12+s25+$0x0] =	vst.idx.msk vm0, v57  }
0x116: {  	v7 =	vadd.s32 v7, v63;
	[tilespmem:v12+s26+$0x0] =	vst.idx.msk vm0, v8  }
.LBB2_14:
0x117: {  	s20 =	sand.u32 $0xF8000, s20  }
0x118: {  	p1 =	seq.s32 s20, $0x0  }
.Ltmp12:
0x119: {  	_ = 	snop;
	(pc) =	sbr.rel @p1 .LBB2_16-.Ltmp12, $1  }
0x11a: {  	_ =	sdelay $0x3  }
0x11b: {  	v8 =	vld [tilespmem:s1+$0xFFFFFEE0];
	s20 =	sadd.s32 $0xC0, s31  }
0x11c: {  	s21 =	sor.u32 $0x50, s20  }
0x11d: {  	v9 =	vld [tilespmem:s21+$0x0]  }
0x11e: {  	s24 =	sor.u32 $0x60, s20  }
0x11f: {  	v10 =	vld [tilespmem:s24+$0x0]  }
0x120: {  	vm3 =	vge.f32 v8, v6  }
0x121: {  	s20 =	sor.u32 $0x70, s20;
	v11 =	vsel vm3, $0x1, v3  }
0x122: {  	v57 =	vld [tilespmem:s20+$0x0];
	(xrf0) =	vadd.scan.msk.s32 $0xffff, v11;
	vm2 =	vge.f32 v9, v6  }
0x123: {  	v12 =	vsel vm2, $0x1, v3  }
0x124: {  	vm1 =	vge.f32 v10, v6;
	(xrf0) =	vadd.scan.msk.s32 $0xffff, v12  }
0x125: {  	v58 =	vsel vm1, $0x1, v3  }
0x126: {  	(xrf0) =	vadd.scan.msk.s32 $0xffff, v58  }
0x127: {  	vm0 =	vge.f32 v57, v6  }
0x128: {  	v13 =	vsel vm0, $0x1, v3;
	v59, _, _ =	vpop (xrf0)  }
0x129: {  	(xrf0) =	vadd.scan.msk.s32 $0xffff, v13;
	v60 =	vadd.s32 v59, v7;
	v12 =	vperm.xlane v59, v1  }
0x12a: {  	v14, _, _ =	vpop (xrf0);
	v13 =	vadd.s32 $0xFFFFFFFF, v60  }
0x12b: {  	vm4 =	vlt.s32 v13, $0x3FF;
	v7 =	vadd.s32 v7, v12;
	v61 =	vperm.xlane v14, v1  }
0x12c: {  	v15, _, _ =	vpop (xrf0);
	v13 =	vnsel vm4, $0x3FF, v13;
	v14 =	vadd.s32 v7, v14  }
0x12d: {  	v62 =	vperm.xlane v15, v1;
	v14 =	vadd.s32 $0xFFFFFFFF, v14;
	v7 =	vadd.s32 v7, v61  }
0x12e: {  	vm13 =	vlt.s32 v14, $0x3FF;
	v15 =	vadd.s32 v7, v15  }
0x12f: {  	v16, _, _ =	vpop (xrf0);
	v7 =	vadd.s32 v7, v62;
	v14 =	vnsel vm13, $0x3FF, v14;
	v15 =	vadd.s32 $0xFFFFFFFF, v15  }
0x130: {  	s21 =	sadd.s32 $0xFFFB0000, s8;
	v12 =	vadd.s32 v7, v16;
	vm14 =	vlt.s32 v15, $0x3FF  }
0x131: {  	v17 =	vadd.s32 s21, v13;
	v12 =	vadd.s32 $0xFFFFFFFF, v12;
	v15 =	vnsel vm14, $0x3FF, v15  }
0x132: {  	s22 =	sadd.s32 $0xFFFB4000, s8;
	v17 =	vadd.s32 v4, v17;
	[tilespmem:v13+s25+$0x0] =	vst.idx.msk vm3, v8;
	vm15 =	vlt.s32 v12, $0x3FF  }
0x133: {  	v8 =	vadd.s32 s22, v14;
	[tilespmem:v13+s26+$0x0] =	vst.idx.msk vm3, v17;
	v12 =	vnsel vm15, $0x3FF, v12  }
0x134: {  	s23 =	sadd.s32 $0xFFFB8000, s8;
	v8 =	vadd.s32 v4, v8;
	[tilespmem:v14+s25+$0x0] =	vst.idx.msk vm2, v9  }
0x135: {  	[tilespmem:v14+s26+$0x0] =	vst.idx.msk vm2, v8;
	v8 =	vadd.s32 s23, v15  }
0x136: {  	s24 =	sadd.s32 $0xFFFBC000, s8;
	v8 =	vadd.s32 v4, v8;
	[tilespmem:v15+s25+$0x0] =	vst.idx.msk vm1, v10  }
0x137: {  	v63 =	vperm.xlane v16, v1;
	[tilespmem:v15+s26+$0x0] =	vst.idx.msk vm1, v8;
	v8 =	vadd.s32 s24, v12  }
0x138: {  	v8 =	vadd.s32 v4, v8;
	[tilespmem:v12+s25+$0x0] =	vst.idx.msk vm0, v57  }
0x139: {  	v7 =	vadd.s32 v7, v63;
	[tilespmem:v12+s26+$0x0] =	vst.idx.msk vm0, v8  }
.LBB2_16:
0x13a: {  	v8 =	vld [tilespmem:s19+$0x8040]  }
0x13b: {  	v9 =	vld [tilespmem:s19+$0x8050]  }
0x13c: {  	v10 =	vld [tilespmem:s19+$0x8060]  }
0x13d: {  	v11 =	vld [tilespmem:s19+$0x8070];
	_ =	sdelay $0x2  }
0x13e: {  	vm0 =	vge.f32 v8, v6;
	vm1 =	vge.f32 v9, v6  }
0x13f: {  	vm14 =	vge.f32 v10, v6;
	v8 =	vsel vm0, $0x1, v3;
	v9 =	vsel vm1, $0x20, v3  }
0x140: {  	vm15 =	vge.f32 v11, v6;
	v62 =	vsel vm14, $0x400, v3;
	v8 =	vor.u32 v8, v9  }
0x141: {  	v63 =	vsel vm15, $0x8000, v3;
	v8 =	vor.u32 v62, v8  }
0x142: {  	v8 =	vor.u32 v63, v8  }
0x143: {  	(xrf0) =	vadd.scan.msk.s32 $0xffff, v8;
	_ =	sdelay $0x5  }
0x144: {  	v8, _, _ =	vpop (xrf0)  }
0x145: {  	(v2sf) =	vpush v8, $0xF;
	_ =	sdelay $0xe  }
0x146: {  	s20 =	spop (v2sf)  }
0x147: {  	p1 =	slt.s32 s20, $0x1  }
.Ltmp13:
0x148: {  	_ = 	snop;
	(pc) =	sbr.rel @p1 .LBB2_25-.Ltmp13, $1  }
0x149: {  	_ =	sdelay $0x3  }
0x14a: {  	s21 =	sand.u32 $0x1F, s20  }
0x14b: {  	p1 =	seq.s32 s21, $0x0  }
.Ltmp14:
0x14c: {  	_ = 	snop;
	(pc) =	sbr.rel @p1 .LBB2_19-.Ltmp14, $1  }
0x14d: {  	_ =	sdelay $0x3  }
0x14e: {  	v8 =	vld [tilespmem:s1+$0xFFFFFF20];
	_ =	sdelay $0x1  }
0x14f: {  	v9 =	vld [tilespmem:s1+$0xFFFFFF30]  }
0x150: {  	v10 =	vld [tilespmem:s1+$0xFFFFFF40];
	_ =	sdelay $0x1  }
0x151: {  	vm3 =	vge.f32 v8, v6  }
0x152: {  	v11 =	vsel vm3, $0x1, v3  }
0x153: {  	v57 =	vld [tilespmem:s1+$0xFFFFFF50];
	vm2 =	vge.f32 v9, v6;
	(xrf0) =	vadd.scan.msk.s32 $0xffff, v11  }
0x154: {  	vm1 =	vge.f32 v10, v6;
	v12 =	vsel vm2, $0x1, v3  }
0x155: {  	v58 =	vsel vm1, $0x1, v3;
	(xrf0) =	vadd.scan.msk.s32 $0xffff, v12  }
0x156: {  	(xrf0) =	vadd.scan.msk.s32 $0xffff, v58;
	_ =	sdelay $0x1  }
0x157: {  	vm0 =	vge.f32 v57, v6  }
0x158: {  	v13 =	vsel vm0, $0x1, v3;
	v59, _, _ =	vpop (xrf0)  }
0x159: {  	(xrf0) =	vadd.scan.msk.s32 $0xffff, v13;
	v12 =	vperm.xlane v59, v1  }
0x15a: {  	v60 =	vadd.s32 v59, v7;
	v14, _, _ =	vpop (xrf0)  }
0x15b: {  	v13 =	vadd.s32 $0xFFFFFFFF, v60;
	v61 =	vperm.xlane v14, v1;
	v15, _, _ =	vpop (xrf0);
	v7 =	vadd.s32 v7, v12  }
0x15c: {  	vm4 =	vlt.s32 v13, $0x3FF;
	v62 =	vperm.xlane v15, v1;
	v14 =	vadd.s32 v7, v14  }
0x15d: {  	v13 =	vnsel vm4, $0x3FF, v13;
	v7 =	vadd.s32 v7, v61;
	v14 =	vadd.s32 $0xFFFFFFFF, v14  }
0x15e: {  	v15 =	vadd.s32 v7, v15;
	vm13 =	vlt.s32 v14, $0x3FF  }
0x15f: {  	v7 =	vadd.s32 v7, v62;
	v16, _, _ =	vpop (xrf0);
	v15 =	vadd.s32 $0xFFFFFFFF, v15;
	v14 =	vnsel vm13, $0x3FF, v14  }
0x160: {  	s21 =	sadd.s32 $0xFFFC0000, s8;
	vm14 =	vlt.s32 v15, $0x3FF;
	v12 =	vadd.s32 v7, v16  }
0x161: {  	v17 =	vadd.s32 s21, v13;
	v15 =	vnsel vm14, $0x3FF, v15;
	v12 =	vadd.s32 $0xFFFFFFFF, v12  }
0x162: {  	s22 =	sadd.s32 $0xFFFC4000, s8;
	v17 =	vadd.s32 v4, v17;
	[tilespmem:v13+s25+$0x0] =	vst.idx.msk vm3, v8;
	vm15 =	vlt.s32 v12, $0x3FF  }
0x163: {  	v8 =	vadd.s32 s22, v14;
	[tilespmem:v13+s26+$0x0] =	vst.idx.msk vm3, v17;
	v12 =	vnsel vm15, $0x3FF, v12  }
0x164: {  	s23 =	sadd.s32 $0xFFFC8000, s8;
	v8 =	vadd.s32 v4, v8;
	[tilespmem:v14+s25+$0x0] =	vst.idx.msk vm2, v9  }
0x165: {  	[tilespmem:v14+s26+$0x0] =	vst.idx.msk vm2, v8;
	v8 =	vadd.s32 s23, v15  }
0x166: {  	s24 =	sadd.s32 $0xFFFCC000, s8;
	v8 =	vadd.s32 v4, v8;
	[tilespmem:v15+s25+$0x0] =	vst.idx.msk vm1, v10  }
0x167: {  	v63 =	vperm.xlane v16, v1;
	[tilespmem:v15+s26+$0x0] =	vst.idx.msk vm1, v8;
	v8 =	vadd.s32 s24, v12  }
0x168: {  	v8 =	vadd.s32 v4, v8;
	[tilespmem:v12+s25+$0x0] =	vst.idx.msk vm0, v57  }
0x169: {  	v7 =	vadd.s32 v7, v63;
	[tilespmem:v12+s26+$0x0] =	vst.idx.msk vm0, v8  }
.LBB2_19:
0x16a: {  	s21 =	sand.u32 $0x3E0, s20  }
0x16b: {  	p1 =	seq.s32 s21, $0x0  }
.Ltmp15:
0x16c: {  	_ = 	snop;
	(pc) =	sbr.rel @p1 .LBB2_21-.Ltmp15, $1  }
0x16d: {  	_ =	sdelay $0x3  }
0x16e: {  	v8 =	vld [tilespmem:s1+$0xFFFFFF60];
	_ =	sdelay $0x1  }
0x16f: {  	v9 =	vld [tilespmem:s1+$0xFFFFFF70]  }
0x170: {  	v10 =	vld [tilespmem:s1+$0xFFFFFF80];
	_ =	sdelay $0x1  }
0x171: {  	vm3 =	vge.f32 v8, v6  }
0x172: {  	v11 =	vsel vm3, $0x1, v3  }
0x173: {  	v57 =	vld [tilespmem:s1+$0xFFFFFF90];
	vm2 =	vge.f32 v9, v6;
	(xrf0) =	vadd.scan.msk.s32 $0xffff, v11  }
0x174: {  	vm1 =	vge.f32 v10, v6;
	v12 =	vsel vm2, $0x1, v3  }
0x175: {  	v58 =	vsel vm1, $0x1, v3;
	(xrf0) =	vadd.scan.msk.s32 $0xffff, v12  }
0x176: {  	(xrf0) =	vadd.scan.msk.s32 $0xffff, v58;
	_ =	sdelay $0x1  }
0x177: {  	vm0 =	vge.f32 v57, v6  }
0x178: {  	v13 =	vsel vm0, $0x1, v3;
	v59, _, _ =	vpop (xrf0)  }
0x179: {  	(xrf0) =	vadd.scan.msk.s32 $0xffff, v13;
	v12 =	vperm.xlane v59, v1  }
0x17a: {  	v60 =	vadd.s32 v59, v7;
	v14, _, _ =	vpop (xrf0)  }
0x17b: {  	v13 =	vadd.s32 $0xFFFFFFFF, v60;
	v61 =	vperm.xlane v14, v1;
	v15, _, _ =	vpop (xrf0);
	v7 =	vadd.s32 v7, v12  }
0x17c: {  	vm4 =	vlt.s32 v13, $0x3FF;
	v62 =	vperm.xlane v15, v1;
	v14 =	vadd.s32 v7, v14  }
0x17d: {  	v13 =	vnsel vm4, $0x3FF, v13;
	v7 =	vadd.s32 v7, v61;
	v14 =	vadd.s32 $0xFFFFFFFF, v14  }
0x17e: {  	v15 =	vadd.s32 v7, v15;
	vm13 =	vlt.s32 v14, $0x3FF  }
0x17f: {  	v7 =	vadd.s32 v7, v62;
	v16, _, _ =	vpop (xrf0);
	v15 =	vadd.s32 $0xFFFFFFFF, v15;
	v14 =	vnsel vm13, $0x3FF, v14  }
0x180: {  	s21 =	sadd.s32 $0xFFFD0000, s8;
	vm14 =	vlt.s32 v15, $0x3FF;
	v12 =	vadd.s32 v7, v16  }
0x181: {  	v17 =	vadd.s32 s21, v13;
	v15 =	vnsel vm14, $0x3FF, v15;
	v12 =	vadd.s32 $0xFFFFFFFF, v12  }
0x182: {  	s22 =	sadd.s32 $0xFFFD4000, s8;
	v17 =	vadd.s32 v4, v17;
	[tilespmem:v13+s25+$0x0] =	vst.idx.msk vm3, v8;
	vm15 =	vlt.s32 v12, $0x3FF  }
0x183: {  	v8 =	vadd.s32 s22, v14;
	[tilespmem:v13+s26+$0x0] =	vst.idx.msk vm3, v17;
	v12 =	vnsel vm15, $0x3FF, v12  }
0x184: {  	s23 =	sadd.s32 $0xFFFD8000, s8;
	v8 =	vadd.s32 v4, v8;
	[tilespmem:v14+s25+$0x0] =	vst.idx.msk vm2, v9  }
0x185: {  	[tilespmem:v14+s26+$0x0] =	vst.idx.msk vm2, v8;
	v8 =	vadd.s32 s23, v15  }
0x186: {  	s24 =	sadd.s32 $0xFFFDC000, s8;
	v8 =	vadd.s32 v4, v8;
	[tilespmem:v15+s25+$0x0] =	vst.idx.msk vm1, v10  }
0x187: {  	v63 =	vperm.xlane v16, v1;
	[tilespmem:v15+s26+$0x0] =	vst.idx.msk vm1, v8;
	v8 =	vadd.s32 s24, v12  }
0x188: {  	v8 =	vadd.s32 v4, v8;
	[tilespmem:v12+s25+$0x0] =	vst.idx.msk vm0, v57  }
0x189: {  	v7 =	vadd.s32 v7, v63;
	[tilespmem:v12+s26+$0x0] =	vst.idx.msk vm0, v8  }
.LBB2_21:
0x18a: {  	s21 =	sand.u32 $0x7C00, s20  }
0x18b: {  	p1 =	seq.s32 s21, $0x0  }
.Ltmp16:
0x18c: {  	_ = 	snop;
	(pc) =	sbr.rel @p1 .LBB2_23-.Ltmp16, $1  }
0x18d: {  	_ =	sdelay $0x3  }
0x18e: {  	v8 =	vld [tilespmem:s1+$0xFFFFFFA0];
	_ =	sdelay $0x1  }
0x18f: {  	v9 =	vld [tilespmem:s1+$0xFFFFFFB0]  }
0x190: {  	v10 =	vld [tilespmem:s1+$0xFFFFFFC0];
	_ =	sdelay $0x1  }
0x191: {  	vm3 =	vge.f32 v8, v6  }
0x192: {  	v11 =	vsel vm3, $0x1, v3  }
0x193: {  	v57 =	vld [tilespmem:s1+$0xFFFFFFD0];
	vm2 =	vge.f32 v9, v6;
	(xrf0) =	vadd.scan.msk.s32 $0xffff, v11  }
0x194: {  	vm1 =	vge.f32 v10, v6;
	v12 =	vsel vm2, $0x1, v3  }
0x195: {  	v58 =	vsel vm1, $0x1, v3;
	(xrf0) =	vadd.scan.msk.s32 $0xffff, v12  }
0x196: {  	(xrf0) =	vadd.scan.msk.s32 $0xffff, v58;
	_ =	sdelay $0x1  }
0x197: {  	vm0 =	vge.f32 v57, v6  }
0x198: {  	v13 =	vsel vm0, $0x1, v3;
	v59, _, _ =	vpop (xrf0)  }
0x199: {  	(xrf0) =	vadd.scan.msk.s32 $0xffff, v13;
	v12 =	vperm.xlane v59, v1  }
0x19a: {  	v60 =	vadd.s32 v59, v7;
	v14, _, _ =	vpop (xrf0)  }
0x19b: {  	v13 =	vadd.s32 $0xFFFFFFFF, v60;
	v61 =	vperm.xlane v14, v1;
	v15, _, _ =	vpop (xrf0);
	v7 =	vadd.s32 v7, v12  }
0x19c: {  	vm4 =	vlt.s32 v13, $0x3FF;
	v62 =	vperm.xlane v15, v1;
	v14 =	vadd.s32 v7, v14  }
0x19d: {  	v13 =	vnsel vm4, $0x3FF, v13;
	v7 =	vadd.s32 v7, v61;
	v14 =	vadd.s32 $0xFFFFFFFF, v14  }
0x19e: {  	v15 =	vadd.s32 v7, v15;
	vm13 =	vlt.s32 v14, $0x3FF  }
0x19f: {  	v7 =	vadd.s32 v7, v62;
	v16, _, _ =	vpop (xrf0);
	v15 =	vadd.s32 $0xFFFFFFFF, v15;
	v14 =	vnsel vm13, $0x3FF, v14  }
0x1a0: {  	s21 =	sadd.s32 $0xFFFE0000, s8;
	vm14 =	vlt.s32 v15, $0x3FF;
	v12 =	vadd.s32 v7, v16  }
0x1a1: {  	v17 =	vadd.s32 s21, v13;
	v15 =	vnsel vm14, $0x3FF, v15;
	v12 =	vadd.s32 $0xFFFFFFFF, v12  }
0x1a2: {  	s22 =	sadd.s32 $0xFFFE4000, s8;
	v17 =	vadd.s32 v4, v17;
	[tilespmem:v13+s25+$0x0] =	vst.idx.msk vm3, v8;
	vm15 =	vlt.s32 v12, $0x3FF  }
0x1a3: {  	v8 =	vadd.s32 s22, v14;
	[tilespmem:v13+s26+$0x0] =	vst.idx.msk vm3, v17;
	v12 =	vnsel vm15, $0x3FF, v12  }
0x1a4: {  	s23 =	sadd.s32 $0xFFFE8000, s8;
	v8 =	vadd.s32 v4, v8;
	[tilespmem:v14+s25+$0x0] =	vst.idx.msk vm2, v9  }
0x1a5: {  	[tilespmem:v14+s26+$0x0] =	vst.idx.msk vm2, v8;
	v8 =	vadd.s32 s23, v15  }
0x1a6: {  	s24 =	sadd.s32 $0xFFFEC000, s8;
	v8 =	vadd.s32 v4, v8;
	[tilespmem:v15+s25+$0x0] =	vst.idx.msk vm1, v10  }
0x1a7: {  	v63 =	vperm.xlane v16, v1;
	[tilespmem:v15+s26+$0x0] =	vst.idx.msk vm1, v8;
	v8 =	vadd.s32 s24, v12  }
0x1a8: {  	v8 =	vadd.s32 v4, v8;
	[tilespmem:v12+s25+$0x0] =	vst.idx.msk vm0, v57  }
0x1a9: {  	v7 =	vadd.s32 v7, v63;
	[tilespmem:v12+s26+$0x0] =	vst.idx.msk vm0, v8  }
.LBB2_23:
0x1aa: {  	s20 =	sand.u32 $0xF8000, s20  }
0x1ab: {  	p1 =	seq.s32 s20, $0x0  }
.Ltmp17:
0x1ac: {  	_ = 	snop;
	(pc) =	sbr.rel @p1 .LBB2_25-.Ltmp17, $1  }
0x1ad: {  	_ =	sdelay $0x3  }
0x1ae: {  	v8 =	vld [tilespmem:s1+$0xFFFFFFE0];
	_ =	sdelay $0x1  }
0x1af: {  	v9 =	vld [tilespmem:s1+$0xFFFFFFF0]  }
0x1b0: {  	v10 =	vld [tilespmem:s1+$0x0];
	_ =	sdelay $0x1  }
0x1b1: {  	vm3 =	vge.f32 v8, v6  }
0x1b2: {  	v11 =	vsel vm3, $0x1, v3  }
0x1b3: {  	v57 =	vld [tilespmem:s1+$0x10];
	vm2 =	vge.f32 v9, v6;
	(xrf0) =	vadd.scan.msk.s32 $0xffff, v11  }
0x1b4: {  	vm1 =	vge.f32 v10, v6;
	v12 =	vsel vm2, $0x1, v3  }
0x1b5: {  	v58 =	vsel vm1, $0x1, v3;
	(xrf0) =	vadd.scan.msk.s32 $0xffff, v12  }
0x1b6: {  	(xrf0) =	vadd.scan.msk.s32 $0xffff, v58;
	_ =	sdelay $0x1  }
0x1b7: {  	vm0 =	vge.f32 v57, v6  }
0x1b8: {  	v13 =	vsel vm0, $0x1, v3;
	v59, _, _ =	vpop (xrf0)  }
0x1b9: {  	(xrf0) =	vadd.scan.msk.s32 $0xffff, v13;
	v12 =	vperm.xlane v59, v1  }
0x1ba: {  	v60 =	vadd.s32 v59, v7;
	v14, _, _ =	vpop (xrf0)  }
0x1bb: {  	v13 =	vadd.s32 $0xFFFFFFFF, v60;
	v61 =	vperm.xlane v14, v1;
	v15, _, _ =	vpop (xrf0);
	v7 =	vadd.s32 v7, v12  }
0x1bc: {  	vm4 =	vlt.s32 v13, $0x3FF;
	v62 =	vperm.xlane v15, v1;
	v14 =	vadd.s32 v7, v14  }
0x1bd: {  	v13 =	vnsel vm4, $0x3FF, v13;
	v7 =	vadd.s32 v7, v61;
	v14 =	vadd.s32 $0xFFFFFFFF, v14  }
0x1be: {  	v15 =	vadd.s32 v7, v15;
	vm13 =	vlt.s32 v14, $0x3FF  }
0x1bf: {  	v7 =	vadd.s32 v7, v62;
	v16, _, _ =	vpop (xrf0);
	v15 =	vadd.s32 $0xFFFFFFFF, v15;
	v14 =	vnsel vm13, $0x3FF, v14  }
0x1c0: {  	s20 =	sadd.s32 $0xFFFF0000, s8;
	vm14 =	vlt.s32 v15, $0x3FF;
	v12 =	vadd.s32 v7, v16  }
0x1c1: {  	v17 =	vadd.s32 s20, v13;
	v15 =	vnsel vm14, $0x3FF, v15;
	v12 =	vadd.s32 $0xFFFFFFFF, v12  }
0x1c2: {  	s22 =	sadd.s32 $0xFFFF4000, s8;
	v17 =	vadd.s32 v4, v17;
	[tilespmem:v13+s25+$0x0] =	vst.idx.msk vm3, v8;
	vm15 =	vlt.s32 v12, $0x3FF  }
0x1c3: {  	v8 =	vadd.s32 s22, v14;
	[tilespmem:v13+s26+$0x0] =	vst.idx.msk vm3, v17;
	v12 =	vnsel vm15, $0x3FF, v12  }
0x1c4: {  	s23 =	sadd.s32 $0xFFFF8000, s8;
	v8 =	vadd.s32 v4, v8;
	[tilespmem:v14+s25+$0x0] =	vst.idx.msk vm2, v9  }
0x1c5: {  	[tilespmem:v14+s26+$0x0] =	vst.idx.msk vm2, v8;
	v8 =	vadd.s32 s23, v15  }
0x1c6: {  	s24 =	sadd.s32 $0xFFFFC000, s8;
	v8 =	vadd.s32 v4, v8;
	[tilespmem:v15+s25+$0x0] =	vst.idx.msk vm1, v10  }
0x1c7: {  	v63 =	vperm.xlane v16, v1;
	[tilespmem:v15+s26+$0x0] =	vst.idx.msk vm1, v8;
	v8 =	vadd.s32 s24, v12  }
0x1c8: {  	v8 =	vadd.s32 v4, v8;
	[tilespmem:v12+s25+$0x0] =	vst.idx.msk vm0, v57  }
0x1c9: {  	v7 =	vadd.s32 v7, v63;
	[tilespmem:v12+s26+$0x0] =	vst.idx.msk vm0, v8  }
.LBB2_25:
0x1ca: {  	v8 =	vld [tilespmem:s19+$0x8080]  }
0x1cb: {  	v9 =	vld [tilespmem:s19+$0x8090]  }
0x1cc: {  	v10 =	vld [tilespmem:s19+$0x80A0]  }
0x1cd: {  	v11 =	vld [tilespmem:s19+$0x80B0];
	_ =	sdelay $0x2  }
0x1ce: {  	vm0 =	vge.f32 v8, v6;
	vm1 =	vge.f32 v9, v6  }
0x1cf: {  	vm14 =	vge.f32 v10, v6;
	v8 =	vsel vm0, $0x1, v3;
	v9 =	vsel vm1, $0x20, v3  }
0x1d0: {  	vm15 =	vge.f32 v11, v6;
	v62 =	vsel vm14, $0x400, v3;
	v8 =	vor.u32 v8, v9  }
0x1d1: {  	v63 =	vsel vm15, $0x8000, v3;
	v8 =	vor.u32 v62, v8  }
0x1d2: {  	v8 =	vor.u32 v63, v8  }
0x1d3: {  	(xrf0) =	vadd.scan.msk.s32 $0xffff, v8;
	_ =	sdelay $0x5  }
0x1d4: {  	v8, _, _ =	vpop (xrf0)  }
0x1d5: {  	(v2sf) =	vpush v8, $0xF;
	_ =	sdelay $0xe  }
0x1d6: {  	s20 =	spop (v2sf)  }
0x1d7: {  	p1 =	slt.s32 s20, $0x1  }
.Ltmp18:
0x1d8: {  	_ = 	snop;
	(pc) =	sbr.rel @p1 .LBB2_32-.Ltmp18, $1  }
0x1d9: {  	_ =	sdelay $0x3  }
0x1da: {  	s21 =	sand.u32 $0x1F, s20  }
0x1db: {  	p1 =	seq.s32 s21, $0x0  }
0x1dc: {  	v8 =	vld @!p1 [tilespmem:s1+$0x20];
	_ =	sdelay $0x2  }
0x1dd: {  	v9 =	vld @!p1 [tilespmem:s1+$0x30];
	_ =	sdelay $0x1  }
0x1de: {  	v10 =	vld @!p1 [tilespmem:s1+$0x40];
	vm3 =	vge.f32 @!p1 v8, v6  }
0x1df: {  	v11 =	vsel @!p1 vm3, $0x1, v3  }
0x1e0: {  	(xrf0) =	vadd.scan.msk.s32 @!p1 $0xffff, v11;
	v11 =	vld @!p1 [tilespmem:s1+$0x50]  }
0x1e1: {  	vm2 =	vge.f32 @!p1 v9, v6  }
0x1e2: {  	v12 =	vsel @!p1 vm2, $0x1, v3  }
0x1e3: {  	vm1 =	vge.f32 @!p1 v10, v6;
	(xrf0) =	vadd.scan.msk.s32 @!p1 $0xffff, v12  }
0x1e4: {  	v12 =	vsel @!p1 vm1, $0x1, v3  }
0x1e5: {  	(xrf0) =	vadd.scan.msk.s32 @!p1 $0xffff, v12;
	vm0 =	vge.f32 @!p1 v11, v6  }
0x1e6: {  	v13 =	vsel @!p1 vm0, $0x1, v3  }
0x1e7: {  	v12, _, _ =	vpop @!p1 (xrf0);
	(xrf0) =	vadd.scan.msk.s32 @!p1 $0xffff, v13  }
0x1e8: {  	v13 =	vadd.s32 @!p1 v12, v7;
	v12 =	vperm.xlane @!p1 v12, v1  }
0x1e9: {  	v14, _, _ =	vpop @!p1 (xrf0);
	v13 =	vadd.s32 @!p1 $0xFFFFFFFF, v13  }
0x1ea: {  	vm4 =	vlt.s32 @!p1 v13, $0x3FF;
	v7 =	vadd.s32 @!p1 v7, v12;
	v12 =	vperm.xlane @!p1 v14, v1  }
0x1eb: {  	v15, _, _ =	vpop @!p1 (xrf0);
	v13 =	vnsel @!p1 vm4, $0x3FF, v13;
	v14 =	vadd.s32 @!p1 v7, v14  }
0x1ec: {  	v14 =	vadd.s32 @!p1 $0xFFFFFFFF, v14;
	v7 =	vadd.s32 @!p1 v7, v12;
	v12 =	vperm.xlane @!p1 v15, v1  }
0x1ed: {  	vm4 =	vlt.s32 @!p1 v14, $0x3FF;
	v15 =	vadd.s32 @!p1 v7, v15;
	v16, _, _ =	vpop @!p1 (xrf0)  }
0x1ee: {  	v14 =	vnsel @!p1 vm4, $0x3FF, v14;
	v15 =	vadd.s32 @!p1 $0xFFFFFFFF, v15;
	v7 =	vadd.s32 @!p1 v7, v12  }
0x1ef: {  	vm4 =	vlt.s32 @!p1 v15, $0x3FF;
	v12 =	vadd.s32 @!p1 v7, v16  }
0x1f0: {  	v17 =	vadd.s32 @!p1 s8, v13;
	v15 =	vnsel @!p1 vm4, $0x3FF, v15;
	v12 =	vadd.s32 @!p1 $0xFFFFFFFF, v12  }
0x1f1: {  	s21 =	sadd.s32 @!p1 $0x4000, s8;
	v17 =	vadd.s32 @!p1 v4, v17;
	[tilespmem:v13+s25+$0x0] =	vst.idx.msk @!p1 vm3, v8;
	vm4 =	vlt.s32 @!p1 v12, $0x3FF  }
0x1f2: {  	v8 =	vadd.s32 @!p1 s21, v14;
	[tilespmem:v13+s26+$0x0] =	vst.idx.msk @!p1 vm3, v17;
	v12 =	vnsel @!p1 vm4, $0x3FF, v12  }
0x1f3: {  	s21 =	sadd.s32 @!p1 $0x8000, s8;
	v8 =	vadd.s32 @!p1 v4, v8;
	[tilespmem:v14+s25+$0x0] =	vst.idx.msk @!p1 vm2, v9  }
0x1f4: {  	[tilespmem:v14+s26+$0x0] =	vst.idx.msk @!p1 vm2, v8;
	v8 =	vadd.s32 @!p1 s21, v15  }
0x1f5: {  	s21 =	sadd.s32 @!p1 $0xC000, s8;
	v8 =	vadd.s32 @!p1 v4, v8;
	[tilespmem:v15+s25+$0x0] =	vst.idx.msk @!p1 vm1, v10  }
0x1f6: {  	v9 =	vperm.xlane @!p1 v16, v1;
	[tilespmem:v15+s26+$0x0] =	vst.idx.msk @!p1 vm1, v8;
	v8 =	vadd.s32 @!p1 s21, v12  }
0x1f7: {  	s24 =	sand.u32 $0x3E0, s20;
	v8 =	vadd.s32 @!p1 v4, v8;
	[tilespmem:v12+s25+$0x0] =	vst.idx.msk @!p1 vm0, v11  }
0x1f8: {  	v7 =	vadd.s32 @!p1 v7, v9;
	[tilespmem:v12+s26+$0x0] =	vst.idx.msk @!p1 vm0, v8;
	p1 =	seq.s32 s24, $0x0  }
.Ltmp19:
0x1f9: {  	_ = 	snop;
	(pc) =	sbr.rel @p1 .LBB2_28-.Ltmp19, $1  }
0x1fa: {  	_ =	sdelay $0x3  }
0x1fb: {  	v8 =	vld [tilespmem:s1+$0x60];
	_ =	sdelay $0x1  }
0x1fc: {  	v9 =	vld [tilespmem:s1+$0x70]  }
0x1fd: {  	v10 =	vld [tilespmem:s1+$0x80];
	_ =	sdelay $0x1  }
0x1fe: {  	vm3 =	vge.f32 v8, v6  }
0x1ff: {  	v11 =	vsel vm3, $0x1, v3  }
0x200: {  	v57 =	vld [tilespmem:s1+$0x90];
	vm2 =	vge.f32 v9, v6;
	(xrf0) =	vadd.scan.msk.s32 $0xffff, v11  }
0x201: {  	vm1 =	vge.f32 v10, v6;
	v12 =	vsel vm2, $0x1, v3  }
0x202: {  	v58 =	vsel vm1, $0x1, v3;
	(xrf0) =	vadd.scan.msk.s32 $0xffff, v12  }
0x203: {  	(xrf0) =	vadd.scan.msk.s32 $0xffff, v58;
	_ =	sdelay $0x1  }
0x204: {  	vm0 =	vge.f32 v57, v6  }
0x205: {  	v13 =	vsel vm0, $0x1, v3;
	v59, _, _ =	vpop (xrf0)  }
0x206: {  	(xrf0) =	vadd.scan.msk.s32 $0xffff, v13;
	v12 =	vperm.xlane v59, v1  }
0x207: {  	v60 =	vadd.s32 v59, v7;
	v14, _, _ =	vpop (xrf0)  }
0x208: {  	v13 =	vadd.s32 $0xFFFFFFFF, v60;
	v61 =	vperm.xlane v14, v1;
	v15, _, _ =	vpop (xrf0);
	v7 =	vadd.s32 v7, v12  }
0x209: {  	vm4 =	vlt.s32 v13, $0x3FF;
	v62 =	vperm.xlane v15, v1;
	v14 =	vadd.s32 v7, v14  }
0x20a: {  	v13 =	vnsel vm4, $0x3FF, v13;
	v7 =	vadd.s32 v7, v61;
	v14 =	vadd.s32 $0xFFFFFFFF, v14  }
0x20b: {  	v15 =	vadd.s32 v7, v15;
	vm13 =	vlt.s32 v14, $0x3FF  }
0x20c: {  	v7 =	vadd.s32 v7, v62;
	v16, _, _ =	vpop (xrf0);
	v15 =	vadd.s32 $0xFFFFFFFF, v15;
	v14 =	vnsel vm13, $0x3FF, v14  }
0x20d: {  	s21 =	sadd.s32 $0x10000, s8;
	vm14 =	vlt.s32 v15, $0x3FF;
	v12 =	vadd.s32 v7, v16  }
0x20e: {  	v17 =	vadd.s32 s21, v13;
	v15 =	vnsel vm14, $0x3FF, v15;
	v12 =	vadd.s32 $0xFFFFFFFF, v12  }
0x20f: {  	s22 =	sadd.s32 $0x14000, s8;
	v17 =	vadd.s32 v4, v17;
	[tilespmem:v13+s25+$0x0] =	vst.idx.msk vm3, v8;
	vm15 =	vlt.s32 v12, $0x3FF  }
0x210: {  	v8 =	vadd.s32 s22, v14;
	[tilespmem:v13+s26+$0x0] =	vst.idx.msk vm3, v17;
	v12 =	vnsel vm15, $0x3FF, v12  }
0x211: {  	s23 =	sadd.s32 $0x18000, s8;
	v8 =	vadd.s32 v4, v8;
	[tilespmem:v14+s25+$0x0] =	vst.idx.msk vm2, v9  }
0x212: {  	[tilespmem:v14+s26+$0x0] =	vst.idx.msk vm2, v8;
	v8 =	vadd.s32 s23, v15  }
0x213: {  	s24 =	sadd.s32 $0x1C000, s8;
	v8 =	vadd.s32 v4, v8;
	[tilespmem:v15+s25+$0x0] =	vst.idx.msk vm1, v10  }
0x214: {  	v63 =	vperm.xlane v16, v1;
	[tilespmem:v15+s26+$0x0] =	vst.idx.msk vm1, v8;
	v8 =	vadd.s32 s24, v12  }
0x215: {  	v8 =	vadd.s32 v4, v8;
	[tilespmem:v12+s25+$0x0] =	vst.idx.msk vm0, v57  }
0x216: {  	v7 =	vadd.s32 v7, v63;
	[tilespmem:v12+s26+$0x0] =	vst.idx.msk vm0, v8  }
.LBB2_28:
0x217: {  	s21 =	sand.u32 $0x7C00, s20  }
0x218: {  	p1 =	seq.s32 s21, $0x0  }
.Ltmp20:
0x219: {  	_ = 	snop;
	(pc) =	sbr.rel @p1 .LBB2_30-.Ltmp20, $1  }
0x21a: {  	_ =	sdelay $0x3  }
0x21b: {  	v8 =	vld [tilespmem:s1+$0xA0];
	_ =	sdelay $0x1  }
0x21c: {  	v9 =	vld [tilespmem:s1+$0xB0]  }
0x21d: {  	v10 =	vld [tilespmem:s1+$0xC0];
	_ =	sdelay $0x1  }
0x21e: {  	vm3 =	vge.f32 v8, v6  }
0x21f: {  	v11 =	vsel vm3, $0x1, v3  }
0x220: {  	v57 =	vld [tilespmem:s1+$0xD0];
	vm2 =	vge.f32 v9, v6;
	(xrf0) =	vadd.scan.msk.s32 $0xffff, v11  }
0x221: {  	vm1 =	vge.f32 v10, v6;
	v12 =	vsel vm2, $0x1, v3  }
0x222: {  	v58 =	vsel vm1, $0x1, v3;
	(xrf0) =	vadd.scan.msk.s32 $0xffff, v12  }
0x223: {  	(xrf0) =	vadd.scan.msk.s32 $0xffff, v58;
	_ =	sdelay $0x1  }
0x224: {  	vm0 =	vge.f32 v57, v6  }
0x225: {  	v13 =	vsel vm0, $0x1, v3;
	v59, _, _ =	vpop (xrf0)  }
0x226: {  	(xrf0) =	vadd.scan.msk.s32 $0xffff, v13;
	v12 =	vperm.xlane v59, v1  }
0x227: {  	v60 =	vadd.s32 v59, v7;
	v14, _, _ =	vpop (xrf0)  }
0x228: {  	v13 =	vadd.s32 $0xFFFFFFFF, v60;
	v61 =	vperm.xlane v14, v1;
	v15, _, _ =	vpop (xrf0);
	v7 =	vadd.s32 v7, v12  }
0x229: {  	vm4 =	vlt.s32 v13, $0x3FF;
	v62 =	vperm.xlane v15, v1;
	v14 =	vadd.s32 v7, v14  }
0x22a: {  	v13 =	vnsel vm4, $0x3FF, v13;
	v7 =	vadd.s32 v7, v61;
	v14 =	vadd.s32 $0xFFFFFFFF, v14  }
0x22b: {  	v15 =	vadd.s32 v7, v15;
	vm13 =	vlt.s32 v14, $0x3FF  }
0x22c: {  	v7 =	vadd.s32 v7, v62;
	v16, _, _ =	vpop (xrf0);
	v15 =	vadd.s32 $0xFFFFFFFF, v15;
	v14 =	vnsel vm13, $0x3FF, v14  }
0x22d: {  	s21 =	sadd.s32 $0x20000, s8;
	vm14 =	vlt.s32 v15, $0x3FF;
	v12 =	vadd.s32 v7, v16  }
0x22e: {  	v17 =	vadd.s32 s21, v13;
	v15 =	vnsel vm14, $0x3FF, v15;
	v12 =	vadd.s32 $0xFFFFFFFF, v12  }
0x22f: {  	s22 =	sadd.s32 $0x24000, s8;
	v17 =	vadd.s32 v4, v17;
	[tilespmem:v13+s25+$0x0] =	vst.idx.msk vm3, v8;
	vm15 =	vlt.s32 v12, $0x3FF  }
0x230: {  	v8 =	vadd.s32 s22, v14;
	[tilespmem:v13+s26+$0x0] =	vst.idx.msk vm3, v17;
	v12 =	vnsel vm15, $0x3FF, v12  }
0x231: {  	s23 =	sadd.s32 $0x28000, s8;
	v8 =	vadd.s32 v4, v8;
	[tilespmem:v14+s25+$0x0] =	vst.idx.msk vm2, v9  }
0x232: {  	[tilespmem:v14+s26+$0x0] =	vst.idx.msk vm2, v8;
	v8 =	vadd.s32 s23, v15  }
0x233: {  	s24 =	sadd.s32 $0x2C000, s8;
	v8 =	vadd.s32 v4, v8;
	[tilespmem:v15+s25+$0x0] =	vst.idx.msk vm1, v10  }
0x234: {  	v63 =	vperm.xlane v16, v1;
	[tilespmem:v15+s26+$0x0] =	vst.idx.msk vm1, v8;
	v8 =	vadd.s32 s24, v12  }
0x235: {  	v8 =	vadd.s32 v4, v8;
	[tilespmem:v12+s25+$0x0] =	vst.idx.msk vm0, v57  }
0x236: {  	v7 =	vadd.s32 v7, v63;
	[tilespmem:v12+s26+$0x0] =	vst.idx.msk vm0, v8  }
.LBB2_30:
0x237: {  	s20 =	sand.u32 $0xF8000, s20  }
0x238: {  	p1 =	seq.s32 s20, $0x0  }
.Ltmp21:
0x239: {  	_ = 	snop;
	(pc) =	sbr.rel @p1 .LBB2_32-.Ltmp21, $1  }
0x23a: {  	_ =	sdelay $0x3  }
0x23b: {  	v8 =	vld [tilespmem:s1+$0xE0];
	_ =	sdelay $0x1  }
0x23c: {  	v9 =	vld [tilespmem:s1+$0xF0]  }
0x23d: {  	v10 =	vld [tilespmem:s1+$0x100];
	_ =	sdelay $0x1  }
0x23e: {  	vm3 =	vge.f32 v8, v6  }
0x23f: {  	v11 =	vsel vm3, $0x1, v3  }
0x240: {  	v57 =	vld [tilespmem:s1+$0x110];
	vm2 =	vge.f32 v9, v6;
	(xrf0) =	vadd.scan.msk.s32 $0xffff, v11  }
0x241: {  	vm1 =	vge.f32 v10, v6;
	v12 =	vsel vm2, $0x1, v3  }
0x242: {  	v58 =	vsel vm1, $0x1, v3;
	(xrf0) =	vadd.scan.msk.s32 $0xffff, v12  }
0x243: {  	(xrf0) =	vadd.scan.msk.s32 $0xffff, v58;
	_ =	sdelay $0x1  }
0x244: {  	vm0 =	vge.f32 v57, v6  }
0x245: {  	v13 =	vsel vm0, $0x1, v3;
	v59, _, _ =	vpop (xrf0)  }
0x246: {  	(xrf0) =	vadd.scan.msk.s32 $0xffff, v13;
	v12 =	vperm.xlane v59, v1  }
0x247: {  	v60 =	vadd.s32 v59, v7;
	v14, _, _ =	vpop (xrf0)  }
0x248: {  	v13 =	vadd.s32 $0xFFFFFFFF, v60;
	v61 =	vperm.xlane v14, v1;
	v15, _, _ =	vpop (xrf0);
	v7 =	vadd.s32 v7, v12  }
0x249: {  	vm4 =	vlt.s32 v13, $0x3FF;
	v62 =	vperm.xlane v15, v1;
	v14 =	vadd.s32 v7, v14  }
0x24a: {  	v13 =	vnsel vm4, $0x3FF, v13;
	v7 =	vadd.s32 v7, v61;
	v14 =	vadd.s32 $0xFFFFFFFF, v14  }
0x24b: {  	v15 =	vadd.s32 v7, v15;
	vm13 =	vlt.s32 v14, $0x3FF  }
0x24c: {  	v7 =	vadd.s32 v7, v62;
	v16, _, _ =	vpop (xrf0);
	v15 =	vadd.s32 $0xFFFFFFFF, v15;
	v14 =	vnsel vm13, $0x3FF, v14  }
0x24d: {  	s20 =	sadd.s32 $0x30000, s8;
	vm14 =	vlt.s32 v15, $0x3FF;
	v12 =	vadd.s32 v7, v16  }
0x24e: {  	v17 =	vadd.s32 s20, v13;
	v15 =	vnsel vm14, $0x3FF, v15;
	v12 =	vadd.s32 $0xFFFFFFFF, v12  }
0x24f: {  	s22 =	sadd.s32 $0x34000, s8;
	v17 =	vadd.s32 v4, v17;
	[tilespmem:v13+s25+$0x0] =	vst.idx.msk vm3, v8;
	vm15 =	vlt.s32 v12, $0x3FF  }
0x250: {  	v8 =	vadd.s32 s22, v14;
	[tilespmem:v13+s26+$0x0] =	vst.idx.msk vm3, v17;
	v12 =	vnsel vm15, $0x3FF, v12  }
0x251: {  	s23 =	sadd.s32 $0x38000, s8;
	v8 =	vadd.s32 v4, v8;
	[tilespmem:v14+s25+$0x0] =	vst.idx.msk vm2, v9  }
0x252: {  	[tilespmem:v14+s26+$0x0] =	vst.idx.msk vm2, v8;
	v8 =	vadd.s32 s23, v15  }
0x253: {  	s24 =	sadd.s32 $0x3C000, s8;
	v8 =	vadd.s32 v4, v8;
	[tilespmem:v15+s25+$0x0] =	vst.idx.msk vm1, v10  }
0x254: {  	v63 =	vperm.xlane v16, v1;
	[tilespmem:v15+s26+$0x0] =	vst.idx.msk vm1, v8;
	v8 =	vadd.s32 s24, v12  }
0x255: {  	v8 =	vadd.s32 v4, v8;
	[tilespmem:v12+s25+$0x0] =	vst.idx.msk vm0, v57  }
0x256: {  	v7 =	vadd.s32 v7, v63;
	[tilespmem:v12+s26+$0x0] =	vst.idx.msk vm0, v8  }
.LBB2_32:
0x257: {  	v8 =	vld [tilespmem:s19+$0x80C0];
	s22 =	sor.u32 $0x50, s18  }
0x258: {  	s23 =	sor.u32 $0x60, s18;
	v9 =	vld [tilespmem:s22+$0x8000]  }
0x259: {  	s24 =	sor.u32 $0x70, s18;
	v10 =	vld [tilespmem:s23+$0x8000]  }
0x25a: {  	v11 =	vld [tilespmem:s24+$0x8000];
	_ =	sdelay $0x2  }
0x25b: {  	vm0 =	vge.f32 v8, v6;
	vm1 =	vge.f32 v9, v6  }
0x25c: {  	v8 =	vsel vm0, $0x1, v3;
	vm14 =	vge.f32 v10, v6;
	v9 =	vsel vm1, $0x20, v3  }
0x25d: {  	vm15 =	vge.f32 v11, v6;
	v62 =	vsel vm14, $0x400, v3;
	v8 =	vor.u32 v8, v9  }
0x25e: {  	v63 =	vsel vm15, $0x8000, v3;
	v8 =	vor.u32 v62, v8  }
0x25f: {  	v8 =	vor.u32 v63, v8  }
0x260: {  	(xrf0) =	vadd.scan.msk.s32 $0xffff, v8;
	_ =	sdelay $0x5  }
0x261: {  	v8, _, _ =	vpop (xrf0)  }
0x262: {  	(v2sf) =	vpush v8, $0xF;
	_ =	sdelay $0xe  }
0x263: {  	s19 =	spop (v2sf)  }
0x264: {  	p1 =	slt.s32 s19, $0x1  }
.Ltmp22:
0x265: {  	_ = 	snop;
	(pc) =	sbr.rel @p1 .LBB2_41-.Ltmp22, $1  }
0x266: {  	_ =	sdelay $0x3  }
0x267: {  	s20 =	sand.u32 $0x1F, s19  }
0x268: {  	p1 =	seq.s32 s20, $0x0  }
.Ltmp23:
0x269: {  	_ = 	snop;
	(pc) =	sbr.rel @p1 .LBB2_35-.Ltmp23, $1  }
0x26a: {  	_ =	sdelay $0x3  }
0x26b: {  	v8 =	vld [tilespmem:s1+$0x120];
	_ =	sdelay $0x1  }
0x26c: {  	v9 =	vld [tilespmem:s1+$0x130]  }
0x26d: {  	v10 =	vld [tilespmem:s1+$0x140];
	_ =	sdelay $0x1  }
0x26e: {  	vm3 =	vge.f32 v8, v6  }
0x26f: {  	v11 =	vsel vm3, $0x1, v3  }
0x270: {  	v57 =	vld [tilespmem:s1+$0x150];
	vm2 =	vge.f32 v9, v6;
	(xrf0) =	vadd.scan.msk.s32 $0xffff, v11  }
0x271: {  	vm1 =	vge.f32 v10, v6;
	v12 =	vsel vm2, $0x1, v3  }
0x272: {  	v58 =	vsel vm1, $0x1, v3;
	(xrf0) =	vadd.scan.msk.s32 $0xffff, v12  }
0x273: {  	(xrf0) =	vadd.scan.msk.s32 $0xffff, v58;
	_ =	sdelay $0x1  }
0x274: {  	vm0 =	vge.f32 v57, v6  }
0x275: {  	v13 =	vsel vm0, $0x1, v3;
	v59, _, _ =	vpop (xrf0)  }
0x276: {  	(xrf0) =	vadd.scan.msk.s32 $0xffff, v13;
	v12 =	vperm.xlane v59, v1  }
0x277: {  	v60 =	vadd.s32 v59, v7;
	v14, _, _ =	vpop (xrf0)  }
0x278: {  	v13 =	vadd.s32 $0xFFFFFFFF, v60;
	v61 =	vperm.xlane v14, v1;
	v15, _, _ =	vpop (xrf0);
	v7 =	vadd.s32 v7, v12  }
0x279: {  	vm4 =	vlt.s32 v13, $0x3FF;
	v62 =	vperm.xlane v15, v1;
	v14 =	vadd.s32 v7, v14  }
0x27a: {  	v13 =	vnsel vm4, $0x3FF, v13;
	v7 =	vadd.s32 v7, v61;
	v14 =	vadd.s32 $0xFFFFFFFF, v14  }
0x27b: {  	v15 =	vadd.s32 v7, v15;
	vm13 =	vlt.s32 v14, $0x3FF  }
0x27c: {  	v7 =	vadd.s32 v7, v62;
	v16, _, _ =	vpop (xrf0);
	v15 =	vadd.s32 $0xFFFFFFFF, v15;
	v14 =	vnsel vm13, $0x3FF, v14  }
0x27d: {  	s20 =	sadd.s32 $0x40000, s8;
	vm14 =	vlt.s32 v15, $0x3FF;
	v12 =	vadd.s32 v7, v16  }
0x27e: {  	v17 =	vadd.s32 s20, v13;
	v15 =	vnsel vm14, $0x3FF, v15;
	v12 =	vadd.s32 $0xFFFFFFFF, v12  }
0x27f: {  	s22 =	sadd.s32 $0x44000, s8;
	v17 =	vadd.s32 v4, v17;
	[tilespmem:v13+s25+$0x0] =	vst.idx.msk vm3, v8;
	vm15 =	vlt.s32 v12, $0x3FF  }
0x280: {  	v8 =	vadd.s32 s22, v14;
	[tilespmem:v13+s26+$0x0] =	vst.idx.msk vm3, v17;
	v12 =	vnsel vm15, $0x3FF, v12  }
0x281: {  	s23 =	sadd.s32 $0x48000, s8;
	v8 =	vadd.s32 v4, v8;
	[tilespmem:v14+s25+$0x0] =	vst.idx.msk vm2, v9  }
0x282: {  	[tilespmem:v14+s26+$0x0] =	vst.idx.msk vm2, v8;
	v8 =	vadd.s32 s23, v15  }
0x283: {  	s24 =	sadd.s32 $0x4C000, s8;
	v8 =	vadd.s32 v4, v8;
	[tilespmem:v15+s25+$0x0] =	vst.idx.msk vm1, v10  }
0x284: {  	v63 =	vperm.xlane v16, v1;
	[tilespmem:v15+s26+$0x0] =	vst.idx.msk vm1, v8;
	v8 =	vadd.s32 s24, v12  }
0x285: {  	v8 =	vadd.s32 v4, v8;
	[tilespmem:v12+s25+$0x0] =	vst.idx.msk vm0, v57  }
0x286: {  	v7 =	vadd.s32 v7, v63;
	[tilespmem:v12+s26+$0x0] =	vst.idx.msk vm0, v8  }
.LBB2_35:
0x287: {  	s20 =	sand.u32 $0x3E0, s19  }
0x288: {  	p1 =	seq.s32 s20, $0x0  }
.Ltmp24:
0x289: {  	_ = 	snop;
	(pc) =	sbr.rel @p1 .LBB2_37-.Ltmp24, $1  }
0x28a: {  	_ =	sdelay $0x3  }
0x28b: {  	v8 =	vld [tilespmem:s1+$0x160];
	_ =	sdelay $0x1  }
0x28c: {  	v9 =	vld [tilespmem:s1+$0x170]  }
0x28d: {  	v10 =	vld [tilespmem:s1+$0x180];
	_ =	sdelay $0x1  }
0x28e: {  	vm3 =	vge.f32 v8, v6  }
0x28f: {  	v11 =	vsel vm3, $0x1, v3  }
0x290: {  	v57 =	vld [tilespmem:s1+$0x190];
	vm2 =	vge.f32 v9, v6;
	(xrf0) =	vadd.scan.msk.s32 $0xffff, v11  }
0x291: {  	vm1 =	vge.f32 v10, v6;
	v12 =	vsel vm2, $0x1, v3  }
0x292: {  	v58 =	vsel vm1, $0x1, v3;
	(xrf0) =	vadd.scan.msk.s32 $0xffff, v12  }
0x293: {  	(xrf0) =	vadd.scan.msk.s32 $0xffff, v58;
	_ =	sdelay $0x1  }
0x294: {  	vm0 =	vge.f32 v57, v6  }
0x295: {  	v13 =	vsel vm0, $0x1, v3;
	v59, _, _ =	vpop (xrf0)  }
0x296: {  	(xrf0) =	vadd.scan.msk.s32 $0xffff, v13;
	v12 =	vperm.xlane v59, v1  }
0x297: {  	v60 =	vadd.s32 v59, v7;
	v14, _, _ =	vpop (xrf0)  }
0x298: {  	v13 =	vadd.s32 $0xFFFFFFFF, v60;
	v61 =	vperm.xlane v14, v1;
	v15, _, _ =	vpop (xrf0);
	v7 =	vadd.s32 v7, v12  }
0x299: {  	vm4 =	vlt.s32 v13, $0x3FF;
	v62 =	vperm.xlane v15, v1;
	v14 =	vadd.s32 v7, v14  }
0x29a: {  	v13 =	vnsel vm4, $0x3FF, v13;
	v7 =	vadd.s32 v7, v61;
	v14 =	vadd.s32 $0xFFFFFFFF, v14  }
0x29b: {  	v15 =	vadd.s32 v7, v15;
	vm13 =	vlt.s32 v14, $0x3FF  }
0x29c: {  	v7 =	vadd.s32 v7, v62;
	v16, _, _ =	vpop (xrf0);
	v15 =	vadd.s32 $0xFFFFFFFF, v15;
	v14 =	vnsel vm13, $0x3FF, v14  }
0x29d: {  	s20 =	sadd.s32 $0x50000, s8;
	vm14 =	vlt.s32 v15, $0x3FF;
	v12 =	vadd.s32 v7, v16  }
0x29e: {  	v17 =	vadd.s32 s20, v13;
	v15 =	vnsel vm14, $0x3FF, v15;
	v12 =	vadd.s32 $0xFFFFFFFF, v12  }
0x29f: {  	s22 =	sadd.s32 $0x54000, s8;
	v17 =	vadd.s32 v4, v17;
	[tilespmem:v13+s25+$0x0] =	vst.idx.msk vm3, v8;
	vm15 =	vlt.s32 v12, $0x3FF  }
0x2a0: {  	v8 =	vadd.s32 s22, v14;
	[tilespmem:v13+s26+$0x0] =	vst.idx.msk vm3, v17;
	v12 =	vnsel vm15, $0x3FF, v12  }
0x2a1: {  	s23 =	sadd.s32 $0x58000, s8;
	v8 =	vadd.s32 v4, v8;
	[tilespmem:v14+s25+$0x0] =	vst.idx.msk vm2, v9  }
0x2a2: {  	[tilespmem:v14+s26+$0x0] =	vst.idx.msk vm2, v8;
	v8 =	vadd.s32 s23, v15  }
0x2a3: {  	s24 =	sadd.s32 $0x5C000, s8;
	v8 =	vadd.s32 v4, v8;
	[tilespmem:v15+s25+$0x0] =	vst.idx.msk vm1, v10  }
0x2a4: {  	v63 =	vperm.xlane v16, v1;
	[tilespmem:v15+s26+$0x0] =	vst.idx.msk vm1, v8;
	v8 =	vadd.s32 s24, v12  }
0x2a5: {  	v8 =	vadd.s32 v4, v8;
	[tilespmem:v12+s25+$0x0] =	vst.idx.msk vm0, v57  }
0x2a6: {  	v7 =	vadd.s32 v7, v63;
	[tilespmem:v12+s26+$0x0] =	vst.idx.msk vm0, v8  }
.LBB2_37:
0x2a7: {  	s20 =	sand.u32 $0x7C00, s19  }
0x2a8: {  	p1 =	seq.s32 s20, $0x0  }
.Ltmp25:
0x2a9: {  	_ = 	snop;
	(pc) =	sbr.rel @p1 .LBB2_39-.Ltmp25, $1  }
0x2aa: {  	_ =	sdelay $0x3  }
0x2ab: {  	v8 =	vld [tilespmem:s1+$0x1A0];
	_ =	sdelay $0x1  }
0x2ac: {  	v9 =	vld [tilespmem:s1+$0x1B0]  }
0x2ad: {  	v10 =	vld [tilespmem:s1+$0x1C0];
	_ =	sdelay $0x1  }
0x2ae: {  	vm3 =	vge.f32 v8, v6  }
0x2af: {  	v11 =	vsel vm3, $0x1, v3  }
0x2b0: {  	v57 =	vld [tilespmem:s1+$0x1D0];
	vm2 =	vge.f32 v9, v6;
	(xrf0) =	vadd.scan.msk.s32 $0xffff, v11  }
0x2b1: {  	vm1 =	vge.f32 v10, v6;
	v12 =	vsel vm2, $0x1, v3  }
0x2b2: {  	v58 =	vsel vm1, $0x1, v3;
	(xrf0) =	vadd.scan.msk.s32 $0xffff, v12  }
0x2b3: {  	(xrf0) =	vadd.scan.msk.s32 $0xffff, v58;
	_ =	sdelay $0x1  }
0x2b4: {  	vm0 =	vge.f32 v57, v6  }
0x2b5: {  	v13 =	vsel vm0, $0x1, v3;
	v59, _, _ =	vpop (xrf0)  }
0x2b6: {  	(xrf0) =	vadd.scan.msk.s32 $0xffff, v13;
	v12 =	vperm.xlane v59, v1  }
0x2b7: {  	v60 =	vadd.s32 v59, v7;
	v14, _, _ =	vpop (xrf0)  }
0x2b8: {  	v13 =	vadd.s32 $0xFFFFFFFF, v60;
	v61 =	vperm.xlane v14, v1;
	v15, _, _ =	vpop (xrf0);
	v7 =	vadd.s32 v7, v12  }
0x2b9: {  	vm4 =	vlt.s32 v13, $0x3FF;
	v62 =	vperm.xlane v15, v1;
	v14 =	vadd.s32 v7, v14  }
0x2ba: {  	v13 =	vnsel vm4, $0x3FF, v13;
	v7 =	vadd.s32 v7, v61;
	v14 =	vadd.s32 $0xFFFFFFFF, v14  }
0x2bb: {  	v15 =	vadd.s32 v7, v15;
	vm13 =	vlt.s32 v14, $0x3FF  }
0x2bc: {  	v7 =	vadd.s32 v7, v62;
	v16, _, _ =	vpop (xrf0);
	v15 =	vadd.s32 $0xFFFFFFFF, v15;
	v14 =	vnsel vm13, $0x3FF, v14  }
0x2bd: {  	s20 =	sadd.s32 $0x60000, s8;
	vm14 =	vlt.s32 v15, $0x3FF;
	v12 =	vadd.s32 v7, v16  }
0x2be: {  	v17 =	vadd.s32 s20, v13;
	v15 =	vnsel vm14, $0x3FF, v15;
	v12 =	vadd.s32 $0xFFFFFFFF, v12  }
0x2bf: {  	s22 =	sadd.s32 $0x64000, s8;
	v17 =	vadd.s32 v4, v17;
	[tilespmem:v13+s25+$0x0] =	vst.idx.msk vm3, v8;
	vm15 =	vlt.s32 v12, $0x3FF  }
0x2c0: {  	v8 =	vadd.s32 s22, v14;
	[tilespmem:v13+s26+$0x0] =	vst.idx.msk vm3, v17;
	v12 =	vnsel vm15, $0x3FF, v12  }
0x2c1: {  	s23 =	sadd.s32 $0x68000, s8;
	v8 =	vadd.s32 v4, v8;
	[tilespmem:v14+s25+$0x0] =	vst.idx.msk vm2, v9  }
0x2c2: {  	[tilespmem:v14+s26+$0x0] =	vst.idx.msk vm2, v8;
	v8 =	vadd.s32 s23, v15  }
0x2c3: {  	s24 =	sadd.s32 $0x6C000, s8;
	v8 =	vadd.s32 v4, v8;
	[tilespmem:v15+s25+$0x0] =	vst.idx.msk vm1, v10  }
0x2c4: {  	v63 =	vperm.xlane v16, v1;
	[tilespmem:v15+s26+$0x0] =	vst.idx.msk vm1, v8;
	v8 =	vadd.s32 s24, v12  }
0x2c5: {  	v8 =	vadd.s32 v4, v8;
	[tilespmem:v12+s25+$0x0] =	vst.idx.msk vm0, v57  }
0x2c6: {  	v7 =	vadd.s32 v7, v63;
	[tilespmem:v12+s26+$0x0] =	vst.idx.msk vm0, v8  }
.LBB2_39:
0x2c7: {  	s19 =	sand.u32 $0xF8000, s19  }
0x2c8: {  	p1 =	seq.s32 s19, $0x0  }
.Ltmp26:
0x2c9: {  	_ = 	snop;
	(pc) =	sbr.rel @p1 .LBB2_41-.Ltmp26, $1  }
0x2ca: {  	_ =	sdelay $0x3  }
0x2cb: {  	v8 =	vld [tilespmem:s1+$0x1E0];
	s19 =	sadd.s32 $0x3C0, s31  }
0x2cc: {  	s20 =	sor.u32 $0x50, s19  }
0x2cd: {  	v9 =	vld [tilespmem:s20+$0x0]  }
0x2ce: {  	s24 =	sor.u32 $0x60, s19  }
0x2cf: {  	v10 =	vld [tilespmem:s24+$0x0]  }
0x2d0: {  	vm3 =	vge.f32 v8, v6  }
0x2d1: {  	s19 =	sor.u32 $0x70, s19;
	v11 =	vsel vm3, $0x1, v3  }
0x2d2: {  	v57 =	vld [tilespmem:s19+$0x0];
	(xrf0) =	vadd.scan.msk.s32 $0xffff, v11;
	vm2 =	vge.f32 v9, v6  }
0x2d3: {  	v12 =	vsel vm2, $0x1, v3  }
0x2d4: {  	vm1 =	vge.f32 v10, v6;
	(xrf0) =	vadd.scan.msk.s32 $0xffff, v12  }
0x2d5: {  	v58 =	vsel vm1, $0x1, v3  }
0x2d6: {  	(xrf0) =	vadd.scan.msk.s32 $0xffff, v58  }
0x2d7: {  	vm0 =	vge.f32 v57, v6  }
0x2d8: {  	v13 =	vsel vm0, $0x1, v3;
	v59, _, _ =	vpop (xrf0)  }
0x2d9: {  	(xrf0) =	vadd.scan.msk.s32 $0xffff, v13;
	v60 =	vadd.s32 v59, v7;
	v12 =	vperm.xlane v59, v1  }
0x2da: {  	v14, _, _ =	vpop (xrf0);
	v13 =	vadd.s32 $0xFFFFFFFF, v60  }
0x2db: {  	vm4 =	vlt.s32 v13, $0x3FF;
	v7 =	vadd.s32 v7, v12;
	v61 =	vperm.xlane v14, v1  }
0x2dc: {  	v15, _, _ =	vpop (xrf0);
	v13 =	vnsel vm4, $0x3FF, v13;
	v14 =	vadd.s32 v7, v14  }
0x2dd: {  	v62 =	vperm.xlane v15, v1;
	v14 =	vadd.s32 $0xFFFFFFFF, v14;
	v7 =	vadd.s32 v7, v61  }
0x2de: {  	vm13 =	vlt.s32 v14, $0x3FF;
	v15 =	vadd.s32 v7, v15  }
0x2df: {  	v16, _, _ =	vpop (xrf0);
	v7 =	vadd.s32 v7, v62;
	v14 =	vnsel vm13, $0x3FF, v14;
	v15 =	vadd.s32 $0xFFFFFFFF, v15  }
0x2e0: {  	s21 =	sadd.s32 $0x70000, s8;
	v12 =	vadd.s32 v7, v16;
	vm14 =	vlt.s32 v15, $0x3FF  }
0x2e1: {  	v17 =	vadd.s32 s21, v13;
	v12 =	vadd.s32 $0xFFFFFFFF, v12;
	v15 =	vnsel vm14, $0x3FF, v15  }
0x2e2: {  	s22 =	sadd.s32 $0x74000, s8;
	v17 =	vadd.s32 v4, v17;
	[tilespmem:v13+s25+$0x0] =	vst.idx.msk vm3, v8;
	vm15 =	vlt.s32 v12, $0x3FF  }
0x2e3: {  	v8 =	vadd.s32 s22, v14;
	[tilespmem:v13+s26+$0x0] =	vst.idx.msk vm3, v17;
	v12 =	vnsel vm15, $0x3FF, v12  }
0x2e4: {  	s23 =	sadd.s32 $0x78000, s8;
	v8 =	vadd.s32 v4, v8;
	[tilespmem:v14+s25+$0x0] =	vst.idx.msk vm2, v9  }
.Ltmp27:
0x2e5: {  	[tilespmem:v14+s26+$0x0] =	vst.idx.msk vm2, v8;
	v8 =	vadd.s32 s23, v15;
	(pc) =	sbr.rel .LBB2_41-.Ltmp27, $4  }
0x2e6: {  	s24 =	sadd.s32 $0x7C000, s8;
	v8 =	vadd.s32 v4, v8;
	[tilespmem:v15+s25+$0x0] =	vst.idx.msk vm1, v10  }
0x2e7: {  	v63 =	vperm.xlane v16, v1;
	[tilespmem:v15+s26+$0x0] =	vst.idx.msk vm1, v8;
	v8 =	vadd.s32 s24, v12  }
0x2e8: {  	v8 =	vadd.s32 v4, v8;
	[tilespmem:v12+s25+$0x0] =	vst.idx.msk vm0, v57  }
0x2e9: {  	v7 =	vadd.s32 v7, v63;
	[tilespmem:v12+s26+$0x0] =	vst.idx.msk vm0, v8  }
.LBB2_42:
0x2ea: {  	(v2sf) =	vpush v7, $0x0;
	_ =	sdelay $0xe  }
0x2eb: {  	s1 =	spop (v2sf)  }
0x2ec: {  	p1 =	slt.s32 s1, $0x400;
	s3 =	smov.u32 s1  }
0x2ed: {  	s3 =	simm.s32 @!p1 $0x400  }
0x2ee: {  	s8 =	sand.u32 $0xF, s3  }
0x2ef: {  	p4 =	slt.s32 s1, $0x1;
	s18 =	sshra.s32 s3, $0x1F;
	p2 =	sne.s32 s8, $0x0  }
0x2f0: {  	s23 =	sshrl.u32 s18, $0x1C;
	p1 =	por !p4, !p2  }
0x2f1: {  	s18 =	simm.s32 $0x1;
	s8 =	sadd.s32 s23, s3;
	p1 =	por !p1, !p1  }
0x2f2: {  	s8 =	sshrl.u32 s8, $0x4;
	s18 =	simm.s32 @!p1 $0x0  }
0x2f3: {  	s8 =	ssub.s32 s8, s18  }
0x2f4: {  	s8 =	sshll.u32 s8, $0x4  }
0x2f5: {  	p1 =	slt.s32 s8, $0x3F0  }
0x2f6: {  	s24 =	sadd.s32 $0xF, s3;
	s8 =	simm.s32 @!p1 $0x3F0  }
0x2f7: {  	s19 =	sand.u32 $0xF, s24;
	s31 =	sshra.s32 s24, $0x1F;
	v6 =	vld [tilespmem:s8+$0xA000]  }
0x2f8: {  	p5 =	slt.s32 s1, $0xFFFFFFF2;
	p6 =	sne.s32 s19, $0x0;
	s1 =	sshrl.u32 s31, $0x1C  }
.Ltmp28:
0x2f9: {  	p1 =	por !p5, !p6;
	s3 =	ssub.s32 s3, s8;
	(pc) =	sbr.rel .LBB2_43-.Ltmp28, $4  }
0x2fa: {  	v8 =	vadd.s32 $0x1, v2;
	s1 =	sadd.s32 s1, s24;
	p1 =	por !p1, !p1;
	v7 =	vmov s3;
	s3 =	simm.s32 $0x1  }
0x2fb: {  	s1 =	sshra.s32 s1, $0x4;
	vm0 =	vlt.s32 v7, v8;
	s3 =	simm.s32 @!p1 $0x0  }
0x2fc: {  	s1 =	ssub.s32 s1, s3;
	v6 =	vsel vm0, $0xFF800000, v6  }
0x2fd: {  	s3 =	simm.s32 $0x0;
	p1 =	slt.s32 s1, $0x1;
	[tilespmem:s8+$0xA000] =	vst v6  }
.LBB2_53:
0x2fe: {  	_ = 	snop  }
0x2ff: {  	v7 =	vimm.s32 $0x40000000;
	v6 =	vmov v5  }
.LBB2_49:
0x300: {  	(xrf0) =	vmax.scan.msk.u32 $0xffff, v7;
	_ =	sdelay $0x5  }
0x301: {  	v7, _, _ =	vpop (xrf0)  }
0x302: {  	v7 =	vxor.u32 $0x80000000, v7  }
0x303: {  	v7 =	vperm.xlane v7, v1  }
0x304: {  	v8 =	vmov s3  }
0x305: {  	s3 =	sadd.s32 $0x1, s3;
	v7 =	vsub.s32 $0x0, v7  }
0x306: {  	p2 =	sne.s32 s3, $0x32;
	v9 =	vand.u32 $0x3FF, v7  }
.Ltmp29:
0x307: {  	_ = 	snop;
	(pc) =	sbr.rel @!p2 .LBB2_50-.Ltmp29, $4  }
0x308: {  	_ = 	snop  }
0x309: {  	[tilespmem:v8+s28+$0x0] =	vst.idx.msk $0x1, v6;
	v7 =	vshrl.u32 v7, $0xA  }
0x30a: {  	[tilespmem:v8+s29+$0x0] =	vst.idx.msk $0x1, v7  }
0x30b: {  	[tilespmem:v9+s25+$0x0] =	vst.idx.msk $0x1, v0  }
.LBB2_43:
.Ltmp30:
0x30c: {  	(pc) =	sbr.rel @p1 .LBB2_53-.Ltmp30, $1  }
0x30d: {  	_ =	sdelay $0x3  }
0x30e: {  	p2 =	seq.s32 s1, $0x1  }
.Ltmp31:
0x30f: {  	_ = 	snop;
	(pc) =	sbr.rel @p2 .LBB2_46-.Ltmp31, $3  }
0x310: {  	_ =	sdelay $0x1  }
0x311: {  	s8 =	simm.s32 $0xA000  }
0x312: {  	v6 =	vimm.f32 $-Inf;
	s18 =	sadd.s32 $0xFFFFFFFF, s1;
	v7 =	vld [tilespmem:s8+$0x0]  }
.LBB2_45:
0x313: {  	p2 =	seq.s32 s18, $0x1  }
.Ltmp32:
0x314: {  	_ = 	snop;
	(pc) =	sbr.rel @!p2 .LBB2_45-.Ltmp32, $3  }
0x315: {  	_ =	sdelay $0x1  }
0x316: {  	s18 =	sadd.s32 $0xFFFFFFFF, s18;
	s8 =	sadd.s32 $0x10, s8;
	v6 =	vmax.f32 v6, v7  }
0x317: {  	v7 =	vld [tilespmem:s8+$0x0]  }
.LBB2_46:
0x318: {  	_ =	sdelay $0x3  }
0x319: {  	v6 =	vmax.f32 v6, v7  }
0x31a: {  	(xrf0) =	vmax.scan.msk.f32 $0xffff, v6;
	_ =	sdelay $0x2  }
0x31b: {  	s8 =	simm.s32 $0xA000  }
0x31c: {  	p2 =	sne.s32 s1, $0x1;
	v9 =	vld [tilespmem:s8+$0x0];
	s8 =	simm.s32 $0xA400  }
.Ltmp33:
0x31d: {  	v8 =	vld [tilespmem:s8+$0x0];
	(pc) =	sbr.rel @!p2 .LBB2_48-.Ltmp33, $3  }
0x31e: {  	v6, _, _ =	vpop (xrf0)  }
0x31f: {  	v6 =	vperm.xlane v6, v1;
	_ =	sdelay $0x1  }
0x320: {  	s18 =	sadd.s32 $0xFFFFFFFF, s1;
	s19 =	simm.s32 $0xA010;
	v7 =	vimm.s32 $0x40000000;
	vm0 =	veq.f32 v9, v6  }
.LBB2_47:
0x321: {  	v9 =	vld [tilespmem:s19+$0x0];
	p2 =	sne.s32 s18, $0x1;
	s18 =	sadd.s32 $0xFFFFFFFF, s18;
	v10 =	vnsel vm0, $0x40000000, v8;
	s8 =	sadd.s32 $0x10, s8  }
.Ltmp34:
0x322: {  	v8 =	vld [tilespmem:s8+$0x0];
	vm0 =	vlt.s32 v7, v10;
	(pc) =	sbr.rel @p2 .LBB2_47-.Ltmp34, $2  }
0x323: {  	v7 =	vsel vm0, v7, v10;
	_ =	sdelay $0x2  }
0x324: {  	s19 =	sadd.s32 $0x10, s19;
	vm0 =	veq.f32 v9, v6  }
.LBB2_48:
.Ltmp35:
0x325: {  	(pc) =	sbr.rel .LBB2_49-.Ltmp35, $4  }
0x326: {  	v8 =	vnsel vm0, $0x40000000, v8  }
0x327: {  	vm0 =	vlt.s32 v7, v8  }
0x328: {  	v7 =	vsel vm0, v7, v8  }
0x329: {  	v7 =	vsub.s32 $0x80000000, v7  }
.LBB2_52:
0x32a: {  	_ =	sfence.sel $0x180000  }
0x32b: {  	[bflag:$0x0] =	sbarrier.arrive $0xFFFF  }
0x32c: {  	_ =	strace $0x90000047  }
0x32d: {  	s0 =	stileid.u32;
	[bflag:$0x2] =	sbarrier.arrive $0xFFFF  }
0x32e: {  	p0 =	sne.s32 s0, $0x0;
	s0 =	rddreg [dreg:$0x2]  }
0x32f: {  	s0 =	sadd.s32 @!p0 $0x100000, s0  }
0x330: {  	[sflag:s0] =	ssyncadd.tile.s32 @!p0 $0x1;
	_ =	shalt  }
.Lfunc_end2:
_tile_overlayer_lowered:
.L_overlay_start_2:
0x331: {  	(tag) =	ssettag $0x2  }
0x332: {  	s0 =	rddreg [dreg:$0x0];
	s2 =	stileid.u32  }
0x333: {  	s1 =	rddreg [dreg:$0x1];
	p0 =	sne.s32 s2, $0x0  }
0x334: {  	s3 =	rddreg [dreg:$0x2];
	[bflag:$0x3] =	sbarrier.arrive $0xFFFF;
	s2 =	simm.s32 @!p0 $0x1C09  }
0x335: {  	[timem:s3], [sflag:s2] =	dma.local @!p0 [hbm:s0], s1  }
0x336: {  	s0 =	simm.s32 @!p0 $0x9  }
0x337: {  	_ =	swait.ge @!p0 [sflag:s0], s1  }
0x338: {  	s1 =	ssub.s32 @!p0 $0x0, s1;
	[sflag:s0] =	ssyncset.done @!p0 $0x0  }
0x339: {  	[sflag:s0] =	ssyncadd.s32 @!p0 s1  }
0x33a: {  	[bflag:$0x3] =	sbarrier.arrive $0xFFFF  }
0x33b: {  	_ =	shalt  }

</sc_bundles>
